<compile_context>
chip_gen: v7x
topology: tpu7x:2x2x1
jax: 0.10.2.dev20260603
libtpu: 0.0.44.dev20260713+nightly
codegen_flags: <defaults>
</compile_context>

<pallas_src>
import dataclasses
import functools

import jax
import jax.numpy as jnp
from jax import lax
from jax.experimental import pallas as pl
from jax.experimental.pallas import tpu as pltpu
from jax.experimental.pallas import tpu_sc as plsc

N = 10000
D = 128
E = 320000

NC = 2
NS = 16
NW = NC * NS
CH = 128
NCHUNK = E // CH
NPAD = 10240
DEGW = 16

@functools.cache
def _vmesh():
    return plsc.VectorSubcoreMesh(core_axis_name="core", subcore_axis_name="subcore")


def _sc_params():
    cp = pltpu.CompilerParams()
    if "needs_layout_passes" in pltpu.CompilerParams.__dataclass_fields__:
        cp = dataclasses.replace(cp, needs_layout_passes=False)
    return cp



def _sc_degrees(edge_index, zeros_col):

    NFULL = (E // NW) // CH
    TAIL = E // NW - NFULL * CH

    @pl.kernel(
        out_type=jax.ShapeDtypeStruct((2, NW, NPAD), jnp.float32),
        mesh=_vmesh(),
        compiler_params=_sc_params(),
        scratch_types=[
            pltpu.VMEM((NPAD,), jnp.float32),
            pltpu.VMEM((NPAD,), jnp.float32),
            pltpu.VMEM((CH,), jnp.int32),
            pltpu.VMEM((CH,), jnp.int32),
            pltpu.VMEM((CH,), jnp.int32),
            pltpu.VMEM((CH,), jnp.int32),
            pltpu.VMEM((16,), jnp.int32),
            pltpu.VMEM((16,), jnp.int32),
            pltpu.SemaphoreType.DMA,
            pltpu.SemaphoreType.DMA,
        ],
    )
    def deg_kernel(edge_hbm, zero_hbm, out_hbm, hs, hd,
                   sidx0, didx0, sidx1, didx1, sidxt, didxt,
                   semi0, semi1):
        c = lax.axis_index("core")
        s = lax.axis_index("subcore")
        wid = c * NS + s
        pltpu.sync_copy(zero_hbm, hs)
        pltpu.sync_copy(zero_hbm, hd)
        ones16 = jnp.ones((16,), jnp.float32)
        base_w = wid * (E // NW)

        def accumulate(sbuf, dbuf, n16):
            for j in range(n16):
                plsc.addupdate_scatter(hs, [sbuf[pl.ds(j * 16, 16)]], ones16)
                plsc.addupdate_scatter(hd, [dbuf[pl.ds(j * 16, 16)]], ones16)

        def body(g, carry):
            b0 = base_w + (2 * g) * CH
            b1 = b0 + CH
            w0a = pltpu.async_copy(edge_hbm.at[pl.ds(b0, CH)], sidx0, semi0)
            w0b = pltpu.async_copy(edge_hbm.at[pl.ds(E + b0, CH)], didx0, semi0)
            w1a = pltpu.async_copy(edge_hbm.at[pl.ds(b1, CH)], sidx1, semi1)
            w1b = pltpu.async_copy(edge_hbm.at[pl.ds(E + b1, CH)], didx1, semi1)
            w0a.wait()
            w0b.wait()
            accumulate(sidx0, didx0, CH // 16)
            w1a.wait()
            w1b.wait()
            accumulate(sidx1, didx1, CH // 16)
            return carry

        lax.fori_loop(0, NFULL // 2, body, 0)

        bt = base_w + NFULL * CH
        pltpu.sync_copy(edge_hbm.at[pl.ds(bt, TAIL)], sidxt)
        pltpu.sync_copy(edge_hbm.at[pl.ds(E + bt, TAIL)], didxt)
        accumulate(sidxt, didxt, TAIL // 16)

        pltpu.sync_copy(hs, out_hbm.at[0, wid])
        pltpu.sync_copy(hd, out_hbm.at[1, wid])

    return deg_kernel(jnp.reshape(edge_index, (2 * E,)), zeros_col)



def _sc_aggregate(table, edge_index, zeros_rows):

    ACH = 64
    GRP = 8
    NRB = 4
    PER_W = E // NW
    NFULL = PER_W // ACH
    NGRP = NFULL // GRP
    REM = NFULL - NGRP * GRP
    TAIL = PER_W - NFULL * ACH

    @pl.kernel(
        out_type=jax.ShapeDtypeStruct((NC, NPAD, D), jnp.float32),
        mesh=_vmesh(),
        scratch_types=(
            [pltpu.VMEM_SHARED((NPAD, D), jnp.float32)]
            + [pltpu.VMEM((ACH,), jnp.int32)] * (2 * GRP)
            + [pltpu.VMEM((ACH, D), jnp.float32)] * NRB
            + [pltpu.VMEM((TAIL,), jnp.int32)] * 2
            + [pltpu.VMEM((TAIL, D), jnp.float32)]
            + [pltpu.SemaphoreType.DMA] * (GRP + NRB)
        ),
    )
    def agg_kernel(table_hbm, edge_hbm, zero_hbm, out_hbm, acc_sh, *bufs):
        sbufs = bufs[0:GRP]
        dbufs = bufs[GRP:2 * GRP]
        rbufs = bufs[2 * GRP:2 * GRP + NRB]
        sidxt = bufs[2 * GRP + NRB]
        didxt = bufs[2 * GRP + NRB + 1]
        rowst = bufs[2 * GRP + NRB + 2]
        isems = bufs[2 * GRP + NRB + 3:2 * GRP + NRB + 3 + GRP]
        gsems = bufs[2 * GRP + NRB + 3 + GRP:]

        c = lax.axis_index("core")
        s = lax.axis_index("subcore")
        wid = c * NS + s
        rows = NPAD // NS
        pltpu.sync_copy(zero_hbm, acc_sh.at[pl.ds(s * rows, rows)])
        plsc.subcore_barrier()

        base_w = wid * PER_W

        def run(nch, g, carry):
            base = base_w + (GRP * g) * ACH
            iwaits = []
            for j in range(nch):
                b = base + j * ACH
                iwaits.append(pltpu.async_copy(
                    edge_hbm.at[pl.ds(b, ACH)], sbufs[j], isems[j]))
                iwaits.append(pltpu.async_copy(
                    edge_hbm.at[pl.ds(E + b, ACH)], dbufs[j], isems[j]))
            gwaits = [None] * nch
            for j in range(nch):
                iwaits[2 * j].wait()
                iwaits[2 * j + 1].wait()
                if j >= NRB:
                    gwaits[j - NRB].wait()
                    pltpu.sync_copy(rbufs[(j - NRB) % NRB],
                                    acc_sh.at[dbufs[j - NRB]], add=True)
                gwaits[j] = pltpu.async_copy(
                    table_hbm.at[sbufs[j]], rbufs[j % NRB], gsems[j % NRB])
            for j in range(max(nch - NRB, 0), nch):
                gwaits[j].wait()
                pltpu.sync_copy(rbufs[j % NRB], acc_sh.at[dbufs[j]], add=True)
            return carry

        lax.fori_loop(0, NGRP, functools.partial(run, GRP), 0)
        run(REM, NGRP, 0)

        bt = base_w + NFULL * ACH
        pltpu.sync_copy(edge_hbm.at[pl.ds(bt, TAIL)], sidxt)
        pltpu.sync_copy(edge_hbm.at[pl.ds(E + bt, TAIL)], didxt)
        pltpu.sync_copy(table_hbm.at[sidxt], rowst)
        pltpu.sync_copy(rowst, acc_sh.at[didxt], add=True)

        plsc.subcore_barrier()
        pltpu.sync_copy(acc_sh.at[pl.ds(s * rows, rows)],
                        out_hbm.at[c, pl.ds(s * rows, rows)])

    return agg_kernel(table, jnp.reshape(edge_index, (2 * E,)), zeros_rows)



_BR = 1000


def _tc_first_body(deg_ref, x_ref, w_ref, h_ref, ns_ref, nd_ref):
    degp = deg_ref[...]
    dsrc = jnp.sum(degp[0], axis=1, keepdims=True)
    ddst = jnp.sum(degp[1], axis=1, keepdims=True)
    ns = lax.rsqrt(jnp.maximum(dsrc, 1.0))
    nd = lax.rsqrt(jnp.maximum(ddst, 1.0))
    h = jnp.dot(x_ref[...], w_ref[...], preferred_element_type=jnp.float32)
    h_ref[...] = h * ns
    ns_ref[...] = ns
    nd_ref[...] = nd


def _tc_first(deg_p, x, W1):
    grid = (N // _BR,)
    return pl.pallas_call(
        _tc_first_body,
        grid=grid,
        in_specs=[
            pl.BlockSpec((2, _BR, NW), lambda i: (0, i, 0)),
            pl.BlockSpec((_BR, D), lambda i: (i, 0)),
            pl.BlockSpec((D, D), lambda i: (0, 0)),
        ],
        out_specs=[
            pl.BlockSpec((_BR, D), lambda i: (i, 0)),
            pl.BlockSpec((_BR, 1), lambda i: (i, 0)),
            pl.BlockSpec((_BR, 1), lambda i: (i, 0)),
        ],
        out_shape=[
            jax.ShapeDtypeStruct((N, D), jnp.float32),
            jax.ShapeDtypeStruct((N, 1), jnp.float32),
            jax.ShapeDtypeStruct((N, 1), jnp.float32),
        ],
    )(deg_p, x, W1)


def _tc_mid_body(p_ref, nd_ref, ns_ref, w_ref, b_ref, h_ref):
    agg = p_ref[0] + p_ref[1]
    x1 = jnp.maximum(agg * nd_ref[...] + b_ref[...], 0.0)
    h = jnp.dot(x1, w_ref[...], preferred_element_type=jnp.float32)
    h_ref[...] = h * ns_ref[...]


def _tc_mid(p1, nd, ns, W2, b1_row):
    grid = (N // _BR,)
    return pl.pallas_call(
        _tc_mid_body,
        grid=grid,
        in_specs=[
            pl.BlockSpec((NC, _BR, D), lambda i: (0, i, 0)),
            pl.BlockSpec((_BR, 1), lambda i: (i, 0)),
            pl.BlockSpec((_BR, 1), lambda i: (i, 0)),
            pl.BlockSpec((D, D), lambda i: (0, 0)),
            pl.BlockSpec((1, D), lambda i: (0, 0)),
        ],
        out_specs=pl.BlockSpec((_BR, D), lambda i: (i, 0)),
        out_shape=jax.ShapeDtypeStruct((N, D), jnp.float32),
    )(p1, nd, ns, W2, b1_row)


def _tc_final_body(p_ref, nd_ref, b_ref, o_ref):
    o_ref[...] = (p_ref[0] + p_ref[1]) * nd_ref[...] + b_ref[...]


def _tc_final(p2, nd, b2_row):
    grid = (N // _BR,)
    return pl.pallas_call(
        _tc_final_body,
        grid=grid,
        in_specs=[
            pl.BlockSpec((NC, _BR, D), lambda i: (0, i, 0)),
            pl.BlockSpec((_BR, 1), lambda i: (i, 0)),
            pl.BlockSpec((1, D), lambda i: (0, 0)),
        ],
        out_specs=pl.BlockSpec((_BR, D), lambda i: (i, 0)),
        out_shape=jax.ShapeDtypeStruct((N, D), jnp.float32),
    )(p2, nd, b2_row)



def kernel(edge_index, node_embeddings, W1, b1, W2, b2):
    zeros_col = jnp.zeros((NPAD,), jnp.float32)
    zeros_rows = jnp.zeros((NPAD // NS, D), jnp.float32)

    deg_p = jnp.transpose(_sc_degrees(edge_index, zeros_col), (0, 2, 1))
    h1, ns, nd = _tc_first(deg_p, node_embeddings, W1)
    p1 = _sc_aggregate(h1, edge_index, zeros_rows)
    h2 = _tc_mid(p1, nd, ns, W2, jnp.reshape(b1, (1, D)))
    p2 = _sc_aggregate(h2, edge_index, zeros_rows)
    return _tc_final(p2, nd, jnp.reshape(b2, (1, D)))

# --- scband reference (transcript-rebuilt; emitter-appended) ---
"""Pipeline reference for scband-evolve-gcn-30124900614685 (READ-ONLY COPY).

The authoritative reference and input builder live on the scoring server;
editing this copy changes nothing except your own understanding.
"""

import jax, jax.numpy as jnp
import numpy as np

N = 10000
D = 128
E = 320000


def setup_inputs(seed: int = 0) -> dict:
    key = jax.random.key(seed)
    k1, k2, k3, k4, k5, k6 = jax.random.split(key, 6)
    edge_index = jax.random.randint(k1, (2, E), 0, N, dtype=jnp.int32)
    node_embeddings = jax.random.normal(k2, (N, D), dtype=jnp.float32)
    # DGL GraphConv weights: shape (in_feats, out_feats), glorot-ish init
    scale = 1.0 / np.sqrt(D)
    W1 = jax.random.normal(k3, (D, D), dtype=jnp.float32) * scale
    b1 = jnp.zeros((D,), dtype=jnp.float32)
    W2 = jax.random.normal(k4, (D, D), dtype=jnp.float32) * scale
    b2 = jnp.zeros((D,), dtype=jnp.float32)
    return {"edge_index": edge_index, "node_embeddings": node_embeddings,
            "W1": W1, "b1": b1, "W2": W2, "b2": b2}


def _graph_conv_both(x, W, b, src, dst, norm_src, norm_dst):
    # DGL GraphConv(norm='both'), in_feats == out_feats -> weight applied first
    h = x @ W
    m = h[src] * norm_src[src][:, None]
    agg = jax.ops.segment_sum(m, dst, num_segments=N)
    return agg * norm_dst[:, None] + b


def reference(edge_index, node_embeddings, W1, b1, W2, b2):
    src = edge_index[0]
    dst = edge_index[1]
    ones = jnp.ones((E,), dtype=jnp.float32)
    deg_out = jax.ops.segment_sum(ones, src, num_segments=N)
    deg_in = jax.ops.segment_sum(ones, dst, num_segments=N)
    norm_src = 1.0 / jnp.sqrt(jnp.clip(deg_out, 1.0))
    norm_dst = 1.0 / jnp.sqrt(jnp.clip(deg_in, 1.0))
    # forward with empty weight history: GRU weight-evolution branch is skipped
    x = jax.nn.relu(_graph_conv_both(node_embeddings, W1, b1, src, dst, norm_src, norm_dst))
    x = _graph_conv_both(x, W2, b2, src, dst, norm_src, norm_dst)
    return x

if __name__ == "__main__":
    import jax
    _d = setup_inputs()
    print(jax.jit(kernel)(*tuple(_d.values())))

</pallas_src>

<mosaic_0001>
#map = affine_map<(d0, d1) -> (0, 0)>
#map1 = affine_map<(d0, d1) -> (0)>
#map2 = affine_map<(d0, d1) -> (0, 0, 0)>
module attributes {stable_mosaic.version = 14 : i64} {
  func.func @agg_kernel(%arg0: i32, %arg1: i32, %arg2: memref<10000x128xf32, #tpu.memory_space<hbm>>, %arg3: memref<640000xi32, #tpu.memory_space<hbm>>, %arg4: memref<640x128xf32, #tpu.memory_space<hbm>>, %arg5: memref<2x10240x128xf32, #tpu.memory_space<hbm>>, %arg6: memref<10240x128xf32, #tpu.memory_space<vmem_shared>>, %arg7: memref<64xi32, #tpu.memory_space<vmem>>, %arg8: memref<64xi32, #tpu.memory_space<vmem>>, %arg9: memref<64xi32, #tpu.memory_space<vmem>>, %arg10: memref<64xi32, #tpu.memory_space<vmem>>, %arg11: memref<64xi32, #tpu.memory_space<vmem>>, %arg12: memref<64xi32, #tpu.memory_space<vmem>>, %arg13: memref<64xi32, #tpu.memory_space<vmem>>, %arg14: memref<64xi32, #tpu.memory_space<vmem>>, %arg15: memref<64xi32, #tpu.memory_space<vmem>>, %arg16: memref<64xi32, #tpu.memory_space<vmem>>, %arg17: memref<64xi32, #tpu.memory_space<vmem>>, %arg18: memref<64xi32, #tpu.memory_space<vmem>>, %arg19: memref<64xi32, #tpu.memory_space<vmem>>, %arg20: memref<64xi32, #tpu.memory_space<vmem>>, %arg21: memref<64xi32, #tpu.memory_space<vmem>>, %arg22: memref<64xi32, #tpu.memory_space<vmem>>, %arg23: memref<64x128xf32, #tpu.memory_space<vmem>>, %arg24: memref<64x128xf32, #tpu.memory_space<vmem>>, %arg25: memref<64x128xf32, #tpu.memory_space<vmem>>, %arg26: memref<64x128xf32, #tpu.memory_space<vmem>>, %arg27: memref<16xi32, #tpu.memory_space<vmem>>, %arg28: memref<16xi32, #tpu.memory_space<vmem>>, %arg29: memref<16x128xf32, #tpu.memory_space<vmem>>, %arg30: memref<!tpu.dma_semaphore, #tpu.memory_space<semaphore_mem>>, %arg31: memref<!tpu.dma_semaphore, #tpu.memory_space<semaphore_mem>>, %arg32: memref<!tpu.dma_semaphore, #tpu.memory_space<semaphore_mem>>, %arg33: memref<!tpu.dma_semaphore, #tpu.memory_space<semaphore_mem>>, %arg34: memref<!tpu.dma_semaphore, #tpu.memory_space<semaphore_mem>>, %arg35: memref<!tpu.dma_semaphore, #tpu.memory_space<semaphore_mem>>, %arg36: memref<!tpu.dma_semaphore, #tpu.memory_space<semaphore_mem>>, %arg37: memref<!tpu.dma_semaphore, #tpu.memory_space<semaphore_mem>>, %arg38: memref<!tpu.dma_semaphore, #tpu.memory_space<semaphore_mem>>, %arg39: memref<!tpu.dma_semaphore, #tpu.memory_space<semaphore_mem>>, %arg40: memref<!tpu.dma_semaphore, #tpu.memory_space<semaphore_mem>>, %arg41: memref<!tpu.dma_semaphore, #tpu.memory_space<semaphore_mem>>) attributes {dimension_semantics = [#tpu.dimension_semantics<core_parallel>, #tpu.dimension_semantics<subcore_parallel>], iteration_bounds = array<i64: 2, 16>, scalar_prefetch = 0 : i64, scratch_operands = 36 : i64, tpu.core_type = #tpu.core_type<sc_vector_subcore>, window_params = [{transform_indices = #map}, {transform_indices = #map1}, {transform_indices = #map}, {transform_indices = #map2}]} {
    %mul3A = arith.constant 16 : i32
    %mul3A_0 = arith.muli %arg0, %mul3A : i32
    %add3A = arith.addi %mul3A_0, %arg1 : i32
    %mul3A_1 = arith.constant 640 : i32
    %mul3A_2 = arith.muli %arg1, %mul3A_1 : i32
    "tpu.region"() ({
      %run_scoped3A = tpu.sem_alloc : memref<!tpu.dma_semaphore, #tpu.memory_space<semaphore_mem>>
      %dma_start3A_91 = arith.constant 0 : i32
      %dma_start3A_92 = tpu.memref_slice %arg6[%mul3A_2, %dma_start3A_91] : memref<10240x128xf32, #tpu.memory_space<vmem_shared>> -> memref<640x128xf32, #tpu.memory_space<vmem_shared>>
      tpu.enqueue_dma source(%arg4 : memref<640x128xf32, #tpu.memory_space<hbm>>) target(%dma_start3A_92 : memref<640x128xf32, #tpu.memory_space<vmem_shared>>) target_semaphore(%run_scoped3A : memref<!tpu.dma_semaphore, #tpu.memory_space<semaphore_mem>>)
      %dma_wait3A_93 = arith.constant 0 : i32
      %dma_wait3A_94 = tpu.memref_slice %arg6[%mul3A_2, %dma_wait3A_93] : memref<10240x128xf32, #tpu.memory_space<vmem_shared>> -> memref<640x128xf32, #tpu.memory_space<vmem_shared>>
      tpu.wait_dma2 semaphore(%run_scoped3A : memref<!tpu.dma_semaphore, #tpu.memory_space<semaphore_mem>>) src(%arg4 : memref<640x128xf32, #tpu.memory_space<hbm>>) dst(%dma_wait3A_94 : memref<640x128xf32, #tpu.memory_space<vmem_shared>>)
      tpu.yield
    }) : () -> ()
    %barrier3A = arith.constant 0 : index
    tpu.barrier barrier_id(%barrier3A)
    %mul3A_3 = arith.constant 10000 : i32
    %mul3A_4 = arith.muli %add3A, %mul3A_3 : i32
    %scan3A = arith.constant 0 : i32
    %scan3A_5 = arith.constant 0 : i32
    %scan3A_6 = arith.constant 19 : i32
    %scan3A_7 = arith.addi %scan3A_5, %scan3A_6 : i32
    %scan3A_8 = arith.constant 1 : i32
    scf.for %scan3A_91 = %scan3A_5 to %scan3A_7 step %scan3A_8  : i32 {
      %mul3A_92 = arith.constant 8 : i32
      %mul3A_93 = arith.muli %mul3A_92, %scan3A_91 : i32
      %mul3A_94 = arith.constant 64 : i32
      %mul3A_95 = arith.muli %mul3A_93, %mul3A_94 : i32
      %add3A_96 = arith.addi %mul3A_4, %mul3A_95 : i32
      %add3A_97 = arith.constant 0 : i32
      %add3A_98 = arith.addi %add3A_96, %add3A_97 : i32
      %dma_start3A_99 = tpu.memref_slice %arg3[%add3A_98] : memref<640000xi32, #tpu.memory_space<hbm>> -> memref<64xi32, #tpu.memory_space<hbm>>
      %dma_start3A_100 = tpu.memref_slice %arg3[%add3A_98] : memref<640000xi32, #tpu.memory_space<hbm>> -> memref<64xi32, #tpu.memory_space<hbm>>
      tpu.enqueue_dma source(%dma_start3A_100 : memref<64xi32, #tpu.memory_space<hbm>>) target(%arg7 : memref<64xi32, #tpu.memory_space<vmem>>) target_semaphore(%arg30 : memref<!tpu.dma_semaphore, #tpu.memory_space<semaphore_mem>>)
      %add3A_101 = arith.constant 320000 : i32
      %add3A_102 = arith.addi %add3A_101, %add3A_98 : i32
      %dma_start3A_103 = tpu.memref_slice %arg3[%add3A_102] : memref<640000xi32, #tpu.memory_space<hbm>> -> memref<64xi32, #tpu.memory_space<hbm>>
      %dma_start3A_104 = tpu.memref_slice %arg3[%add3A_102] : memref<640000xi32, #tpu.memory_space<hbm>> -> memref<64xi32, #tpu.memory_space<hbm>>
      tpu.enqueue_dma source(%dma_start3A_104 : memref<64xi32, #tpu.memory_space<hbm>>) target(%arg15 : memref<64xi32, #tpu.memory_space<vmem>>) target_semaphore(%arg30 : memref<!tpu.dma_semaphore, #tpu.memory_space<semaphore_mem>>)
      %add3A_105 = arith.constant 64 : i32
      %add3A_106 = arith.addi %add3A_96, %add3A_105 : i32
      %dma_start3A_107 = tpu.memref_slice %arg3[%add3A_106] : memref<640000xi32, #tpu.memory_space<hbm>> -> memref<64xi32, #tpu.memory_space<hbm>>
      %dma_start3A_108 = tpu.memref_slice %arg3[%add3A_106] : memref<640000xi32, #tpu.memory_space<hbm>> -> memref<64xi32, #tpu.memory_space<hbm>>
      tpu.enqueue_dma source(%dma_start3A_108 : memref<64xi32, #tpu.memory_space<hbm>>) target(%arg8 : memref<64xi32, #tpu.memory_space<vmem>>) target_semaphore(%arg31 : memref<!tpu.dma_semaphore, #tpu.memory_space<semaphore_mem>>)
      %add3A_109 = arith.constant 320000 : i32
      %add3A_110 = arith.addi %add3A_109, %add3A_106 : i32
      %dma_start3A_111 = tpu.memref_slice %arg3[%add3A_110] : memref<640000xi32, #tpu.memory_space<hbm>> -> memref<64xi32, #tpu.memory_space<hbm>>
      %dma_start3A_112 = tpu.memref_slice %arg3[%add3A_110] : memref<640000xi32, #tpu.memory_space<hbm>> -> memref<64xi32, #tpu.memory_space<hbm>>
      tpu.enqueue_dma source(%dma_start3A_112 : memref<64xi32, #tpu.memory_space<hbm>>) target(%arg16 : memref<64xi32, #tpu.memory_space<vmem>>) target_semaphore(%arg31 : memref<!tpu.dma_semaphore, #tpu.memory_space<semaphore_mem>>)
      %add3A_113 = arith.constant 128 : i32
      %add3A_114 = arith.addi %add3A_96, %add3A_113 : i32
      %dma_start3A_115 = tpu.memref_slice %arg3[%add3A_114] : memref<640000xi32, #tpu.memory_space<hbm>> -> memref<64xi32, #tpu.memory_space<hbm>>
      %dma_start3A_116 = tpu.memref_slice %arg3[%add3A_114] : memref<640000xi32, #tpu.memory_space<hbm>> -> memref<64xi32, #tpu.memory_space<hbm>>
      tpu.enqueue_dma source(%dma_start3A_116 : memref<64xi32, #tpu.memory_space<hbm>>) target(%arg9 : memref<64xi32, #tpu.memory_space<vmem>>) target_semaphore(%arg32 : memref<!tpu.dma_semaphore, #tpu.memory_space<semaphore_mem>>)
      %add3A_117 = arith.constant 320000 : i32
      %add3A_118 = arith.addi %add3A_117, %add3A_114 : i32
      %dma_start3A_119 = tpu.memref_slice %arg3[%add3A_118] : memref<640000xi32, #tpu.memory_space<hbm>> -> memref<64xi32, #tpu.memory_space<hbm>>
      %dma_start3A_120 = tpu.memref_slice %arg3[%add3A_118] : memref<640000xi32, #tpu.memory_space<hbm>> -> memref<64xi32, #tpu.memory_space<hbm>>
      tpu.enqueue_dma source(%dma_start3A_120 : memref<64xi32, #tpu.memory_space<hbm>>) target(%arg17 : memref<64xi32, #tpu.memory_space<vmem>>) target_semaphore(%arg32 : memref<!tpu.dma_semaphore, #tpu.memory_space<semaphore_mem>>)
      %add3A_121 = arith.constant 192 : i32
      %add3A_122 = arith.addi %add3A_96, %add3A_121 : i32
      %dma_start3A_123 = tpu.memref_slice %arg3[%add3A_122] : memref<640000xi32, #tpu.memory_space<hbm>> -> memref<64xi32, #tpu.memory_space<hbm>>
      %dma_start3A_124 = tpu.memref_slice %arg3[%add3A_122] : memref<640000xi32, #tpu.memory_space<hbm>> -> memref<64xi32, #tpu.memory_space<hbm>>
      tpu.enqueue_dma source(%dma_start3A_124 : memref<64xi32, #tpu.memory_space<hbm>>) target(%arg10 : memref<64xi32, #tpu.memory_space<vmem>>) target_semaphore(%arg33 : memref<!tpu.dma_semaphore, #tpu.memory_space<semaphore_mem>>)
      %add3A_125 = arith.constant 320000 : i32
      %add3A_126 = arith.addi %add3A_125, %add3A_122 : i32
      %dma_start3A_127 = tpu.memref_slice %arg3[%add3A_126] : memref<640000xi32, #tpu.memory_space<hbm>> -> memref<64xi32, #tpu.memory_space<hbm>>
      %dma_start3A_128 = tpu.memref_slice %arg3[%add3A_126] : memref<640000xi32, #tpu.memory_space<hbm>> -> memref<64xi32, #tpu.memory_space<hbm>>
      tpu.enqueue_dma source(%dma_start3A_128 : memref<64xi32, #tpu.memory_space<hbm>>) target(%arg18 : memref<64xi32, #tpu.memory_space<vmem>>) target_semaphore(%arg33 : memref<!tpu.dma_semaphore, #tpu.memory_space<semaphore_mem>>)
      %add3A_129 = arith.constant 256 : i32
      %add3A_130 = arith.addi %add3A_96, %add3A_129 : i32
      %dma_start3A_131 = tpu.memref_slice %arg3[%add3A_130] : memref<640000xi32, #tpu.memory_space<hbm>> -> memref<64xi32, #tpu.memory_space<hbm>>
      %dma_start3A_132 = tpu.memref_slice %arg3[%add3A_130] : memref<640000xi32, #tpu.memory_space<hbm>> -> memref<64xi32, #tpu.memory_space<hbm>>
      tpu.enqueue_dma source(%dma_start3A_132 : memref<64xi32, #tpu.memory_space<hbm>>) target(%arg11 : memref<64xi32, #tpu.memory_space<vmem>>) target_semaphore(%arg34 : memref<!tpu.dma_semaphore, #tpu.memory_space<semaphore_mem>>)
      %add3A_133 = arith.constant 320000 : i32
      %add3A_134 = arith.addi %add3A_133, %add3A_130 : i32
      %dma_start3A_135 = tpu.memref_slice %arg3[%add3A_134] : memref<640000xi32, #tpu.memory_space<hbm>> -> memref<64xi32, #tpu.memory_space<hbm>>
      %dma_start3A_136 = tpu.memref_slice %arg3[%add3A_134] : memref<640000xi32, #tpu.memory_space<hbm>> -> memref<64xi32, #tpu.memory_space<hbm>>
      tpu.enqueue_dma source(%dma_start3A_136 : memref<64xi32, #tpu.memory_space<hbm>>) target(%arg19 : memref<64xi32, #tpu.memory_space<vmem>>) target_semaphore(%arg34 : memref<!tpu.dma_semaphore, #tpu.memory_space<semaphore_mem>>)
      %add3A_137 = arith.constant 320 : i32
      %add3A_138 = arith.addi %add3A_96, %add3A_137 : i32
      %dma_start3A_139 = tpu.memref_slice %arg3[%add3A_138] : memref<640000xi32, #tpu.memory_space<hbm>> -> memref<64xi32, #tpu.memory_space<hbm>>
      %dma_start3A_140 = tpu.memref_slice %arg3[%add3A_138] : memref<640000xi32, #tpu.memory_space<hbm>> -> memref<64xi32, #tpu.memory_space<hbm>>
      tpu.enqueue_dma source(%dma_start3A_140 : memref<64xi32, #tpu.memory_space<hbm>>) target(%arg12 : memref<64xi32, #tpu.memory_space<vmem>>) target_semaphore(%arg35 : memref<!tpu.dma_semaphore, #tpu.memory_space<semaphore_mem>>)
      %add3A_141 = arith.constant 320000 : i32
      %add3A_142 = arith.addi %add3A_141, %add3A_138 : i32
      %dma_start3A_143 = tpu.memref_slice %arg3[%add3A_142] : memref<640000xi32, #tpu.memory_space<hbm>> -> memref<64xi32, #tpu.memory_space<hbm>>
      %dma_start3A_144 = tpu.memref_slice %arg3[%add3A_142] : memref<640000xi32, #tpu.memory_space<hbm>> -> memref<64xi32, #tpu.memory_space<hbm>>
      tpu.enqueue_dma source(%dma_start3A_144 : memref<64xi32, #tpu.memory_space<hbm>>) target(%arg20 : memref<64xi32, #tpu.memory_space<vmem>>) target_semaphore(%arg35 : memref<!tpu.dma_semaphore, #tpu.memory_space<semaphore_mem>>)
      %add3A_145 = arith.constant 384 : i32
      %add3A_146 = arith.addi %add3A_96, %add3A_145 : i32
      %dma_start3A_147 = tpu.memref_slice %arg3[%add3A_146] : memref<640000xi32, #tpu.memory_space<hbm>> -> memref<64xi32, #tpu.memory_space<hbm>>
      %dma_start3A_148 = tpu.memref_slice %arg3[%add3A_146] : memref<640000xi32, #tpu.memory_space<hbm>> -> memref<64xi32, #tpu.memory_space<hbm>>
      tpu.enqueue_dma source(%dma_start3A_148 : memref<64xi32, #tpu.memory_space<hbm>>) target(%arg13 : memref<64xi32, #tpu.memory_space<vmem>>) target_semaphore(%arg36 : memref<!tpu.dma_semaphore, #tpu.memory_space<semaphore_mem>>)
      %add3A_149 = arith.constant 320000 : i32
      %add3A_150 = arith.addi %add3A_149, %add3A_146 : i32
      %dma_start3A_151 = tpu.memref_slice %arg3[%add3A_150] : memref<640000xi32, #tpu.memory_space<hbm>> -> memref<64xi32, #tpu.memory_space<hbm>>
      %dma_start3A_152 = tpu.memref_slice %arg3[%add3A_150] : memref<640000xi32, #tpu.memory_space<hbm>> -> memref<64xi32, #tpu.memory_space<hbm>>
      tpu.enqueue_dma source(%dma_start3A_152 : memref<64xi32, #tpu.memory_space<hbm>>) target(%arg21 : memref<64xi32, #tpu.memory_space<vmem>>) target_semaphore(%arg36 : memref<!tpu.dma_semaphore, #tpu.memory_space<semaphore_mem>>)
      %add3A_153 = arith.constant 448 : i32
      %add3A_154 = arith.addi %add3A_96, %add3A_153 : i32
      %dma_start3A_155 = tpu.memref_slice %arg3[%add3A_154] : memref<640000xi32, #tpu.memory_space<hbm>> -> memref<64xi32, #tpu.memory_space<hbm>>
      %dma_start3A_156 = tpu.memref_slice %arg3[%add3A_154] : memref<640000xi32, #tpu.memory_space<hbm>> -> memref<64xi32, #tpu.memory_space<hbm>>
      tpu.enqueue_dma source(%dma_start3A_156 : memref<64xi32, #tpu.memory_space<hbm>>) target(%arg14 : memref<64xi32, #tpu.memory_space<vmem>>) target_semaphore(%arg37 : memref<!tpu.dma_semaphore, #tpu.memory_space<semaphore_mem>>)
      %add3A_157 = arith.constant 320000 : i32
      %add3A_158 = arith.addi %add3A_157, %add3A_154 : i32
      %dma_start3A_159 = tpu.memref_slice %arg3[%add3A_158] : memref<640000xi32, #tpu.memory_space<hbm>> -> memref<64xi32, #tpu.memory_space<hbm>>
      %dma_start3A_160 = tpu.memref_slice %arg3[%add3A_158] : memref<640000xi32, #tpu.memory_space<hbm>> -> memref<64xi32, #tpu.memory_space<hbm>>
      tpu.enqueue_dma source(%dma_start3A_160 : memref<64xi32, #tpu.memory_space<hbm>>) target(%arg22 : memref<64xi32, #tpu.memory_space<vmem>>) target_semaphore(%arg37 : memref<!tpu.dma_semaphore, #tpu.memory_space<semaphore_mem>>)
      %dma_wait3A_161 = tpu.memref_slice %arg3[%add3A_98] : memref<640000xi32, #tpu.memory_space<hbm>> -> memref<64xi32, #tpu.memory_space<hbm>>
      %dma_wait3A_162 = tpu.memref_slice %arg3[%add3A_98] : memref<640000xi32, #tpu.memory_space<hbm>> -> memref<64xi32, #tpu.memory_space<hbm>>
      tpu.wait_dma2 semaphore(%arg30 : memref<!tpu.dma_semaphore, #tpu.memory_space<semaphore_mem>>) src(%dma_wait3A_162 : memref<64xi32, #tpu.memory_space<hbm>>) dst(%arg7 : memref<64xi32, #tpu.memory_space<vmem>>)
      %dma_wait3A_163 = tpu.memref_slice %arg3[%add3A_102] : memref<640000xi32, #tpu.memory_space<hbm>> -> memref<64xi32, #tpu.memory_space<hbm>>
      %dma_wait3A_164 = tpu.memref_slice %arg3[%add3A_102] : memref<640000xi32, #tpu.memory_space<hbm>> -> memref<64xi32, #tpu.memory_space<hbm>>
      tpu.wait_dma2 semaphore(%arg30 : memref<!tpu.dma_semaphore, #tpu.memory_space<semaphore_mem>>) src(%dma_wait3A_164 : memref<64xi32, #tpu.memory_space<hbm>>) dst(%arg15 : memref<64xi32, #tpu.memory_space<vmem>>)
      %dma_start3A_165 = arith.constant 0 : i32
      %dma_start3A_166 = arith.constant 0 : i32
      %dma_start3A_167 = tpu.memref_slice %arg2[%dma_start3A_165, %dma_start3A_166] : memref<10000x128xf32, #tpu.memory_space<hbm>> -> memref<10000x128xf32, #tpu.memory_space<hbm>>
      tpu.enqueue_indirect_dma source(%dma_start3A_167 : memref<10000x128xf32, #tpu.memory_space<hbm>>) target(%arg23 : memref<64x128xf32, #tpu.memory_space<vmem>>) offsets(%arg7 : memref<64xi32, #tpu.memory_space<vmem>>) semaphore(%arg38 : memref<!tpu.dma_semaphore, #tpu.memory_space<semaphore_mem>>)
      %dma_wait3A_168 = tpu.memref_slice %arg3[%add3A_106] : memref<640000xi32, #tpu.memory_space<hbm>> -> memref<64xi32, #tpu.memory_space<hbm>>
      %dma_wait3A_169 = tpu.memref_slice %arg3[%add3A_106] : memref<640000xi32, #tpu.memory_space<hbm>> -> memref<64xi32, #tpu.memory_space<hbm>>
      tpu.wait_dma2 semaphore(%arg31 : memref<!tpu.dma_semaphore, #tpu.memory_space<semaphore_mem>>) src(%dma_wait3A_169 : memref<64xi32, #tpu.memory_space<hbm>>) dst(%arg8 : memref<64xi32, #tpu.memory_space<vmem>>)
      %dma_wait3A_170 = tpu.memref_slice %arg3[%add3A_110] : memref<640000xi32, #tpu.memory_space<hbm>> -> memref<64xi32, #tpu.memory_space<hbm>>
      %dma_wait3A_171 = tpu.memref_slice %arg3[%add3A_110] : memref<640000xi32, #tpu.memory_space<hbm>> -> memref<64xi32, #tpu.memory_space<hbm>>
      tpu.wait_dma2 semaphore(%arg31 : memref<!tpu.dma_semaphore, #tpu.memory_space<semaphore_mem>>) src(%dma_wait3A_171 : memref<64xi32, #tpu.memory_space<hbm>>) dst(%arg16 : memref<64xi32, #tpu.memory_space<vmem>>)
      %dma_start3A_172 = arith.constant 0 : i32
      %dma_start3A_173 = arith.constant 0 : i32
      %dma_start3A_174 = tpu.memref_slice %arg2[%dma_start3A_172, %dma_start3A_173] : memref<10000x128xf32, #tpu.memory_space<hbm>> -> memref<10000x128xf32, #tpu.memory_space<hbm>>
      tpu.enqueue_indirect_dma source(%dma_start3A_174 : memref<10000x128xf32, #tpu.memory_space<hbm>>) target(%arg24 : memref<64x128xf32, #tpu.memory_space<vmem>>) offsets(%arg8 : memref<64xi32, #tpu.memory_space<vmem>>) semaphore(%arg39 : memref<!tpu.dma_semaphore, #tpu.memory_space<semaphore_mem>>)
      %dma_wait3A_175 = tpu.memref_slice %arg3[%add3A_114] : memref<640000xi32, #tpu.memory_space<hbm>> -> memref<64xi32, #tpu.memory_space<hbm>>
      %dma_wait3A_176 = tpu.memref_slice %arg3[%add3A_114] : memref<640000xi32, #tpu.memory_space<hbm>> -> memref<64xi32, #tpu.memory_space<hbm>>
      tpu.wait_dma2 semaphore(%arg32 : memref<!tpu.dma_semaphore, #tpu.memory_space<semaphore_mem>>) src(%dma_wait3A_176 : memref<64xi32, #tpu.memory_space<hbm>>) dst(%arg9 : memref<64xi32, #tpu.memory_space<vmem>>)
      %dma_wait3A_177 = tpu.memref_slice %arg3[%add3A_118] : memref<640000xi32, #tpu.memory_space<hbm>> -> memref<64xi32, #tpu.memory_space<hbm>>
      %dma_wait3A_178 = tpu.memref_slice %arg3[%add3A_118] : memref<640000xi32, #tpu.memory_space<hbm>> -> memref<64xi32, #tpu.memory_space<hbm>>
      tpu.wait_dma2 semaphore(%arg32 : memref<!tpu.dma_semaphore, #tpu.memory_space<semaphore_mem>>) src(%dma_wait3A_178 : memref<64xi32, #tpu.memory_space<hbm>>) dst(%arg17 : memref<64xi32, #tpu.memory_space<vmem>>)
      %dma_start3A_179 = arith.constant 0 : i32
      %dma_start3A_180 = arith.constant 0 : i32
      %dma_start3A_181 = tpu.memref_slice %arg2[%dma_start3A_179, %dma_start3A_180] : memref<10000x128xf32, #tpu.memory_space<hbm>> -> memref<10000x128xf32, #tpu.memory_space<hbm>>
      tpu.enqueue_indirect_dma source(%dma_start3A_181 : memref<10000x128xf32, #tpu.memory_space<hbm>>) target(%arg25 : memref<64x128xf32, #tpu.memory_space<vmem>>) offsets(%arg9 : memref<64xi32, #tpu.memory_space<vmem>>) semaphore(%arg40 : memref<!tpu.dma_semaphore, #tpu.memory_space<semaphore_mem>>)
      %dma_wait3A_182 = tpu.memref_slice %arg3[%add3A_122] : memref<640000xi32, #tpu.memory_space<hbm>> -> memref<64xi32, #tpu.memory_space<hbm>>
      %dma_wait3A_183 = tpu.memref_slice %arg3[%add3A_122] : memref<640000xi32, #tpu.memory_space<hbm>> -> memref<64xi32, #tpu.memory_space<hbm>>
      tpu.wait_dma2 semaphore(%arg33 : memref<!tpu.dma_semaphore, #tpu.memory_space<semaphore_mem>>) src(%dma_wait3A_183 : memref<64xi32, #tpu.memory_space<hbm>>) dst(%arg10 : memref<64xi32, #tpu.memory_space<vmem>>)
      %dma_wait3A_184 = tpu.memref_slice %arg3[%add3A_126] : memref<640000xi32, #tpu.memory_space<hbm>> -> memref<64xi32, #tpu.memory_space<hbm>>
      %dma_wait3A_185 = tpu.memref_slice %arg3[%add3A_126] : memref<640000xi32, #tpu.memory_space<hbm>> -> memref<64xi32, #tpu.memory_space<hbm>>
      tpu.wait_dma2 semaphore(%arg33 : memref<!tpu.dma_semaphore, #tpu.memory_space<semaphore_mem>>) src(%dma_wait3A_185 : memref<64xi32, #tpu.memory_space<hbm>>) dst(%arg18 : memref<64xi32, #tpu.memory_space<vmem>>)
      %dma_start3A_186 = arith.constant 0 : i32
      %dma_start3A_187 = arith.constant 0 : i32
      %dma_start3A_188 = tpu.memref_slice %arg2[%dma_start3A_186, %dma_start3A_187] : memref<10000x128xf32, #tpu.memory_space<hbm>> -> memref<10000x128xf32, #tpu.memory_space<hbm>>
      tpu.enqueue_indirect_dma source(%dma_start3A_188 : memref<10000x128xf32, #tpu.memory_space<hbm>>) target(%arg26 : memref<64x128xf32, #tpu.memory_space<vmem>>) offsets(%arg10 : memref<64xi32, #tpu.memory_space<vmem>>) semaphore(%arg41 : memref<!tpu.dma_semaphore, #tpu.memory_space<semaphore_mem>>)
      %dma_wait3A_189 = tpu.memref_slice %arg3[%add3A_130] : memref<640000xi32, #tpu.memory_space<hbm>> -> memref<64xi32, #tpu.memory_space<hbm>>
      %dma_wait3A_190 = tpu.memref_slice %arg3[%add3A_130] : memref<640000xi32, #tpu.memory_space<hbm>> -> memref<64xi32, #tpu.memory_space<hbm>>
      tpu.wait_dma2 semaphore(%arg34 : memref<!tpu.dma_semaphore, #tpu.memory_space<semaphore_mem>>) src(%dma_wait3A_190 : memref<64xi32, #tpu.memory_space<hbm>>) dst(%arg11 : memref<64xi32, #tpu.memory_space<vmem>>)
      %dma_wait3A_191 = tpu.memref_slice %arg3[%add3A_134] : memref<640000xi32, #tpu.memory_space<hbm>> -> memref<64xi32, #tpu.memory_space<hbm>>
      %dma_wait3A_192 = tpu.memref_slice %arg3[%add3A_134] : memref<640000xi32, #tpu.memory_space<hbm>> -> memref<64xi32, #tpu.memory_space<hbm>>
      tpu.wait_dma2 semaphore(%arg34 : memref<!tpu.dma_semaphore, #tpu.memory_space<semaphore_mem>>) src(%dma_wait3A_192 : memref<64xi32, #tpu.memory_space<hbm>>) dst(%arg19 : memref<64xi32, #tpu.memory_space<vmem>>)
      %dma_wait3A_193 = arith.constant 0 : i32
      %dma_wait3A_194 = arith.constant 0 : i32
      %dma_wait3A_195 = tpu.memref_slice %arg2[%dma_wait3A_193, %dma_wait3A_194] : memref<10000x128xf32, #tpu.memory_space<hbm>> -> memref<10000x128xf32, #tpu.memory_space<hbm>>
      tpu.wait_indirect_dma semaphore(%arg38 : memref<!tpu.dma_semaphore, #tpu.memory_space<semaphore_mem>>) src(%dma_wait3A_195 : memref<10000x128xf32, #tpu.memory_space<hbm>>) dst(%arg23 : memref<64x128xf32, #tpu.memory_space<vmem>>)
      "tpu.region"() ({
        %run_scoped3A = tpu.sem_alloc : memref<!tpu.dma_semaphore, #tpu.memory_space<semaphore_mem>>
        %dma_start3A_241 = arith.constant 0 : i32
        %dma_start3A_242 = arith.constant 0 : i32
        %dma_start3A_243 = tpu.memref_slice %arg6[%dma_start3A_241, %dma_start3A_242] : memref<10240x128xf32, #tpu.memory_space<vmem_shared>> -> memref<10240x128xf32, #tpu.memory_space<vmem_shared>>
        tpu.enqueue_indirect_dma source(%arg23 : memref<64x128xf32, #tpu.memory_space<vmem>>) target(%dma_start3A_243 : memref<10240x128xf32, #tpu.memory_space<vmem_shared>>) offsets(%arg15 : memref<64xi32, #tpu.memory_space<vmem>>) semaphore(%run_scoped3A : memref<!tpu.dma_semaphore, #tpu.memory_space<semaphore_mem>>) {add = true}
        %dma_wait3A_244 = arith.constant 0 : i32
        %dma_wait3A_245 = arith.constant 0 : i32
        %dma_wait3A_246 = tpu.memref_slice %arg6[%dma_wait3A_244, %dma_wait3A_245] : memref<10240x128xf32, #tpu.memory_space<vmem_shared>> -> memref<10240x128xf32, #tpu.memory_space<vmem_shared>>
        tpu.wait_indirect_dma semaphore(%run_scoped3A : memref<!tpu.dma_semaphore, #tpu.memory_space<semaphore_mem>>) src(%arg23 : memref<64x128xf32, #tpu.memory_space<vmem>>) dst(%dma_wait3A_246 : memref<10240x128xf32, #tpu.memory_space<vmem_shared>>)
        tpu.yield
      }) : () -> ()
      %dma_start3A_196 = arith.constant 0 : i32
      %dma_start3A_197 = arith.constant 0 : i32
      %dma_start3A_198 = tpu.memref_slice %arg2[%dma_start3A_196, %dma_start3A_197] : memref<10000x128xf32, #tpu.memory_space<hbm>> -> memref<10000x128xf32, #tpu.memory_space<hbm>>
      tpu.enqueue_indirect_dma source(%dma_start3A_198 : memref<10000x128xf32, #tpu.memory_space<hbm>>) target(%arg23 : memref<64x128xf32, #tpu.memory_space<vmem>>) offsets(%arg11 : memref<64xi32, #tpu.memory_space<vmem>>) semaphore(%arg38 : memref<!tpu.dma_semaphore, #tpu.memory_space<semaphore_mem>>)
      %dma_wait3A_199 = tpu.memref_slice %arg3[%add3A_138] : memref<640000xi32, #tpu.memory_space<hbm>> -> memref<64xi32, #tpu.memory_space<hbm>>
      %dma_wait3A_200 = tpu.memref_slice %arg3[%add3A_138] : memref<640000xi32, #tpu.memory_space<hbm>> -> memref<64xi32, #tpu.memory_space<hbm>>
      tpu.wait_dma2 semaphore(%arg35 : memref<!tpu.dma_semaphore, #tpu.memory_space<semaphore_mem>>) src(%dma_wait3A_200 : memref<64xi32, #tpu.memory_space<hbm>>) dst(%arg12 : memref<64xi32, #tpu.memory_space<vmem>>)
      %dma_wait3A_201 = tpu.memref_slice %arg3[%add3A_142] : memref<640000xi32, #tpu.memory_space<hbm>> -> memref<64xi32, #tpu.memory_space<hbm>>
      %dma_wait3A_202 = tpu.memref_slice %arg3[%add3A_142] : memref<640000xi32, #tpu.memory_space<hbm>> -> memref<64xi32, #tpu.memory_space<hbm>>
      tpu.wait_dma2 semaphore(%arg35 : memref<!tpu.dma_semaphore, #tpu.memory_space<semaphore_mem>>) src(%dma_wait3A_202 : memref<64xi32, #tpu.memory_space<hbm>>) dst(%arg20 : memref<64xi32, #tpu.memory_space<vmem>>)
      %dma_wait3A_203 = arith.constant 0 : i32
      %dma_wait3A_204 = arith.constant 0 : i32
      %dma_wait3A_205 = tpu.memref_slice %arg2[%dma_wait3A_203, %dma_wait3A_204] : memref<10000x128xf32, #tpu.memory_space<hbm>> -> memref<10000x128xf32, #tpu.memory_space<hbm>>
      tpu.wait_indirect_dma semaphore(%arg39 : memref<!tpu.dma_semaphore, #tpu.memory_space<semaphore_mem>>) src(%dma_wait3A_205 : memref<10000x128xf32, #tpu.memory_space<hbm>>) dst(%arg24 : memref<64x128xf32, #tpu.memory_space<vmem>>)
      "tpu.region"() ({
        %run_scoped3A = tpu.sem_alloc : memref<!tpu.dma_semaphore, #tpu.memory_space<semaphore_mem>>
        %dma_start3A_241 = arith.constant 0 : i32
        %dma_start3A_242 = arith.constant 0 : i32
        %dma_start3A_243 = tpu.memref_slice %arg6[%dma_start3A_241, %dma_start3A_242] : memref<10240x128xf32, #tpu.memory_space<vmem_shared>> -> memref<10240x128xf32, #tpu.memory_space<vmem_shared>>
        tpu.enqueue_indirect_dma source(%arg24 : memref<64x128xf32, #tpu.memory_space<vmem>>) target(%dma_start3A_243 : memref<10240x128xf32, #tpu.memory_space<vmem_shared>>) offsets(%arg16 : memref<64xi32, #tpu.memory_space<vmem>>) semaphore(%run_scoped3A : memref<!tpu.dma_semaphore, #tpu.memory_space<semaphore_mem>>) {add = true}
        %dma_wait3A_244 = arith.constant 0 : i32
        %dma_wait3A_245 = arith.constant 0 : i32
        %dma_wait3A_246 = tpu.memref_slice %arg6[%dma_wait3A_244, %dma_wait3A_245] : memref<10240x128xf32, #tpu.memory_space<vmem_shared>> -> memref<10240x128xf32, #tpu.memory_space<vmem_shared>>
        tpu.wait_indirect_dma semaphore(%run_scoped3A : memref<!tpu.dma_semaphore, #tpu.memory_space<semaphore_mem>>) src(%arg24 : memref<64x128xf32, #tpu.memory_space<vmem>>) dst(%dma_wait3A_246 : memref<10240x128xf32, #tpu.memory_space<vmem_shared>>)
        tpu.yield
      }) : () -> ()
      %dma_start3A_206 = arith.constant 0 : i32
      %dma_start3A_207 = arith.constant 0 : i32
      %dma_start3A_208 = tpu.memref_slice %arg2[%dma_start3A_206, %dma_start3A_207] : memref<10000x128xf32, #tpu.memory_space<hbm>> -> memref<10000x128xf32, #tpu.memory_space<hbm>>
      tpu.enqueue_indirect_dma source(%dma_start3A_208 : memref<10000x128xf32, #tpu.memory_space<hbm>>) target(%arg24 : memref<64x128xf32, #tpu.memory_space<vmem>>) offsets(%arg12 : memref<64xi32, #tpu.memory_space<vmem>>) semaphore(%arg39 : memref<!tpu.dma_semaphore, #tpu.memory_space<semaphore_mem>>)
      %dma_wait3A_209 = tpu.memref_slice %arg3[%add3A_146] : memref<640000xi32, #tpu.memory_space<hbm>> -> memref<64xi32, #tpu.memory_space<hbm>>
      %dma_wait3A_210 = tpu.memref_slice %arg3[%add3A_146] : memref<640000xi32, #tpu.memory_space<hbm>> -> memref<64xi32, #tpu.memory_space<hbm>>
      tpu.wait_dma2 semaphore(%arg36 : memref<!tpu.dma_semaphore, #tpu.memory_space<semaphore_mem>>) src(%dma_wait3A_210 : memref<64xi32, #tpu.memory_space<hbm>>) dst(%arg13 : memref<64xi32, #tpu.memory_space<vmem>>)
      %dma_wait3A_211 = tpu.memref_slice %arg3[%add3A_150] : memref<640000xi32, #tpu.memory_space<hbm>> -> memref<64xi32, #tpu.memory_space<hbm>>
      %dma_wait3A_212 = tpu.memref_slice %arg3[%add3A_150] : memref<640000xi32, #tpu.memory_space<hbm>> -> memref<64xi32, #tpu.memory_space<hbm>>
      tpu.wait_dma2 semaphore(%arg36 : memref<!tpu.dma_semaphore, #tpu.memory_space<semaphore_mem>>) src(%dma_wait3A_212 : memref<64xi32, #tpu.memory_space<hbm>>) dst(%arg21 : memref<64xi32, #tpu.memory_space<vmem>>)
      %dma_wait3A_213 = arith.constant 0 : i32
      %dma_wait3A_214 = arith.constant 0 : i32
      %dma_wait3A_215 = tpu.memref_slice %arg2[%dma_wait3A_213, %dma_wait3A_214] : memref<10000x128xf32, #tpu.memory_space<hbm>> -> memref<10000x128xf32, #tpu.memory_space<hbm>>
      tpu.wait_indirect_dma semaphore(%arg40 : memref<!tpu.dma_semaphore, #tpu.memory_space<semaphore_mem>>) src(%dma_wait3A_215 : memref<10000x128xf32, #tpu.memory_space<hbm>>) dst(%arg25 : memref<64x128xf32, #tpu.memory_space<vmem>>)
      "tpu.region"() ({
        %run_scoped3A = tpu.sem_alloc : memref<!tpu.dma_semaphore, #tpu.memory_space<semaphore_mem>>
        %dma_start3A_241 = arith.constant 0 : i32
        %dma_start3A_242 = arith.constant 0 : i32
        %dma_start3A_243 = tpu.memref_slice %arg6[%dma_start3A_241, %dma_start3A_242] : memref<10240x128xf32, #tpu.memory_space<vmem_shared>> -> memref<10240x128xf32, #tpu.memory_space<vmem_shared>>
        tpu.enqueue_indirect_dma source(%arg25 : memref<64x128xf32, #tpu.memory_space<vmem>>) target(%dma_start3A_243 : memref<10240x128xf32, #tpu.memory_space<vmem_shared>>) offsets(%arg17 : memref<64xi32, #tpu.memory_space<vmem>>) semaphore(%run_scoped3A : memref<!tpu.dma_semaphore, #tpu.memory_space<semaphore_mem>>) {add = true}
        %dma_wait3A_244 = arith.constant 0 : i32
        %dma_wait3A_245 = arith.constant 0 : i32
        %dma_wait3A_246 = tpu.memref_slice %arg6[%dma_wait3A_244, %dma_wait3A_245] : memref<10240x128xf32, #tpu.memory_space<vmem_shared>> -> memref<10240x128xf32, #tpu.memory_space<vmem_shared>>
        tpu.wait_indirect_dma semaphore(%run_scoped3A : memref<!tpu.dma_semaphore, #tpu.memory_space<semaphore_mem>>) src(%arg25 : memref<64x128xf32, #tpu.memory_space<vmem>>) dst(%dma_wait3A_246 : memref<10240x128xf32, #tpu.memory_space<vmem_shared>>)
        tpu.yield
      }) : () -> ()
      %dma_start3A_216 = arith.constant 0 : i32
      %dma_start3A_217 = arith.constant 0 : i32
      %dma_start3A_218 = tpu.memref_slice %arg2[%dma_start3A_216, %dma_start3A_217] : memref<10000x128xf32, #tpu.memory_space<hbm>> -> memref<10000x128xf32, #tpu.memory_space<hbm>>
      tpu.enqueue_indirect_dma source(%dma_start3A_218 : memref<10000x128xf32, #tpu.memory_space<hbm>>) target(%arg25 : memref<64x128xf32, #tpu.memory_space<vmem>>) offsets(%arg13 : memref<64xi32, #tpu.memory_space<vmem>>) semaphore(%arg40 : memref<!tpu.dma_semaphore, #tpu.memory_space<semaphore_mem>>)
      %dma_wait3A_219 = tpu.memref_slice %arg3[%add3A_154] : memref<640000xi32, #tpu.memory_space<hbm>> -> memref<64xi32, #tpu.memory_space<hbm>>
      %dma_wait3A_220 = tpu.memref_slice %arg3[%add3A_154] : memref<640000xi32, #tpu.memory_space<hbm>> -> memref<64xi32, #tpu.memory_space<hbm>>
      tpu.wait_dma2 semaphore(%arg37 : memref<!tpu.dma_semaphore, #tpu.memory_space<semaphore_mem>>) src(%dma_wait3A_220 : memref<64xi32, #tpu.memory_space<hbm>>) dst(%arg14 : memref<64xi32, #tpu.memory_space<vmem>>)
      %dma_wait3A_221 = tpu.memref_slice %arg3[%add3A_158] : memref<640000xi32, #tpu.memory_space<hbm>> -> memref<64xi32, #tpu.memory_space<hbm>>
      %dma_wait3A_222 = tpu.memref_slice %arg3[%add3A_158] : memref<640000xi32, #tpu.memory_space<hbm>> -> memref<64xi32, #tpu.memory_space<hbm>>
      tpu.wait_dma2 semaphore(%arg37 : memref<!tpu.dma_semaphore, #tpu.memory_space<semaphore_mem>>) src(%dma_wait3A_222 : memref<64xi32, #tpu.memory_space<hbm>>) dst(%arg22 : memref<64xi32, #tpu.memory_space<vmem>>)
      %dma_wait3A_223 = arith.constant 0 : i32
      %dma_wait3A_224 = arith.constant 0 : i32
      %dma_wait3A_225 = tpu.memref_slice %arg2[%dma_wait3A_223, %dma_wait3A_224] : memref<10000x128xf32, #tpu.memory_space<hbm>> -> memref<10000x128xf32, #tpu.memory_space<hbm>>
      tpu.wait_indirect_dma semaphore(%arg41 : memref<!tpu.dma_semaphore, #tpu.memory_space<semaphore_mem>>) src(%dma_wait3A_225 : memref<10000x128xf32, #tpu.memory_space<hbm>>) dst(%arg26 : memref<64x128xf32, #tpu.memory_space<vmem>>)
      "tpu.region"() ({
        %run_scoped3A = tpu.sem_alloc : memref<!tpu.dma_semaphore, #tpu.memory_space<semaphore_mem>>
        %dma_start3A_241 = arith.constant 0 : i32
        %dma_start3A_242 = arith.constant 0 : i32
        %dma_start3A_243 = tpu.memref_slice %arg6[%dma_start3A_241, %dma_start3A_242] : memref<10240x128xf32, #tpu.memory_space<vmem_shared>> -> memref<10240x128xf32, #tpu.memory_space<vmem_shared>>
        tpu.enqueue_indirect_dma source(%arg26 : memref<64x128xf32, #tpu.memory_space<vmem>>) target(%dma_start3A_243 : memref<10240x128xf32, #tpu.memory_space<vmem_shared>>) offsets(%arg18 : memref<64xi32, #tpu.memory_space<vmem>>) semaphore(%run_scoped3A : memref<!tpu.dma_semaphore, #tpu.memory_space<semaphore_mem>>) {add = true}
        %dma_wait3A_244 = arith.constant 0 : i32
        %dma_wait3A_245 = arith.constant 0 : i32
        %dma_wait3A_246 = tpu.memref_slice %arg6[%dma_wait3A_244, %dma_wait3A_245] : memref<10240x128xf32, #tpu.memory_space<vmem_shared>> -> memref<10240x128xf32, #tpu.memory_space<vmem_shared>>
        tpu.wait_indirect_dma semaphore(%run_scoped3A : memref<!tpu.dma_semaphore, #tpu.memory_space<semaphore_mem>>) src(%arg26 : memref<64x128xf32, #tpu.memory_space<vmem>>) dst(%dma_wait3A_246 : memref<10240x128xf32, #tpu.memory_space<vmem_shared>>)
        tpu.yield
      }) : () -> ()
      %dma_start3A_226 = arith.constant 0 : i32
      %dma_start3A_227 = arith.constant 0 : i32
      %dma_start3A_228 = tpu.memref_slice %arg2[%dma_start3A_226, %dma_start3A_227] : memref<10000x128xf32, #tpu.memory_space<hbm>> -> memref<10000x128xf32, #tpu.memory_space<hbm>>
      tpu.enqueue_indirect_dma source(%dma_start3A_228 : memref<10000x128xf32, #tpu.memory_space<hbm>>) target(%arg26 : memref<64x128xf32, #tpu.memory_space<vmem>>) offsets(%arg14 : memref<64xi32, #tpu.memory_space<vmem>>) semaphore(%arg41 : memref<!tpu.dma_semaphore, #tpu.memory_space<semaphore_mem>>)
      %dma_wait3A_229 = arith.constant 0 : i32
      %dma_wait3A_230 = arith.constant 0 : i32
      %dma_wait3A_231 = tpu.memref_slice %arg2[%dma_wait3A_229, %dma_wait3A_230] : memref<10000x128xf32, #tpu.memory_space<hbm>> -> memref<10000x128xf32, #tpu.memory_space<hbm>>
      tpu.wait_indirect_dma semaphore(%arg38 : memref<!tpu.dma_semaphore, #tpu.memory_space<semaphore_mem>>) src(%dma_wait3A_231 : memref<10000x128xf32, #tpu.memory_space<hbm>>) dst(%arg23 : memref<64x128xf32, #tpu.memory_space<vmem>>)
      "tpu.region"() ({
        %run_scoped3A = tpu.sem_alloc : memref<!tpu.dma_semaphore, #tpu.memory_space<semaphore_mem>>
        %dma_start3A_241 = arith.constant 0 : i32
        %dma_start3A_242 = arith.constant 0 : i32
        %dma_start3A_243 = tpu.memref_slice %arg6[%dma_start3A_241, %dma_start3A_242] : memref<10240x128xf32, #tpu.memory_space<vmem_shared>> -> memref<10240x128xf32, #tpu.memory_space<vmem_shared>>
        tpu.enqueue_indirect_dma source(%arg23 : memref<64x128xf32, #tpu.memory_space<vmem>>) target(%dma_start3A_243 : memref<10240x128xf32, #tpu.memory_space<vmem_shared>>) offsets(%arg19 : memref<64xi32, #tpu.memory_space<vmem>>) semaphore(%run_scoped3A : memref<!tpu.dma_semaphore, #tpu.memory_space<semaphore_mem>>) {add = true}
        %dma_wait3A_244 = arith.constant 0 : i32
        %dma_wait3A_245 = arith.constant 0 : i32
        %dma_wait3A_246 = tpu.memref_slice %arg6[%dma_wait3A_244, %dma_wait3A_245] : memref<10240x128xf32, #tpu.memory_space<vmem_shared>> -> memref<10240x128xf32, #tpu.memory_space<vmem_shared>>
        tpu.wait_indirect_dma semaphore(%run_scoped3A : memref<!tpu.dma_semaphore, #tpu.memory_space<semaphore_mem>>) src(%arg23 : memref<64x128xf32, #tpu.memory_space<vmem>>) dst(%dma_wait3A_246 : memref<10240x128xf32, #tpu.memory_space<vmem_shared>>)
        tpu.yield
      }) : () -> ()
      %dma_wait3A_232 = arith.constant 0 : i32
      %dma_wait3A_233 = arith.constant 0 : i32
      %dma_wait3A_234 = tpu.memref_slice %arg2[%dma_wait3A_232, %dma_wait3A_233] : memref<10000x128xf32, #tpu.memory_space<hbm>> -> memref<10000x128xf32, #tpu.memory_space<hbm>>
      tpu.wait_indirect_dma semaphore(%arg39 : memref<!tpu.dma_semaphore, #tpu.memory_space<semaphore_mem>>) src(%dma_wait3A_234 : memref<10000x128xf32, #tpu.memory_space<hbm>>) dst(%arg24 : memref<64x128xf32, #tpu.memory_space<vmem>>)
      "tpu.region"() ({
        %run_scoped3A = tpu.sem_alloc : memref<!tpu.dma_semaphore, #tpu.memory_space<semaphore_mem>>
        %dma_start3A_241 = arith.constant 0 : i32
        %dma_start3A_242 = arith.constant 0 : i32
        %dma_start3A_243 = tpu.memref_slice %arg6[%dma_start3A_241, %dma_start3A_242] : memref<10240x128xf32, #tpu.memory_space<vmem_shared>> -> memref<10240x128xf32, #tpu.memory_space<vmem_shared>>
        tpu.enqueue_indirect_dma source(%arg24 : memref<64x128xf32, #tpu.memory_space<vmem>>) target(%dma_start3A_243 : memref<10240x128xf32, #tpu.memory_space<vmem_shared>>) offsets(%arg20 : memref<64xi32, #tpu.memory_space<vmem>>) semaphore(%run_scoped3A : memref<!tpu.dma_semaphore, #tpu.memory_space<semaphore_mem>>) {add = true}
        %dma_wait3A_244 = arith.constant 0 : i32
        %dma_wait3A_245 = arith.constant 0 : i32
        %dma_wait3A_246 = tpu.memref_slice %arg6[%dma_wait3A_244, %dma_wait3A_245] : memref<10240x128xf32, #tpu.memory_space<vmem_shared>> -> memref<10240x128xf32, #tpu.memory_space<vmem_shared>>
        tpu.wait_indirect_dma semaphore(%run_scoped3A : memref<!tpu.dma_semaphore, #tpu.memory_space<semaphore_mem>>) src(%arg24 : memref<64x128xf32, #tpu.memory_space<vmem>>) dst(%dma_wait3A_246 : memref<10240x128xf32, #tpu.memory_space<vmem_shared>>)
        tpu.yield
      }) : () -> ()
      %dma_wait3A_235 = arith.constant 0 : i32
      %dma_wait3A_236 = arith.constant 0 : i32
      %dma_wait3A_237 = tpu.memref_slice %arg2[%dma_wait3A_235, %dma_wait3A_236] : memref<10000x128xf32, #tpu.memory_space<hbm>> -> memref<10000x128xf32, #tpu.memory_space<hbm>>
      tpu.wait_indirect_dma semaphore(%arg40 : memref<!tpu.dma_semaphore, #tpu.memory_space<semaphore_mem>>) src(%dma_wait3A_237 : memref<10000x128xf32, #tpu.memory_space<hbm>>) dst(%arg25 : memref<64x128xf32, #tpu.memory_space<vmem>>)
      "tpu.region"() ({
        %run_scoped3A = tpu.sem_alloc : memref<!tpu.dma_semaphore, #tpu.memory_space<semaphore_mem>>
        %dma_start3A_241 = arith.constant 0 : i32
        %dma_start3A_242 = arith.constant 0 : i32
        %dma_start3A_243 = tpu.memref_slice %arg6[%dma_start3A_241, %dma_start3A_242] : memref<10240x128xf32, #tpu.memory_space<vmem_shared>> -> memref<10240x128xf32, #tpu.memory_space<vmem_shared>>
        tpu.enqueue_indirect_dma source(%arg25 : memref<64x128xf32, #tpu.memory_space<vmem>>) target(%dma_start3A_243 : memref<10240x128xf32, #tpu.memory_space<vmem_shared>>) offsets(%arg21 : memref<64xi32, #tpu.memory_space<vmem>>) semaphore(%run_scoped3A : memref<!tpu.dma_semaphore, #tpu.memory_space<semaphore_mem>>) {add = true}
        %dma_wait3A_244 = arith.constant 0 : i32
        %dma_wait3A_245 = arith.constant 0 : i32
        %dma_wait3A_246 = tpu.memref_slice %arg6[%dma_wait3A_244, %dma_wait3A_245] : memref<10240x128xf32, #tpu.memory_space<vmem_shared>> -> memref<10240x128xf32, #tpu.memory_space<vmem_shared>>
        tpu.wait_indirect_dma semaphore(%run_scoped3A : memref<!tpu.dma_semaphore, #tpu.memory_space<semaphore_mem>>) src(%arg25 : memref<64x128xf32, #tpu.memory_space<vmem>>) dst(%dma_wait3A_246 : memref<10240x128xf32, #tpu.memory_space<vmem_shared>>)
        tpu.yield
      }) : () -> ()
      %dma_wait3A_238 = arith.constant 0 : i32
      %dma_wait3A_239 = arith.constant 0 : i32
      %dma_wait3A_240 = tpu.memref_slice %arg2[%dma_wait3A_238, %dma_wait3A_239] : memref<10000x128xf32, #tpu.memory_space<hbm>> -> memref<10000x128xf32, #tpu.memory_space<hbm>>
      tpu.wait_indirect_dma semaphore(%arg41 : memref<!tpu.dma_semaphore, #tpu.memory_space<semaphore_mem>>) src(%dma_wait3A_240 : memref<10000x128xf32, #tpu.memory_space<hbm>>) dst(%arg26 : memref<64x128xf32, #tpu.memory_space<vmem>>)
      "tpu.region"() ({
        %run_scoped3A = tpu.sem_alloc : memref<!tpu.dma_semaphore, #tpu.memory_space<semaphore_mem>>
        %dma_start3A_241 = arith.constant 0 : i32
        %dma_start3A_242 = arith.constant 0 : i32
        %dma_start3A_243 = tpu.memref_slice %arg6[%dma_start3A_241, %dma_start3A_242] : memref<10240x128xf32, #tpu.memory_space<vmem_shared>> -> memref<10240x128xf32, #tpu.memory_space<vmem_shared>>
        tpu.enqueue_indirect_dma source(%arg26 : memref<64x128xf32, #tpu.memory_space<vmem>>) target(%dma_start3A_243 : memref<10240x128xf32, #tpu.memory_space<vmem_shared>>) offsets(%arg22 : memref<64xi32, #tpu.memory_space<vmem>>) semaphore(%run_scoped3A : memref<!tpu.dma_semaphore, #tpu.memory_space<semaphore_mem>>) {add = true}
        %dma_wait3A_244 = arith.constant 0 : i32
        %dma_wait3A_245 = arith.constant 0 : i32
        %dma_wait3A_246 = tpu.memref_slice %arg6[%dma_wait3A_244, %dma_wait3A_245] : memref<10240x128xf32, #tpu.memory_space<vmem_shared>> -> memref<10240x128xf32, #tpu.memory_space<vmem_shared>>
        tpu.wait_indirect_dma semaphore(%run_scoped3A : memref<!tpu.dma_semaphore, #tpu.memory_space<semaphore_mem>>) src(%arg26 : memref<64x128xf32, #tpu.memory_space<vmem>>) dst(%dma_wait3A_246 : memref<10240x128xf32, #tpu.memory_space<vmem_shared>>)
        tpu.yield
      }) : () -> ()
    }
    %scan3A_9 = arith.constant 19 : i32
    %add3A_10 = arith.constant 9728 : i32
    %add3A_11 = arith.addi %mul3A_4, %add3A_10 : i32
    %add3A_12 = arith.constant 0 : i32
    %add3A_13 = arith.addi %add3A_11, %add3A_12 : i32
    %dma_start3A = tpu.memref_slice %arg3[%add3A_13] : memref<640000xi32, #tpu.memory_space<hbm>> -> memref<64xi32, #tpu.memory_space<hbm>>
    %dma_start3A_14 = tpu.memref_slice %arg3[%add3A_13] : memref<640000xi32, #tpu.memory_space<hbm>> -> memref<64xi32, #tpu.memory_space<hbm>>
    tpu.enqueue_dma source(%dma_start3A_14 : memref<64xi32, #tpu.memory_space<hbm>>) target(%arg7 : memref<64xi32, #tpu.memory_space<vmem>>) target_semaphore(%arg30 : memref<!tpu.dma_semaphore, #tpu.memory_space<semaphore_mem>>)
    %add3A_15 = arith.constant 320000 : i32
    %add3A_16 = arith.addi %add3A_15, %add3A_13 : i32
    %dma_start3A_17 = tpu.memref_slice %arg3[%add3A_16] : memref<640000xi32, #tpu.memory_space<hbm>> -> memref<64xi32, #tpu.memory_space<hbm>>
    %dma_start3A_18 = tpu.memref_slice %arg3[%add3A_16] : memref<640000xi32, #tpu.memory_space<hbm>> -> memref<64xi32, #tpu.memory_space<hbm>>
    tpu.enqueue_dma source(%dma_start3A_18 : memref<64xi32, #tpu.memory_space<hbm>>) target(%arg15 : memref<64xi32, #tpu.memory_space<vmem>>) target_semaphore(%arg30 : memref<!tpu.dma_semaphore, #tpu.memory_space<semaphore_mem>>)
    %add3A_19 = arith.constant 64 : i32
    %add3A_20 = arith.addi %add3A_11, %add3A_19 : i32
    %dma_start3A_21 = tpu.memref_slice %arg3[%add3A_20] : memref<640000xi32, #tpu.memory_space<hbm>> -> memref<64xi32, #tpu.memory_space<hbm>>
    %dma_start3A_22 = tpu.memref_slice %arg3[%add3A_20] : memref<640000xi32, #tpu.memory_space<hbm>> -> memref<64xi32, #tpu.memory_space<hbm>>
    tpu.enqueue_dma source(%dma_start3A_22 : memref<64xi32, #tpu.memory_space<hbm>>) target(%arg8 : memref<64xi32, #tpu.memory_space<vmem>>) target_semaphore(%arg31 : memref<!tpu.dma_semaphore, #tpu.memory_space<semaphore_mem>>)
    %add3A_23 = arith.constant 320000 : i32
    %add3A_24 = arith.addi %add3A_23, %add3A_20 : i32
    %dma_start3A_25 = tpu.memref_slice %arg3[%add3A_24] : memref<640000xi32, #tpu.memory_space<hbm>> -> memref<64xi32, #tpu.memory_space<hbm>>
    %dma_start3A_26 = tpu.memref_slice %arg3[%add3A_24] : memref<640000xi32, #tpu.memory_space<hbm>> -> memref<64xi32, #tpu.memory_space<hbm>>
    tpu.enqueue_dma source(%dma_start3A_26 : memref<64xi32, #tpu.memory_space<hbm>>) target(%arg16 : memref<64xi32, #tpu.memory_space<vmem>>) target_semaphore(%arg31 : memref<!tpu.dma_semaphore, #tpu.memory_space<semaphore_mem>>)
    %add3A_27 = arith.constant 128 : i32
    %add3A_28 = arith.addi %add3A_11, %add3A_27 : i32
    %dma_start3A_29 = tpu.memref_slice %arg3[%add3A_28] : memref<640000xi32, #tpu.memory_space<hbm>> -> memref<64xi32, #tpu.memory_space<hbm>>
    %dma_start3A_30 = tpu.memref_slice %arg3[%add3A_28] : memref<640000xi32, #tpu.memory_space<hbm>> -> memref<64xi32, #tpu.memory_space<hbm>>
    tpu.enqueue_dma source(%dma_start3A_30 : memref<64xi32, #tpu.memory_space<hbm>>) target(%arg9 : memref<64xi32, #tpu.memory_space<vmem>>) target_semaphore(%arg32 : memref<!tpu.dma_semaphore, #tpu.memory_space<semaphore_mem>>)
    %add3A_31 = arith.constant 320000 : i32
    %add3A_32 = arith.addi %add3A_31, %add3A_28 : i32
    %dma_start3A_33 = tpu.memref_slice %arg3[%add3A_32] : memref<640000xi32, #tpu.memory_space<hbm>> -> memref<64xi32, #tpu.memory_space<hbm>>
    %dma_start3A_34 = tpu.memref_slice %arg3[%add3A_32] : memref<640000xi32, #tpu.memory_space<hbm>> -> memref<64xi32, #tpu.memory_space<hbm>>
    tpu.enqueue_dma source(%dma_start3A_34 : memref<64xi32, #tpu.memory_space<hbm>>) target(%arg17 : memref<64xi32, #tpu.memory_space<vmem>>) target_semaphore(%arg32 : memref<!tpu.dma_semaphore, #tpu.memory_space<semaphore_mem>>)
    %add3A_35 = arith.constant 192 : i32
    %add3A_36 = arith.addi %add3A_11, %add3A_35 : i32
    %dma_start3A_37 = tpu.memref_slice %arg3[%add3A_36] : memref<640000xi32, #tpu.memory_space<hbm>> -> memref<64xi32, #tpu.memory_space<hbm>>
    %dma_start3A_38 = tpu.memref_slice %arg3[%add3A_36] : memref<640000xi32, #tpu.memory_space<hbm>> -> memref<64xi32, #tpu.memory_space<hbm>>
    tpu.enqueue_dma source(%dma_start3A_38 : memref<64xi32, #tpu.memory_space<hbm>>) target(%arg10 : memref<64xi32, #tpu.memory_space<vmem>>) target_semaphore(%arg33 : memref<!tpu.dma_semaphore, #tpu.memory_space<semaphore_mem>>)
    %add3A_39 = arith.constant 320000 : i32
    %add3A_40 = arith.addi %add3A_39, %add3A_36 : i32
    %dma_start3A_41 = tpu.memref_slice %arg3[%add3A_40] : memref<640000xi32, #tpu.memory_space<hbm>> -> memref<64xi32, #tpu.memory_space<hbm>>
    %dma_start3A_42 = tpu.memref_slice %arg3[%add3A_40] : memref<640000xi32, #tpu.memory_space<hbm>> -> memref<64xi32, #tpu.memory_space<hbm>>
    tpu.enqueue_dma source(%dma_start3A_42 : memref<64xi32, #tpu.memory_space<hbm>>) target(%arg18 : memref<64xi32, #tpu.memory_space<vmem>>) target_semaphore(%arg33 : memref<!tpu.dma_semaphore, #tpu.memory_space<semaphore_mem>>)
    %dma_wait3A = tpu.memref_slice %arg3[%add3A_13] : memref<640000xi32, #tpu.memory_space<hbm>> -> memref<64xi32, #tpu.memory_space<hbm>>
    %dma_wait3A_43 = tpu.memref_slice %arg3[%add3A_13] : memref<640000xi32, #tpu.memory_space<hbm>> -> memref<64xi32, #tpu.memory_space<hbm>>
    tpu.wait_dma2 semaphore(%arg30 : memref<!tpu.dma_semaphore, #tpu.memory_space<semaphore_mem>>) src(%dma_wait3A_43 : memref<64xi32, #tpu.memory_space<hbm>>) dst(%arg7 : memref<64xi32, #tpu.memory_space<vmem>>)
    %dma_wait3A_44 = tpu.memref_slice %arg3[%add3A_16] : memref<640000xi32, #tpu.memory_space<hbm>> -> memref<64xi32, #tpu.memory_space<hbm>>
    %dma_wait3A_45 = tpu.memref_slice %arg3[%add3A_16] : memref<640000xi32, #tpu.memory_space<hbm>> -> memref<64xi32, #tpu.memory_space<hbm>>
    tpu.wait_dma2 semaphore(%arg30 : memref<!tpu.dma_semaphore, #tpu.memory_space<semaphore_mem>>) src(%dma_wait3A_45 : memref<64xi32, #tpu.memory_space<hbm>>) dst(%arg15 : memref<64xi32, #tpu.memory_space<vmem>>)
    %dma_start3A_46 = arith.constant 0 : i32
    %dma_start3A_47 = arith.constant 0 : i32
    %dma_start3A_48 = tpu.memref_slice %arg2[%dma_start3A_46, %dma_start3A_47] : memref<10000x128xf32, #tpu.memory_space<hbm>> -> memref<10000x128xf32, #tpu.memory_space<hbm>>
    tpu.enqueue_indirect_dma source(%dma_start3A_48 : memref<10000x128xf32, #tpu.memory_space<hbm>>) target(%arg23 : memref<64x128xf32, #tpu.memory_space<vmem>>) offsets(%arg7 : memref<64xi32, #tpu.memory_space<vmem>>) semaphore(%arg38 : memref<!tpu.dma_semaphore, #tpu.memory_space<semaphore_mem>>)
    %dma_wait3A_49 = tpu.memref_slice %arg3[%add3A_20] : memref<640000xi32, #tpu.memory_space<hbm>> -> memref<64xi32, #tpu.memory_space<hbm>>
    %dma_wait3A_50 = tpu.memref_slice %arg3[%add3A_20] : memref<640000xi32, #tpu.memory_space<hbm>> -> memref<64xi32, #tpu.memory_space<hbm>>
    tpu.wait_dma2 semaphore(%arg31 : memref<!tpu.dma_semaphore, #tpu.memory_space<semaphore_mem>>) src(%dma_wait3A_50 : memref<64xi32, #tpu.memory_space<hbm>>) dst(%arg8 : memref<64xi32, #tpu.memory_space<vmem>>)
    %dma_wait3A_51 = tpu.memref_slice %arg3[%add3A_24] : memref<640000xi32, #tpu.memory_space<hbm>> -> memref<64xi32, #tpu.memory_space<hbm>>
    %dma_wait3A_52 = tpu.memref_slice %arg3[%add3A_24] : memref<640000xi32, #tpu.memory_space<hbm>> -> memref<64xi32, #tpu.memory_space<hbm>>
    tpu.wait_dma2 semaphore(%arg31 : memref<!tpu.dma_semaphore, #tpu.memory_space<semaphore_mem>>) src(%dma_wait3A_52 : memref<64xi32, #tpu.memory_space<hbm>>) dst(%arg16 : memref<64xi32, #tpu.memory_space<vmem>>)
    %dma_start3A_53 = arith.constant 0 : i32
    %dma_start3A_54 = arith.constant 0 : i32
    %dma_start3A_55 = tpu.memref_slice %arg2[%dma_start3A_53, %dma_start3A_54] : memref<10000x128xf32, #tpu.memory_space<hbm>> -> memref<10000x128xf32, #tpu.memory_space<hbm>>
    tpu.enqueue_indirect_dma source(%dma_start3A_55 : memref<10000x128xf32, #tpu.memory_space<hbm>>) target(%arg24 : memref<64x128xf32, #tpu.memory_space<vmem>>) offsets(%arg8 : memref<64xi32, #tpu.memory_space<vmem>>) semaphore(%arg39 : memref<!tpu.dma_semaphore, #tpu.memory_space<semaphore_mem>>)
    %dma_wait3A_56 = tpu.memref_slice %arg3[%add3A_28] : memref<640000xi32, #tpu.memory_space<hbm>> -> memref<64xi32, #tpu.memory_space<hbm>>
    %dma_wait3A_57 = tpu.memref_slice %arg3[%add3A_28] : memref<640000xi32, #tpu.memory_space<hbm>> -> memref<64xi32, #tpu.memory_space<hbm>>
    tpu.wait_dma2 semaphore(%arg32 : memref<!tpu.dma_semaphore, #tpu.memory_space<semaphore_mem>>) src(%dma_wait3A_57 : memref<64xi32, #tpu.memory_space<hbm>>) dst(%arg9 : memref<64xi32, #tpu.memory_space<vmem>>)
    %dma_wait3A_58 = tpu.memref_slice %arg3[%add3A_32] : memref<640000xi32, #tpu.memory_space<hbm>> -> memref<64xi32, #tpu.memory_space<hbm>>
    %dma_wait3A_59 = tpu.memref_slice %arg3[%add3A_32] : memref<640000xi32, #tpu.memory_space<hbm>> -> memref<64xi32, #tpu.memory_space<hbm>>
    tpu.wait_dma2 semaphore(%arg32 : memref<!tpu.dma_semaphore, #tpu.memory_space<semaphore_mem>>) src(%dma_wait3A_59 : memref<64xi32, #tpu.memory_space<hbm>>) dst(%arg17 : memref<64xi32, #tpu.memory_space<vmem>>)
    %dma_start3A_60 = arith.constant 0 : i32
    %dma_start3A_61 = arith.constant 0 : i32
    %dma_start3A_62 = tpu.memref_slice %arg2[%dma_start3A_60, %dma_start3A_61] : memref<10000x128xf32, #tpu.memory_space<hbm>> -> memref<10000x128xf32, #tpu.memory_space<hbm>>
    tpu.enqueue_indirect_dma source(%dma_start3A_62 : memref<10000x128xf32, #tpu.memory_space<hbm>>) target(%arg25 : memref<64x128xf32, #tpu.memory_space<vmem>>) offsets(%arg9 : memref<64xi32, #tpu.memory_space<vmem>>) semaphore(%arg40 : memref<!tpu.dma_semaphore, #tpu.memory_space<semaphore_mem>>)
    %dma_wait3A_63 = tpu.memref_slice %arg3[%add3A_36] : memref<640000xi32, #tpu.memory_space<hbm>> -> memref<64xi32, #tpu.memory_space<hbm>>
    %dma_wait3A_64 = tpu.memref_slice %arg3[%add3A_36] : memref<640000xi32, #tpu.memory_space<hbm>> -> memref<64xi32, #tpu.memory_space<hbm>>
    tpu.wait_dma2 semaphore(%arg33 : memref<!tpu.dma_semaphore, #tpu.memory_space<semaphore_mem>>) src(%dma_wait3A_64 : memref<64xi32, #tpu.memory_space<hbm>>) dst(%arg10 : memref<64xi32, #tpu.memory_space<vmem>>)
    %dma_wait3A_65 = tpu.memref_slice %arg3[%add3A_40] : memref<640000xi32, #tpu.memory_space<hbm>> -> memref<64xi32, #tpu.memory_space<hbm>>
    %dma_wait3A_66 = tpu.memref_slice %arg3[%add3A_40] : memref<640000xi32, #tpu.memory_space<hbm>> -> memref<64xi32, #tpu.memory_space<hbm>>
    tpu.wait_dma2 semaphore(%arg33 : memref<!tpu.dma_semaphore, #tpu.memory_space<semaphore_mem>>) src(%dma_wait3A_66 : memref<64xi32, #tpu.memory_space<hbm>>) dst(%arg18 : memref<64xi32, #tpu.memory_space<vmem>>)
    %dma_start3A_67 = arith.constant 0 : i32
    %dma_start3A_68 = arith.constant 0 : i32
    %dma_start3A_69 = tpu.memref_slice %arg2[%dma_start3A_67, %dma_start3A_68] : memref<10000x128xf32, #tpu.memory_space<hbm>> -> memref<10000x128xf32, #tpu.memory_space<hbm>>
    tpu.enqueue_indirect_dma source(%dma_start3A_69 : memref<10000x128xf32, #tpu.memory_space<hbm>>) target(%arg26 : memref<64x128xf32, #tpu.memory_space<vmem>>) offsets(%arg10 : memref<64xi32, #tpu.memory_space<vmem>>) semaphore(%arg41 : memref<!tpu.dma_semaphore, #tpu.memory_space<semaphore_mem>>)
    %dma_wait3A_70 = arith.constant 0 : i32
    %dma_wait3A_71 = arith.constant 0 : i32
    %dma_wait3A_72 = tpu.memref_slice %arg2[%dma_wait3A_70, %dma_wait3A_71] : memref<10000x128xf32, #tpu.memory_space<hbm>> -> memref<10000x128xf32, #tpu.memory_space<hbm>>
    tpu.wait_indirect_dma semaphore(%arg38 : memref<!tpu.dma_semaphore, #tpu.memory_space<semaphore_mem>>) src(%dma_wait3A_72 : memref<10000x128xf32, #tpu.memory_space<hbm>>) dst(%arg23 : memref<64x128xf32, #tpu.memory_space<vmem>>)
    "tpu.region"() ({
      %run_scoped3A = tpu.sem_alloc : memref<!tpu.dma_semaphore, #tpu.memory_space<semaphore_mem>>
      %dma_start3A_91 = arith.constant 0 : i32
      %dma_start3A_92 = arith.constant 0 : i32
      %dma_start3A_93 = tpu.memref_slice %arg6[%dma_start3A_91, %dma_start3A_92] : memref<10240x128xf32, #tpu.memory_space<vmem_shared>> -> memref<10240x128xf32, #tpu.memory_space<vmem_shared>>
      tpu.enqueue_indirect_dma source(%arg23 : memref<64x128xf32, #tpu.memory_space<vmem>>) target(%dma_start3A_93 : memref<10240x128xf32, #tpu.memory_space<vmem_shared>>) offsets(%arg15 : memref<64xi32, #tpu.memory_space<vmem>>) semaphore(%run_scoped3A : memref<!tpu.dma_semaphore, #tpu.memory_space<semaphore_mem>>) {add = true}
      %dma_wait3A_94 = arith.constant 0 : i32
      %dma_wait3A_95 = arith.constant 0 : i32
      %dma_wait3A_96 = tpu.memref_slice %arg6[%dma_wait3A_94, %dma_wait3A_95] : memref<10240x128xf32, #tpu.memory_space<vmem_shared>> -> memref<10240x128xf32, #tpu.memory_space<vmem_shared>>
      tpu.wait_indirect_dma semaphore(%run_scoped3A : memref<!tpu.dma_semaphore, #tpu.memory_space<semaphore_mem>>) src(%arg23 : memref<64x128xf32, #tpu.memory_space<vmem>>) dst(%dma_wait3A_96 : memref<10240x128xf32, #tpu.memory_space<vmem_shared>>)
      tpu.yield
    }) : () -> ()
    %dma_wait3A_73 = arith.constant 0 : i32
    %dma_wait3A_74 = arith.constant 0 : i32
    %dma_wait3A_75 = tpu.memref_slice %arg2[%dma_wait3A_73, %dma_wait3A_74] : memref<10000x128xf32, #tpu.memory_space<hbm>> -> memref<10000x128xf32, #tpu.memory_space<hbm>>
    tpu.wait_indirect_dma semaphore(%arg39 : memref<!tpu.dma_semaphore, #tpu.memory_space<semaphore_mem>>) src(%dma_wait3A_75 : memref<10000x128xf32, #tpu.memory_space<hbm>>) dst(%arg24 : memref<64x128xf32, #tpu.memory_space<vmem>>)
    "tpu.region"() ({
      %run_scoped3A = tpu.sem_alloc : memref<!tpu.dma_semaphore, #tpu.memory_space<semaphore_mem>>
      %dma_start3A_91 = arith.constant 0 : i32
      %dma_start3A_92 = arith.constant 0 : i32
      %dma_start3A_93 = tpu.memref_slice %arg6[%dma_start3A_91, %dma_start3A_92] : memref<10240x128xf32, #tpu.memory_space<vmem_shared>> -> memref<10240x128xf32, #tpu.memory_space<vmem_shared>>
      tpu.enqueue_indirect_dma source(%arg24 : memref<64x128xf32, #tpu.memory_space<vmem>>) target(%dma_start3A_93 : memref<10240x128xf32, #tpu.memory_space<vmem_shared>>) offsets(%arg16 : memref<64xi32, #tpu.memory_space<vmem>>) semaphore(%run_scoped3A : memref<!tpu.dma_semaphore, #tpu.memory_space<semaphore_mem>>) {add = true}
      %dma_wait3A_94 = arith.constant 0 : i32
      %dma_wait3A_95 = arith.constant 0 : i32
      %dma_wait3A_96 = tpu.memref_slice %arg6[%dma_wait3A_94, %dma_wait3A_95] : memref<10240x128xf32, #tpu.memory_space<vmem_shared>> -> memref<10240x128xf32, #tpu.memory_space<vmem_shared>>
      tpu.wait_indirect_dma semaphore(%run_scoped3A : memref<!tpu.dma_semaphore, #tpu.memory_space<semaphore_mem>>) src(%arg24 : memref<64x128xf32, #tpu.memory_space<vmem>>) dst(%dma_wait3A_96 : memref<10240x128xf32, #tpu.memory_space<vmem_shared>>)
      tpu.yield
    }) : () -> ()
    %dma_wait3A_76 = arith.constant 0 : i32
    %dma_wait3A_77 = arith.constant 0 : i32
    %dma_wait3A_78 = tpu.memref_slice %arg2[%dma_wait3A_76, %dma_wait3A_77] : memref<10000x128xf32, #tpu.memory_space<hbm>> -> memref<10000x128xf32, #tpu.memory_space<hbm>>
    tpu.wait_indirect_dma semaphore(%arg40 : memref<!tpu.dma_semaphore, #tpu.memory_space<semaphore_mem>>) src(%dma_wait3A_78 : memref<10000x128xf32, #tpu.memory_space<hbm>>) dst(%arg25 : memref<64x128xf32, #tpu.memory_space<vmem>>)
    "tpu.region"() ({
      %run_scoped3A = tpu.sem_alloc : memref<!tpu.dma_semaphore, #tpu.memory_space<semaphore_mem>>
      %dma_start3A_91 = arith.constant 0 : i32
      %dma_start3A_92 = arith.constant 0 : i32
      %dma_start3A_93 = tpu.memref_slice %arg6[%dma_start3A_91, %dma_start3A_92] : memref<10240x128xf32, #tpu.memory_space<vmem_shared>> -> memref<10240x128xf32, #tpu.memory_space<vmem_shared>>
      tpu.enqueue_indirect_dma source(%arg25 : memref<64x128xf32, #tpu.memory_space<vmem>>) target(%dma_start3A_93 : memref<10240x128xf32, #tpu.memory_space<vmem_shared>>) offsets(%arg17 : memref<64xi32, #tpu.memory_space<vmem>>) semaphore(%run_scoped3A : memref<!tpu.dma_semaphore, #tpu.memory_space<semaphore_mem>>) {add = true}
      %dma_wait3A_94 = arith.constant 0 : i32
      %dma_wait3A_95 = arith.constant 0 : i32
      %dma_wait3A_96 = tpu.memref_slice %arg6[%dma_wait3A_94, %dma_wait3A_95] : memref<10240x128xf32, #tpu.memory_space<vmem_shared>> -> memref<10240x128xf32, #tpu.memory_space<vmem_shared>>
      tpu.wait_indirect_dma semaphore(%run_scoped3A : memref<!tpu.dma_semaphore, #tpu.memory_space<semaphore_mem>>) src(%arg25 : memref<64x128xf32, #tpu.memory_space<vmem>>) dst(%dma_wait3A_96 : memref<10240x128xf32, #tpu.memory_space<vmem_shared>>)
      tpu.yield
    }) : () -> ()
    %dma_wait3A_79 = arith.constant 0 : i32
    %dma_wait3A_80 = arith.constant 0 : i32
    %dma_wait3A_81 = tpu.memref_slice %arg2[%dma_wait3A_79, %dma_wait3A_80] : memref<10000x128xf32, #tpu.memory_space<hbm>> -> memref<10000x128xf32, #tpu.memory_space<hbm>>
    tpu.wait_indirect_dma semaphore(%arg41 : memref<!tpu.dma_semaphore, #tpu.memory_space<semaphore_mem>>) src(%dma_wait3A_81 : memref<10000x128xf32, #tpu.memory_space<hbm>>) dst(%arg26 : memref<64x128xf32, #tpu.memory_space<vmem>>)
    "tpu.region"() ({
      %run_scoped3A = tpu.sem_alloc : memref<!tpu.dma_semaphore, #tpu.memory_space<semaphore_mem>>
      %dma_start3A_91 = arith.constant 0 : i32
      %dma_start3A_92 = arith.constant 0 : i32
      %dma_start3A_93 = tpu.memref_slice %arg6[%dma_start3A_91, %dma_start3A_92] : memref<10240x128xf32, #tpu.memory_space<vmem_shared>> -> memref<10240x128xf32, #tpu.memory_space<vmem_shared>>
      tpu.enqueue_indirect_dma source(%arg26 : memref<64x128xf32, #tpu.memory_space<vmem>>) target(%dma_start3A_93 : memref<10240x128xf32, #tpu.memory_space<vmem_shared>>) offsets(%arg18 : memref<64xi32, #tpu.memory_space<vmem>>) semaphore(%run_scoped3A : memref<!tpu.dma_semaphore, #tpu.memory_space<semaphore_mem>>) {add = true}
      %dma_wait3A_94 = arith.constant 0 : i32
      %dma_wait3A_95 = arith.constant 0 : i32
      %dma_wait3A_96 = tpu.memref_slice %arg6[%dma_wait3A_94, %dma_wait3A_95] : memref<10240x128xf32, #tpu.memory_space<vmem_shared>> -> memref<10240x128xf32, #tpu.memory_space<vmem_shared>>
      tpu.wait_indirect_dma semaphore(%run_scoped3A : memref<!tpu.dma_semaphore, #tpu.memory_space<semaphore_mem>>) src(%arg26 : memref<64x128xf32, #tpu.memory_space<vmem>>) dst(%dma_wait3A_96 : memref<10240x128xf32, #tpu.memory_space<vmem_shared>>)
      tpu.yield
    }) : () -> ()
    %add3A_82 = arith.constant 9984 : i32
    %add3A_83 = arith.addi %mul3A_4, %add3A_82 : i32
    "tpu.region"() ({
      %run_scoped3A = tpu.sem_alloc : memref<!tpu.dma_semaphore, #tpu.memory_space<semaphore_mem>>
      %dma_start3A_91 = tpu.memref_slice %arg3[%add3A_83] : memref<640000xi32, #tpu.memory_space<hbm>> -> memref<16xi32, #tpu.memory_space<hbm>>
      %dma_start3A_92 = tpu.memref_slice %arg3[%add3A_83] : memref<640000xi32, #tpu.memory_space<hbm>> -> memref<16xi32, #tpu.memory_space<hbm>>
      tpu.enqueue_dma source(%dma_start3A_92 : memref<16xi32, #tpu.memory_space<hbm>>) target(%arg27 : memref<16xi32, #tpu.memory_space<vmem>>) target_semaphore(%run_scoped3A : memref<!tpu.dma_semaphore, #tpu.memory_space<semaphore_mem>>)
      %dma_wait3A_93 = tpu.memref_slice %arg3[%add3A_83] : memref<640000xi32, #tpu.memory_space<hbm>> -> memref<16xi32, #tpu.memory_space<hbm>>
      %dma_wait3A_94 = tpu.memref_slice %arg3[%add3A_83] : memref<640000xi32, #tpu.memory_space<hbm>> -> memref<16xi32, #tpu.memory_space<hbm>>
      tpu.wait_dma2 semaphore(%run_scoped3A : memref<!tpu.dma_semaphore, #tpu.memory_space<semaphore_mem>>) src(%dma_wait3A_94 : memref<16xi32, #tpu.memory_space<hbm>>) dst(%arg27 : memref<16xi32, #tpu.memory_space<vmem>>)
      tpu.yield
    }) : () -> ()
    %add3A_84 = arith.constant 320000 : i32
    %add3A_85 = arith.addi %add3A_84, %add3A_83 : i32
    "tpu.region"() ({
      %run_scoped3A = tpu.sem_alloc : memref<!tpu.dma_semaphore, #tpu.memory_space<semaphore_mem>>
      %dma_start3A_91 = tpu.memref_slice %arg3[%add3A_85] : memref<640000xi32, #tpu.memory_space<hbm>> -> memref<16xi32, #tpu.memory_space<hbm>>
      %dma_start3A_92 = tpu.memref_slice %arg3[%add3A_85] : memref<640000xi32, #tpu.memory_space<hbm>> -> memref<16xi32, #tpu.memory_space<hbm>>
      tpu.enqueue_dma source(%dma_start3A_92 : memref<16xi32, #tpu.memory_space<hbm>>) target(%arg28 : memref<16xi32, #tpu.memory_space<vmem>>) target_semaphore(%run_scoped3A : memref<!tpu.dma_semaphore, #tpu.memory_space<semaphore_mem>>)
      %dma_wait3A_93 = tpu.memref_slice %arg3[%add3A_85] : memref<640000xi32, #tpu.memory_space<hbm>> -> memref<16xi32, #tpu.memory_space<hbm>>
      %dma_wait3A_94 = tpu.memref_slice %arg3[%add3A_85] : memref<640000xi32, #tpu.memory_space<hbm>> -> memref<16xi32, #tpu.memory_space<hbm>>
      tpu.wait_dma2 semaphore(%run_scoped3A : memref<!tpu.dma_semaphore, #tpu.memory_space<semaphore_mem>>) src(%dma_wait3A_94 : memref<16xi32, #tpu.memory_space<hbm>>) dst(%arg28 : memref<16xi32, #tpu.memory_space<vmem>>)
      tpu.yield
    }) : () -> ()
    "tpu.region"() ({
      %run_scoped3A = tpu.sem_alloc : memref<!tpu.dma_semaphore, #tpu.memory_space<semaphore_mem>>
      %dma_start3A_91 = arith.constant 0 : i32
      %dma_start3A_92 = arith.constant 0 : i32
      %dma_start3A_93 = tpu.memref_slice %arg2[%dma_start3A_91, %dma_start3A_92] : memref<10000x128xf32, #tpu.memory_space<hbm>> -> memref<10000x128xf32, #tpu.memory_space<hbm>>
      tpu.enqueue_indirect_dma source(%dma_start3A_93 : memref<10000x128xf32, #tpu.memory_space<hbm>>) target(%arg29 : memref<16x128xf32, #tpu.memory_space<vmem>>) offsets(%arg27 : memref<16xi32, #tpu.memory_space<vmem>>) semaphore(%run_scoped3A : memref<!tpu.dma_semaphore, #tpu.memory_space<semaphore_mem>>)
      %dma_wait3A_94 = arith.constant 0 : i32
      %dma_wait3A_95 = arith.constant 0 : i32
      %dma_wait3A_96 = tpu.memref_slice %arg2[%dma_wait3A_94, %dma_wait3A_95] : memref<10000x128xf32, #tpu.memory_space<hbm>> -> memref<10000x128xf32, #tpu.memory_space<hbm>>
      tpu.wait_indirect_dma semaphore(%run_scoped3A : memref<!tpu.dma_semaphore, #tpu.memory_space<semaphore_mem>>) src(%dma_wait3A_96 : memref<10000x128xf32, #tpu.memory_space<hbm>>) dst(%arg29 : memref<16x128xf32, #tpu.memory_space<vmem>>)
      tpu.yield
    }) : () -> ()
    "tpu.region"() ({
      %run_scoped3A = tpu.sem_alloc : memref<!tpu.dma_semaphore, #tpu.memory_space<semaphore_mem>>
      %dma_start3A_91 = arith.constant 0 : i32
      %dma_start3A_92 = arith.constant 0 : i32
      %dma_start3A_93 = tpu.memref_slice %arg6[%dma_start3A_91, %dma_start3A_92] : memref<10240x128xf32, #tpu.memory_space<vmem_shared>> -> memref<10240x128xf32, #tpu.memory_space<vmem_shared>>
      tpu.enqueue_indirect_dma source(%arg29 : memref<16x128xf32, #tpu.memory_space<vmem>>) target(%dma_start3A_93 : memref<10240x128xf32, #tpu.memory_space<vmem_shared>>) offsets(%arg28 : memref<16xi32, #tpu.memory_space<vmem>>) semaphore(%run_scoped3A : memref<!tpu.dma_semaphore, #tpu.memory_space<semaphore_mem>>) {add = true}
      %dma_wait3A_94 = arith.constant 0 : i32
      %dma_wait3A_95 = arith.constant 0 : i32
      %dma_wait3A_96 = tpu.memref_slice %arg6[%dma_wait3A_94, %dma_wait3A_95] : memref<10240x128xf32, #tpu.memory_space<vmem_shared>> -> memref<10240x128xf32, #tpu.memory_space<vmem_shared>>
      tpu.wait_indirect_dma semaphore(%run_scoped3A : memref<!tpu.dma_semaphore, #tpu.memory_space<semaphore_mem>>) src(%arg29 : memref<16x128xf32, #tpu.memory_space<vmem>>) dst(%dma_wait3A_96 : memref<10240x128xf32, #tpu.memory_space<vmem_shared>>)
      tpu.yield
    }) : () -> ()
    %barrier3A_86 = arith.constant 0 : index
    tpu.barrier barrier_id(%barrier3A_86)
    %mul3A_87 = arith.constant 640 : i32
    %mul3A_88 = arith.muli %arg1, %mul3A_87 : i32
    %mul3A_89 = arith.constant 640 : i32
    %mul3A_90 = arith.muli %arg1, %mul3A_89 : i32
    "tpu.region"() ({
      %run_scoped3A = tpu.sem_alloc : memref<!tpu.dma_semaphore, #tpu.memory_space<semaphore_mem>>
      %dma_start3A_91 = arith.constant 0 : i32
      %dma_start3A_92 = tpu.memref_slice %arg5[%arg0, %mul3A_90, %dma_start3A_91] : memref<2x10240x128xf32, #tpu.memory_space<hbm>> -> memref<1x640x128xf32, #tpu.memory_space<hbm>>
      %dma_start3A_93 = tpu.memref_squeeze %dma_start3A_92 : memref<1x640x128xf32, #tpu.memory_space<hbm>> -> memref<640x128xf32, #tpu.memory_space<hbm>>
      %dma_start3A_94 = arith.constant 0 : i32
      %dma_start3A_95 = tpu.memref_slice %arg6[%mul3A_88, %dma_start3A_94] : memref<10240x128xf32, #tpu.memory_space<vmem_shared>> -> memref<640x128xf32, #tpu.memory_space<vmem_shared>>
      tpu.enqueue_dma source(%dma_start3A_95 : memref<640x128xf32, #tpu.memory_space<vmem_shared>>) target(%dma_start3A_93 : memref<640x128xf32, #tpu.memory_space<hbm>>) target_semaphore(%run_scoped3A : memref<!tpu.dma_semaphore, #tpu.memory_space<semaphore_mem>>)
      %dma_wait3A_96 = arith.constant 0 : i32
      %dma_wait3A_97 = tpu.memref_slice %arg5[%arg0, %mul3A_90, %dma_wait3A_96] : memref<2x10240x128xf32, #tpu.memory_space<hbm>> -> memref<1x640x128xf32, #tpu.memory_space<hbm>>
      %dma_wait3A_98 = tpu.memref_squeeze %dma_wait3A_97 : memref<1x640x128xf32, #tpu.memory_space<hbm>> -> memref<640x128xf32, #tpu.memory_space<hbm>>
      %dma_wait3A_99 = arith.constant 0 : i32
      %dma_wait3A_100 = tpu.memref_slice %arg6[%mul3A_88, %dma_wait3A_99] : memref<10240x128xf32, #tpu.memory_space<vmem_shared>> -> memref<640x128xf32, #tpu.memory_space<vmem_shared>>
      tpu.wait_dma2 semaphore(%run_scoped3A : memref<!tpu.dma_semaphore, #tpu.memory_space<semaphore_mem>>) src(%dma_wait3A_100 : memref<640x128xf32, #tpu.memory_space<vmem_shared>>) dst(%dma_wait3A_98 : memref<640x128xf32, #tpu.memory_space<hbm>>)
      tpu.yield
    }) : () -> ()
    return
  }
}

#map = affine_map<(d0, d1) -> (0)>
#map1 = affine_map<(d0, d1) -> (0, 0, 0)>
module attributes {stable_mosaic.version = 14 : i64} {
  func.func @deg_kernel(%arg0: i32, %arg1: i32, %arg2: memref<640000xi32, #tpu.memory_space<hbm>>, %arg3: memref<10240xf32, #tpu.memory_space<hbm>>, %arg4: memref<2x32x10240xf32, #tpu.memory_space<hbm>>, %arg5: memref<10240xf32, #tpu.memory_space<vmem>>, %arg6: memref<10240xf32, #tpu.memory_space<vmem>>, %arg7: memref<128xi32, #tpu.memory_space<vmem>>, %arg8: memref<128xi32, #tpu.memory_space<vmem>>, %arg9: memref<128xi32, #tpu.memory_space<vmem>>, %arg10: memref<128xi32, #tpu.memory_space<vmem>>, %arg11: memref<16xi32, #tpu.memory_space<vmem>>, %arg12: memref<16xi32, #tpu.memory_space<vmem>>, %arg13: memref<!tpu.dma_semaphore, #tpu.memory_space<semaphore_mem>>, %arg14: memref<!tpu.dma_semaphore, #tpu.memory_space<semaphore_mem>>) attributes {dimension_semantics = [#tpu.dimension_semantics<core_parallel>, #tpu.dimension_semantics<subcore_parallel>], iteration_bounds = array<i64: 2, 16>, scalar_prefetch = 0 : i64, scratch_operands = 10 : i64, tpu.core_type = #tpu.core_type<sc_vector_subcore>, window_params = [{transform_indices = #map}, {transform_indices = #map}, {transform_indices = #map1}]} {
    %mul3A = arith.constant 16 : i32
    %mul3A_0 = arith.muli %arg0, %mul3A : i32
    %add3A = arith.addi %mul3A_0, %arg1 : i32
    "tpu.region"() ({
      %run_scoped3A_17 = tpu.sem_alloc : memref<!tpu.dma_semaphore, #tpu.memory_space<semaphore_mem>>
      tpu.enqueue_dma source(%arg3 : memref<10240xf32, #tpu.memory_space<hbm>>) target(%arg5 : memref<10240xf32, #tpu.memory_space<vmem>>) target_semaphore(%run_scoped3A_17 : memref<!tpu.dma_semaphore, #tpu.memory_space<semaphore_mem>>)
      tpu.wait_dma2 semaphore(%run_scoped3A_17 : memref<!tpu.dma_semaphore, #tpu.memory_space<semaphore_mem>>) src(%arg3 : memref<10240xf32, #tpu.memory_space<hbm>>) dst(%arg5 : memref<10240xf32, #tpu.memory_space<vmem>>)
      tpu.yield
    }) : () -> ()
    "tpu.region"() ({
      %run_scoped3A_17 = tpu.sem_alloc : memref<!tpu.dma_semaphore, #tpu.memory_space<semaphore_mem>>
      tpu.enqueue_dma source(%arg3 : memref<10240xf32, #tpu.memory_space<hbm>>) target(%arg6 : memref<10240xf32, #tpu.memory_space<vmem>>) target_semaphore(%run_scoped3A_17 : memref<!tpu.dma_semaphore, #tpu.memory_space<semaphore_mem>>)
      tpu.wait_dma2 semaphore(%run_scoped3A_17 : memref<!tpu.dma_semaphore, #tpu.memory_space<semaphore_mem>>) src(%arg3 : memref<10240xf32, #tpu.memory_space<hbm>>) dst(%arg6 : memref<10240xf32, #tpu.memory_space<vmem>>)
      tpu.yield
    }) : () -> ()
    %broadcast_in_dim3A = arith.constant 1.000000e+00 : f32
    %broadcast_in_dim3A_1 = vector.broadcast %broadcast_in_dim3A : f32 to vector<16xf32>
    %mul3A_2 = arith.constant 10000 : i32
    %mul3A_3 = arith.muli %add3A, %mul3A_2 : i32
    %scan3A = arith.constant 0 : i32
    %scan3A_4 = arith.constant 0 : i32
    %scan3A_5 = arith.constant 39 : i32
    %scan3A_6 = arith.addi %scan3A_4, %scan3A_5 : i32
    %scan3A_7 = arith.constant 1 : i32
    scf.for %scan3A_17 = %scan3A_4 to %scan3A_6 step %scan3A_7  : i32 {
      %mul3A_18 = arith.constant 2 : i32
      %mul3A_19 = arith.muli %mul3A_18, %scan3A_17 : i32
      %mul3A_20 = arith.constant 128 : i32
      %mul3A_21 = arith.muli %mul3A_19, %mul3A_20 : i32
      %add3A_22 = arith.addi %mul3A_3, %mul3A_21 : i32
      %add3A_23 = arith.constant 128 : i32
      %add3A_24 = arith.addi %add3A_22, %add3A_23 : i32
      %dma_start3A = tpu.memref_slice %arg2[%add3A_22] : memref<640000xi32, #tpu.memory_space<hbm>> -> memref<128xi32, #tpu.memory_space<hbm>>
      %dma_start3A_25 = tpu.memref_slice %arg2[%add3A_22] : memref<640000xi32, #tpu.memory_space<hbm>> -> memref<128xi32, #tpu.memory_space<hbm>>
      tpu.enqueue_dma source(%dma_start3A_25 : memref<128xi32, #tpu.memory_space<hbm>>) target(%arg7 : memref<128xi32, #tpu.memory_space<vmem>>) target_semaphore(%arg13 : memref<!tpu.dma_semaphore, #tpu.memory_space<semaphore_mem>>)
      %add3A_26 = arith.constant 320000 : i32
      %add3A_27 = arith.addi %add3A_26, %add3A_22 : i32
      %dma_start3A_28 = tpu.memref_slice %arg2[%add3A_27] : memref<640000xi32, #tpu.memory_space<hbm>> -> memref<128xi32, #tpu.memory_space<hbm>>
      %dma_start3A_29 = tpu.memref_slice %arg2[%add3A_27] : memref<640000xi32, #tpu.memory_space<hbm>> -> memref<128xi32, #tpu.memory_space<hbm>>
      tpu.enqueue_dma source(%dma_start3A_29 : memref<128xi32, #tpu.memory_space<hbm>>) target(%arg8 : memref<128xi32, #tpu.memory_space<vmem>>) target_semaphore(%arg13 : memref<!tpu.dma_semaphore, #tpu.memory_space<semaphore_mem>>)
      %dma_start3A_30 = tpu.memref_slice %arg2[%add3A_24] : memref<640000xi32, #tpu.memory_space<hbm>> -> memref<128xi32, #tpu.memory_space<hbm>>
      %dma_start3A_31 = tpu.memref_slice %arg2[%add3A_24] : memref<640000xi32, #tpu.memory_space<hbm>> -> memref<128xi32, #tpu.memory_space<hbm>>
      tpu.enqueue_dma source(%dma_start3A_31 : memref<128xi32, #tpu.memory_space<hbm>>) target(%arg9 : memref<128xi32, #tpu.memory_space<vmem>>) target_semaphore(%arg14 : memref<!tpu.dma_semaphore, #tpu.memory_space<semaphore_mem>>)
      %add3A_32 = arith.constant 320000 : i32
      %add3A_33 = arith.addi %add3A_32, %add3A_24 : i32
      %dma_start3A_34 = tpu.memref_slice %arg2[%add3A_33] : memref<640000xi32, #tpu.memory_space<hbm>> -> memref<128xi32, #tpu.memory_space<hbm>>
      %dma_start3A_35 = tpu.memref_slice %arg2[%add3A_33] : memref<640000xi32, #tpu.memory_space<hbm>> -> memref<128xi32, #tpu.memory_space<hbm>>
      tpu.enqueue_dma source(%dma_start3A_35 : memref<128xi32, #tpu.memory_space<hbm>>) target(%arg10 : memref<128xi32, #tpu.memory_space<vmem>>) target_semaphore(%arg14 : memref<!tpu.dma_semaphore, #tpu.memory_space<semaphore_mem>>)
      %dma_wait3A = tpu.memref_slice %arg2[%add3A_22] : memref<640000xi32, #tpu.memory_space<hbm>> -> memref<128xi32, #tpu.memory_space<hbm>>
      %dma_wait3A_36 = tpu.memref_slice %arg2[%add3A_22] : memref<640000xi32, #tpu.memory_space<hbm>> -> memref<128xi32, #tpu.memory_space<hbm>>
      tpu.wait_dma2 semaphore(%arg13 : memref<!tpu.dma_semaphore, #tpu.memory_space<semaphore_mem>>) src(%dma_wait3A_36 : memref<128xi32, #tpu.memory_space<hbm>>) dst(%arg7 : memref<128xi32, #tpu.memory_space<vmem>>)
      %dma_wait3A_37 = tpu.memref_slice %arg2[%add3A_27] : memref<640000xi32, #tpu.memory_space<hbm>> -> memref<128xi32, #tpu.memory_space<hbm>>
      %dma_wait3A_38 = tpu.memref_slice %arg2[%add3A_27] : memref<640000xi32, #tpu.memory_space<hbm>> -> memref<128xi32, #tpu.memory_space<hbm>>
      tpu.wait_dma2 semaphore(%arg13 : memref<!tpu.dma_semaphore, #tpu.memory_space<semaphore_mem>>) src(%dma_wait3A_38 : memref<128xi32, #tpu.memory_space<hbm>>) dst(%arg8 : memref<128xi32, #tpu.memory_space<vmem>>)
      %get3A_39 = arith.constant 0 : index
      %get3A_40 = tpu.vector_load %arg7[%get3A_39] {strides = array<i32>} : memref<128xi32, #tpu.memory_space<vmem>>, vector<16xi32>,
      tpu.vector_store_idx %arg5[%get3A_40], %broadcast_in_dim3A_1 {add = true} : memref<10240xf32, #tpu.memory_space<vmem>>[vector<16xi32>], vector<16xf32>,
      %get3A_41 = arith.constant 0 : index
      %get3A_42 = tpu.vector_load %arg8[%get3A_41] {strides = array<i32>} : memref<128xi32, #tpu.memory_space<vmem>>, vector<16xi32>,
      tpu.vector_store_idx %arg6[%get3A_42], %broadcast_in_dim3A_1 {add = true} : memref<10240xf32, #tpu.memory_space<vmem>>[vector<16xi32>], vector<16xf32>,
      %get3A_43 = arith.constant 16 : index
      %get3A_44 = tpu.vector_load %arg7[%get3A_43] {strides = array<i32>} : memref<128xi32, #tpu.memory_space<vmem>>, vector<16xi32>,
      tpu.vector_store_idx %arg5[%get3A_44], %broadcast_in_dim3A_1 {add = true} : memref<10240xf32, #tpu.memory_space<vmem>>[vector<16xi32>], vector<16xf32>,
      %get3A_45 = arith.constant 16 : index
      %get3A_46 = tpu.vector_load %arg8[%get3A_45] {strides = array<i32>} : memref<128xi32, #tpu.memory_space<vmem>>, vector<16xi32>,
      tpu.vector_store_idx %arg6[%get3A_46], %broadcast_in_dim3A_1 {add = true} : memref<10240xf32, #tpu.memory_space<vmem>>[vector<16xi32>], vector<16xf32>,
      %get3A_47 = arith.constant 32 : index
      %get3A_48 = tpu.vector_load %arg7[%get3A_47] {strides = array<i32>} : memref<128xi32, #tpu.memory_space<vmem>>, vector<16xi32>,
      tpu.vector_store_idx %arg5[%get3A_48], %broadcast_in_dim3A_1 {add = true} : memref<10240xf32, #tpu.memory_space<vmem>>[vector<16xi32>], vector<16xf32>,
      %get3A_49 = arith.constant 32 : index
      %get3A_50 = tpu.vector_load %arg8[%get3A_49] {strides = array<i32>} : memref<128xi32, #tpu.memory_space<vmem>>, vector<16xi32>,
      tpu.vector_store_idx %arg6[%get3A_50], %broadcast_in_dim3A_1 {add = true} : memref<10240xf32, #tpu.memory_space<vmem>>[vector<16xi32>], vector<16xf32>,
      %get3A_51 = arith.constant 48 : index
      %get3A_52 = tpu.vector_load %arg7[%get3A_51] {strides = array<i32>} : memref<128xi32, #tpu.memory_space<vmem>>, vector<16xi32>,
      tpu.vector_store_idx %arg5[%get3A_52], %broadcast_in_dim3A_1 {add = true} : memref<10240xf32, #tpu.memory_space<vmem>>[vector<16xi32>], vector<16xf32>,
      %get3A_53 = arith.constant 48 : index
      %get3A_54 = tpu.vector_load %arg8[%get3A_53] {strides = array<i32>} : memref<128xi32, #tpu.memory_space<vmem>>, vector<16xi32>,
      tpu.vector_store_idx %arg6[%get3A_54], %broadcast_in_dim3A_1 {add = true} : memref<10240xf32, #tpu.memory_space<vmem>>[vector<16xi32>], vector<16xf32>,
      %get3A_55 = arith.constant 64 : index
      %get3A_56 = tpu.vector_load %arg7[%get3A_55] {strides = array<i32>} : memref<128xi32, #tpu.memory_space<vmem>>, vector<16xi32>,
      tpu.vector_store_idx %arg5[%get3A_56], %broadcast_in_dim3A_1 {add = true} : memref<10240xf32, #tpu.memory_space<vmem>>[vector<16xi32>], vector<16xf32>,
      %get3A_57 = arith.constant 64 : index
      %get3A_58 = tpu.vector_load %arg8[%get3A_57] {strides = array<i32>} : memref<128xi32, #tpu.memory_space<vmem>>, vector<16xi32>,
      tpu.vector_store_idx %arg6[%get3A_58], %broadcast_in_dim3A_1 {add = true} : memref<10240xf32, #tpu.memory_space<vmem>>[vector<16xi32>], vector<16xf32>,
      %get3A_59 = arith.constant 80 : index
      %get3A_60 = tpu.vector_load %arg7[%get3A_59] {strides = array<i32>} : memref<128xi32, #tpu.memory_space<vmem>>, vector<16xi32>,
      tpu.vector_store_idx %arg5[%get3A_60], %broadcast_in_dim3A_1 {add = true} : memref<10240xf32, #tpu.memory_space<vmem>>[vector<16xi32>], vector<16xf32>,
      %get3A_61 = arith.constant 80 : index
      %get3A_62 = tpu.vector_load %arg8[%get3A_61] {strides = array<i32>} : memref<128xi32, #tpu.memory_space<vmem>>, vector<16xi32>,
      tpu.vector_store_idx %arg6[%get3A_62], %broadcast_in_dim3A_1 {add = true} : memref<10240xf32, #tpu.memory_space<vmem>>[vector<16xi32>], vector<16xf32>,
      %get3A_63 = arith.constant 96 : index
      %get3A_64 = tpu.vector_load %arg7[%get3A_63] {strides = array<i32>} : memref<128xi32, #tpu.memory_space<vmem>>, vector<16xi32>,
      tpu.vector_store_idx %arg5[%get3A_64], %broadcast_in_dim3A_1 {add = true} : memref<10240xf32, #tpu.memory_space<vmem>>[vector<16xi32>], vector<16xf32>,
      %get3A_65 = arith.constant 96 : index
      %get3A_66 = tpu.vector_load %arg8[%get3A_65] {strides = array<i32>} : memref<128xi32, #tpu.memory_space<vmem>>, vector<16xi32>,
      tpu.vector_store_idx %arg6[%get3A_66], %broadcast_in_dim3A_1 {add = true} : memref<10240xf32, #tpu.memory_space<vmem>>[vector<16xi32>], vector<16xf32>,
      %get3A_67 = arith.constant 112 : index
      %get3A_68 = tpu.vector_load %arg7[%get3A_67] {strides = array<i32>} : memref<128xi32, #tpu.memory_space<vmem>>, vector<16xi32>,
      tpu.vector_store_idx %arg5[%get3A_68], %broadcast_in_dim3A_1 {add = true} : memref<10240xf32, #tpu.memory_space<vmem>>[vector<16xi32>], vector<16xf32>,
      %get3A_69 = arith.constant 112 : index
      %get3A_70 = tpu.vector_load %arg8[%get3A_69] {strides = array<i32>} : memref<128xi32, #tpu.memory_space<vmem>>, vector<16xi32>,
      tpu.vector_store_idx %arg6[%get3A_70], %broadcast_in_dim3A_1 {add = true} : memref<10240xf32, #tpu.memory_space<vmem>>[vector<16xi32>], vector<16xf32>,
      %dma_wait3A_71 = tpu.memref_slice %arg2[%add3A_24] : memref<640000xi32, #tpu.memory_space<hbm>> -> memref<128xi32, #tpu.memory_space<hbm>>
      %dma_wait3A_72 = tpu.memref_slice %arg2[%add3A_24] : memref<640000xi32, #tpu.memory_space<hbm>> -> memref<128xi32, #tpu.memory_space<hbm>>
      tpu.wait_dma2 semaphore(%arg14 : memref<!tpu.dma_semaphore, #tpu.memory_space<semaphore_mem>>) src(%dma_wait3A_72 : memref<128xi32, #tpu.memory_space<hbm>>) dst(%arg9 : memref<128xi32, #tpu.memory_space<vmem>>)
      %dma_wait3A_73 = tpu.memref_slice %arg2[%add3A_33] : memref<640000xi32, #tpu.memory_space<hbm>> -> memref<128xi32, #tpu.memory_space<hbm>>
      %dma_wait3A_74 = tpu.memref_slice %arg2[%add3A_33] : memref<640000xi32, #tpu.memory_space<hbm>> -> memref<128xi32, #tpu.memory_space<hbm>>
      tpu.wait_dma2 semaphore(%arg14 : memref<!tpu.dma_semaphore, #tpu.memory_space<semaphore_mem>>) src(%dma_wait3A_74 : memref<128xi32, #tpu.memory_space<hbm>>) dst(%arg10 : memref<128xi32, #tpu.memory_space<vmem>>)
      %get3A_75 = arith.constant 0 : index
      %get3A_76 = tpu.vector_load %arg9[%get3A_75] {strides = array<i32>} : memref<128xi32, #tpu.memory_space<vmem>>, vector<16xi32>,
      tpu.vector_store_idx %arg5[%get3A_76], %broadcast_in_dim3A_1 {add = true} : memref<10240xf32, #tpu.memory_space<vmem>>[vector<16xi32>], vector<16xf32>,
      %get3A_77 = arith.constant 0 : index
      %get3A_78 = tpu.vector_load %arg10[%get3A_77] {strides = array<i32>} : memref<128xi32, #tpu.memory_space<vmem>>, vector<16xi32>,
      tpu.vector_store_idx %arg6[%get3A_78], %broadcast_in_dim3A_1 {add = true} : memref<10240xf32, #tpu.memory_space<vmem>>[vector<16xi32>], vector<16xf32>,
      %get3A_79 = arith.constant 16 : index
      %get3A_80 = tpu.vector_load %arg9[%get3A_79] {strides = array<i32>} : memref<128xi32, #tpu.memory_space<vmem>>, vector<16xi32>,
      tpu.vector_store_idx %arg5[%get3A_80], %broadcast_in_dim3A_1 {add = true} : memref<10240xf32, #tpu.memory_space<vmem>>[vector<16xi32>], vector<16xf32>,
      %get3A_81 = arith.constant 16 : index
      %get3A_82 = tpu.vector_load %arg10[%get3A_81] {strides = array<i32>} : memref<128xi32, #tpu.memory_space<vmem>>, vector<16xi32>,
      tpu.vector_store_idx %arg6[%get3A_82], %broadcast_in_dim3A_1 {add = true} : memref<10240xf32, #tpu.memory_space<vmem>>[vector<16xi32>], vector<16xf32>,
      %get3A_83 = arith.constant 32 : index
      %get3A_84 = tpu.vector_load %arg9[%get3A_83] {strides = array<i32>} : memref<128xi32, #tpu.memory_space<vmem>>, vector<16xi32>,
      tpu.vector_store_idx %arg5[%get3A_84], %broadcast_in_dim3A_1 {add = true} : memref<10240xf32, #tpu.memory_space<vmem>>[vector<16xi32>], vector<16xf32>,
      %get3A_85 = arith.constant 32 : index
      %get3A_86 = tpu.vector_load %arg10[%get3A_85] {strides = array<i32>} : memref<128xi32, #tpu.memory_space<vmem>>, vector<16xi32>,
      tpu.vector_store_idx %arg6[%get3A_86], %broadcast_in_dim3A_1 {add = true} : memref<10240xf32, #tpu.memory_space<vmem>>[vector<16xi32>], vector<16xf32>,
      %get3A_87 = arith.constant 48 : index
      %get3A_88 = tpu.vector_load %arg9[%get3A_87] {strides = array<i32>} : memref<128xi32, #tpu.memory_space<vmem>>, vector<16xi32>,
      tpu.vector_store_idx %arg5[%get3A_88], %broadcast_in_dim3A_1 {add = true} : memref<10240xf32, #tpu.memory_space<vmem>>[vector<16xi32>], vector<16xf32>,
      %get3A_89 = arith.constant 48 : index
      %get3A_90 = tpu.vector_load %arg10[%get3A_89] {strides = array<i32>} : memref<128xi32, #tpu.memory_space<vmem>>, vector<16xi32>,
      tpu.vector_store_idx %arg6[%get3A_90], %broadcast_in_dim3A_1 {add = true} : memref<10240xf32, #tpu.memory_space<vmem>>[vector<16xi32>], vector<16xf32>,
      %get3A_91 = arith.constant 64 : index
      %get3A_92 = tpu.vector_load %arg9[%get3A_91] {strides = array<i32>} : memref<128xi32, #tpu.memory_space<vmem>>, vector<16xi32>,
      tpu.vector_store_idx %arg5[%get3A_92], %broadcast_in_dim3A_1 {add = true} : memref<10240xf32, #tpu.memory_space<vmem>>[vector<16xi32>], vector<16xf32>,
      %get3A_93 = arith.constant 64 : index
      %get3A_94 = tpu.vector_load %arg10[%get3A_93] {strides = array<i32>} : memref<128xi32, #tpu.memory_space<vmem>>, vector<16xi32>,
      tpu.vector_store_idx %arg6[%get3A_94], %broadcast_in_dim3A_1 {add = true} : memref<10240xf32, #tpu.memory_space<vmem>>[vector<16xi32>], vector<16xf32>,
      %get3A_95 = arith.constant 80 : index
      %get3A_96 = tpu.vector_load %arg9[%get3A_95] {strides = array<i32>} : memref<128xi32, #tpu.memory_space<vmem>>, vector<16xi32>,
      tpu.vector_store_idx %arg5[%get3A_96], %broadcast_in_dim3A_1 {add = true} : memref<10240xf32, #tpu.memory_space<vmem>>[vector<16xi32>], vector<16xf32>,
      %get3A_97 = arith.constant 80 : index
      %get3A_98 = tpu.vector_load %arg10[%get3A_97] {strides = array<i32>} : memref<128xi32, #tpu.memory_space<vmem>>, vector<16xi32>,
      tpu.vector_store_idx %arg6[%get3A_98], %broadcast_in_dim3A_1 {add = true} : memref<10240xf32, #tpu.memory_space<vmem>>[vector<16xi32>], vector<16xf32>,
      %get3A_99 = arith.constant 96 : index
      %get3A_100 = tpu.vector_load %arg9[%get3A_99] {strides = array<i32>} : memref<128xi32, #tpu.memory_space<vmem>>, vector<16xi32>,
      tpu.vector_store_idx %arg5[%get3A_100], %broadcast_in_dim3A_1 {add = true} : memref<10240xf32, #tpu.memory_space<vmem>>[vector<16xi32>], vector<16xf32>,
      %get3A_101 = arith.constant 96 : index
      %get3A_102 = tpu.vector_load %arg10[%get3A_101] {strides = array<i32>} : memref<128xi32, #tpu.memory_space<vmem>>, vector<16xi32>,
      tpu.vector_store_idx %arg6[%get3A_102], %broadcast_in_dim3A_1 {add = true} : memref<10240xf32, #tpu.memory_space<vmem>>[vector<16xi32>], vector<16xf32>,
      %get3A_103 = arith.constant 112 : index
      %get3A_104 = tpu.vector_load %arg9[%get3A_103] {strides = array<i32>} : memref<128xi32, #tpu.memory_space<vmem>>, vector<16xi32>,
      tpu.vector_store_idx %arg5[%get3A_104], %broadcast_in_dim3A_1 {add = true} : memref<10240xf32, #tpu.memory_space<vmem>>[vector<16xi32>], vector<16xf32>,
      %get3A_105 = arith.constant 112 : index
      %get3A_106 = tpu.vector_load %arg10[%get3A_105] {strides = array<i32>} : memref<128xi32, #tpu.memory_space<vmem>>, vector<16xi32>,
      tpu.vector_store_idx %arg6[%get3A_106], %broadcast_in_dim3A_1 {add = true} : memref<10240xf32, #tpu.memory_space<vmem>>[vector<16xi32>], vector<16xf32>,
    }
    %scan3A_8 = arith.constant 39 : i32
    %add3A_9 = arith.constant 9984 : i32
    %add3A_10 = arith.addi %mul3A_3, %add3A_9 : i32
    "tpu.region"() ({
      %run_scoped3A_17 = tpu.sem_alloc : memref<!tpu.dma_semaphore, #tpu.memory_space<semaphore_mem>>
      %dma_start3A = tpu.memref_slice %arg2[%add3A_10] : memref<640000xi32, #tpu.memory_space<hbm>> -> memref<16xi32, #tpu.memory_space<hbm>>
      %dma_start3A_18 = tpu.memref_slice %arg2[%add3A_10] : memref<640000xi32, #tpu.memory_space<hbm>> -> memref<16xi32, #tpu.memory_space<hbm>>
      tpu.enqueue_dma source(%dma_start3A_18 : memref<16xi32, #tpu.memory_space<hbm>>) target(%arg11 : memref<16xi32, #tpu.memory_space<vmem>>) target_semaphore(%run_scoped3A_17 : memref<!tpu.dma_semaphore, #tpu.memory_space<semaphore_mem>>)
      %dma_wait3A = tpu.memref_slice %arg2[%add3A_10] : memref<640000xi32, #tpu.memory_space<hbm>> -> memref<16xi32, #tpu.memory_space<hbm>>
      %dma_wait3A_19 = tpu.memref_slice %arg2[%add3A_10] : memref<640000xi32, #tpu.memory_space<hbm>> -> memref<16xi32, #tpu.memory_space<hbm>>
      tpu.wait_dma2 semaphore(%run_scoped3A_17 : memref<!tpu.dma_semaphore, #tpu.memory_space<semaphore_mem>>) src(%dma_wait3A_19 : memref<16xi32, #tpu.memory_space<hbm>>) dst(%arg11 : memref<16xi32, #tpu.memory_space<vmem>>)
      tpu.yield
    }) : () -> ()
    %add3A_11 = arith.constant 320000 : i32
    %add3A_12 = arith.addi %add3A_11, %add3A_10 : i32
    "tpu.region"() ({
      %run_scoped3A_17 = tpu.sem_alloc : memref<!tpu.dma_semaphore, #tpu.memory_space<semaphore_mem>>
      %dma_start3A = tpu.memref_slice %arg2[%add3A_12] : memref<640000xi32, #tpu.memory_space<hbm>> -> memref<16xi32, #tpu.memory_space<hbm>>
      %dma_start3A_18 = tpu.memref_slice %arg2[%add3A_12] : memref<640000xi32, #tpu.memory_space<hbm>> -> memref<16xi32, #tpu.memory_space<hbm>>
      tpu.enqueue_dma source(%dma_start3A_18 : memref<16xi32, #tpu.memory_space<hbm>>) target(%arg12 : memref<16xi32, #tpu.memory_space<vmem>>) target_semaphore(%run_scoped3A_17 : memref<!tpu.dma_semaphore, #tpu.memory_space<semaphore_mem>>)
      %dma_wait3A = tpu.memref_slice %arg2[%add3A_12] : memref<640000xi32, #tpu.memory_space<hbm>> -> memref<16xi32, #tpu.memory_space<hbm>>
      %dma_wait3A_19 = tpu.memref_slice %arg2[%add3A_12] : memref<640000xi32, #tpu.memory_space<hbm>> -> memref<16xi32, #tpu.memory_space<hbm>>
      tpu.wait_dma2 semaphore(%run_scoped3A_17 : memref<!tpu.dma_semaphore, #tpu.memory_space<semaphore_mem>>) src(%dma_wait3A_19 : memref<16xi32, #tpu.memory_space<hbm>>) dst(%arg12 : memref<16xi32, #tpu.memory_space<vmem>>)
      tpu.yield
    }) : () -> ()
    %get3A = arith.constant 0 : index
    %get3A_13 = tpu.vector_load %arg11[%get3A] {strides = array<i32>} : memref<16xi32, #tpu.memory_space<vmem>>, vector<16xi32>,
    tpu.vector_store_idx %arg5[%get3A_13], %broadcast_in_dim3A_1 {add = true} : memref<10240xf32, #tpu.memory_space<vmem>>[vector<16xi32>], vector<16xf32>,
    %get3A_14 = arith.constant 0 : index
    %get3A_15 = tpu.vector_load %arg12[%get3A_14] {strides = array<i32>} : memref<16xi32, #tpu.memory_space<vmem>>, vector<16xi32>,
    tpu.vector_store_idx %arg6[%get3A_15], %broadcast_in_dim3A_1 {add = true} : memref<10240xf32, #tpu.memory_space<vmem>>[vector<16xi32>], vector<16xf32>,
    %run_scoped3A = arith.constant 0 : i32
    "tpu.region"() ({
      %run_scoped3A_17 = tpu.sem_alloc : memref<!tpu.dma_semaphore, #tpu.memory_space<semaphore_mem>>
      %dma_start3A = arith.constant 0 : i32
      %dma_start3A_18 = tpu.memref_slice %arg4[%run_scoped3A, %add3A, %dma_start3A] : memref<2x32x10240xf32, #tpu.memory_space<hbm>> -> memref<1x1x10240xf32, #tpu.memory_space<hbm>>
      %dma_start3A_19 = tpu.memref_squeeze %dma_start3A_18 : memref<1x1x10240xf32, #tpu.memory_space<hbm>> -> memref<10240xf32, #tpu.memory_space<hbm>>
      %dma_start3A_20 = arith.constant 0 : i32
      %dma_start3A_21 = tpu.memref_slice %arg4[%run_scoped3A, %add3A, %dma_start3A_20] : memref<2x32x10240xf32, #tpu.memory_space<hbm>> -> memref<1x1x10240xf32, #tpu.memory_space<hbm>>
      %dma_start3A_22 = tpu.memref_squeeze %dma_start3A_21 : memref<1x1x10240xf32, #tpu.memory_space<hbm>> -> memref<10240xf32, #tpu.memory_space<hbm>>
      tpu.enqueue_dma source(%arg5 : memref<10240xf32, #tpu.memory_space<vmem>>) target(%dma_start3A_22 : memref<10240xf32, #tpu.memory_space<hbm>>) target_semaphore(%run_scoped3A_17 : memref<!tpu.dma_semaphore, #tpu.memory_space<semaphore_mem>>)
      %dma_wait3A = arith.constant 0 : i32
      %dma_wait3A_23 = tpu.memref_slice %arg4[%run_scoped3A, %add3A, %dma_wait3A] : memref<2x32x10240xf32, #tpu.memory_space<hbm>> -> memref<1x1x10240xf32, #tpu.memory_space<hbm>>
      %dma_wait3A_24 = tpu.memref_squeeze %dma_wait3A_23 : memref<1x1x10240xf32, #tpu.memory_space<hbm>> -> memref<10240xf32, #tpu.memory_space<hbm>>
      %dma_wait3A_25 = arith.constant 0 : i32
      %dma_wait3A_26 = tpu.memref_slice %arg4[%run_scoped3A, %add3A, %dma_wait3A_25] : memref<2x32x10240xf32, #tpu.memory_space<hbm>> -> memref<1x1x10240xf32, #tpu.memory_space<hbm>>
      %dma_wait3A_27 = tpu.memref_squeeze %dma_wait3A_26 : memref<1x1x10240xf32, #tpu.memory_space<hbm>> -> memref<10240xf32, #tpu.memory_space<hbm>>
      tpu.wait_dma2 semaphore(%run_scoped3A_17 : memref<!tpu.dma_semaphore, #tpu.memory_space<semaphore_mem>>) src(%arg5 : memref<10240xf32, #tpu.memory_space<vmem>>) dst(%dma_wait3A_27 : memref<10240xf32, #tpu.memory_space<hbm>>)
      tpu.yield
    }) : () -> ()
    %run_scoped3A_16 = arith.constant 1 : i32
    "tpu.region"() ({
      %run_scoped3A_17 = tpu.sem_alloc : memref<!tpu.dma_semaphore, #tpu.memory_space<semaphore_mem>>
      %dma_start3A = arith.constant 0 : i32
      %dma_start3A_18 = tpu.memref_slice %arg4[%run_scoped3A_16, %add3A, %dma_start3A] : memref<2x32x10240xf32, #tpu.memory_space<hbm>> -> memref<1x1x10240xf32, #tpu.memory_space<hbm>>
      %dma_start3A_19 = tpu.memref_squeeze %dma_start3A_18 : memref<1x1x10240xf32, #tpu.memory_space<hbm>> -> memref<10240xf32, #tpu.memory_space<hbm>>
      %dma_start3A_20 = arith.constant 0 : i32
      %dma_start3A_21 = tpu.memref_slice %arg4[%run_scoped3A_16, %add3A, %dma_start3A_20] : memref<2x32x10240xf32, #tpu.memory_space<hbm>> -> memref<1x1x10240xf32, #tpu.memory_space<hbm>>
      %dma_start3A_22 = tpu.memref_squeeze %dma_start3A_21 : memref<1x1x10240xf32, #tpu.memory_space<hbm>> -> memref<10240xf32, #tpu.memory_space<hbm>>
      tpu.enqueue_dma source(%arg6 : memref<10240xf32, #tpu.memory_space<vmem>>) target(%dma_start3A_22 : memref<10240xf32, #tpu.memory_space<hbm>>) target_semaphore(%run_scoped3A_17 : memref<!tpu.dma_semaphore, #tpu.memory_space<semaphore_mem>>)
      %dma_wait3A = arith.constant 0 : i32
      %dma_wait3A_23 = tpu.memref_slice %arg4[%run_scoped3A_16, %add3A, %dma_wait3A] : memref<2x32x10240xf32, #tpu.memory_space<hbm>> -> memref<1x1x10240xf32, #tpu.memory_space<hbm>>
      %dma_wait3A_24 = tpu.memref_squeeze %dma_wait3A_23 : memref<1x1x10240xf32, #tpu.memory_space<hbm>> -> memref<10240xf32, #tpu.memory_space<hbm>>
      %dma_wait3A_25 = arith.constant 0 : i32
      %dma_wait3A_26 = tpu.memref_slice %arg4[%run_scoped3A_16, %add3A, %dma_wait3A_25] : memref<2x32x10240xf32, #tpu.memory_space<hbm>> -> memref<1x1x10240xf32, #tpu.memory_space<hbm>>
      %dma_wait3A_27 = tpu.memref_squeeze %dma_wait3A_26 : memref<1x1x10240xf32, #tpu.memory_space<hbm>> -> memref<10240xf32, #tpu.memory_space<hbm>>
      tpu.wait_dma2 semaphore(%run_scoped3A_17 : memref<!tpu.dma_semaphore, #tpu.memory_space<semaphore_mem>>) src(%arg6 : memref<10240xf32, #tpu.memory_space<vmem>>) dst(%dma_wait3A_27 : memref<10240xf32, #tpu.memory_space<hbm>>)
      tpu.yield
    }) : () -> ()
    return
  }
}

#map = affine_map<(d0, d1) -> (0, 0)>
#map1 = affine_map<(d0, d1) -> (0)>
#map2 = affine_map<(d0, d1) -> (0, 0, 0)>
module attributes {stable_mosaic.version = 14 : i64} {
  func.func @agg_kernel(%arg0: i32, %arg1: i32, %arg2: memref<10000x128xf32, #tpu.memory_space<hbm>>, %arg3: memref<640000xi32, #tpu.memory_space<hbm>>, %arg4: memref<640x128xf32, #tpu.memory_space<hbm>>, %arg5: memref<2x10240x128xf32, #tpu.memory_space<hbm>>, %arg6: memref<10240x128xf32, #tpu.memory_space<vmem_shared>>, %arg7: memref<64xi32, #tpu.memory_space<vmem>>, %arg8: memref<64xi32, #tpu.memory_space<vmem>>, %arg9: memref<64xi32, #tpu.memory_space<vmem>>, %arg10: memref<64xi32, #tpu.memory_space<vmem>>, %arg11: memref<64xi32, #tpu.memory_space<vmem>>, %arg12: memref<64xi32, #tpu.memory_space<vmem>>, %arg13: memref<64xi32, #tpu.memory_space<vmem>>, %arg14: memref<64xi32, #tpu.memory_space<vmem>>, %arg15: memref<64xi32, #tpu.memory_space<vmem>>, %arg16: memref<64xi32, #tpu.memory_space<vmem>>, %arg17: memref<64xi32, #tpu.memory_space<vmem>>, %arg18: memref<64xi32, #tpu.memory_space<vmem>>, %arg19: memref<64xi32, #tpu.memory_space<vmem>>, %arg20: memref<64xi32, #tpu.memory_space<vmem>>, %arg21: memref<64xi32, #tpu.memory_space<vmem>>, %arg22: memref<64xi32, #tpu.memory_space<vmem>>, %arg23: memref<64x128xf32, #tpu.memory_space<vmem>>, %arg24: memref<64x128xf32, #tpu.memory_space<vmem>>, %arg25: memref<64x128xf32, #tpu.memory_space<vmem>>, %arg26: memref<64x128xf32, #tpu.memory_space<vmem>>, %arg27: memref<16xi32, #tpu.memory_space<vmem>>, %arg28: memref<16xi32, #tpu.memory_space<vmem>>, %arg29: memref<16x128xf32, #tpu.memory_space<vmem>>, %arg30: memref<!tpu.dma_semaphore, #tpu.memory_space<semaphore_mem>>, %arg31: memref<!tpu.dma_semaphore, #tpu.memory_space<semaphore_mem>>, %arg32: memref<!tpu.dma_semaphore, #tpu.memory_space<semaphore_mem>>, %arg33: memref<!tpu.dma_semaphore, #tpu.memory_space<semaphore_mem>>, %arg34: memref<!tpu.dma_semaphore, #tpu.memory_space<semaphore_mem>>, %arg35: memref<!tpu.dma_semaphore, #tpu.memory_space<semaphore_mem>>, %arg36: memref<!tpu.dma_semaphore, #tpu.memory_space<semaphore_mem>>, %arg37: memref<!tpu.dma_semaphore, #tpu.memory_space<semaphore_mem>>, %arg38: memref<!tpu.dma_semaphore, #tpu.memory_space<semaphore_mem>>, %arg39: memref<!tpu.dma_semaphore, #tpu.memory_space<semaphore_mem>>, %arg40: memref<!tpu.dma_semaphore, #tpu.memory_space<semaphore_mem>>, %arg41: memref<!tpu.dma_semaphore, #tpu.memory_space<semaphore_mem>>) attributes {dimension_semantics = [#tpu.dimension_semantics<core_parallel>, #tpu.dimension_semantics<subcore_parallel>], iteration_bounds = array<i64: 2, 16>, scalar_prefetch = 0 : i64, scratch_operands = 36 : i64, tpu.core_type = #tpu.core_type<sc_vector_subcore>, window_params = [{transform_indices = #map}, {transform_indices = #map1}, {transform_indices = #map}, {transform_indices = #map2}]} {
    %mul3A = arith.constant 16 : i32
    %mul3A_0 = arith.muli %arg0, %mul3A : i32
    %add3A = arith.addi %mul3A_0, %arg1 : i32
    %mul3A_1 = arith.constant 640 : i32
    %mul3A_2 = arith.muli %arg1, %mul3A_1 : i32
    "tpu.region"() ({
      %run_scoped3A = tpu.sem_alloc : memref<!tpu.dma_semaphore, #tpu.memory_space<semaphore_mem>>
      %dma_start3A_91 = arith.constant 0 : i32
      %dma_start3A_92 = tpu.memref_slice %arg6[%mul3A_2, %dma_start3A_91] : memref<10240x128xf32, #tpu.memory_space<vmem_shared>> -> memref<640x128xf32, #tpu.memory_space<vmem_shared>>
      tpu.enqueue_dma source(%arg4 : memref<640x128xf32, #tpu.memory_space<hbm>>) target(%dma_start3A_92 : memref<640x128xf32, #tpu.memory_space<vmem_shared>>) target_semaphore(%run_scoped3A : memref<!tpu.dma_semaphore, #tpu.memory_space<semaphore_mem>>)
      %dma_wait3A_93 = arith.constant 0 : i32
      %dma_wait3A_94 = tpu.memref_slice %arg6[%mul3A_2, %dma_wait3A_93] : memref<10240x128xf32, #tpu.memory_space<vmem_shared>> -> memref<640x128xf32, #tpu.memory_space<vmem_shared>>
      tpu.wait_dma2 semaphore(%run_scoped3A : memref<!tpu.dma_semaphore, #tpu.memory_space<semaphore_mem>>) src(%arg4 : memref<640x128xf32, #tpu.memory_space<hbm>>) dst(%dma_wait3A_94 : memref<640x128xf32, #tpu.memory_space<vmem_shared>>)
      tpu.yield
    }) : () -> ()
    %barrier3A = arith.constant 0 : index
    tpu.barrier barrier_id(%barrier3A)
    %mul3A_3 = arith.constant 10000 : i32
    %mul3A_4 = arith.muli %add3A, %mul3A_3 : i32
    %scan3A = arith.constant 0 : i32
    %scan3A_5 = arith.constant 0 : i32
    %scan3A_6 = arith.constant 19 : i32
    %scan3A_7 = arith.addi %scan3A_5, %scan3A_6 : i32
    %scan3A_8 = arith.constant 1 : i32
    scf.for %scan3A_91 = %scan3A_5 to %scan3A_7 step %scan3A_8  : i32 {
      %mul3A_92 = arith.constant 8 : i32
      %mul3A_93 = arith.muli %mul3A_92, %scan3A_91 : i32
      %mul3A_94 = arith.constant 64 : i32
      %mul3A_95 = arith.muli %mul3A_93, %mul3A_94 : i32
      %add3A_96 = arith.addi %mul3A_4, %mul3A_95 : i32
      %add3A_97 = arith.constant 0 : i32
      %add3A_98 = arith.addi %add3A_96, %add3A_97 : i32
      %dma_start3A_99 = tpu.memref_slice %arg3[%add3A_98] : memref<640000xi32, #tpu.memory_space<hbm>> -> memref<64xi32, #tpu.memory_space<hbm>>
      %dma_start3A_100 = tpu.memref_slice %arg3[%add3A_98] : memref<640000xi32, #tpu.memory_space<hbm>> -> memref<64xi32, #tpu.memory_space<hbm>>
      tpu.enqueue_dma source(%dma_start3A_100 : memref<64xi32, #tpu.memory_space<hbm>>) target(%arg7 : memref<64xi32, #tpu.memory_space<vmem>>) target_semaphore(%arg30 : memref<!tpu.dma_semaphore, #tpu.memory_space<semaphore_mem>>)
      %add3A_101 = arith.constant 320000 : i32
      %add3A_102 = arith.addi %add3A_101, %add3A_98 : i32
      %dma_start3A_103 = tpu.memref_slice %arg3[%add3A_102] : memref<640000xi32, #tpu.memory_space<hbm>> -> memref<64xi32, #tpu.memory_space<hbm>>
      %dma_start3A_104 = tpu.memref_slice %arg3[%add3A_102] : memref<640000xi32, #tpu.memory_space<hbm>> -> memref<64xi32, #tpu.memory_space<hbm>>
      tpu.enqueue_dma source(%dma_start3A_104 : memref<64xi32, #tpu.memory_space<hbm>>) target(%arg15 : memref<64xi32, #tpu.memory_space<vmem>>) target_semaphore(%arg30 : memref<!tpu.dma_semaphore, #tpu.memory_space<semaphore_mem>>)
      %add3A_105 = arith.constant 64 : i32
      %add3A_106 = arith.addi %add3A_96, %add3A_105 : i32
      %dma_start3A_107 = tpu.memref_slice %arg3[%add3A_106] : memref<640000xi32, #tpu.memory_space<hbm>> -> memref<64xi32, #tpu.memory_space<hbm>>
      %dma_start3A_108 = tpu.memref_slice %arg3[%add3A_106] : memref<640000xi32, #tpu.memory_space<hbm>> -> memref<64xi32, #tpu.memory_space<hbm>>
      tpu.enqueue_dma source(%dma_start3A_108 : memref<64xi32, #tpu.memory_space<hbm>>) target(%arg8 : memref<64xi32, #tpu.memory_space<vmem>>) target_semaphore(%arg31 : memref<!tpu.dma_semaphore, #tpu.memory_space<semaphore_mem>>)
      %add3A_109 = arith.constant 320000 : i32
      %add3A_110 = arith.addi %add3A_109, %add3A_106 : i32
      %dma_start3A_111 = tpu.memref_slice %arg3[%add3A_110] : memref<640000xi32, #tpu.memory_space<hbm>> -> memref<64xi32, #tpu.memory_space<hbm>>
      %dma_start3A_112 = tpu.memref_slice %arg3[%add3A_110] : memref<640000xi32, #tpu.memory_space<hbm>> -> memref<64xi32, #tpu.memory_space<hbm>>
      tpu.enqueue_dma source(%dma_start3A_112 : memref<64xi32, #tpu.memory_space<hbm>>) target(%arg16 : memref<64xi32, #tpu.memory_space<vmem>>) target_semaphore(%arg31 : memref<!tpu.dma_semaphore, #tpu.memory_space<semaphore_mem>>)
      %add3A_113 = arith.constant 128 : i32
      %add3A_114 = arith.addi %add3A_96, %add3A_113 : i32
      %dma_start3A_115 = tpu.memref_slice %arg3[%add3A_114] : memref<640000xi32, #tpu.memory_space<hbm>> -> memref<64xi32, #tpu.memory_space<hbm>>
      %dma_start3A_116 = tpu.memref_slice %arg3[%add3A_114] : memref<640000xi32, #tpu.memory_space<hbm>> -> memref<64xi32, #tpu.memory_space<hbm>>
      tpu.enqueue_dma source(%dma_start3A_116 : memref<64xi32, #tpu.memory_space<hbm>>) target(%arg9 : memref<64xi32, #tpu.memory_space<vmem>>) target_semaphore(%arg32 : memref<!tpu.dma_semaphore, #tpu.memory_space<semaphore_mem>>)
      %add3A_117 = arith.constant 320000 : i32
      %add3A_118 = arith.addi %add3A_117, %add3A_114 : i32
      %dma_start3A_119 = tpu.memref_slice %arg3[%add3A_118] : memref<640000xi32, #tpu.memory_space<hbm>> -> memref<64xi32, #tpu.memory_space<hbm>>
      %dma_start3A_120 = tpu.memref_slice %arg3[%add3A_118] : memref<640000xi32, #tpu.memory_space<hbm>> -> memref<64xi32, #tpu.memory_space<hbm>>
      tpu.enqueue_dma source(%dma_start3A_120 : memref<64xi32, #tpu.memory_space<hbm>>) target(%arg17 : memref<64xi32, #tpu.memory_space<vmem>>) target_semaphore(%arg32 : memref<!tpu.dma_semaphore, #tpu.memory_space<semaphore_mem>>)
      %add3A_121 = arith.constant 192 : i32
      %add3A_122 = arith.addi %add3A_96, %add3A_121 : i32
      %dma_start3A_123 = tpu.memref_slice %arg3[%add3A_122] : memref<640000xi32, #tpu.memory_space<hbm>> -> memref<64xi32, #tpu.memory_space<hbm>>
      %dma_start3A_124 = tpu.memref_slice %arg3[%add3A_122] : memref<640000xi32, #tpu.memory_space<hbm>> -> memref<64xi32, #tpu.memory_space<hbm>>
      tpu.enqueue_dma source(%dma_start3A_124 : memref<64xi32, #tpu.memory_space<hbm>>) target(%arg10 : memref<64xi32, #tpu.memory_space<vmem>>) target_semaphore(%arg33 : memref<!tpu.dma_semaphore, #tpu.memory_space<semaphore_mem>>)
      %add3A_125 = arith.constant 320000 : i32
      %add3A_126 = arith.addi %add3A_125, %add3A_122 : i32
      %dma_start3A_127 = tpu.memref_slice %arg3[%add3A_126] : memref<640000xi32, #tpu.memory_space<hbm>> -> memref<64xi32, #tpu.memory_space<hbm>>
      %dma_start3A_128 = tpu.memref_slice %arg3[%add3A_126] : memref<640000xi32, #tpu.memory_space<hbm>> -> memref<64xi32, #tpu.memory_space<hbm>>
      tpu.enqueue_dma source(%dma_start3A_128 : memref<64xi32, #tpu.memory_space<hbm>>) target(%arg18 : memref<64xi32, #tpu.memory_space<vmem>>) target_semaphore(%arg33 : memref<!tpu.dma_semaphore, #tpu.memory_space<semaphore_mem>>)
      %add3A_129 = arith.constant 256 : i32
      %add3A_130 = arith.addi %add3A_96, %add3A_129 : i32
      %dma_start3A_131 = tpu.memref_slice %arg3[%add3A_130] : memref<640000xi32, #tpu.memory_space<hbm>> -> memref<64xi32, #tpu.memory_space<hbm>>
      %dma_start3A_132 = tpu.memref_slice %arg3[%add3A_130] : memref<640000xi32, #tpu.memory_space<hbm>> -> memref<64xi32, #tpu.memory_space<hbm>>
      tpu.enqueue_dma source(%dma_start3A_132 : memref<64xi32, #tpu.memory_space<hbm>>) target(%arg11 : memref<64xi32, #tpu.memory_space<vmem>>) target_semaphore(%arg34 : memref<!tpu.dma_semaphore, #tpu.memory_space<semaphore_mem>>)
      %add3A_133 = arith.constant 320000 : i32
      %add3A_134 = arith.addi %add3A_133, %add3A_130 : i32
      %dma_start3A_135 = tpu.memref_slice %arg3[%add3A_134] : memref<640000xi32, #tpu.memory_space<hbm>> -> memref<64xi32, #tpu.memory_space<hbm>>
      %dma_start3A_136 = tpu.memref_slice %arg3[%add3A_134] : memref<640000xi32, #tpu.memory_space<hbm>> -> memref<64xi32, #tpu.memory_space<hbm>>
      tpu.enqueue_dma source(%dma_start3A_136 : memref<64xi32, #tpu.memory_space<hbm>>) target(%arg19 : memref<64xi32, #tpu.memory_space<vmem>>) target_semaphore(%arg34 : memref<!tpu.dma_semaphore, #tpu.memory_space<semaphore_mem>>)
      %add3A_137 = arith.constant 320 : i32
      %add3A_138 = arith.addi %add3A_96, %add3A_137 : i32
      %dma_start3A_139 = tpu.memref_slice %arg3[%add3A_138] : memref<640000xi32, #tpu.memory_space<hbm>> -> memref<64xi32, #tpu.memory_space<hbm>>
      %dma_start3A_140 = tpu.memref_slice %arg3[%add3A_138] : memref<640000xi32, #tpu.memory_space<hbm>> -> memref<64xi32, #tpu.memory_space<hbm>>
      tpu.enqueue_dma source(%dma_start3A_140 : memref<64xi32, #tpu.memory_space<hbm>>) target(%arg12 : memref<64xi32, #tpu.memory_space<vmem>>) target_semaphore(%arg35 : memref<!tpu.dma_semaphore, #tpu.memory_space<semaphore_mem>>)
      %add3A_141 = arith.constant 320000 : i32
      %add3A_142 = arith.addi %add3A_141, %add3A_138 : i32
      %dma_start3A_143 = tpu.memref_slice %arg3[%add3A_142] : memref<640000xi32, #tpu.memory_space<hbm>> -> memref<64xi32, #tpu.memory_space<hbm>>
      %dma_start3A_144 = tpu.memref_slice %arg3[%add3A_142] : memref<640000xi32, #tpu.memory_space<hbm>> -> memref<64xi32, #tpu.memory_space<hbm>>
      tpu.enqueue_dma source(%dma_start3A_144 : memref<64xi32, #tpu.memory_space<hbm>>) target(%arg20 : memref<64xi32, #tpu.memory_space<vmem>>) target_semaphore(%arg35 : memref<!tpu.dma_semaphore, #tpu.memory_space<semaphore_mem>>)
      %add3A_145 = arith.constant 384 : i32
      %add3A_146 = arith.addi %add3A_96, %add3A_145 : i32
      %dma_start3A_147 = tpu.memref_slice %arg3[%add3A_146] : memref<640000xi32, #tpu.memory_space<hbm>> -> memref<64xi32, #tpu.memory_space<hbm>>
      %dma_start3A_148 = tpu.memref_slice %arg3[%add3A_146] : memref<640000xi32, #tpu.memory_space<hbm>> -> memref<64xi32, #tpu.memory_space<hbm>>
      tpu.enqueue_dma source(%dma_start3A_148 : memref<64xi32, #tpu.memory_space<hbm>>) target(%arg13 : memref<64xi32, #tpu.memory_space<vmem>>) target_semaphore(%arg36 : memref<!tpu.dma_semaphore, #tpu.memory_space<semaphore_mem>>)
      %add3A_149 = arith.constant 320000 : i32
      %add3A_150 = arith.addi %add3A_149, %add3A_146 : i32
      %dma_start3A_151 = tpu.memref_slice %arg3[%add3A_150] : memref<640000xi32, #tpu.memory_space<hbm>> -> memref<64xi32, #tpu.memory_space<hbm>>
      %dma_start3A_152 = tpu.memref_slice %arg3[%add3A_150] : memref<640000xi32, #tpu.memory_space<hbm>> -> memref<64xi32, #tpu.memory_space<hbm>>
      tpu.enqueue_dma source(%dma_start3A_152 : memref<64xi32, #tpu.memory_space<hbm>>) target(%arg21 : memref<64xi32, #tpu.memory_space<vmem>>) target_semaphore(%arg36 : memref<!tpu.dma_semaphore, #tpu.memory_space<semaphore_mem>>)
      %add3A_153 = arith.constant 448 : i32
      %add3A_154 = arith.addi %add3A_96, %add3A_153 : i32
      %dma_start3A_155 = tpu.memref_slice %arg3[%add3A_154] : memref<640000xi32, #tpu.memory_space<hbm>> -> memref<64xi32, #tpu.memory_space<hbm>>
      %dma_start3A_156 = tpu.memref_slice %arg3[%add3A_154] : memref<640000xi32, #tpu.memory_space<hbm>> -> memref<64xi32, #tpu.memory_space<hbm>>
      tpu.enqueue_dma source(%dma_start3A_156 : memref<64xi32, #tpu.memory_space<hbm>>) target(%arg14 : memref<64xi32, #tpu.memory_space<vmem>>) target_semaphore(%arg37 : memref<!tpu.dma_semaphore, #tpu.memory_space<semaphore_mem>>)
      %add3A_157 = arith.constant 320000 : i32
      %add3A_158 = arith.addi %add3A_157, %add3A_154 : i32
      %dma_start3A_159 = tpu.memref_slice %arg3[%add3A_158] : memref<640000xi32, #tpu.memory_space<hbm>> -> memref<64xi32, #tpu.memory_space<hbm>>
      %dma_start3A_160 = tpu.memref_slice %arg3[%add3A_158] : memref<640000xi32, #tpu.memory_space<hbm>> -> memref<64xi32, #tpu.memory_space<hbm>>
      tpu.enqueue_dma source(%dma_start3A_160 : memref<64xi32, #tpu.memory_space<hbm>>) target(%arg22 : memref<64xi32, #tpu.memory_space<vmem>>) target_semaphore(%arg37 : memref<!tpu.dma_semaphore, #tpu.memory_space<semaphore_mem>>)
      %dma_wait3A_161 = tpu.memref_slice %arg3[%add3A_98] : memref<640000xi32, #tpu.memory_space<hbm>> -> memref<64xi32, #tpu.memory_space<hbm>>
      %dma_wait3A_162 = tpu.memref_slice %arg3[%add3A_98] : memref<640000xi32, #tpu.memory_space<hbm>> -> memref<64xi32, #tpu.memory_space<hbm>>
      tpu.wait_dma2 semaphore(%arg30 : memref<!tpu.dma_semaphore, #tpu.memory_space<semaphore_mem>>) src(%dma_wait3A_162 : memref<64xi32, #tpu.memory_space<hbm>>) dst(%arg7 : memref<64xi32, #tpu.memory_space<vmem>>)
      %dma_wait3A_163 = tpu.memref_slice %arg3[%add3A_102] : memref<640000xi32, #tpu.memory_space<hbm>> -> memref<64xi32, #tpu.memory_space<hbm>>
      %dma_wait3A_164 = tpu.memref_slice %arg3[%add3A_102] : memref<640000xi32, #tpu.memory_space<hbm>> -> memref<64xi32, #tpu.memory_space<hbm>>
      tpu.wait_dma2 semaphore(%arg30 : memref<!tpu.dma_semaphore, #tpu.memory_space<semaphore_mem>>) src(%dma_wait3A_164 : memref<64xi32, #tpu.memory_space<hbm>>) dst(%arg15 : memref<64xi32, #tpu.memory_space<vmem>>)
      %dma_start3A_165 = arith.constant 0 : i32
      %dma_start3A_166 = arith.constant 0 : i32
      %dma_start3A_167 = tpu.memref_slice %arg2[%dma_start3A_165, %dma_start3A_166] : memref<10000x128xf32, #tpu.memory_space<hbm>> -> memref<10000x128xf32, #tpu.memory_space<hbm>>
      tpu.enqueue_indirect_dma source(%dma_start3A_167 : memref<10000x128xf32, #tpu.memory_space<hbm>>) target(%arg23 : memref<64x128xf32, #tpu.memory_space<vmem>>) offsets(%arg7 : memref<64xi32, #tpu.memory_space<vmem>>) semaphore(%arg38 : memref<!tpu.dma_semaphore, #tpu.memory_space<semaphore_mem>>)
      %dma_wait3A_168 = tpu.memref_slice %arg3[%add3A_106] : memref<640000xi32, #tpu.memory_space<hbm>> -> memref<64xi32, #tpu.memory_space<hbm>>
      %dma_wait3A_169 = tpu.memref_slice %arg3[%add3A_106] : memref<640000xi32, #tpu.memory_space<hbm>> -> memref<64xi32, #tpu.memory_space<hbm>>
      tpu.wait_dma2 semaphore(%arg31 : memref<!tpu.dma_semaphore, #tpu.memory_space<semaphore_mem>>) src(%dma_wait3A_169 : memref<64xi32, #tpu.memory_space<hbm>>) dst(%arg8 : memref<64xi32, #tpu.memory_space<vmem>>)
      %dma_wait3A_170 = tpu.memref_slice %arg3[%add3A_110] : memref<640000xi32, #tpu.memory_space<hbm>> -> memref<64xi32, #tpu.memory_space<hbm>>
      %dma_wait3A_171 = tpu.memref_slice %arg3[%add3A_110] : memref<640000xi32, #tpu.memory_space<hbm>> -> memref<64xi32, #tpu.memory_space<hbm>>
      tpu.wait_dma2 semaphore(%arg31 : memref<!tpu.dma_semaphore, #tpu.memory_space<semaphore_mem>>) src(%dma_wait3A_171 : memref<64xi32, #tpu.memory_space<hbm>>) dst(%arg16 : memref<64xi32, #tpu.memory_space<vmem>>)
      %dma_start3A_172 = arith.constant 0 : i32
      %dma_start3A_173 = arith.constant 0 : i32
      %dma_start3A_174 = tpu.memref_slice %arg2[%dma_start3A_172, %dma_start3A_173] : memref<10000x128xf32, #tpu.memory_space<hbm>> -> memref<10000x128xf32, #tpu.memory_space<hbm>>
      tpu.enqueue_indirect_dma source(%dma_start3A_174 : memref<10000x128xf32, #tpu.memory_space<hbm>>) target(%arg24 : memref<64x128xf32, #tpu.memory_space<vmem>>) offsets(%arg8 : memref<64xi32, #tpu.memory_space<vmem>>) semaphore(%arg39 : memref<!tpu.dma_semaphore, #tpu.memory_space<semaphore_mem>>)
      %dma_wait3A_175 = tpu.memref_slice %arg3[%add3A_114] : memref<640000xi32, #tpu.memory_space<hbm>> -> memref<64xi32, #tpu.memory_space<hbm>>
      %dma_wait3A_176 = tpu.memref_slice %arg3[%add3A_114] : memref<640000xi32, #tpu.memory_space<hbm>> -> memref<64xi32, #tpu.memory_space<hbm>>
      tpu.wait_dma2 semaphore(%arg32 : memref<!tpu.dma_semaphore, #tpu.memory_space<semaphore_mem>>) src(%dma_wait3A_176 : memref<64xi32, #tpu.memory_space<hbm>>) dst(%arg9 : memref<64xi32, #tpu.memory_space<vmem>>)
      %dma_wait3A_177 = tpu.memref_slice %arg3[%add3A_118] : memref<640000xi32, #tpu.memory_space<hbm>> -> memref<64xi32, #tpu.memory_space<hbm>>
      %dma_wait3A_178 = tpu.memref_slice %arg3[%add3A_118] : memref<640000xi32, #tpu.memory_space<hbm>> -> memref<64xi32, #tpu.memory_space<hbm>>
      tpu.wait_dma2 semaphore(%arg32 : memref<!tpu.dma_semaphore, #tpu.memory_space<semaphore_mem>>) src(%dma_wait3A_178 : memref<64xi32, #tpu.memory_space<hbm>>) dst(%arg17 : memref<64xi32, #tpu.memory_space<vmem>>)
      %dma_start3A_179 = arith.constant 0 : i32
      %dma_start3A_180 = arith.constant 0 : i32
      %dma_start3A_181 = tpu.memref_slice %arg2[%dma_start3A_179, %dma_start3A_180] : memref<10000x128xf32, #tpu.memory_space<hbm>> -> memref<10000x128xf32, #tpu.memory_space<hbm>>
      tpu.enqueue_indirect_dma source(%dma_start3A_181 : memref<10000x128xf32, #tpu.memory_space<hbm>>) target(%arg25 : memref<64x128xf32, #tpu.memory_space<vmem>>) offsets(%arg9 : memref<64xi32, #tpu.memory_space<vmem>>) semaphore(%arg40 : memref<!tpu.dma_semaphore, #tpu.memory_space<semaphore_mem>>)
      %dma_wait3A_182 = tpu.memref_slice %arg3[%add3A_122] : memref<640000xi32, #tpu.memory_space<hbm>> -> memref<64xi32, #tpu.memory_space<hbm>>
      %dma_wait3A_183 = tpu.memref_slice %arg3[%add3A_122] : memref<640000xi32, #tpu.memory_space<hbm>> -> memref<64xi32, #tpu.memory_space<hbm>>
      tpu.wait_dma2 semaphore(%arg33 : memref<!tpu.dma_semaphore, #tpu.memory_space<semaphore_mem>>) src(%dma_wait3A_183 : memref<64xi32, #tpu.memory_space<hbm>>) dst(%arg10 : memref<64xi32, #tpu.memory_space<vmem>>)
      %dma_wait3A_184 = tpu.memref_slice %arg3[%add3A_126] : memref<640000xi32, #tpu.memory_space<hbm>> -> memref<64xi32, #tpu.memory_space<hbm>>
      %dma_wait3A_185 = tpu.memref_slice %arg3[%add3A_126] : memref<640000xi32, #tpu.memory_space<hbm>> -> memref<64xi32, #tpu.memory_space<hbm>>
      tpu.wait_dma2 semaphore(%arg33 : memref<!tpu.dma_semaphore, #tpu.memory_space<semaphore_mem>>) src(%dma_wait3A_185 : memref<64xi32, #tpu.memory_space<hbm>>) dst(%arg18 : memref<64xi32, #tpu.memory_space<vmem>>)
      %dma_start3A_186 = arith.constant 0 : i32
      %dma_start3A_187 = arith.constant 0 : i32
      %dma_start3A_188 = tpu.memref_slice %arg2[%dma_start3A_186, %dma_start3A_187] : memref<10000x128xf32, #tpu.memory_space<hbm>> -> memref<10000x128xf32, #tpu.memory_space<hbm>>
      tpu.enqueue_indirect_dma source(%dma_start3A_188 : memref<10000x128xf32, #tpu.memory_space<hbm>>) target(%arg26 : memref<64x128xf32, #tpu.memory_space<vmem>>) offsets(%arg10 : memref<64xi32, #tpu.memory_space<vmem>>) semaphore(%arg41 : memref<!tpu.dma_semaphore, #tpu.memory_space<semaphore_mem>>)
      %dma_wait3A_189 = tpu.memref_slice %arg3[%add3A_130] : memref<640000xi32, #tpu.memory_space<hbm>> -> memref<64xi32, #tpu.memory_space<hbm>>
      %dma_wait3A_190 = tpu.memref_slice %arg3[%add3A_130] : memref<640000xi32, #tpu.memory_space<hbm>> -> memref<64xi32, #tpu.memory_space<hbm>>
      tpu.wait_dma2 semaphore(%arg34 : memref<!tpu.dma_semaphore, #tpu.memory_space<semaphore_mem>>) src(%dma_wait3A_190 : memref<64xi32, #tpu.memory_space<hbm>>) dst(%arg11 : memref<64xi32, #tpu.memory_space<vmem>>)
      %dma_wait3A_191 = tpu.memref_slice %arg3[%add3A_134] : memref<640000xi32, #tpu.memory_space<hbm>> -> memref<64xi32, #tpu.memory_space<hbm>>
      %dma_wait3A_192 = tpu.memref_slice %arg3[%add3A_134] : memref<640000xi32, #tpu.memory_space<hbm>> -> memref<64xi32, #tpu.memory_space<hbm>>
      tpu.wait_dma2 semaphore(%arg34 : memref<!tpu.dma_semaphore, #tpu.memory_space<semaphore_mem>>) src(%dma_wait3A_192 : memref<64xi32, #tpu.memory_space<hbm>>) dst(%arg19 : memref<64xi32, #tpu.memory_space<vmem>>)
      %dma_wait3A_193 = arith.constant 0 : i32
      %dma_wait3A_194 = arith.constant 0 : i32
      %dma_wait3A_195 = tpu.memref_slice %arg2[%dma_wait3A_193, %dma_wait3A_194] : memref<10000x128xf32, #tpu.memory_space<hbm>> -> memref<10000x128xf32, #tpu.memory_space<hbm>>
      tpu.wait_indirect_dma semaphore(%arg38 : memref<!tpu.dma_semaphore, #tpu.memory_space<semaphore_mem>>) src(%dma_wait3A_195 : memref<10000x128xf32, #tpu.memory_space<hbm>>) dst(%arg23 : memref<64x128xf32, #tpu.memory_space<vmem>>)
      "tpu.region"() ({
        %run_scoped3A = tpu.sem_alloc : memref<!tpu.dma_semaphore, #tpu.memory_space<semaphore_mem>>
        %dma_start3A_241 = arith.constant 0 : i32
        %dma_start3A_242 = arith.constant 0 : i32
        %dma_start3A_243 = tpu.memref_slice %arg6[%dma_start3A_241, %dma_start3A_242] : memref<10240x128xf32, #tpu.memory_space<vmem_shared>> -> memref<10240x128xf32, #tpu.memory_space<vmem_shared>>
        tpu.enqueue_indirect_dma source(%arg23 : memref<64x128xf32, #tpu.memory_space<vmem>>) target(%dma_start3A_243 : memref<10240x128xf32, #tpu.memory_space<vmem_shared>>) offsets(%arg15 : memref<64xi32, #tpu.memory_space<vmem>>) semaphore(%run_scoped3A : memref<!tpu.dma_semaphore, #tpu.memory_space<semaphore_mem>>) {add = true}
        %dma_wait3A_244 = arith.constant 0 : i32
        %dma_wait3A_245 = arith.constant 0 : i32
        %dma_wait3A_246 = tpu.memref_slice %arg6[%dma_wait3A_244, %dma_wait3A_245] : memref<10240x128xf32, #tpu.memory_space<vmem_shared>> -> memref<10240x128xf32, #tpu.memory_space<vmem_shared>>
        tpu.wait_indirect_dma semaphore(%run_scoped3A : memref<!tpu.dma_semaphore, #tpu.memory_space<semaphore_mem>>) src(%arg23 : memref<64x128xf32, #tpu.memory_space<vmem>>) dst(%dma_wait3A_246 : memref<10240x128xf32, #tpu.memory_space<vmem_shared>>)
        tpu.yield
      }) : () -> ()
      %dma_start3A_196 = arith.constant 0 : i32
      %dma_start3A_197 = arith.constant 0 : i32
      %dma_start3A_198 = tpu.memref_slice %arg2[%dma_start3A_196, %dma_start3A_197] : memref<10000x128xf32, #tpu.memory_space<hbm>> -> memref<10000x128xf32, #tpu.memory_space<hbm>>
      tpu.enqueue_indirect_dma source(%dma_start3A_198 : memref<10000x128xf32, #tpu.memory_space<hbm>>) target(%arg23 : memref<64x128xf32, #tpu.memory_space<vmem>>) offsets(%arg11 : memref<64xi32, #tpu.memory_space<vmem>>) semaphore(%arg38 : memref<!tpu.dma_semaphore, #tpu.memory_space<semaphore_mem>>)
      %dma_wait3A_199 = tpu.memref_slice %arg3[%add3A_138] : memref<640000xi32, #tpu.memory_space<hbm>> -> memref<64xi32, #tpu.memory_space<hbm>>
      %dma_wait3A_200 = tpu.memref_slice %arg3[%add3A_138] : memref<640000xi32, #tpu.memory_space<hbm>> -> memref<64xi32, #tpu.memory_space<hbm>>
      tpu.wait_dma2 semaphore(%arg35 : memref<!tpu.dma_semaphore, #tpu.memory_space<semaphore_mem>>) src(%dma_wait3A_200 : memref<64xi32, #tpu.memory_space<hbm>>) dst(%arg12 : memref<64xi32, #tpu.memory_space<vmem>>)
      %dma_wait3A_201 = tpu.memref_slice %arg3[%add3A_142] : memref<640000xi32, #tpu.memory_space<hbm>> -> memref<64xi32, #tpu.memory_space<hbm>>
      %dma_wait3A_202 = tpu.memref_slice %arg3[%add3A_142] : memref<640000xi32, #tpu.memory_space<hbm>> -> memref<64xi32, #tpu.memory_space<hbm>>
      tpu.wait_dma2 semaphore(%arg35 : memref<!tpu.dma_semaphore, #tpu.memory_space<semaphore_mem>>) src(%dma_wait3A_202 : memref<64xi32, #tpu.memory_space<hbm>>) dst(%arg20 : memref<64xi32, #tpu.memory_space<vmem>>)
      %dma_wait3A_203 = arith.constant 0 : i32
      %dma_wait3A_204 = arith.constant 0 : i32
      %dma_wait3A_205 = tpu.memref_slice %arg2[%dma_wait3A_203, %dma_wait3A_204] : memref<10000x128xf32, #tpu.memory_space<hbm>> -> memref<10000x128xf32, #tpu.memory_space<hbm>>
      tpu.wait_indirect_dma semaphore(%arg39 : memref<!tpu.dma_semaphore, #tpu.memory_space<semaphore_mem>>) src(%dma_wait3A_205 : memref<10000x128xf32, #tpu.memory_space<hbm>>) dst(%arg24 : memref<64x128xf32, #tpu.memory_space<vmem>>)
      "tpu.region"() ({
        %run_scoped3A = tpu.sem_alloc : memref<!tpu.dma_semaphore, #tpu.memory_space<semaphore_mem>>
        %dma_start3A_241 = arith.constant 0 : i32
        %dma_start3A_242 = arith.constant 0 : i32
        %dma_start3A_243 = tpu.memref_slice %arg6[%dma_start3A_241, %dma_start3A_242] : memref<10240x128xf32, #tpu.memory_space<vmem_shared>> -> memref<10240x128xf32, #tpu.memory_space<vmem_shared>>
        tpu.enqueue_indirect_dma source(%arg24 : memref<64x128xf32, #tpu.memory_space<vmem>>) target(%dma_start3A_243 : memref<10240x128xf32, #tpu.memory_space<vmem_shared>>) offsets(%arg16 : memref<64xi32, #tpu.memory_space<vmem>>) semaphore(%run_scoped3A : memref<!tpu.dma_semaphore, #tpu.memory_space<semaphore_mem>>) {add = true}
        %dma_wait3A_244 = arith.constant 0 : i32
        %dma_wait3A_245 = arith.constant 0 : i32
        %dma_wait3A_246 = tpu.memref_slice %arg6[%dma_wait3A_244, %dma_wait3A_245] : memref<10240x128xf32, #tpu.memory_space<vmem_shared>> -> memref<10240x128xf32, #tpu.memory_space<vmem_shared>>
        tpu.wait_indirect_dma semaphore(%run_scoped3A : memref<!tpu.dma_semaphore, #tpu.memory_space<semaphore_mem>>) src(%arg24 : memref<64x128xf32, #tpu.memory_space<vmem>>) dst(%dma_wait3A_246 : memref<10240x128xf32, #tpu.memory_space<vmem_shared>>)
        tpu.yield
      }) : () -> ()
      %dma_start3A_206 = arith.constant 0 : i32
      %dma_start3A_207 = arith.constant 0 : i32
      %dma_start3A_208 = tpu.memref_slice %arg2[%dma_start3A_206, %dma_start3A_207] : memref<10000x128xf32, #tpu.memory_space<hbm>> -> memref<10000x128xf32, #tpu.memory_space<hbm>>
      tpu.enqueue_indirect_dma source(%dma_start3A_208 : memref<10000x128xf32, #tpu.memory_space<hbm>>) target(%arg24 : memref<64x128xf32, #tpu.memory_space<vmem>>) offsets(%arg12 : memref<64xi32, #tpu.memory_space<vmem>>) semaphore(%arg39 : memref<!tpu.dma_semaphore, #tpu.memory_space<semaphore_mem>>)
      %dma_wait3A_209 = tpu.memref_slice %arg3[%add3A_146] : memref<640000xi32, #tpu.memory_space<hbm>> -> memref<64xi32, #tpu.memory_space<hbm>>
      %dma_wait3A_210 = tpu.memref_slice %arg3[%add3A_146] : memref<640000xi32, #tpu.memory_space<hbm>> -> memref<64xi32, #tpu.memory_space<hbm>>
      tpu.wait_dma2 semaphore(%arg36 : memref<!tpu.dma_semaphore, #tpu.memory_space<semaphore_mem>>) src(%dma_wait3A_210 : memref<64xi32, #tpu.memory_space<hbm>>) dst(%arg13 : memref<64xi32, #tpu.memory_space<vmem>>)
      %dma_wait3A_211 = tpu.memref_slice %arg3[%add3A_150] : memref<640000xi32, #tpu.memory_space<hbm>> -> memref<64xi32, #tpu.memory_space<hbm>>
      %dma_wait3A_212 = tpu.memref_slice %arg3[%add3A_150] : memref<640000xi32, #tpu.memory_space<hbm>> -> memref<64xi32, #tpu.memory_space<hbm>>
      tpu.wait_dma2 semaphore(%arg36 : memref<!tpu.dma_semaphore, #tpu.memory_space<semaphore_mem>>) src(%dma_wait3A_212 : memref<64xi32, #tpu.memory_space<hbm>>) dst(%arg21 : memref<64xi32, #tpu.memory_space<vmem>>)
      %dma_wait3A_213 = arith.constant 0 : i32
      %dma_wait3A_214 = arith.constant 0 : i32
      %dma_wait3A_215 = tpu.memref_slice %arg2[%dma_wait3A_213, %dma_wait3A_214] : memref<10000x128xf32, #tpu.memory_space<hbm>> -> memref<10000x128xf32, #tpu.memory_space<hbm>>
      tpu.wait_indirect_dma semaphore(%arg40 : memref<!tpu.dma_semaphore, #tpu.memory_space<semaphore_mem>>) src(%dma_wait3A_215 : memref<10000x128xf32, #tpu.memory_space<hbm>>) dst(%arg25 : memref<64x128xf32, #tpu.memory_space<vmem>>)
      "tpu.region"() ({
        %run_scoped3A = tpu.sem_alloc : memref<!tpu.dma_semaphore, #tpu.memory_space<semaphore_mem>>
        %dma_start3A_241 = arith.constant 0 : i32
        %dma_start3A_242 = arith.constant 0 : i32
        %dma_start3A_243 = tpu.memref_slice %arg6[%dma_start3A_241, %dma_start3A_242] : memref<10240x128xf32, #tpu.memory_space<vmem_shared>> -> memref<10240x128xf32, #tpu.memory_space<vmem_shared>>
        tpu.enqueue_indirect_dma source(%arg25 : memref<64x128xf32, #tpu.memory_space<vmem>>) target(%dma_start3A_243 : memref<10240x128xf32, #tpu.memory_space<vmem_shared>>) offsets(%arg17 : memref<64xi32, #tpu.memory_space<vmem>>) semaphore(%run_scoped3A : memref<!tpu.dma_semaphore, #tpu.memory_space<semaphore_mem>>) {add = true}
        %dma_wait3A_244 = arith.constant 0 : i32
        %dma_wait3A_245 = arith.constant 0 : i32
        %dma_wait3A_246 = tpu.memref_slice %arg6[%dma_wait3A_244, %dma_wait3A_245] : memref<10240x128xf32, #tpu.memory_space<vmem_shared>> -> memref<10240x128xf32, #tpu.memory_space<vmem_shared>>
        tpu.wait_indirect_dma semaphore(%run_scoped3A : memref<!tpu.dma_semaphore, #tpu.memory_space<semaphore_mem>>) src(%arg25 : memref<64x128xf32, #tpu.memory_space<vmem>>) dst(%dma_wait3A_246 : memref<10240x128xf32, #tpu.memory_space<vmem_shared>>)
        tpu.yield
      }) : () -> ()
      %dma_start3A_216 = arith.constant 0 : i32
      %dma_start3A_217 = arith.constant 0 : i32
      %dma_start3A_218 = tpu.memref_slice %arg2[%dma_start3A_216, %dma_start3A_217] : memref<10000x128xf32, #tpu.memory_space<hbm>> -> memref<10000x128xf32, #tpu.memory_space<hbm>>
      tpu.enqueue_indirect_dma source(%dma_start3A_218 : memref<10000x128xf32, #tpu.memory_space<hbm>>) target(%arg25 : memref<64x128xf32, #tpu.memory_space<vmem>>) offsets(%arg13 : memref<64xi32, #tpu.memory_space<vmem>>) semaphore(%arg40 : memref<!tpu.dma_semaphore, #tpu.memory_space<semaphore_mem>>)
      %dma_wait3A_219 = tpu.memref_slice %arg3[%add3A_154] : memref<640000xi32, #tpu.memory_space<hbm>> -> memref<64xi32, #tpu.memory_space<hbm>>
      %dma_wait3A_220 = tpu.memref_slice %arg3[%add3A_154] : memref<640000xi32, #tpu.memory_space<hbm>> -> memref<64xi32, #tpu.memory_space<hbm>>
      tpu.wait_dma2 semaphore(%arg37 : memref<!tpu.dma_semaphore, #tpu.memory_space<semaphore_mem>>) src(%dma_wait3A_220 : memref<64xi32, #tpu.memory_space<hbm>>) dst(%arg14 : memref<64xi32, #tpu.memory_space<vmem>>)
      %dma_wait3A_221 = tpu.memref_slice %arg3[%add3A_158] : memref<640000xi32, #tpu.memory_space<hbm>> -> memref<64xi32, #tpu.memory_space<hbm>>
      %dma_wait3A_222 = tpu.memref_slice %arg3[%add3A_158] : memref<640000xi32, #tpu.memory_space<hbm>> -> memref<64xi32, #tpu.memory_space<hbm>>
      tpu.wait_dma2 semaphore(%arg37 : memref<!tpu.dma_semaphore, #tpu.memory_space<semaphore_mem>>) src(%dma_wait3A_222 : memref<64xi32, #tpu.memory_space<hbm>>) dst(%arg22 : memref<64xi32, #tpu.memory_space<vmem>>)
      %dma_wait3A_223 = arith.constant 0 : i32
      %dma_wait3A_224 = arith.constant 0 : i32
      %dma_wait3A_225 = tpu.memref_slice %arg2[%dma_wait3A_223, %dma_wait3A_224] : memref<10000x128xf32, #tpu.memory_space<hbm>> -> memref<10000x128xf32, #tpu.memory_space<hbm>>
      tpu.wait_indirect_dma semaphore(%arg41 : memref<!tpu.dma_semaphore, #tpu.memory_space<semaphore_mem>>) src(%dma_wait3A_225 : memref<10000x128xf32, #tpu.memory_space<hbm>>) dst(%arg26 : memref<64x128xf32, #tpu.memory_space<vmem>>)
      "tpu.region"() ({
        %run_scoped3A = tpu.sem_alloc : memref<!tpu.dma_semaphore, #tpu.memory_space<semaphore_mem>>
        %dma_start3A_241 = arith.constant 0 : i32
        %dma_start3A_242 = arith.constant 0 : i32
        %dma_start3A_243 = tpu.memref_slice %arg6[%dma_start3A_241, %dma_start3A_242] : memref<10240x128xf32, #tpu.memory_space<vmem_shared>> -> memref<10240x128xf32, #tpu.memory_space<vmem_shared>>
        tpu.enqueue_indirect_dma source(%arg26 : memref<64x128xf32, #tpu.memory_space<vmem>>) target(%dma_start3A_243 : memref<10240x128xf32, #tpu.memory_space<vmem_shared>>) offsets(%arg18 : memref<64xi32, #tpu.memory_space<vmem>>) semaphore(%run_scoped3A : memref<!tpu.dma_semaphore, #tpu.memory_space<semaphore_mem>>) {add = true}
        %dma_wait3A_244 = arith.constant 0 : i32
        %dma_wait3A_245 = arith.constant 0 : i32
        %dma_wait3A_246 = tpu.memref_slice %arg6[%dma_wait3A_244, %dma_wait3A_245] : memref<10240x128xf32, #tpu.memory_space<vmem_shared>> -> memref<10240x128xf32, #tpu.memory_space<vmem_shared>>
        tpu.wait_indirect_dma semaphore(%run_scoped3A : memref<!tpu.dma_semaphore, #tpu.memory_space<semaphore_mem>>) src(%arg26 : memref<64x128xf32, #tpu.memory_space<vmem>>) dst(%dma_wait3A_246 : memref<10240x128xf32, #tpu.memory_space<vmem_shared>>)
        tpu.yield
      }) : () -> ()
      %dma_start3A_226 = arith.constant 0 : i32
      %dma_start3A_227 = arith.constant 0 : i32
      %dma_start3A_228 = tpu.memref_slice %arg2[%dma_start3A_226, %dma_start3A_227] : memref<10000x128xf32, #tpu.memory_space<hbm>> -> memref<10000x128xf32, #tpu.memory_space<hbm>>
      tpu.enqueue_indirect_dma source(%dma_start3A_228 : memref<10000x128xf32, #tpu.memory_space<hbm>>) target(%arg26 : memref<64x128xf32, #tpu.memory_space<vmem>>) offsets(%arg14 : memref<64xi32, #tpu.memory_space<vmem>>) semaphore(%arg41 : memref<!tpu.dma_semaphore, #tpu.memory_space<semaphore_mem>>)
      %dma_wait3A_229 = arith.constant 0 : i32
      %dma_wait3A_230 = arith.constant 0 : i32
      %dma_wait3A_231 = tpu.memref_slice %arg2[%dma_wait3A_229, %dma_wait3A_230] : memref<10000x128xf32, #tpu.memory_space<hbm>> -> memref<10000x128xf32, #tpu.memory_space<hbm>>
      tpu.wait_indirect_dma semaphore(%arg38 : memref<!tpu.dma_semaphore, #tpu.memory_space<semaphore_mem>>) src(%dma_wait3A_231 : memref<10000x128xf32, #tpu.memory_space<hbm>>) dst(%arg23 : memref<64x128xf32, #tpu.memory_space<vmem>>)
      "tpu.region"() ({
        %run_scoped3A = tpu.sem_alloc : memref<!tpu.dma_semaphore, #tpu.memory_space<semaphore_mem>>
        %dma_start3A_241 = arith.constant 0 : i32
        %dma_start3A_242 = arith.constant 0 : i32
        %dma_start3A_243 = tpu.memref_slice %arg6[%dma_start3A_241, %dma_start3A_242] : memref<10240x128xf32, #tpu.memory_space<vmem_shared>> -> memref<10240x128xf32, #tpu.memory_space<vmem_shared>>
        tpu.enqueue_indirect_dma source(%arg23 : memref<64x128xf32, #tpu.memory_space<vmem>>) target(%dma_start3A_243 : memref<10240x128xf32, #tpu.memory_space<vmem_shared>>) offsets(%arg19 : memref<64xi32, #tpu.memory_space<vmem>>) semaphore(%run_scoped3A : memref<!tpu.dma_semaphore, #tpu.memory_space<semaphore_mem>>) {add = true}
        %dma_wait3A_244 = arith.constant 0 : i32
        %dma_wait3A_245 = arith.constant 0 : i32
        %dma_wait3A_246 = tpu.memref_slice %arg6[%dma_wait3A_244, %dma_wait3A_245] : memref<10240x128xf32, #tpu.memory_space<vmem_shared>> -> memref<10240x128xf32, #tpu.memory_space<vmem_shared>>
        tpu.wait_indirect_dma semaphore(%run_scoped3A : memref<!tpu.dma_semaphore, #tpu.memory_space<semaphore_mem>>) src(%arg23 : memref<64x128xf32, #tpu.memory_space<vmem>>) dst(%dma_wait3A_246 : memref<10240x128xf32, #tpu.memory_space<vmem_shared>>)
        tpu.yield
      }) : () -> ()
      %dma_wait3A_232 = arith.constant 0 : i32
      %dma_wait3A_233 = arith.constant 0 : i32
      %dma_wait3A_234 = tpu.memref_slice %arg2[%dma_wait3A_232, %dma_wait3A_233] : memref<10000x128xf32, #tpu.memory_space<hbm>> -> memref<10000x128xf32, #tpu.memory_space<hbm>>
      tpu.wait_indirect_dma semaphore(%arg39 : memref<!tpu.dma_semaphore, #tpu.memory_space<semaphore_mem>>) src(%dma_wait3A_234 : memref<10000x128xf32, #tpu.memory_space<hbm>>) dst(%arg24 : memref<64x128xf32, #tpu.memory_space<vmem>>)
      "tpu.region"() ({
        %run_scoped3A = tpu.sem_alloc : memref<!tpu.dma_semaphore, #tpu.memory_space<semaphore_mem>>
        %dma_start3A_241 = arith.constant 0 : i32
        %dma_start3A_242 = arith.constant 0 : i32
        %dma_start3A_243 = tpu.memref_slice %arg6[%dma_start3A_241, %dma_start3A_242] : memref<10240x128xf32, #tpu.memory_space<vmem_shared>> -> memref<10240x128xf32, #tpu.memory_space<vmem_shared>>
        tpu.enqueue_indirect_dma source(%arg24 : memref<64x128xf32, #tpu.memory_space<vmem>>) target(%dma_start3A_243 : memref<10240x128xf32, #tpu.memory_space<vmem_shared>>) offsets(%arg20 : memref<64xi32, #tpu.memory_space<vmem>>) semaphore(%run_scoped3A : memref<!tpu.dma_semaphore, #tpu.memory_space<semaphore_mem>>) {add = true}
        %dma_wait3A_244 = arith.constant 0 : i32
        %dma_wait3A_245 = arith.constant 0 : i32
        %dma_wait3A_246 = tpu.memref_slice %arg6[%dma_wait3A_244, %dma_wait3A_245] : memref<10240x128xf32, #tpu.memory_space<vmem_shared>> -> memref<10240x128xf32, #tpu.memory_space<vmem_shared>>
        tpu.wait_indirect_dma semaphore(%run_scoped3A : memref<!tpu.dma_semaphore, #tpu.memory_space<semaphore_mem>>) src(%arg24 : memref<64x128xf32, #tpu.memory_space<vmem>>) dst(%dma_wait3A_246 : memref<10240x128xf32, #tpu.memory_space<vmem_shared>>)
        tpu.yield
      }) : () -> ()
      %dma_wait3A_235 = arith.constant 0 : i32
      %dma_wait3A_236 = arith.constant 0 : i32
      %dma_wait3A_237 = tpu.memref_slice %arg2[%dma_wait3A_235, %dma_wait3A_236] : memref<10000x128xf32, #tpu.memory_space<hbm>> -> memref<10000x128xf32, #tpu.memory_space<hbm>>
      tpu.wait_indirect_dma semaphore(%arg40 : memref<!tpu.dma_semaphore, #tpu.memory_space<semaphore_mem>>) src(%dma_wait3A_237 : memref<10000x128xf32, #tpu.memory_space<hbm>>) dst(%arg25 : memref<64x128xf32, #tpu.memory_space<vmem>>)
      "tpu.region"() ({
        %run_scoped3A = tpu.sem_alloc : memref<!tpu.dma_semaphore, #tpu.memory_space<semaphore_mem>>
        %dma_start3A_241 = arith.constant 0 : i32
        %dma_start3A_242 = arith.constant 0 : i32
        %dma_start3A_243 = tpu.memref_slice %arg6[%dma_start3A_241, %dma_start3A_242] : memref<10240x128xf32, #tpu.memory_space<vmem_shared>> -> memref<10240x128xf32, #tpu.memory_space<vmem_shared>>
        tpu.enqueue_indirect_dma source(%arg25 : memref<64x128xf32, #tpu.memory_space<vmem>>) target(%dma_start3A_243 : memref<10240x128xf32, #tpu.memory_space<vmem_shared>>) offsets(%arg21 : memref<64xi32, #tpu.memory_space<vmem>>) semaphore(%run_scoped3A : memref<!tpu.dma_semaphore, #tpu.memory_space<semaphore_mem>>) {add = true}
        %dma_wait3A_244 = arith.constant 0 : i32
        %dma_wait3A_245 = arith.constant 0 : i32
        %dma_wait3A_246 = tpu.memref_slice %arg6[%dma_wait3A_244, %dma_wait3A_245] : memref<10240x128xf32, #tpu.memory_space<vmem_shared>> -> memref<10240x128xf32, #tpu.memory_space<vmem_shared>>
        tpu.wait_indirect_dma semaphore(%run_scoped3A : memref<!tpu.dma_semaphore, #tpu.memory_space<semaphore_mem>>) src(%arg25 : memref<64x128xf32, #tpu.memory_space<vmem>>) dst(%dma_wait3A_246 : memref<10240x128xf32, #tpu.memory_space<vmem_shared>>)
        tpu.yield
      }) : () -> ()
      %dma_wait3A_238 = arith.constant 0 : i32
      %dma_wait3A_239 = arith.constant 0 : i32
      %dma_wait3A_240 = tpu.memref_slice %arg2[%dma_wait3A_238, %dma_wait3A_239] : memref<10000x128xf32, #tpu.memory_space<hbm>> -> memref<10000x128xf32, #tpu.memory_space<hbm>>
      tpu.wait_indirect_dma semaphore(%arg41 : memref<!tpu.dma_semaphore, #tpu.memory_space<semaphore_mem>>) src(%dma_wait3A_240 : memref<10000x128xf32, #tpu.memory_space<hbm>>) dst(%arg26 : memref<64x128xf32, #tpu.memory_space<vmem>>)
      "tpu.region"() ({
        %run_scoped3A = tpu.sem_alloc : memref<!tpu.dma_semaphore, #tpu.memory_space<semaphore_mem>>
        %dma_start3A_241 = arith.constant 0 : i32
        %dma_start3A_242 = arith.constant 0 : i32
        %dma_start3A_243 = tpu.memref_slice %arg6[%dma_start3A_241, %dma_start3A_242] : memref<10240x128xf32, #tpu.memory_space<vmem_shared>> -> memref<10240x128xf32, #tpu.memory_space<vmem_shared>>
        tpu.enqueue_indirect_dma source(%arg26 : memref<64x128xf32, #tpu.memory_space<vmem>>) target(%dma_start3A_243 : memref<10240x128xf32, #tpu.memory_space<vmem_shared>>) offsets(%arg22 : memref<64xi32, #tpu.memory_space<vmem>>) semaphore(%run_scoped3A : memref<!tpu.dma_semaphore, #tpu.memory_space<semaphore_mem>>) {add = true}
        %dma_wait3A_244 = arith.constant 0 : i32
        %dma_wait3A_245 = arith.constant 0 : i32
        %dma_wait3A_246 = tpu.memref_slice %arg6[%dma_wait3A_244, %dma_wait3A_245] : memref<10240x128xf32, #tpu.memory_space<vmem_shared>> -> memref<10240x128xf32, #tpu.memory_space<vmem_shared>>
        tpu.wait_indirect_dma semaphore(%run_scoped3A : memref<!tpu.dma_semaphore, #tpu.memory_space<semaphore_mem>>) src(%arg26 : memref<64x128xf32, #tpu.memory_space<vmem>>) dst(%dma_wait3A_246 : memref<10240x128xf32, #tpu.memory_space<vmem_shared>>)
        tpu.yield
      }) : () -> ()
    }
    %scan3A_9 = arith.constant 19 : i32
    %add3A_10 = arith.constant 9728 : i32
    %add3A_11 = arith.addi %mul3A_4, %add3A_10 : i32
    %add3A_12 = arith.constant 0 : i32
    %add3A_13 = arith.addi %add3A_11, %add3A_12 : i32
    %dma_start3A = tpu.memref_slice %arg3[%add3A_13] : memref<640000xi32, #tpu.memory_space<hbm>> -> memref<64xi32, #tpu.memory_space<hbm>>
    %dma_start3A_14 = tpu.memref_slice %arg3[%add3A_13] : memref<640000xi32, #tpu.memory_space<hbm>> -> memref<64xi32, #tpu.memory_space<hbm>>
    tpu.enqueue_dma source(%dma_start3A_14 : memref<64xi32, #tpu.memory_space<hbm>>) target(%arg7 : memref<64xi32, #tpu.memory_space<vmem>>) target_semaphore(%arg30 : memref<!tpu.dma_semaphore, #tpu.memory_space<semaphore_mem>>)
    %add3A_15 = arith.constant 320000 : i32
    %add3A_16 = arith.addi %add3A_15, %add3A_13 : i32
    %dma_start3A_17 = tpu.memref_slice %arg3[%add3A_16] : memref<640000xi32, #tpu.memory_space<hbm>> -> memref<64xi32, #tpu.memory_space<hbm>>
    %dma_start3A_18 = tpu.memref_slice %arg3[%add3A_16] : memref<640000xi32, #tpu.memory_space<hbm>> -> memref<64xi32, #tpu.memory_space<hbm>>
    tpu.enqueue_dma source(%dma_start3A_18 : memref<64xi32, #tpu.memory_space<hbm>>) target(%arg15 : memref<64xi32, #tpu.memory_space<vmem>>) target_semaphore(%arg30 : memref<!tpu.dma_semaphore, #tpu.memory_space<semaphore_mem>>)
    %add3A_19 = arith.constant 64 : i32
    %add3A_20 = arith.addi %add3A_11, %add3A_19 : i32
    %dma_start3A_21 = tpu.memref_slice %arg3[%add3A_20] : memref<640000xi32, #tpu.memory_space<hbm>> -> memref<64xi32, #tpu.memory_space<hbm>>
    %dma_start3A_22 = tpu.memref_slice %arg3[%add3A_20] : memref<640000xi32, #tpu.memory_space<hbm>> -> memref<64xi32, #tpu.memory_space<hbm>>
    tpu.enqueue_dma source(%dma_start3A_22 : memref<64xi32, #tpu.memory_space<hbm>>) target(%arg8 : memref<64xi32, #tpu.memory_space<vmem>>) target_semaphore(%arg31 : memref<!tpu.dma_semaphore, #tpu.memory_space<semaphore_mem>>)
    %add3A_23 = arith.constant 320000 : i32
    %add3A_24 = arith.addi %add3A_23, %add3A_20 : i32
    %dma_start3A_25 = tpu.memref_slice %arg3[%add3A_24] : memref<640000xi32, #tpu.memory_space<hbm>> -> memref<64xi32, #tpu.memory_space<hbm>>
    %dma_start3A_26 = tpu.memref_slice %arg3[%add3A_24] : memref<640000xi32, #tpu.memory_space<hbm>> -> memref<64xi32, #tpu.memory_space<hbm>>
    tpu.enqueue_dma source(%dma_start3A_26 : memref<64xi32, #tpu.memory_space<hbm>>) target(%arg16 : memref<64xi32, #tpu.memory_space<vmem>>) target_semaphore(%arg31 : memref<!tpu.dma_semaphore, #tpu.memory_space<semaphore_mem>>)
    %add3A_27 = arith.constant 128 : i32
    %add3A_28 = arith.addi %add3A_11, %add3A_27 : i32
    %dma_start3A_29 = tpu.memref_slice %arg3[%add3A_28] : memref<640000xi32, #tpu.memory_space<hbm>> -> memref<64xi32, #tpu.memory_space<hbm>>
    %dma_start3A_30 = tpu.memref_slice %arg3[%add3A_28] : memref<640000xi32, #tpu.memory_space<hbm>> -> memref<64xi32, #tpu.memory_space<hbm>>
    tpu.enqueue_dma source(%dma_start3A_30 : memref<64xi32, #tpu.memory_space<hbm>>) target(%arg9 : memref<64xi32, #tpu.memory_space<vmem>>) target_semaphore(%arg32 : memref<!tpu.dma_semaphore, #tpu.memory_space<semaphore_mem>>)
    %add3A_31 = arith.constant 320000 : i32
    %add3A_32 = arith.addi %add3A_31, %add3A_28 : i32
    %dma_start3A_33 = tpu.memref_slice %arg3[%add3A_32] : memref<640000xi32, #tpu.memory_space<hbm>> -> memref<64xi32, #tpu.memory_space<hbm>>
    %dma_start3A_34 = tpu.memref_slice %arg3[%add3A_32] : memref<640000xi32, #tpu.memory_space<hbm>> -> memref<64xi32, #tpu.memory_space<hbm>>
    tpu.enqueue_dma source(%dma_start3A_34 : memref<64xi32, #tpu.memory_space<hbm>>) target(%arg17 : memref<64xi32, #tpu.memory_space<vmem>>) target_semaphore(%arg32 : memref<!tpu.dma_semaphore, #tpu.memory_space<semaphore_mem>>)
    %add3A_35 = arith.constant 192 : i32
    %add3A_36 = arith.addi %add3A_11, %add3A_35 : i32
    %dma_start3A_37 = tpu.memref_slice %arg3[%add3A_36] : memref<640000xi32, #tpu.memory_space<hbm>> -> memref<64xi32, #tpu.memory_space<hbm>>
    %dma_start3A_38 = tpu.memref_slice %arg3[%add3A_36] : memref<640000xi32, #tpu.memory_space<hbm>> -> memref<64xi32, #tpu.memory_space<hbm>>
    tpu.enqueue_dma source(%dma_start3A_38 : memref<64xi32, #tpu.memory_space<hbm>>) target(%arg10 : memref<64xi32, #tpu.memory_space<vmem>>) target_semaphore(%arg33 : memref<!tpu.dma_semaphore, #tpu.memory_space<semaphore_mem>>)
    %add3A_39 = arith.constant 320000 : i32
    %add3A_40 = arith.addi %add3A_39, %add3A_36 : i32
    %dma_start3A_41 = tpu.memref_slice %arg3[%add3A_40] : memref<640000xi32, #tpu.memory_space<hbm>> -> memref<64xi32, #tpu.memory_space<hbm>>
    %dma_start3A_42 = tpu.memref_slice %arg3[%add3A_40] : memref<640000xi32, #tpu.memory_space<hbm>> -> memref<64xi32, #tpu.memory_space<hbm>>
    tpu.enqueue_dma source(%dma_start3A_42 : memref<64xi32, #tpu.memory_space<hbm>>) target(%arg18 : memref<64xi32, #tpu.memory_space<vmem>>) target_semaphore(%arg33 : memref<!tpu.dma_semaphore, #tpu.memory_space<semaphore_mem>>)
    %dma_wait3A = tpu.memref_slice %arg3[%add3A_13] : memref<640000xi32, #tpu.memory_space<hbm>> -> memref<64xi32, #tpu.memory_space<hbm>>
    %dma_wait3A_43 = tpu.memref_slice %arg3[%add3A_13] : memref<640000xi32, #tpu.memory_space<hbm>> -> memref<64xi32, #tpu.memory_space<hbm>>
    tpu.wait_dma2 semaphore(%arg30 : memref<!tpu.dma_semaphore, #tpu.memory_space<semaphore_mem>>) src(%dma_wait3A_43 : memref<64xi32, #tpu.memory_space<hbm>>) dst(%arg7 : memref<64xi32, #tpu.memory_space<vmem>>)
    %dma_wait3A_44 = tpu.memref_slice %arg3[%add3A_16] : memref<640000xi32, #tpu.memory_space<hbm>> -> memref<64xi32, #tpu.memory_space<hbm>>
    %dma_wait3A_45 = tpu.memref_slice %arg3[%add3A_16] : memref<640000xi32, #tpu.memory_space<hbm>> -> memref<64xi32, #tpu.memory_space<hbm>>
    tpu.wait_dma2 semaphore(%arg30 : memref<!tpu.dma_semaphore, #tpu.memory_space<semaphore_mem>>) src(%dma_wait3A_45 : memref<64xi32, #tpu.memory_space<hbm>>) dst(%arg15 : memref<64xi32, #tpu.memory_space<vmem>>)
    %dma_start3A_46 = arith.constant 0 : i32
    %dma_start3A_47 = arith.constant 0 : i32
    %dma_start3A_48 = tpu.memref_slice %arg2[%dma_start3A_46, %dma_start3A_47] : memref<10000x128xf32, #tpu.memory_space<hbm>> -> memref<10000x128xf32, #tpu.memory_space<hbm>>
    tpu.enqueue_indirect_dma source(%dma_start3A_48 : memref<10000x128xf32, #tpu.memory_space<hbm>>) target(%arg23 : memref<64x128xf32, #tpu.memory_space<vmem>>) offsets(%arg7 : memref<64xi32, #tpu.memory_space<vmem>>) semaphore(%arg38 : memref<!tpu.dma_semaphore, #tpu.memory_space<semaphore_mem>>)
    %dma_wait3A_49 = tpu.memref_slice %arg3[%add3A_20] : memref<640000xi32, #tpu.memory_space<hbm>> -> memref<64xi32, #tpu.memory_space<hbm>>
    %dma_wait3A_50 = tpu.memref_slice %arg3[%add3A_20] : memref<640000xi32, #tpu.memory_space<hbm>> -> memref<64xi32, #tpu.memory_space<hbm>>
    tpu.wait_dma2 semaphore(%arg31 : memref<!tpu.dma_semaphore, #tpu.memory_space<semaphore_mem>>) src(%dma_wait3A_50 : memref<64xi32, #tpu.memory_space<hbm>>) dst(%arg8 : memref<64xi32, #tpu.memory_space<vmem>>)
    %dma_wait3A_51 = tpu.memref_slice %arg3[%add3A_24] : memref<640000xi32, #tpu.memory_space<hbm>> -> memref<64xi32, #tpu.memory_space<hbm>>
    %dma_wait3A_52 = tpu.memref_slice %arg3[%add3A_24] : memref<640000xi32, #tpu.memory_space<hbm>> -> memref<64xi32, #tpu.memory_space<hbm>>
    tpu.wait_dma2 semaphore(%arg31 : memref<!tpu.dma_semaphore, #tpu.memory_space<semaphore_mem>>) src(%dma_wait3A_52 : memref<64xi32, #tpu.memory_space<hbm>>) dst(%arg16 : memref<64xi32, #tpu.memory_space<vmem>>)
    %dma_start3A_53 = arith.constant 0 : i32
    %dma_start3A_54 = arith.constant 0 : i32
    %dma_start3A_55 = tpu.memref_slice %arg2[%dma_start3A_53, %dma_start3A_54] : memref<10000x128xf32, #tpu.memory_space<hbm>> -> memref<10000x128xf32, #tpu.memory_space<hbm>>
    tpu.enqueue_indirect_dma source(%dma_start3A_55 : memref<10000x128xf32, #tpu.memory_space<hbm>>) target(%arg24 : memref<64x128xf32, #tpu.memory_space<vmem>>) offsets(%arg8 : memref<64xi32, #tpu.memory_space<vmem>>) semaphore(%arg39 : memref<!tpu.dma_semaphore, #tpu.memory_space<semaphore_mem>>)
    %dma_wait3A_56 = tpu.memref_slice %arg3[%add3A_28] : memref<640000xi32, #tpu.memory_space<hbm>> -> memref<64xi32, #tpu.memory_space<hbm>>
    %dma_wait3A_57 = tpu.memref_slice %arg3[%add3A_28] : memref<640000xi32, #tpu.memory_space<hbm>> -> memref<64xi32, #tpu.memory_space<hbm>>
    tpu.wait_dma2 semaphore(%arg32 : memref<!tpu.dma_semaphore, #tpu.memory_space<semaphore_mem>>) src(%dma_wait3A_57 : memref<64xi32, #tpu.memory_space<hbm>>) dst(%arg9 : memref<64xi32, #tpu.memory_space<vmem>>)
    %dma_wait3A_58 = tpu.memref_slice %arg3[%add3A_32] : memref<640000xi32, #tpu.memory_space<hbm>> -> memref<64xi32, #tpu.memory_space<hbm>>
    %dma_wait3A_59 = tpu.memref_slice %arg3[%add3A_32] : memref<640000xi32, #tpu.memory_space<hbm>> -> memref<64xi32, #tpu.memory_space<hbm>>
    tpu.wait_dma2 semaphore(%arg32 : memref<!tpu.dma_semaphore, #tpu.memory_space<semaphore_mem>>) src(%dma_wait3A_59 : memref<64xi32, #tpu.memory_space<hbm>>) dst(%arg17 : memref<64xi32, #tpu.memory_space<vmem>>)
    %dma_start3A_60 = arith.constant 0 : i32
    %dma_start3A_61 = arith.constant 0 : i32
    %dma_start3A_62 = tpu.memref_slice %arg2[%dma_start3A_60, %dma_start3A_61] : memref<10000x128xf32, #tpu.memory_space<hbm>> -> memref<10000x128xf32, #tpu.memory_space<hbm>>
    tpu.enqueue_indirect_dma source(%dma_start3A_62 : memref<10000x128xf32, #tpu.memory_space<hbm>>) target(%arg25 : memref<64x128xf32, #tpu.memory_space<vmem>>) offsets(%arg9 : memref<64xi32, #tpu.memory_space<vmem>>) semaphore(%arg40 : memref<!tpu.dma_semaphore, #tpu.memory_space<semaphore_mem>>)
    %dma_wait3A_63 = tpu.memref_slice %arg3[%add3A_36] : memref<640000xi32, #tpu.memory_space<hbm>> -> memref<64xi32, #tpu.memory_space<hbm>>
    %dma_wait3A_64 = tpu.memref_slice %arg3[%add3A_36] : memref<640000xi32, #tpu.memory_space<hbm>> -> memref<64xi32, #tpu.memory_space<hbm>>
    tpu.wait_dma2 semaphore(%arg33 : memref<!tpu.dma_semaphore, #tpu.memory_space<semaphore_mem>>) src(%dma_wait3A_64 : memref<64xi32, #tpu.memory_space<hbm>>) dst(%arg10 : memref<64xi32, #tpu.memory_space<vmem>>)
    %dma_wait3A_65 = tpu.memref_slice %arg3[%add3A_40] : memref<640000xi32, #tpu.memory_space<hbm>> -> memref<64xi32, #tpu.memory_space<hbm>>
    %dma_wait3A_66 = tpu.memref_slice %arg3[%add3A_40] : memref<640000xi32, #tpu.memory_space<hbm>> -> memref<64xi32, #tpu.memory_space<hbm>>
    tpu.wait_dma2 semaphore(%arg33 : memref<!tpu.dma_semaphore, #tpu.memory_space<semaphore_mem>>) src(%dma_wait3A_66 : memref<64xi32, #tpu.memory_space<hbm>>) dst(%arg18 : memref<64xi32, #tpu.memory_space<vmem>>)
    %dma_start3A_67 = arith.constant 0 : i32
    %dma_start3A_68 = arith.constant 0 : i32
    %dma_start3A_69 = tpu.memref_slice %arg2[%dma_start3A_67, %dma_start3A_68] : memref<10000x128xf32, #tpu.memory_space<hbm>> -> memref<10000x128xf32, #tpu.memory_space<hbm>>
    tpu.enqueue_indirect_dma source(%dma_start3A_69 : memref<10000x128xf32, #tpu.memory_space<hbm>>) target(%arg26 : memref<64x128xf32, #tpu.memory_space<vmem>>) offsets(%arg10 : memref<64xi32, #tpu.memory_space<vmem>>) semaphore(%arg41 : memref<!tpu.dma_semaphore, #tpu.memory_space<semaphore_mem>>)
    %dma_wait3A_70 = arith.constant 0 : i32
    %dma_wait3A_71 = arith.constant 0 : i32
    %dma_wait3A_72 = tpu.memref_slice %arg2[%dma_wait3A_70, %dma_wait3A_71] : memref<10000x128xf32, #tpu.memory_space<hbm>> -> memref<10000x128xf32, #tpu.memory_space<hbm>>
    tpu.wait_indirect_dma semaphore(%arg38 : memref<!tpu.dma_semaphore, #tpu.memory_space<semaphore_mem>>) src(%dma_wait3A_72 : memref<10000x128xf32, #tpu.memory_space<hbm>>) dst(%arg23 : memref<64x128xf32, #tpu.memory_space<vmem>>)
    "tpu.region"() ({
      %run_scoped3A = tpu.sem_alloc : memref<!tpu.dma_semaphore, #tpu.memory_space<semaphore_mem>>
      %dma_start3A_91 = arith.constant 0 : i32
      %dma_start3A_92 = arith.constant 0 : i32
      %dma_start3A_93 = tpu.memref_slice %arg6[%dma_start3A_91, %dma_start3A_92] : memref<10240x128xf32, #tpu.memory_space<vmem_shared>> -> memref<10240x128xf32, #tpu.memory_space<vmem_shared>>
      tpu.enqueue_indirect_dma source(%arg23 : memref<64x128xf32, #tpu.memory_space<vmem>>) target(%dma_start3A_93 : memref<10240x128xf32, #tpu.memory_space<vmem_shared>>) offsets(%arg15 : memref<64xi32, #tpu.memory_space<vmem>>) semaphore(%run_scoped3A : memref<!tpu.dma_semaphore, #tpu.memory_space<semaphore_mem>>) {add = true}
      %dma_wait3A_94 = arith.constant 0 : i32
      %dma_wait3A_95 = arith.constant 0 : i32
      %dma_wait3A_96 = tpu.memref_slice %arg6[%dma_wait3A_94, %dma_wait3A_95] : memref<10240x128xf32, #tpu.memory_space<vmem_shared>> -> memref<10240x128xf32, #tpu.memory_space<vmem_shared>>
      tpu.wait_indirect_dma semaphore(%run_scoped3A : memref<!tpu.dma_semaphore, #tpu.memory_space<semaphore_mem>>) src(%arg23 : memref<64x128xf32, #tpu.memory_space<vmem>>) dst(%dma_wait3A_96 : memref<10240x128xf32, #tpu.memory_space<vmem_shared>>)
      tpu.yield
    }) : () -> ()
    %dma_wait3A_73 = arith.constant 0 : i32
    %dma_wait3A_74 = arith.constant 0 : i32
    %dma_wait3A_75 = tpu.memref_slice %arg2[%dma_wait3A_73, %dma_wait3A_74] : memref<10000x128xf32, #tpu.memory_space<hbm>> -> memref<10000x128xf32, #tpu.memory_space<hbm>>
    tpu.wait_indirect_dma semaphore(%arg39 : memref<!tpu.dma_semaphore, #tpu.memory_space<semaphore_mem>>) src(%dma_wait3A_75 : memref<10000x128xf32, #tpu.memory_space<hbm>>) dst(%arg24 : memref<64x128xf32, #tpu.memory_space<vmem>>)
    "tpu.region"() ({
      %run_scoped3A = tpu.sem_alloc : memref<!tpu.dma_semaphore, #tpu.memory_space<semaphore_mem>>
      %dma_start3A_91 = arith.constant 0 : i32
      %dma_start3A_92 = arith.constant 0 : i32
      %dma_start3A_93 = tpu.memref_slice %arg6[%dma_start3A_91, %dma_start3A_92] : memref<10240x128xf32, #tpu.memory_space<vmem_shared>> -> memref<10240x128xf32, #tpu.memory_space<vmem_shared>>
      tpu.enqueue_indirect_dma source(%arg24 : memref<64x128xf32, #tpu.memory_space<vmem>>) target(%dma_start3A_93 : memref<10240x128xf32, #tpu.memory_space<vmem_shared>>) offsets(%arg16 : memref<64xi32, #tpu.memory_space<vmem>>) semaphore(%run_scoped3A : memref<!tpu.dma_semaphore, #tpu.memory_space<semaphore_mem>>) {add = true}
      %dma_wait3A_94 = arith.constant 0 : i32
      %dma_wait3A_95 = arith.constant 0 : i32
      %dma_wait3A_96 = tpu.memref_slice %arg6[%dma_wait3A_94, %dma_wait3A_95] : memref<10240x128xf32, #tpu.memory_space<vmem_shared>> -> memref<10240x128xf32, #tpu.memory_space<vmem_shared>>
      tpu.wait_indirect_dma semaphore(%run_scoped3A : memref<!tpu.dma_semaphore, #tpu.memory_space<semaphore_mem>>) src(%arg24 : memref<64x128xf32, #tpu.memory_space<vmem>>) dst(%dma_wait3A_96 : memref<10240x128xf32, #tpu.memory_space<vmem_shared>>)
      tpu.yield
    }) : () -> ()
    %dma_wait3A_76 = arith.constant 0 : i32
    %dma_wait3A_77 = arith.constant 0 : i32
    %dma_wait3A_78 = tpu.memref_slice %arg2[%dma_wait3A_76, %dma_wait3A_77] : memref<10000x128xf32, #tpu.memory_space<hbm>> -> memref<10000x128xf32, #tpu.memory_space<hbm>>
    tpu.wait_indirect_dma semaphore(%arg40 : memref<!tpu.dma_semaphore, #tpu.memory_space<semaphore_mem>>) src(%dma_wait3A_78 : memref<10000x128xf32, #tpu.memory_space<hbm>>) dst(%arg25 : memref<64x128xf32, #tpu.memory_space<vmem>>)
    "tpu.region"() ({
      %run_scoped3A = tpu.sem_alloc : memref<!tpu.dma_semaphore, #tpu.memory_space<semaphore_mem>>
      %dma_start3A_91 = arith.constant 0 : i32
      %dma_start3A_92 = arith.constant 0 : i32
      %dma_start3A_93 = tpu.memref_slice %arg6[%dma_start3A_91, %dma_start3A_92] : memref<10240x128xf32, #tpu.memory_space<vmem_shared>> -> memref<10240x128xf32, #tpu.memory_space<vmem_shared>>
      tpu.enqueue_indirect_dma source(%arg25 : memref<64x128xf32, #tpu.memory_space<vmem>>) target(%dma_start3A_93 : memref<10240x128xf32, #tpu.memory_space<vmem_shared>>) offsets(%arg17 : memref<64xi32, #tpu.memory_space<vmem>>) semaphore(%run_scoped3A : memref<!tpu.dma_semaphore, #tpu.memory_space<semaphore_mem>>) {add = true}
      %dma_wait3A_94 = arith.constant 0 : i32
      %dma_wait3A_95 = arith.constant 0 : i32
      %dma_wait3A_96 = tpu.memref_slice %arg6[%dma_wait3A_94, %dma_wait3A_95] : memref<10240x128xf32, #tpu.memory_space<vmem_shared>> -> memref<10240x128xf32, #tpu.memory_space<vmem_shared>>
      tpu.wait_indirect_dma semaphore(%run_scoped3A : memref<!tpu.dma_semaphore, #tpu.memory_space<semaphore_mem>>) src(%arg25 : memref<64x128xf32, #tpu.memory_space<vmem>>) dst(%dma_wait3A_96 : memref<10240x128xf32, #tpu.memory_space<vmem_shared>>)
      tpu.yield
    }) : () -> ()
    %dma_wait3A_79 = arith.constant 0 : i32
    %dma_wait3A_80 = arith.constant 0 : i32
    %dma_wait3A_81 = tpu.memref_slice %arg2[%dma_wait3A_79, %dma_wait3A_80] : memref<10000x128xf32, #tpu.memory_space<hbm>> -> memref<10000x128xf32, #tpu.memory_space<hbm>>
    tpu.wait_indirect_dma semaphore(%arg41 : memref<!tpu.dma_semaphore, #tpu.memory_space<semaphore_mem>>) src(%dma_wait3A_81 : memref<10000x128xf32, #tpu.memory_space<hbm>>) dst(%arg26 : memref<64x128xf32, #tpu.memory_space<vmem>>)
    "tpu.region"() ({
      %run_scoped3A = tpu.sem_alloc : memref<!tpu.dma_semaphore, #tpu.memory_space<semaphore_mem>>
      %dma_start3A_91 = arith.constant 0 : i32
      %dma_start3A_92 = arith.constant 0 : i32
      %dma_start3A_93 = tpu.memref_slice %arg6[%dma_start3A_91, %dma_start3A_92] : memref<10240x128xf32, #tpu.memory_space<vmem_shared>> -> memref<10240x128xf32, #tpu.memory_space<vmem_shared>>
      tpu.enqueue_indirect_dma source(%arg26 : memref<64x128xf32, #tpu.memory_space<vmem>>) target(%dma_start3A_93 : memref<10240x128xf32, #tpu.memory_space<vmem_shared>>) offsets(%arg18 : memref<64xi32, #tpu.memory_space<vmem>>) semaphore(%run_scoped3A : memref<!tpu.dma_semaphore, #tpu.memory_space<semaphore_mem>>) {add = true}
      %dma_wait3A_94 = arith.constant 0 : i32
      %dma_wait3A_95 = arith.constant 0 : i32
      %dma_wait3A_96 = tpu.memref_slice %arg6[%dma_wait3A_94, %dma_wait3A_95] : memref<10240x128xf32, #tpu.memory_space<vmem_shared>> -> memref<10240x128xf32, #tpu.memory_space<vmem_shared>>
      tpu.wait_indirect_dma semaphore(%run_scoped3A : memref<!tpu.dma_semaphore, #tpu.memory_space<semaphore_mem>>) src(%arg26 : memref<64x128xf32, #tpu.memory_space<vmem>>) dst(%dma_wait3A_96 : memref<10240x128xf32, #tpu.memory_space<vmem_shared>>)
      tpu.yield
    }) : () -> ()
    %add3A_82 = arith.constant 9984 : i32
    %add3A_83 = arith.addi %mul3A_4, %add3A_82 : i32
    "tpu.region"() ({
      %run_scoped3A = tpu.sem_alloc : memref<!tpu.dma_semaphore, #tpu.memory_space<semaphore_mem>>
      %dma_start3A_91 = tpu.memref_slice %arg3[%add3A_83] : memref<640000xi32, #tpu.memory_space<hbm>> -> memref<16xi32, #tpu.memory_space<hbm>>
      %dma_start3A_92 = tpu.memref_slice %arg3[%add3A_83] : memref<640000xi32, #tpu.memory_space<hbm>> -> memref<16xi32, #tpu.memory_space<hbm>>
      tpu.enqueue_dma source(%dma_start3A_92 : memref<16xi32, #tpu.memory_space<hbm>>) target(%arg27 : memref<16xi32, #tpu.memory_space<vmem>>) target_semaphore(%run_scoped3A : memref<!tpu.dma_semaphore, #tpu.memory_space<semaphore_mem>>)
      %dma_wait3A_93 = tpu.memref_slice %arg3[%add3A_83] : memref<640000xi32, #tpu.memory_space<hbm>> -> memref<16xi32, #tpu.memory_space<hbm>>
      %dma_wait3A_94 = tpu.memref_slice %arg3[%add3A_83] : memref<640000xi32, #tpu.memory_space<hbm>> -> memref<16xi32, #tpu.memory_space<hbm>>
      tpu.wait_dma2 semaphore(%run_scoped3A : memref<!tpu.dma_semaphore, #tpu.memory_space<semaphore_mem>>) src(%dma_wait3A_94 : memref<16xi32, #tpu.memory_space<hbm>>) dst(%arg27 : memref<16xi32, #tpu.memory_space<vmem>>)
      tpu.yield
    }) : () -> ()
    %add3A_84 = arith.constant 320000 : i32
    %add3A_85 = arith.addi %add3A_84, %add3A_83 : i32
    "tpu.region"() ({
      %run_scoped3A = tpu.sem_alloc : memref<!tpu.dma_semaphore, #tpu.memory_space<semaphore_mem>>
      %dma_start3A_91 = tpu.memref_slice %arg3[%add3A_85] : memref<640000xi32, #tpu.memory_space<hbm>> -> memref<16xi32, #tpu.memory_space<hbm>>
      %dma_start3A_92 = tpu.memref_slice %arg3[%add3A_85] : memref<640000xi32, #tpu.memory_space<hbm>> -> memref<16xi32, #tpu.memory_space<hbm>>
      tpu.enqueue_dma source(%dma_start3A_92 : memref<16xi32, #tpu.memory_space<hbm>>) target(%arg28 : memref<16xi32, #tpu.memory_space<vmem>>) target_semaphore(%run_scoped3A : memref<!tpu.dma_semaphore, #tpu.memory_space<semaphore_mem>>)
      %dma_wait3A_93 = tpu.memref_slice %arg3[%add3A_85] : memref<640000xi32, #tpu.memory_space<hbm>> -> memref<16xi32, #tpu.memory_space<hbm>>
      %dma_wait3A_94 = tpu.memref_slice %arg3[%add3A_85] : memref<640000xi32, #tpu.memory_space<hbm>> -> memref<16xi32, #tpu.memory_space<hbm>>
      tpu.wait_dma2 semaphore(%run_scoped3A : memref<!tpu.dma_semaphore, #tpu.memory_space<semaphore_mem>>) src(%dma_wait3A_94 : memref<16xi32, #tpu.memory_space<hbm>>) dst(%arg28 : memref<16xi32, #tpu.memory_space<vmem>>)
      tpu.yield
    }) : () -> ()
    "tpu.region"() ({
      %run_scoped3A = tpu.sem_alloc : memref<!tpu.dma_semaphore, #tpu.memory_space<semaphore_mem>>
      %dma_start3A_91 = arith.constant 0 : i32
      %dma_start3A_92 = arith.constant 0 : i32
      %dma_start3A_93 = tpu.memref_slice %arg2[%dma_start3A_91, %dma_start3A_92] : memref<10000x128xf32, #tpu.memory_space<hbm>> -> memref<10000x128xf32, #tpu.memory_space<hbm>>
      tpu.enqueue_indirect_dma source(%dma_start3A_93 : memref<10000x128xf32, #tpu.memory_space<hbm>>) target(%arg29 : memref<16x128xf32, #tpu.memory_space<vmem>>) offsets(%arg27 : memref<16xi32, #tpu.memory_space<vmem>>) semaphore(%run_scoped3A : memref<!tpu.dma_semaphore, #tpu.memory_space<semaphore_mem>>)
      %dma_wait3A_94 = arith.constant 0 : i32
      %dma_wait3A_95 = arith.constant 0 : i32
      %dma_wait3A_96 = tpu.memref_slice %arg2[%dma_wait3A_94, %dma_wait3A_95] : memref<10000x128xf32, #tpu.memory_space<hbm>> -> memref<10000x128xf32, #tpu.memory_space<hbm>>
      tpu.wait_indirect_dma semaphore(%run_scoped3A : memref<!tpu.dma_semaphore, #tpu.memory_space<semaphore_mem>>) src(%dma_wait3A_96 : memref<10000x128xf32, #tpu.memory_space<hbm>>) dst(%arg29 : memref<16x128xf32, #tpu.memory_space<vmem>>)
      tpu.yield
    }) : () -> ()
    "tpu.region"() ({
      %run_scoped3A = tpu.sem_alloc : memref<!tpu.dma_semaphore, #tpu.memory_space<semaphore_mem>>
      %dma_start3A_91 = arith.constant 0 : i32
      %dma_start3A_92 = arith.constant 0 : i32
      %dma_start3A_93 = tpu.memref_slice %arg6[%dma_start3A_91, %dma_start3A_92] : memref<10240x128xf32, #tpu.memory_space<vmem_shared>> -> memref<10240x128xf32, #tpu.memory_space<vmem_shared>>
      tpu.enqueue_indirect_dma source(%arg29 : memref<16x128xf32, #tpu.memory_space<vmem>>) target(%dma_start3A_93 : memref<10240x128xf32, #tpu.memory_space<vmem_shared>>) offsets(%arg28 : memref<16xi32, #tpu.memory_space<vmem>>) semaphore(%run_scoped3A : memref<!tpu.dma_semaphore, #tpu.memory_space<semaphore_mem>>) {add = true}
      %dma_wait3A_94 = arith.constant 0 : i32
      %dma_wait3A_95 = arith.constant 0 : i32
      %dma_wait3A_96 = tpu.memref_slice %arg6[%dma_wait3A_94, %dma_wait3A_95] : memref<10240x128xf32, #tpu.memory_space<vmem_shared>> -> memref<10240x128xf32, #tpu.memory_space<vmem_shared>>
      tpu.wait_indirect_dma semaphore(%run_scoped3A : memref<!tpu.dma_semaphore, #tpu.memory_space<semaphore_mem>>) src(%arg29 : memref<16x128xf32, #tpu.memory_space<vmem>>) dst(%dma_wait3A_96 : memref<10240x128xf32, #tpu.memory_space<vmem_shared>>)
      tpu.yield
    }) : () -> ()
    %barrier3A_86 = arith.constant 0 : index
    tpu.barrier barrier_id(%barrier3A_86)
    %mul3A_87 = arith.constant 640 : i32
    %mul3A_88 = arith.muli %arg1, %mul3A_87 : i32
    %mul3A_89 = arith.constant 640 : i32
    %mul3A_90 = arith.muli %arg1, %mul3A_89 : i32
    "tpu.region"() ({
      %run_scoped3A = tpu.sem_alloc : memref<!tpu.dma_semaphore, #tpu.memory_space<semaphore_mem>>
      %dma_start3A_91 = arith.constant 0 : i32
      %dma_start3A_92 = tpu.memref_slice %arg5[%arg0, %mul3A_90, %dma_start3A_91] : memref<2x10240x128xf32, #tpu.memory_space<hbm>> -> memref<1x640x128xf32, #tpu.memory_space<hbm>>
      %dma_start3A_93 = tpu.memref_squeeze %dma_start3A_92 : memref<1x640x128xf32, #tpu.memory_space<hbm>> -> memref<640x128xf32, #tpu.memory_space<hbm>>
      %dma_start3A_94 = arith.constant 0 : i32
      %dma_start3A_95 = tpu.memref_slice %arg6[%mul3A_88, %dma_start3A_94] : memref<10240x128xf32, #tpu.memory_space<vmem_shared>> -> memref<640x128xf32, #tpu.memory_space<vmem_shared>>
      tpu.enqueue_dma source(%dma_start3A_95 : memref<640x128xf32, #tpu.memory_space<vmem_shared>>) target(%dma_start3A_93 : memref<640x128xf32, #tpu.memory_space<hbm>>) target_semaphore(%run_scoped3A : memref<!tpu.dma_semaphore, #tpu.memory_space<semaphore_mem>>)
      %dma_wait3A_96 = arith.constant 0 : i32
      %dma_wait3A_97 = tpu.memref_slice %arg5[%arg0, %mul3A_90, %dma_wait3A_96] : memref<2x10240x128xf32, #tpu.memory_space<hbm>> -> memref<1x640x128xf32, #tpu.memory_space<hbm>>
      %dma_wait3A_98 = tpu.memref_squeeze %dma_wait3A_97 : memref<1x640x128xf32, #tpu.memory_space<hbm>> -> memref<640x128xf32, #tpu.memory_space<hbm>>
      %dma_wait3A_99 = arith.constant 0 : i32
      %dma_wait3A_100 = tpu.memref_slice %arg6[%mul3A_88, %dma_wait3A_99] : memref<10240x128xf32, #tpu.memory_space<vmem_shared>> -> memref<640x128xf32, #tpu.memory_space<vmem_shared>>
      tpu.wait_dma2 semaphore(%run_scoped3A : memref<!tpu.dma_semaphore, #tpu.memory_space<semaphore_mem>>) src(%dma_wait3A_100 : memref<640x128xf32, #tpu.memory_space<vmem_shared>>) dst(%dma_wait3A_98 : memref<640x128xf32, #tpu.memory_space<hbm>>)
      tpu.yield
    }) : () -> ()
    return
  }
}

module attributes {stable_mosaic.version = 14 : i64} {
  func.func @_tc_first_body(%arg0: i32, %arg1: memref<2x1000x32xf32, #tpu.memory_space<vmem>>, %arg2: memref<1000x128xf32, #tpu.memory_space<vmem>>, %arg3: memref<128x128xf32, #tpu.memory_space<vmem>>, %arg4: memref<1000x128xf32, #tpu.memory_space<vmem>>, %arg5: memref<1000x1xf32, #tpu.memory_space<vmem>>, %arg6: memref<1000x1xf32, #tpu.memory_space<vmem>>) attributes {dimension_semantics = [#tpu.dimension_semantics<arbitrary>], iteration_bounds = array<i64: 10>, scalar_prefetch = 0 : i64, scratch_operands = 0 : i64, tpu.core_type = #tpu.core_type<tc>, window_params = [{transform_indices = @transform_0, window_bounds = array<i64: 2, 1000, 32>}, {transform_indices = @transform_1, window_bounds = array<i64: 1000, 128>}, {pipeline_mode = #tpu.pipeline_mode<synchronous>, transform_indices = @transform_2, window_bounds = array<i64: 128, 128>}, {transform_indices = @transform_3, window_bounds = array<i64: 1000, 128>}, {transform_indices = @transform_4, window_bounds = array<i64: 1000, 1>}, {transform_indices = @transform_5, window_bounds = array<i64: 1000, 1>}]} {
    %get3A = arith.constant 0 : index
    %get3A_0 = arith.constant 0 : index
    %get3A_1 = arith.constant 0 : index
    %get3A_2 = vector.load %arg1[%get3A, %get3A_0, %get3A_1] : memref<2x1000x32xf32, #tpu.memory_space<vmem>>, vector<2x1000x32xf32>
    %slice3A = vector.extract_strided_slice %get3A_2 {offsets = [0, 0, 0], sizes = [1, 1000, 32], strides = [1, 1, 1]} : vector<2x1000x32xf32> to vector<1x1000x32xf32>
    %squeeze3A = vector.shape_cast %slice3A : vector<1x1000x32xf32> to vector<1000x32xf32>
    %reduce_sum3A = arith.constant dense<0.000000e+00> : vector<1000xf32>
    %reduce_sum3A_3 = vector.multi_reduction <add>, %squeeze3A, %reduce_sum3A [1] : vector<1000x32xf32> to vector<1000xf32>
    %broadcast_in_dim3A = vector.shape_cast %reduce_sum3A_3 : vector<1000xf32> to vector<1000x1xf32>
    %slice3A_4 = vector.extract_strided_slice %get3A_2 {offsets = [1, 0, 0], sizes = [1, 1000, 32], strides = [1, 1, 1]} : vector<2x1000x32xf32> to vector<1x1000x32xf32>
    %squeeze3A_5 = vector.shape_cast %slice3A_4 : vector<1x1000x32xf32> to vector<1000x32xf32>
    %reduce_sum3A_6 = arith.constant dense<0.000000e+00> : vector<1000xf32>
    %reduce_sum3A_7 = vector.multi_reduction <add>, %squeeze3A_5, %reduce_sum3A_6 [1] : vector<1000x32xf32> to vector<1000xf32>
    %broadcast_in_dim3A_8 = vector.shape_cast %reduce_sum3A_7 : vector<1000xf32> to vector<1000x1xf32>
    %max3A = arith.constant 1.000000e+00 : f32
    %max3A_9 = vector.broadcast %max3A : f32 to vector<1000x1xf32>
    %max3A_10 = arith.maximumf %broadcast_in_dim3A, %max3A_9 : vector<1000x1xf32>
    %rsqrt3A = math.rsqrt %max3A_10 : vector<1000x1xf32>
    %max3A_11 = arith.constant 1.000000e+00 : f32
    %max3A_12 = vector.broadcast %max3A_11 : f32 to vector<1000x1xf32>
    %max3A_13 = arith.maximumf %broadcast_in_dim3A_8, %max3A_12 : vector<1000x1xf32>
    %rsqrt3A_14 = math.rsqrt %max3A_13 : vector<1000x1xf32>
    %get3A_15 = arith.constant 0 : index
    %get3A_16 = arith.constant 0 : index
    %get3A_17 = vector.load %arg2[%get3A_15, %get3A_16] : memref<1000x128xf32, #tpu.memory_space<vmem>>, vector<1000x128xf32>
    %get3A_18 = arith.constant 0 : index
    %get3A_19 = arith.constant 0 : index
    %get3A_20 = vector.load %arg3[%get3A_18, %get3A_19] : memref<128x128xf32, #tpu.memory_space<vmem>>, vector<128x128xf32>
    %dot_general3A = arith.constant dense<0.000000e+00> : vector<1000x128xf32>
    %dot_general3A_21 = tpu.matmul %get3A_17, %get3A_20, %dot_general3A {dimension_numbers = #tpu.dot_dimension_numbers<[1], [0], [0], [1], [0, 0, 1, 1], [], []>, transpose_lhs_hint = false} : vector<1000x128xf32>, vector<128x128xf32>, vector<1000x128xf32> -> vector<1000x128xf32>
    %mul3A = vector.broadcast %rsqrt3A : vector<1000x1xf32> to vector<1000x128xf32>
    %mul3A_22 = arith.mulf %dot_general3A_21, %mul3A : vector<1000x128xf32>
    %swap3A = arith.constant 0 : index
    %swap3A_23 = arith.constant 0 : index
    %swap3A_24 = vector.load %arg4[%swap3A, %swap3A_23] : memref<1000x128xf32, #tpu.memory_space<vmem>>, vector<1000x128xf32>
    tpu.vector_store %arg4[%swap3A, %swap3A_23], %mul3A_22 {strides = array<i32>} : memref<1000x128xf32, #tpu.memory_space<vmem>>, vector<1000x128xf32>,
    %swap3A_25 = arith.constant 0 : index
    %swap3A_26 = arith.constant 0 : index
    %swap3A_27 = vector.load %arg5[%swap3A_25, %swap3A_26] : memref<1000x1xf32, #tpu.memory_space<vmem>>, vector<1000x1xf32>
    tpu.vector_store %arg5[%swap3A_25, %swap3A_26], %rsqrt3A {strides = array<i32>} : memref<1000x1xf32, #tpu.memory_space<vmem>>, vector<1000x1xf32>,
    %swap3A_28 = arith.constant 0 : index
    %swap3A_29 = arith.constant 0 : index
    %swap3A_30 = vector.load %arg6[%swap3A_28, %swap3A_29] : memref<1000x1xf32, #tpu.memory_space<vmem>>, vector<1000x1xf32>
    tpu.vector_store %arg6[%swap3A_28, %swap3A_29], %rsqrt3A_14 {strides = array<i32>} : memref<1000x1xf32, #tpu.memory_space<vmem>>, vector<1000x1xf32>,
    return
  }
  func.func @transform_0(%arg0: i32) -> (i32, i32, i32) {
    %c0_i32 = arith.constant 0 : i32
    %c0_i32_0 = arith.constant 0 : i32
    %c0_i32_1 = arith.constant 0 : i32
    return %c0_i32, %arg0, %c0_i32_0 : i32, i32, i32
  }
  func.func @transform_1(%arg0: i32) -> (i32, i32) {
    %c0_i32 = arith.constant 0 : i32
    %c0_i32_0 = arith.constant 0 : i32
    return %arg0, %c0_i32 : i32, i32
  }
  func.func @transform_2(%arg0: i32) -> (i32, i32) {
    %c0_i32 = arith.constant 0 : i32
    %c0_i32_0 = arith.constant 0 : i32
    %c0_i32_1 = arith.constant 0 : i32
    return %c0_i32, %c0_i32_0 : i32, i32
  }
  func.func @transform_3(%arg0: i32) -> (i32, i32) {
    %c0_i32 = arith.constant 0 : i32
    %c0_i32_0 = arith.constant 0 : i32
    return %arg0, %c0_i32 : i32, i32
  }
  func.func @transform_4(%arg0: i32) -> (i32, i32) {
    %c0_i32 = arith.constant 0 : i32
    %c0_i32_0 = arith.constant 0 : i32
    return %arg0, %c0_i32 : i32, i32
  }
  func.func @transform_5(%arg0: i32) -> (i32, i32) {
    %c0_i32 = arith.constant 0 : i32
    %c0_i32_0 = arith.constant 0 : i32
    return %arg0, %c0_i32 : i32, i32
  }
}

module attributes {stable_mosaic.version = 14 : i64} {
  func.func @_tc_mid_body(%arg0: i32, %arg1: memref<2x1000x128xf32, #tpu.memory_space<vmem>>, %arg2: memref<1000x1xf32, #tpu.memory_space<vmem>>, %arg3: memref<1000x1xf32, #tpu.memory_space<vmem>>, %arg4: memref<128x128xf32, #tpu.memory_space<vmem>>, %arg5: memref<1x128xf32, #tpu.memory_space<vmem>>, %arg6: memref<1000x128xf32, #tpu.memory_space<vmem>>) attributes {dimension_semantics = [#tpu.dimension_semantics<arbitrary>], iteration_bounds = array<i64: 10>, scalar_prefetch = 0 : i64, scratch_operands = 0 : i64, tpu.core_type = #tpu.core_type<tc>, window_params = [{transform_indices = @transform_0, window_bounds = array<i64: 2, 1000, 128>}, {transform_indices = @transform_1, window_bounds = array<i64: 1000, 1>}, {transform_indices = @transform_2, window_bounds = array<i64: 1000, 1>}, {pipeline_mode = #tpu.pipeline_mode<synchronous>, transform_indices = @transform_3, window_bounds = array<i64: 128, 128>}, {pipeline_mode = #tpu.pipeline_mode<synchronous>, transform_indices = @transform_4, window_bounds = array<i64: 1, 128>}, {transform_indices = @transform_5, window_bounds = array<i64: 1000, 128>}]} {
    %get3A = arith.constant 0 : index
    %get3A_0 = arith.constant 0 : index
    %get3A_1 = arith.constant 0 : index
    %get3A_2 = vector.load %arg1[%get3A, %get3A_0, %get3A_1] : memref<2x1000x128xf32, #tpu.memory_space<vmem>>, vector<1x1000x128xf32>
    %get3A_3 = vector.shape_cast %get3A_2 : vector<1x1000x128xf32> to vector<1000x128xf32>
    %get3A_4 = arith.constant 1 : index
    %get3A_5 = arith.constant 0 : index
    %get3A_6 = arith.constant 0 : index
    %get3A_7 = vector.load %arg1[%get3A_4, %get3A_5, %get3A_6] : memref<2x1000x128xf32, #tpu.memory_space<vmem>>, vector<1x1000x128xf32>
    %get3A_8 = vector.shape_cast %get3A_7 : vector<1x1000x128xf32> to vector<1000x128xf32>
    %add3A = arith.addf %get3A_3, %get3A_8 : vector<1000x128xf32>
    %get3A_9 = arith.constant 0 : index
    %get3A_10 = arith.constant 0 : index
    %get3A_11 = vector.load %arg2[%get3A_9, %get3A_10] : memref<1000x1xf32, #tpu.memory_space<vmem>>, vector<1000x1xf32>
    %mul3A = vector.broadcast %get3A_11 : vector<1000x1xf32> to vector<1000x128xf32>
    %mul3A_12 = arith.mulf %add3A, %mul3A : vector<1000x128xf32>
    %get3A_13 = arith.constant 0 : index
    %get3A_14 = arith.constant 0 : index
    %get3A_15 = vector.load %arg5[%get3A_13, %get3A_14] : memref<1x128xf32, #tpu.memory_space<vmem>>, vector<1x128xf32>
    %add3A_16 = vector.broadcast %get3A_15 : vector<1x128xf32> to vector<1000x128xf32>
    %add3A_17 = arith.addf %mul3A_12, %add3A_16 : vector<1000x128xf32>
    %max3A = arith.constant 0.000000e+00 : f32
    %max3A_18 = vector.broadcast %max3A : f32 to vector<1000x128xf32>
    %max3A_19 = arith.maximumf %add3A_17, %max3A_18 : vector<1000x128xf32>
    %get3A_20 = arith.constant 0 : index
    %get3A_21 = arith.constant 0 : index
    %get3A_22 = vector.load %arg4[%get3A_20, %get3A_21] : memref<128x128xf32, #tpu.memory_space<vmem>>, vector<128x128xf32>
    %dot_general3A = arith.constant dense<0.000000e+00> : vector<1000x128xf32>
    %dot_general3A_23 = tpu.matmul %max3A_19, %get3A_22, %dot_general3A {dimension_numbers = #tpu.dot_dimension_numbers<[1], [0], [0], [1], [0, 0, 1, 1], [], []>, transpose_lhs_hint = false} : vector<1000x128xf32>, vector<128x128xf32>, vector<1000x128xf32> -> vector<1000x128xf32>
    %get3A_24 = arith.constant 0 : index
    %get3A_25 = arith.constant 0 : index
    %get3A_26 = vector.load %arg3[%get3A_24, %get3A_25] : memref<1000x1xf32, #tpu.memory_space<vmem>>, vector<1000x1xf32>
    %mul3A_27 = vector.broadcast %get3A_26 : vector<1000x1xf32> to vector<1000x128xf32>
    %mul3A_28 = arith.mulf %dot_general3A_23, %mul3A_27 : vector<1000x128xf32>
    %swap3A = arith.constant 0 : index
    %swap3A_29 = arith.constant 0 : index
    %swap3A_30 = vector.load %arg6[%swap3A, %swap3A_29] : memref<1000x128xf32, #tpu.memory_space<vmem>>, vector<1000x128xf32>
    tpu.vector_store %arg6[%swap3A, %swap3A_29], %mul3A_28 {strides = array<i32>} : memref<1000x128xf32, #tpu.memory_space<vmem>>, vector<1000x128xf32>,
    return
  }
  func.func @transform_0(%arg0: i32) -> (i32, i32, i32) {
    %c0_i32 = arith.constant 0 : i32
    %c0_i32_0 = arith.constant 0 : i32
    %c0_i32_1 = arith.constant 0 : i32
    return %c0_i32, %arg0, %c0_i32_0 : i32, i32, i32
  }
  func.func @transform_1(%arg0: i32) -> (i32, i32) {
    %c0_i32 = arith.constant 0 : i32
    %c0_i32_0 = arith.constant 0 : i32
    return %arg0, %c0_i32 : i32, i32
  }
  func.func @transform_2(%arg0: i32) -> (i32, i32) {
    %c0_i32 = arith.constant 0 : i32
    %c0_i32_0 = arith.constant 0 : i32
    return %arg0, %c0_i32 : i32, i32
  }
  func.func @transform_3(%arg0: i32) -> (i32, i32) {
    %c0_i32 = arith.constant 0 : i32
    %c0_i32_0 = arith.constant 0 : i32
    %c0_i32_1 = arith.constant 0 : i32
    return %c0_i32, %c0_i32_0 : i32, i32
  }
  func.func @transform_4(%arg0: i32) -> (i32, i32) {
    %c0_i32 = arith.constant 0 : i32
    %c0_i32_0 = arith.constant 0 : i32
    %c0_i32_1 = arith.constant 0 : i32
    return %c0_i32, %c0_i32_0 : i32, i32
  }
  func.func @transform_5(%arg0: i32) -> (i32, i32) {
    %c0_i32 = arith.constant 0 : i32
    %c0_i32_0 = arith.constant 0 : i32
    return %arg0, %c0_i32 : i32, i32
  }
}

module attributes {stable_mosaic.version = 14 : i64} {
  func.func @_tc_final_body(%arg0: i32, %arg1: memref<2x1000x128xf32, #tpu.memory_space<vmem>>, %arg2: memref<1000x1xf32, #tpu.memory_space<vmem>>, %arg3: memref<1x128xf32, #tpu.memory_space<vmem>>, %arg4: memref<1000x128xf32, #tpu.memory_space<vmem>>) attributes {dimension_semantics = [#tpu.dimension_semantics<arbitrary>], iteration_bounds = array<i64: 10>, scalar_prefetch = 0 : i64, scratch_operands = 0 : i64, tpu.core_type = #tpu.core_type<tc>, window_params = [{transform_indices = @transform_0, window_bounds = array<i64: 2, 1000, 128>}, {transform_indices = @transform_1, window_bounds = array<i64: 1000, 1>}, {pipeline_mode = #tpu.pipeline_mode<synchronous>, transform_indices = @transform_2, window_bounds = array<i64: 1, 128>}, {transform_indices = @transform_3, window_bounds = array<i64: 1000, 128>}]} {
    %get3A = arith.constant 0 : index
    %get3A_0 = arith.constant 0 : index
    %get3A_1 = arith.constant 0 : index
    %get3A_2 = vector.load %arg1[%get3A, %get3A_0, %get3A_1] : memref<2x1000x128xf32, #tpu.memory_space<vmem>>, vector<1x1000x128xf32>
    %get3A_3 = vector.shape_cast %get3A_2 : vector<1x1000x128xf32> to vector<1000x128xf32>
    %get3A_4 = arith.constant 1 : index
    %get3A_5 = arith.constant 0 : index
    %get3A_6 = arith.constant 0 : index
    %get3A_7 = vector.load %arg1[%get3A_4, %get3A_5, %get3A_6] : memref<2x1000x128xf32, #tpu.memory_space<vmem>>, vector<1x1000x128xf32>
    %get3A_8 = vector.shape_cast %get3A_7 : vector<1x1000x128xf32> to vector<1000x128xf32>
    %add3A = arith.addf %get3A_3, %get3A_8 : vector<1000x128xf32>
    %get3A_9 = arith.constant 0 : index
    %get3A_10 = arith.constant 0 : index
    %get3A_11 = vector.load %arg2[%get3A_9, %get3A_10] : memref<1000x1xf32, #tpu.memory_space<vmem>>, vector<1000x1xf32>
    %mul3A = vector.broadcast %get3A_11 : vector<1000x1xf32> to vector<1000x128xf32>
    %mul3A_12 = arith.mulf %add3A, %mul3A : vector<1000x128xf32>
    %get3A_13 = arith.constant 0 : index
    %get3A_14 = arith.constant 0 : index
    %get3A_15 = vector.load %arg3[%get3A_13, %get3A_14] : memref<1x128xf32, #tpu.memory_space<vmem>>, vector<1x128xf32>
    %add3A_16 = vector.broadcast %get3A_15 : vector<1x128xf32> to vector<1000x128xf32>
    %add3A_17 = arith.addf %mul3A_12, %add3A_16 : vector<1000x128xf32>
    %swap3A = arith.constant 0 : index
    %swap3A_18 = arith.constant 0 : index
    %swap3A_19 = vector.load %arg4[%swap3A, %swap3A_18] : memref<1000x128xf32, #tpu.memory_space<vmem>>, vector<1000x128xf32>
    tpu.vector_store %arg4[%swap3A, %swap3A_18], %add3A_17 {strides = array<i32>} : memref<1000x128xf32, #tpu.memory_space<vmem>>, vector<1000x128xf32>,
    return
  }
  func.func @transform_0(%arg0: i32) -> (i32, i32, i32) {
    %c0_i32 = arith.constant 0 : i32
    %c0_i32_0 = arith.constant 0 : i32
    %c0_i32_1 = arith.constant 0 : i32
    return %c0_i32, %arg0, %c0_i32_0 : i32, i32, i32
  }
  func.func @transform_1(%arg0: i32) -> (i32, i32) {
    %c0_i32 = arith.constant 0 : i32
    %c0_i32_0 = arith.constant 0 : i32
    return %arg0, %c0_i32 : i32, i32
  }
  func.func @transform_2(%arg0: i32) -> (i32, i32) {
    %c0_i32 = arith.constant 0 : i32
    %c0_i32_0 = arith.constant 0 : i32
    %c0_i32_1 = arith.constant 0 : i32
    return %c0_i32, %c0_i32_0 : i32, i32
  }
  func.func @transform_3(%arg0: i32) -> (i32, i32) {
    %c0_i32 = arith.constant 0 : i32
    %c0_i32_0 = arith.constant 0 : i32
    return %arg0, %c0_i32 : i32, i32
  }
}

</mosaic_0001>

<sc_bundles>
// kernel: kernel.11.cloned.1.call-start
scs
__scs_entry_jumppad:
0x0: {  	(pc) =	sbr.rel $0x88, $3  }
0x1: {  	(tag) =	ssettag $0x0;
	lr =	simm.s32 $0x1  }
0x2: {  	[smem:$0x3F9B] =	sst lr;
	_ =	strace $0xD0000000  }
0x3: {  	_ = 	snop  }
0x4: {  	_ = 	snop  }
0x5: {  	_ = 	snop  }
0x6: {  	_ = 	snop  }
0x7: {  	_ = 	snop  }
__scs_overlays_trampoline_lowered:
0x8: {  	[smem:$0x3FAA] =	sst s0  }
0x9: {  	[smem:$0x3FAB] =	sst s1  }
0xa: {  	[smem:$0x3FAC] =	sst s2  }
0xb: {  	[smem:$0x3FAD] =	sst s3  }
0xc: {  	[smem:$0x3FAE] =	sst s4  }
0xd: {  	[smem:$0x3FAF] =	sst s5  }
0xe: {  	[smem:$0x3FB0] =	sst s6  }
0xf: {  	[smem:$0x3FB1] =	sst s7  }
0x10: {  	[smem:$0x3FB2] =	sst s8  }
0x11: {  	[smem:$0x3FB3] =	sst s9;
	s0 =	simm.s32 @!p0 $0x0  }
0x12: {  	s1 =	sld [smem:$0x3F99];
	s0 =	simm.s32 @p0 $0x1  }
0x13: {  	[smem:$0x3FB4] =	sst s0;
	s0 =	simm.s32 @!p1 $0x0  }
0x14: {  	s2 =	sld [smem:$0x3F98];
	s0 =	simm.s32 @p1 $0x1  }
0x15: {  	[smem:$0x3FB5] =	sst s0;
	s0 =	simm.s32 @!p2 $0x0  }
0x16: {  	s3 =	sld [smem:$0x3FDB];
	s0 =	simm.s32 @p2 $0x1  }
0x17: {  	s4 =	simm.s32 $0x1BF5;
	[smem:$0x3FB7] =	sst s0  }
0x18: {  	s0 =	sld [smem:$0x3F9A];
	_ =	swait.ge [sflag:s4], $0x0  }
0x19: {  	s7 =	sld [smem:$0x3F9B]  }
0x1a: {  	s8 =	sadd.s32 $0xFFFFE003, lr  }
0x1b: {  	s9 =	sadd.s32 $0xFFFFFEF7, lr;
	s5 =	simm.s32 $0xFFFFFFFF;
	p2 =	slt.u32 s8, $0xFFFFF086  }
0x1c: {  	p1 =	slt.u32 s9, $0xF7A;
	s5 =	simm.s32 @!p2 $0x0  }
0x1d: {  	s5 =	simm.s32 @p1 $0x1;
	p0 =	seq.s32 s7, s2  }
0x1e: {  	s7 =	smul.u32 @!p0 $0xF7A, s2;
	p2 =	seq.s32 @!p0 s5, $0x0  }
0x1f: {  	s9 =	smul.u32 $0xF7A, s1;
	s8 =	simm.s32 @!p0 $0x1BF5;
	p2 =	por !p2, p0  }
0x20: {  	[sflag:s8] =	ssyncset.s32 @!p0 $0xFFFFF086;
	s6 =	sadd.s32 @!p0 s3, s7;
	s7 =	simm.s32 @!p0 $0x108  }
0x21: {  	s3 =	sadd.s32 s3, s9;
	s6 =	sadd.s32 @!p0 $0x88, s6;
	s7 =	simm.s32 @p2 $0x1082  }
0x22: {  	[simem:s7], [sflag:s8] =	dma.local @!p0 [hbm:s6], $0xF7A  }
0x23: {  	s9 =	sor.u32 $0xD0000000, s2;
	s6 =	simm.s32 $0x108;
	_ =	swait.ge @!p0 [sflag:s8], $0x0  }
0x24: {  	s3 =	sadd.s32 $0x88, s3;
	s6 =	simm.s32 @!p1 $0x1082;
	[sflag:s4] =	ssyncset.s32 $0xFFFFF086  }
0x25: {  	[simem:s6], [sflag:s4] =	dma.local [hbm:s3], $0xF7A  }
0x26: {  	[smem:$0x3F9B] =	sst s1;
	(tag) =	ssettag s2;
	_ =	strace s9  }
0x27: {  	s1 =	sld [smem:$0x3FAB]  }
0x28: {  	s2 =	sld [smem:$0x3FAC]  }
0x29: {  	s4 =	sld [smem:$0x3FAE]  }
0x2a: {  	p0 =	seq.s32 s5, $0x0;
	s5 =	sld [smem:$0x3FAF]  }
0x2b: {  	s6 =	sld [smem:$0x3FB0]  }
0x2c: {  	s7 =	sld [smem:$0x3FB1]  }
0x2d: {  	s3 =	simm.s32 $0x108;
	s8 =	sld [smem:$0x3FB2]  }
0x2e: {  	s3 =	simm.s32 @!p0 $0x1082;
	s9 =	sld [smem:$0x3FB3]  }
0x2f: {  	lr =	sadd.s32 s0, s3;
	s0 =	sld [smem:$0x3FAA]  }
0x30: {  	s3 =	sld [smem:$0x3FAD]  }
0x31: {  	[smem:$0x3FB6] =	sst s10  }
0x32: {  	s10 =	sld [smem:$0x3FB4];
	_ =	sdelay $0x3  }
0x33: {  	p0 =	seq.s32 s10, $0x1;
	s10 =	sld [smem:$0x3FB6];
	_ =	sdelay $0x3  }
0x34: {  	[smem:$0x3FB6] =	sst s10  }
0x35: {  	s10 =	sld [smem:$0x3FB5];
	_ =	sdelay $0x3  }
0x36: {  	p1 =	seq.s32 s10, $0x1;
	s10 =	sld [smem:$0x3FB6];
	_ =	sdelay $0x3  }
0x37: {  	[smem:$0x3FB6] =	sst s10  }
0x38: {  	s10 =	sld [smem:$0x3FB7]  }
0x39: {  	_ = 	snop;
	(pc) =	sbr.ind lr, $3  }
0x3a: {  	_ = 	snop  }
0x3b: {  	_ = 	snop  }
0x3c: {  	p2 =	seq.s32 s10, $0x1;
	s10 =	sld [smem:$0x3FB6]  }
0x3d: {  	_ =	shalt  }
0x3e: {  	_ =	shalt  }
0x3f: {  	_ =	shalt  }
0x40: {  	_ =	shalt  }
0x41: {  	_ =	shalt  }
0x42: {  	_ =	shalt  }
0x43: {  	_ =	shalt  }
0x44: {  	_ =	shalt  }
0x45: {  	_ =	shalt  }
0x46: {  	_ =	shalt  }
0x47: {  	_ =	shalt  }
0x48: {  	_ =	shalt  }
0x49: {  	_ =	shalt  }
0x4a: {  	_ =	shalt  }
0x4b: {  	_ =	shalt  }
0x4c: {  	_ =	shalt  }
0x4d: {  	_ =	shalt  }
0x4e: {  	_ =	shalt  }
0x4f: {  	_ =	shalt  }
0x50: {  	_ =	shalt  }
0x51: {  	_ =	shalt  }
0x52: {  	_ =	shalt  }
0x53: {  	_ =	shalt  }
0x54: {  	_ =	shalt  }
0x55: {  	_ =	shalt  }
0x56: {  	_ =	shalt  }
0x57: {  	_ =	shalt  }
0x58: {  	_ =	shalt  }
0x59: {  	_ =	shalt  }
0x5a: {  	_ =	shalt  }
0x5b: {  	_ =	shalt  }
0x5c: {  	_ =	shalt  }
0x5d: {  	_ =	shalt  }
0x5e: {  	_ =	shalt  }
0x5f: {  	_ =	shalt  }
0x60: {  	_ =	shalt  }
0x61: {  	_ =	shalt  }
0x62: {  	_ =	shalt  }
0x63: {  	_ =	shalt  }
0x64: {  	_ =	shalt  }
0x65: {  	_ =	shalt  }
0x66: {  	_ =	shalt  }
0x67: {  	_ =	shalt  }
0x68: {  	_ =	shalt  }
0x69: {  	_ =	shalt  }
0x6a: {  	_ =	shalt  }
0x6b: {  	_ =	shalt  }
0x6c: {  	_ =	shalt  }
0x6d: {  	_ =	shalt  }
0x6e: {  	_ =	shalt  }
0x6f: {  	_ =	shalt  }
0x70: {  	_ =	shalt  }
0x71: {  	_ =	shalt  }
0x72: {  	_ =	shalt  }
0x73: {  	_ =	shalt  }
0x74: {  	_ =	shalt  }
0x75: {  	_ =	shalt  }
0x76: {  	_ =	shalt  }
0x77: {  	_ =	shalt  }
0x78: {  	_ =	shalt  }
0x79: {  	_ =	shalt  }
0x7a: {  	_ =	shalt  }
0x7b: {  	_ =	shalt  }
0x7c: {  	_ =	shalt  }
0x7d: {  	_ =	shalt  }
0x7e: {  	_ =	shalt  }
0x7f: {  	_ =	shalt  }
0x80: {  	_ =	shalt  }
0x81: {  	_ =	shalt  }
0x82: {  	_ =	shalt  }
0x83: {  	_ =	shalt  }
0x84: {  	_ =	shalt  }
0x85: {  	_ =	shalt  }
0x86: {  	_ =	shalt  }
0x87: {  	_ =	shalt  }
.Lfunc_end0:
.L_simem_size_0:
called_computation.1_lowered:
.L_overlay_start_0:
0x88: {  	s2 =	sld [smem:$0x3FD9]  }
0x89: {  	s3 =	sld [smem:$0x3FFE];
	_ =	sdelay $0x1  }
0x8a: {  	s1 =	srdreg.scid  }
0x8b: {  	s0 =	sand.u32 $0x1, s1  }
0x8c: {  	s17 =	sshll.u32 s0, $0xA;
	s2 =	sadd.s32 s3, s2  }
0x8d: {  	s2 =	sadd.s32 s2, s17  }
0x8e: {  	[smem:$0x3FC2] =	sst s2  }
0x8f: {  	_ = 	snop  }
0x90: {  	s2 =	sld [smem:$0x3FD0];
	(tm) =	ssettm $0x1  }
0x91: {  	s18 =	sld [smem:$0x3FFB];
	_ =	sdelay $0x3  }
0x92: {  	_ =	strace s18  }
0x93: {  	s3 =	sld [smem:$0x3FFC];
	_ =	sdelay $0x3  }
0x94: {  	_ =	strace s3  }
0x95: {  	s3 =	sld [smem:$0x3FFD];
	_ =	sdelay $0x3  }
0x96: {  	_ =	strace s3  }
0x97: {  	_ =	strace $0x8FFFFFFF  }
0x98: {  	s19 =	sld [smem:$0x3FDB];
	_ =	sdelay $0x1  }
0x99: {  	s4 =	simm.s32 $_scs_section_size  }
0x9a: {  	s5 =	simm.s32 $_size__tile_overlayer_lowered;
	s6 =	simm.s32 $_tile_overlayer_lowered  }
0x9b: {  	s22 =	simm.s32 $0x1BFF;
	s21 =	sshll.u32 s6, $0x1;
	s3 =	sadd.s32 s4, s19  }
0x9c: {  	s7 =	simm.s32 $0x0;
	s20 =	sshll.u32 s5, $0x1;
	s5 =	sadd.s32 s21, s3  }
0x9d: {  	[timem:s7], [sflag:s22] =	dma.local [hbm:s5], s20  }
0x9e: {  	_ =	swait.ge [sflag:s22], s20  }
0x9f: {  	s4 =	ssub.s32 $0x0, s20;
	[sflag:s22] =	ssyncset.done $0x0  }
0xa0: {  	[sflag:s22] =	ssyncadd.s32 s4;
	_ =	sdelay $0x1  }
0xa1: {  	s23 =	simm.s32 $0x1B8B  }
0xa2: {  	_ =	swait.ge [sflag:s23], $0x1  }
0xa3: {  	[sflag:s23] =	ssyncset.done $0x0  }
0xa4: {  	s25 =	simm.s32 $0x1B8E;
	s24 =	sld [smem:$0x3FFE];
	[sflag:s23] =	ssyncadd.s32 $0xFFFFFFFF  }
0xa5: {  	s26 =	simm.s32 $execute0_lowered;
	[smem:$0x3FD2] =	sst s25  }
0xa6: {  	s5 =	sshll.u32 s26, $0x1;
	_ =	strace $0x80000049;
	[dreg:$0x1] =	wrdreg $0xFFFFFFFF  }
0xa7: {  	s28 =	simm.s32 $_size_execute0_lowered;
	s3 =	sadd.s32 s3, s5;
	[dreg:$0x0] =	wrdreg $0x0  }
0xa8: {  	s5 =	sshll.u32 s28, $0x1;
	[dreg:$0x2] =	wrdreg s3  }
0xa9: {  	[dreg:$0x3] =	wrdreg s5  }
0xaa: {  	[dreg:$0x4] =	wrdreg $0xC0  }
0xab: {  	_ =	task [dreg:s7], $0x5FFFF  }
0xac: {  	[dreg:$0x1] =	wrdreg $0xFFFFFFFF  }
0xad: {  	[dreg:$0x0] =	wrdreg $0x60  }
0xae: {  	[dreg:$0x2] =	wrdreg s2  }
0xaf: {  	[dreg:$0x3] =	wrdreg s24  }
0xb0: {  	[dreg:$0x4] =	wrdreg $0x0  }
0xb1: {  	[dreg:$0x5] =	wrdreg $0x9  }
0xb2: {  	_ =	task.clear_ibuf [dreg:s7], $0x6FFFF;
	_ =	strace $0x90000049  }
0xb3: {  	s29 =	simm.s32 $0x9;
	_ =	strace $0x8000004B  }
0xb4: {  	_ =	swait.ge [sflag:s29], $0x1  }
0xb5: {  	[sflag:s29] =	ssyncadd.s32 $0xFFFFFFFF  }
0xb6: {  	_ =	strace $0x9000004B  }
0xb7: {  	_ =	sfence  }
0xb8: {  	s30 =	sld [smem:$0x0];
	_ =	sdelay $0x2  }
0xb9: {  	s31 =	sshll.u32 s1, $0xD;
	s1 =	sshrl.u32 s1, $0x2  }
0xba: {  	s3 =	sand.u32 $0x4000, s31;
	s1 =	sadd.s32 s1, s30  }
0xbb: {  	s0 =	sor.u32 s3, s0;
	s1 =	sshll.u32 s1, $0x11  }
0xbc: {  	s0 =	sor.u32 s1, s0  }
0xbd: {  	s0 =	sadd.s32 $0x8F2B, s0  }
0xbe: {  	[sflag:s0] =	ssyncadd.remote.s32 $0x1  }
0xbf: {  	_ =	sfence.sel $0xFFFF  }
0xc0: {  	[dreg:$0x0] =	wrdreg $0xFFFFFFFF;
	(pc) =	sbr.abs _section_cstart, $3  }
0xc1: {  	[dreg:$0x1] =	wrdreg $0xFFFFFFFF  }
0xc2: {  	_ =	task.clear_ibuf [dreg:s7], $0x2FFFF;
	_ =	strace $0x9FFFFFFF  }
0xc3: {  	(tm) =	ssettm $0x7FFFFFFF  }
tec
execute0_lowered:
.L_overlay_start_1:
0x0: {  	(tag) =	ssettag $0x1  }
0x1: {  	s1 =	rddreg [dreg:$0x0]  }
0x2: {  	s3 =	rddreg [dreg:$0x1]  }
0x3: {  	s2 =	rddreg [dreg:$0x2];
	s10 =	stileid.u32  }
0x4: {  	s4 =	simm.s32 $0x0;
	s0 =	srdreg.scid;
	s6 =	smul.u32 $0x14000, s10  }
0x5: {  	[smem:$0x7FF] =	sst s4;
	s23 =	smul.u32 $0x50000, s10  }
0x6: {  	s7 =	sand.u32 $0x1, s0;
	s0 =	sadd.s32 $0x2400, s3;
	s29 =	smul.u32 $0x2710, s10  }
0x7: {  	s8 =	sadd.s32 $0x15E00, s3;
	s25 =	sshll.u32 s10, $0x6;
	s5 =	smul.u32 $0x140000, s7  }
0x8: {  	_ =	strace $0x8000004A;
	[dreg:$0x14] =	wrdreg s8;
	s21 =	sshll.u32 s7, $0x4  }
0x9: {  	s9 =	ssub.s32 $0x2, s7;
	s7 =	smul.u32 $0x27100, s7;
	s28 =	sor.u32 $0x1C0D, s25  }
0xa: {  	s22 =	sor.u32 s10, s21;
	s24 =	sshrl.u32 s9, $0x1;
	s8 =	sshrl.u32 s23, $0x2  }
0xb: {  	[dreg:$0x16] =	wrdreg s28;
	s5 =	sadd.s32 s6, s5;
	s6 =	smul.u32 $0x2710, s22  }
0xc: {  	s8 =	sadd.s32 s8, s2;
	s7 =	sadd.s32 s29, s7;
	s5 =	sshrl.u32 s5, $0x3  }
0xd: {  	[dreg:$0x15] =	wrdreg s8;
	s15 =	sshrl.u32 s7, $0x3;
	s17 =	sadd.s32 $0x4E3C0, s7  }
0xe: {  	s19 =	sadd.s32 $0x1C0, s7;
	s20 =	sadd.s32 $0x4E380, s7;
	s3 =	sadd.s32 s5, s3  }
0xf: {  	s5 =	ssub.s32 s9, s24;
	s8 =	sadd.s32 s15, s0;
	s18 =	sshrl.u32 s17, $0x3  }
0x10: {  	s9 =	sshrl.u32 s19, $0x3;
	[dreg:$0x4] =	wrdreg s8;
	s8 =	sadd.s32 s18, s0  }
0x11: {  	s22 =	sshrl.u32 s20, $0x3;
	s21 =	sadd.s32 s9, s0;
	[dreg:$0x5] =	wrdreg s8  }
0x12: {  	s6 =	sshrl.u32 s6, $0x3;
	s23 =	sadd.s32 s22, s0;
	[dreg:$0x6] =	wrdreg s21  }
0x13: {  	s6 =	sadd.s32 s0, s6;
	s3 =	sadd.s32 $0x18600, s3;
	[dreg:$0x7] =	wrdreg s23  }
0x14: {  	s26 =	sadd.s32 $0x4C0, s6;
	[smem:$0x7FC] =	sst s3  }
0x15: {  	s29 =	sadd.s32 $0x140, s7;
	s30 =	sadd.s32 $0xA100, s6;
	[dreg:$0x17] =	wrdreg s26  }
0x16: {  	s24 =	sadd.s32 $0x180, s7;
	s31 =	sadd.s32 $0x4C8, s6;
	[dreg:$0x18] =	wrdreg s30  }
0x17: {  	s20 =	sadd.s32 $0x4E280, s7;
	s10 =	sadd.s32 $0xA108, s6;
	[dreg:$0x19] =	wrdreg s31  }
0x18: {  	s25 =	sshrl.u32 s24, $0x3;
	s11 =	sadd.s32 $0x4D0, s6;
	[dreg:$0x1a] =	wrdreg s10  }
0x19: {  	s18 =	sadd.s32 $0xC0, s7;
	s12 =	sadd.s32 $0xA110, s6;
	[dreg:$0x1b] =	wrdreg s11  }
0x1a: {  	s13 =	sadd.s32 $0x4D8, s6;
	s14 =	sadd.s32 $0xA118, s6;
	[dreg:$0x1c] =	wrdreg s12  }
0x1b: {  	s16 =	sadd.s32 $0x4E0, s6;
	s8 =	sadd.s32 s25, s0;
	[dreg:$0x1d] =	wrdreg s13  }
0x1c: {  	s19 =	sshrl.u32 s18, $0x3;
	s21 =	sadd.s32 $0x80, s7;
	[dreg:$0x1e] =	wrdreg s14  }
0x1d: {  	s25 =	sadd.s32 $0x4E240, s7;
	s6 =	sadd.s32 $0xA120, s6;
	[dreg:$0x1f] =	wrdreg s16  }
0x1e: {  	s3 =	simm.s32 $0x0;
	s26 =	sadd.s32 $0x4E340, s7;
	[dreg:$0x8] =	wrdreg s8  }
0x1f: {  	s31 =	sshrl.u32 s29, $0x3;
	s11 =	sadd.s32 $0x4E300, s7;
	s13 =	sadd.s32 $0x100, s7  }
0x20: {  	s14 =	sadd.s32 $0x4E2C0, s7;
	s23 =	sshrl.u32 s21, $0x3;
	s29 =	sadd.s32 $0x40, s7  }
0x21: {  	s7 =	sadd.s32 $0x4E200, s7;
	[smem:$0x7FB] =	sst s6;
	s21 =	simm.s32 $0x6  }
0x22: {  	s9 =	sshrl.u32 s26, $0x3;
	s10 =	sadd.s32 s31, s0;
	s12 =	sshrl.u32 s11, $0x3  }
0x23: {  	s16 =	sshrl.u32 s14, $0x3;
	s24 =	sadd.s32 s23, s0;
	[dreg:$0xa] =	wrdreg s10  }
0x24: {  	s26 =	sshrl.u32 s25, $0x3;
	s31 =	smax.u32 s5, $0x1;
	[dreg:$0x10] =	wrdreg s24  }
0x25: {  	s7 =	sshrl.u32 s7, $0x3;
	s30 =	sadd.s32 s9, s0;
	[smem:$0x7FD] =	sst s31  }
0x26: {  	s11 =	simm.s32 $0x40;
	s8 =	sadd.s32 s12, s0;
	[dreg:$0x9] =	wrdreg s30  }
0x27: {  	s9 =	sshrl.u32 s13, $0x3;
	s17 =	sadd.s32 s16, s0;
	[dreg:$0xb] =	wrdreg s8  }
0x28: {  	s23 =	simm.s32 $0x7;
	s15 =	sadd.s32 s9, s0;
	[dreg:$0xd] =	wrdreg s17  }
0x29: {  	s8 =	sadd.s32 s19, s0;
	s9 =	sshrl.u32 s20, $0x3;
	[dreg:$0xc] =	wrdreg s15  }
0x2a: {  	s25 =	simm.s32 $0x8;
	[dreg:$0xe] =	wrdreg s8;
	s22 =	sadd.s32 s9, s0  }
0x2b: {  	s8 =	sadd.s32 s26, s0;
	s9 =	sshrl.u32 s29, $0x3;
	[dreg:$0xf] =	wrdreg s22  }
0x2c: {  	s24 =	simm.s32 $0xB;
	[dreg:$0x11] =	wrdreg s8;
	s30 =	sadd.s32 s9, s0  }
0x2d: {  	s20 =	simm.s32 $0xD;
	s0 =	sadd.s32 s7, s0;
	[dreg:$0x12] =	wrdreg s30  }
0x2e: {  	s26 =	simm.s32 $0xC;
	s22 =	simm.s32 $0xA;
	[dreg:$0x13] =	wrdreg s0  }
.LBB2_1:
0x2f: {  	[smem:$0x7F9] =	sst s3  }
0x30: {  	s0 =	rddreg [dreg:$0x15]  }
0x31: {  	s13 =	rddreg [dreg:$0x14];
	s12 =	sshrl.u32 s0, $0x3  }
0x32: {  	[smem:$0x7FA] =	sst s12  }
0x33: {  	[spmem:s12], [sflag:s28] =	dma.local [hbm:s13], $0x2800  }
0x34: {  	_ =	swait.ge [sflag:s20], $0x2800  }
0x35: {  	[sflag:s20] =	ssyncset.done $0x0  }
0x36: {  	[sflag:s20] =	ssyncadd.s32 $0xFFFFD800  }
0x37: {  	[bflag:$0x0] =	sbarrier.arrive $0xFFFF  }
0x38: {  	s28 =	rddreg [dreg:$0x4]  }
0x39: {  	s0 =	simm.s32 $0x14000;
	s29 =	rddreg [dreg:$0x13];
	s28 =	sadd.s32 $0x0, s28  }
0x3a: {  	[tilespmem:s0], [sflag:$0x1] =	stream.linear.gather [hbm4b:s28+s4], $0x40, $0x38;
	[tilespmem:$0x1D100] =	vst v63  }
0x3b: {  	s3 =	simm.s32 $0x14400;
	s30 =	rddreg [dreg:$0x12];
	s28 =	sadd.s32 $0x0, s29  }
0x3c: {  	[tilespmem:s3], [sflag:$0x1] =	stream.linear.gather [hbm4b:s28+s4], $0x40, $0x38;
	[tilespmem:$0x1D100] =	vst v63  }
0x3d: {  	s5 =	simm.s32 $0x14080;
	s29 =	rddreg [dreg:$0x11];
	s28 =	sadd.s32 $0x0, s30  }
0x3e: {  	[tilespmem:s5], [sflag:$0x2] =	stream.linear.gather [hbm4b:s28+s4], $0x40, $0x38;
	[tilespmem:$0x1D100] =	vst v63  }
0x3f: {  	s6 =	simm.s32 $0x14480;
	s14 =	rddreg [dreg:$0x10];
	s28 =	sadd.s32 $0x0, s29  }
0x40: {  	[tilespmem:s6], [sflag:$0x2] =	stream.linear.gather [hbm4b:s28+s4], $0x40, $0x38;
	[tilespmem:$0x1D100] =	vst v63  }
0x41: {  	s8 =	simm.s32 $0x14100;
	s29 =	rddreg [dreg:$0xf];
	s28 =	sadd.s32 $0x0, s14  }
0x42: {  	[tilespmem:s8], [sflag:$0x3] =	stream.linear.gather [hbm4b:s28+s4], $0x40, $0x38;
	[tilespmem:$0x1D100] =	vst v63  }
0x43: {  	s9 =	simm.s32 $0x14500;
	s15 =	rddreg [dreg:$0xe];
	s28 =	sadd.s32 $0x0, s29  }
0x44: {  	[tilespmem:s9], [sflag:$0x3] =	stream.linear.gather [hbm4b:s28+s4], $0x40, $0x38;
	[tilespmem:$0x1D100] =	vst v63  }
0x45: {  	s12 =	simm.s32 $0x14180;
	s29 =	rddreg [dreg:$0xd];
	s28 =	sadd.s32 $0x0, s15  }
0x46: {  	[tilespmem:s12], [sflag:$0x4] =	stream.linear.gather [hbm4b:s28+s4], $0x40, $0x38;
	[tilespmem:$0x1D100] =	vst v63  }
0x47: {  	s16 =	rddreg [dreg:$0xc];
	s14 =	simm.s32 $0x14580;
	s28 =	sadd.s32 $0x0, s29  }
0x48: {  	[tilespmem:s14], [sflag:$0x4] =	stream.linear.gather [hbm4b:s28+s4], $0x40, $0x38;
	[tilespmem:$0x1D100] =	vst v63  }
0x49: {  	s10 =	simm.s32 $0x14200;
	s29 =	rddreg [dreg:$0xb];
	s28 =	sadd.s32 $0x0, s16  }
0x4a: {  	[tilespmem:s10], [sflag:$0x5] =	stream.linear.gather [hbm4b:s28+s4], $0x40, $0x38;
	[tilespmem:$0x1D100] =	vst v63  }
0x4b: {  	s13 =	simm.s32 $0x14600;
	s17 =	rddreg [dreg:$0xa];
	s28 =	sadd.s32 $0x0, s29  }
0x4c: {  	[tilespmem:s13], [sflag:$0x5] =	stream.linear.gather [hbm4b:s28+s4], $0x40, $0x38;
	[tilespmem:$0x1D100] =	vst v63  }
0x4d: {  	s15 =	simm.s32 $0x14280;
	s29 =	rddreg [dreg:$0x9];
	s28 =	sadd.s32 $0x0, s17  }
0x4e: {  	[tilespmem:s15], [sflag:$0x6] =	stream.linear.gather [hbm4b:s28+s4], $0x40, $0x38;
	[tilespmem:$0x1D100] =	vst v63  }
0x4f: {  	s18 =	rddreg [dreg:$0x8];
	s16 =	simm.s32 $0x14680;
	s28 =	sadd.s32 $0x0, s29  }
0x50: {  	[tilespmem:s16], [sflag:$0x6] =	stream.linear.gather [hbm4b:s28+s4], $0x40, $0x38;
	[tilespmem:$0x1D100] =	vst v63  }
0x51: {  	s17 =	simm.s32 $0x14300;
	s29 =	rddreg [dreg:$0x7];
	s28 =	sadd.s32 $0x0, s18  }
0x52: {  	[tilespmem:s17], [sflag:$0x7] =	stream.linear.gather [hbm4b:s28+s4], $0x40, $0x38;
	[tilespmem:$0x1D100] =	vst v63  }
0x53: {  	s7 =	simm.s32 $0x14700;
	s19 =	rddreg [dreg:$0x6];
	s28 =	sadd.s32 $0x0, s29  }
0x54: {  	[tilespmem:s7], [sflag:$0x7] =	stream.linear.gather [hbm4b:s28+s4], $0x40, $0x38;
	[tilespmem:$0x1D100] =	vst v63  }
0x55: {  	s18 =	simm.s32 $0x14380;
	s29 =	rddreg [dreg:$0x5];
	s28 =	sadd.s32 $0x0, s19  }
0x56: {  	[tilespmem:s18], [sflag:$0x8] =	stream.linear.gather [hbm4b:s28+s4], $0x40, $0x38;
	[tilespmem:$0x1D100] =	vst v63  }
0x57: {  	s19 =	simm.s32 $0x14780;
	s28 =	sadd.s32 $0x0, s29  }
0x58: {  	[tilespmem:s19], [sflag:$0x8] =	stream.linear.gather [hbm4b:s28+s4], $0x40, $0x38;
	[tilespmem:$0x1D100] =	vst v63  }
0x59: {  	s28 =	simm.s32 $0x1  }
0x5a: {  	_ =	swait.ge [sflag:s28], $0x40  }
0x5b: {  	[sflag:s28] =	ssyncset.done $0x0  }
0x5c: {  	[sflag:s28] =	ssyncadd.s32 $0xFFFFFFC0  }
0x5d: {  	_ =	swait.ge [sflag:s28], $0x40  }
0x5e: {  	[sflag:s28] =	ssyncset.done $0x0  }
0x5f: {  	s30 =	simm.s32 $0x2;
	[sflag:s28] =	ssyncadd.s32 $0xFFFFFFC0;
	s28 =	simm.s32 $0x14800  }
0x60: {  	[tilespmem:s28], [sflag:$0x9] =	stream.indirect.gather [hbm4b:s1+s11], $0x80, s0, s11, $0xb8;
	[tilespmem:$0x1D100] =	vst v63  }
0x61: {  	_ =	swait.ge [sflag:s30], $0x40  }
0x62: {  	[sflag:s30] =	ssyncset.done $0x0  }
0x63: {  	[sflag:s30] =	ssyncadd.s32 $0xFFFFFFC0  }
0x64: {  	_ =	swait.ge [sflag:s30], $0x40  }
0x65: {  	[sflag:s30] =	ssyncset.done $0x0  }
0x66: {  	s0 =	simm.s32 $0x16800;
	[sflag:s30] =	ssyncadd.s32 $0xFFFFFFC0;
	s30 =	simm.s32 $0x3  }
0x67: {  	[tilespmem:s0], [sflag:$0xA] =	stream.indirect.gather [hbm4b:s1+s11], $0x80, s5, s11, $0xb8;
	[tilespmem:$0x1D100] =	vst v63  }
0x68: {  	_ =	swait.ge [sflag:s30], $0x40  }
0x69: {  	[sflag:s30] =	ssyncset.done $0x0  }
0x6a: {  	[sflag:s30] =	ssyncadd.s32 $0xFFFFFFC0  }
0x6b: {  	_ =	swait.ge [sflag:s30], $0x40  }
0x6c: {  	[sflag:s30] =	ssyncset.done $0x0  }
0x6d: {  	s5 =	simm.s32 $0x18800;
	[sflag:s30] =	ssyncadd.s32 $0xFFFFFFC0;
	s30 =	simm.s32 $0x4  }
0x6e: {  	[tilespmem:s5], [sflag:$0xB] =	stream.indirect.gather [hbm4b:s1+s11], $0x80, s8, s11, $0xb8;
	[tilespmem:$0x1D100] =	vst v63  }
0x6f: {  	_ =	swait.ge [sflag:s30], $0x40  }
0x70: {  	[sflag:s30] =	ssyncset.done $0x0  }
0x71: {  	[sflag:s30] =	ssyncadd.s32 $0xFFFFFFC0  }
0x72: {  	_ =	swait.ge [sflag:s30], $0x40  }
0x73: {  	[sflag:s30] =	ssyncset.done $0x0  }
0x74: {  	s8 =	simm.s32 $0x1A800;
	[sflag:s30] =	ssyncadd.s32 $0xFFFFFFC0;
	s30 =	simm.s32 $0x5  }
0x75: {  	[tilespmem:s8], [sflag:$0xC] =	stream.indirect.gather [hbm4b:s1+s11], $0x80, s12, s11, $0xb8;
	[tilespmem:$0x1D100] =	vst v63  }
0x76: {  	_ =	swait.ge [sflag:s30], $0x40  }
0x77: {  	[sflag:s30] =	ssyncset.done $0x0  }
0x78: {  	[sflag:s30] =	ssyncadd.s32 $0xFFFFFFC0  }
0x79: {  	_ =	swait.ge [sflag:s30], $0x40  }
0x7a: {  	[sflag:s30] =	ssyncset.done $0x0  }
0x7b: {  	[sflag:s30] =	ssyncadd.s32 $0xFFFFFFC0;
	s30 =	simm.s32 $0x9  }
0x7c: {  	_ =	swait.ge [sflag:s30], $0x2000  }
0x7d: {  	[sflag:s30] =	ssyncset.done $0x0  }
0x7e: {  	[sflag:s30] =	ssyncadd.s32 $0xFFFFE000  }
0x7f: {  	[spmem:s2] =	stream.indirect.scatter.add.f32 [tilespmem:s28], [sflag:$0xD], $0x80, s3, s11, $0xb8;
	[tilespmem:$0x1D100] =	vst v63  }
0x80: {  	_ =	swait.ge [sflag:s20], $0x2000  }
0x81: {  	[sflag:s20] =	ssyncset.done $0x0  }
0x82: {  	[sflag:s20] =	ssyncadd.s32 $0xFFFFE000  }
0x83: {  	[tilespmem:s28], [sflag:$0x9] =	stream.indirect.gather [hbm4b:s1+s11], $0x80, s10, s11, $0xb8;
	[tilespmem:$0x1D100] =	vst v63  }
0x84: {  	_ =	swait.ge [sflag:s21], $0x40  }
0x85: {  	[sflag:s21] =	ssyncset.done $0x0  }
0x86: {  	[sflag:s21] =	ssyncadd.s32 $0xFFFFFFC0  }
0x87: {  	_ =	swait.ge [sflag:s21], $0x40  }
0x88: {  	[sflag:s21] =	ssyncset.done $0x0  }
0x89: {  	[sflag:s21] =	ssyncadd.s32 $0xFFFFFFC0  }
0x8a: {  	_ =	swait.ge [sflag:s22], $0x2000  }
0x8b: {  	[sflag:s22] =	ssyncset.done $0x0  }
0x8c: {  	[sflag:s22] =	ssyncadd.s32 $0xFFFFE000  }
0x8d: {  	[spmem:s2] =	stream.indirect.scatter.add.f32 [tilespmem:s0], [sflag:$0xD], $0x80, s6, s11, $0xb8;
	[tilespmem:$0x1D100] =	vst v63  }
0x8e: {  	_ =	swait.ge [sflag:s20], $0x2000  }
0x8f: {  	[sflag:s20] =	ssyncset.done $0x0  }
0x90: {  	[sflag:s20] =	ssyncadd.s32 $0xFFFFE000  }
0x91: {  	[tilespmem:s0], [sflag:$0xA] =	stream.indirect.gather [hbm4b:s1+s11], $0x80, s15, s11, $0xb8;
	[tilespmem:$0x1D100] =	vst v63  }
0x92: {  	_ =	swait.ge [sflag:s23], $0x40  }
0x93: {  	[sflag:s23] =	ssyncset.done $0x0  }
0x94: {  	[sflag:s23] =	ssyncadd.s32 $0xFFFFFFC0  }
0x95: {  	_ =	swait.ge [sflag:s23], $0x40  }
0x96: {  	[sflag:s23] =	ssyncset.done $0x0  }
0x97: {  	[sflag:s23] =	ssyncadd.s32 $0xFFFFFFC0  }
0x98: {  	_ =	swait.ge [sflag:s24], $0x2000  }
0x99: {  	[sflag:s24] =	ssyncset.done $0x0  }
0x9a: {  	[sflag:s24] =	ssyncadd.s32 $0xFFFFE000  }
0x9b: {  	[spmem:s2] =	stream.indirect.scatter.add.f32 [tilespmem:s5], [sflag:$0xD], $0x80, s9, s11, $0xb8;
	[tilespmem:$0x1D100] =	vst v63  }
0x9c: {  	_ =	swait.ge [sflag:s20], $0x2000  }
0x9d: {  	[sflag:s20] =	ssyncset.done $0x0  }
0x9e: {  	[sflag:s20] =	ssyncadd.s32 $0xFFFFE000  }
0x9f: {  	[tilespmem:s5], [sflag:$0xB] =	stream.indirect.gather [hbm4b:s1+s11], $0x80, s17, s11, $0xb8;
	[tilespmem:$0x1D100] =	vst v63  }
0xa0: {  	_ =	swait.ge [sflag:s25], $0x40  }
0xa1: {  	[sflag:s25] =	ssyncset.done $0x0  }
0xa2: {  	[sflag:s25] =	ssyncadd.s32 $0xFFFFFFC0  }
0xa3: {  	_ =	swait.ge [sflag:s25], $0x40  }
0xa4: {  	[sflag:s25] =	ssyncset.done $0x0  }
0xa5: {  	[sflag:s25] =	ssyncadd.s32 $0xFFFFFFC0  }
0xa6: {  	_ =	swait.ge [sflag:s26], $0x2000  }
0xa7: {  	[sflag:s26] =	ssyncset.done $0x0  }
0xa8: {  	[sflag:s26] =	ssyncadd.s32 $0xFFFFE000  }
0xa9: {  	[spmem:s2] =	stream.indirect.scatter.add.f32 [tilespmem:s8], [sflag:$0xD], $0x80, s14, s11, $0xb8;
	[tilespmem:$0x1D100] =	vst v63  }
0xaa: {  	_ =	swait.ge [sflag:s20], $0x2000  }
0xab: {  	[sflag:s20] =	ssyncset.done $0x0  }
0xac: {  	[sflag:s20] =	ssyncadd.s32 $0xFFFFE000  }
0xad: {  	[tilespmem:s8], [sflag:$0xC] =	stream.indirect.gather [hbm4b:s1+s11], $0x80, s18, s11, $0xb8;
	[tilespmem:$0x1D100] =	vst v63  }
0xae: {  	_ =	swait.ge [sflag:s30], $0x2000  }
0xaf: {  	[sflag:s30] =	ssyncset.done $0x0  }
0xb0: {  	[sflag:s30] =	ssyncadd.s32 $0xFFFFE000  }
0xb1: {  	[spmem:s2] =	stream.indirect.scatter.add.f32 [tilespmem:s28], [sflag:$0xD], $0x80, s13, s11, $0xb8;
	[tilespmem:$0x1D100] =	vst v63  }
0xb2: {  	_ =	swait.ge [sflag:s20], $0x2000  }
0xb3: {  	[sflag:s20] =	ssyncset.done $0x0  }
0xb4: {  	[sflag:s20] =	ssyncadd.s32 $0xFFFFE000  }
0xb5: {  	_ =	swait.ge [sflag:s22], $0x2000  }
0xb6: {  	[sflag:s22] =	ssyncset.done $0x0  }
0xb7: {  	[sflag:s22] =	ssyncadd.s32 $0xFFFFE000  }
0xb8: {  	[spmem:s2] =	stream.indirect.scatter.add.f32 [tilespmem:s0], [sflag:$0xD], $0x80, s16, s11, $0xb8;
	[tilespmem:$0x1D100] =	vst v63  }
0xb9: {  	_ =	swait.ge [sflag:s20], $0x2000  }
0xba: {  	[sflag:s20] =	ssyncset.done $0x0  }
0xbb: {  	[sflag:s20] =	ssyncadd.s32 $0xFFFFE000  }
0xbc: {  	_ =	swait.ge [sflag:s24], $0x2000  }
0xbd: {  	[sflag:s24] =	ssyncset.done $0x0  }
0xbe: {  	[sflag:s24] =	ssyncadd.s32 $0xFFFFE000  }
0xbf: {  	[spmem:s2] =	stream.indirect.scatter.add.f32 [tilespmem:s5], [sflag:$0xD], $0x80, s7, s11, $0xb8;
	[tilespmem:$0x1D100] =	vst v63  }
0xc0: {  	_ =	swait.ge [sflag:s20], $0x2000  }
0xc1: {  	[sflag:s20] =	ssyncset.done $0x0  }
0xc2: {  	[sflag:s20] =	ssyncadd.s32 $0xFFFFE000  }
0xc3: {  	_ =	swait.ge [sflag:s26], $0x2000  }
0xc4: {  	[sflag:s26] =	ssyncset.done $0x0  }
0xc5: {  	[sflag:s26] =	ssyncadd.s32 $0xFFFFE000  }
0xc6: {  	[spmem:s2] =	stream.indirect.scatter.add.f32 [tilespmem:s8], [sflag:$0xD], $0x80, s19, s11, $0xb8;
	[tilespmem:$0x1D100] =	vst v63  }
0xc7: {  	s29 =	simm.s32 $0x80;
	_ =	swait.ge [sflag:s20], $0x2000  }
0xc8: {  	s28 =	simm.s32 $0x40;
	s31 =	rddreg [dreg:$0x4];
	[sflag:s20] =	ssyncset.done $0x0  }
.LBB2_2:
0xc9: {  	[sflag:s20] =	ssyncadd.s32 $0xFFFFE000;
	s30 =	smov.u32 s29  }
0xca: {  	s0 =	rddreg [dreg:$0x13];
	s31 =	sadd.s32 s28, s31;
	s5 =	simm.s32 $0x14000  }
0xcb: {  	[tilespmem:s5], [sflag:$0x1] =	stream.linear.gather [hbm4b:s31+s4], $0x40, $0x38;
	[tilespmem:$0x1D100] =	vst v63  }
0xcc: {  	s3 =	rddreg [dreg:$0x12];
	s6 =	simm.s32 $0x14400;
	s0 =	sadd.s32 s28, s0  }
0xcd: {  	[tilespmem:s6], [sflag:$0x1] =	stream.linear.gather [hbm4b:s0+s4], $0x40, $0x38;
	[tilespmem:$0x1D100] =	vst v63  }
0xce: {  	s8 =	simm.s32 $0x14080;
	s31 =	rddreg [dreg:$0x11];
	s14 =	sadd.s32 s28, s3  }
0xcf: {  	[tilespmem:s8], [sflag:$0x2] =	stream.linear.gather [hbm4b:s14+s4], $0x40, $0x38;
	[tilespmem:$0x1D100] =	vst v63  }
0xd0: {  	s15 =	rddreg [dreg:$0x10];
	s9 =	simm.s32 $0x14480;
	s16 =	sadd.s32 s28, s31  }
0xd1: {  	[tilespmem:s9], [sflag:$0x2] =	stream.linear.gather [hbm4b:s16+s4], $0x40, $0x38;
	[tilespmem:$0x1D100] =	vst v63  }
0xd2: {  	s12 =	simm.s32 $0x14100;
	s17 =	sadd.s32 s28, s15;
	s31 =	rddreg [dreg:$0xf]  }
0xd3: {  	[tilespmem:s12], [sflag:$0x3] =	stream.linear.gather [hbm4b:s17+s4], $0x40, $0x38;
	[tilespmem:$0x1D100] =	vst v63  }
0xd4: {  	s18 =	rddreg [dreg:$0xe];
	s19 =	sadd.s32 s28, s31;
	s14 =	simm.s32 $0x14500  }
0xd5: {  	[tilespmem:s14], [sflag:$0x3] =	stream.linear.gather [hbm4b:s19+s4], $0x40, $0x38;
	[tilespmem:$0x1D100] =	vst v63  }
0xd6: {  	s7 =	sadd.s32 s28, s18;
	s31 =	rddreg [dreg:$0xd];
	s16 =	simm.s32 $0x14180  }
0xd7: {  	[tilespmem:s16], [sflag:$0x4] =	stream.linear.gather [hbm4b:s7+s4], $0x40, $0x38;
	[tilespmem:$0x1D100] =	vst v63  }
0xd8: {  	s10 =	rddreg [dreg:$0xc];
	s18 =	simm.s32 $0x14580;
	s13 =	sadd.s32 s28, s31  }
0xd9: {  	[tilespmem:s18], [sflag:$0x4] =	stream.linear.gather [hbm4b:s13+s4], $0x40, $0x38;
	[tilespmem:$0x1D100] =	vst v63  }
0xda: {  	s15 =	sadd.s32 s28, s10;
	s10 =	simm.s32 $0x14200;
	s31 =	rddreg [dreg:$0xb]  }
0xdb: {  	[tilespmem:s10], [sflag:$0x5] =	stream.linear.gather [hbm4b:s15+s4], $0x40, $0x38;
	[tilespmem:$0x1D100] =	vst v63  }
0xdc: {  	s17 =	rddreg [dreg:$0xa];
	s19 =	sadd.s32 s28, s31;
	s13 =	simm.s32 $0x14600  }
0xdd: {  	[tilespmem:s13], [sflag:$0x5] =	stream.linear.gather [hbm4b:s19+s4], $0x40, $0x38;
	[tilespmem:$0x1D100] =	vst v63  }
0xde: {  	s3 =	sadd.s32 s28, s17;
	s31 =	rddreg [dreg:$0x9];
	s15 =	simm.s32 $0x14280  }
0xdf: {  	[tilespmem:s15], [sflag:$0x6] =	stream.linear.gather [hbm4b:s3+s4], $0x40, $0x38;
	[tilespmem:$0x1D100] =	vst v63  }
0xe0: {  	s17 =	simm.s32 $0x14680;
	s7 =	rddreg [dreg:$0x8];
	s19 =	sadd.s32 s28, s31  }
0xe1: {  	[tilespmem:s17], [sflag:$0x6] =	stream.linear.gather [hbm4b:s19+s4], $0x40, $0x38;
	[tilespmem:$0x1D100] =	vst v63  }
0xe2: {  	s7 =	sadd.s32 s28, s7;
	s31 =	rddreg [dreg:$0x7];
	s19 =	simm.s32 $0x14300  }
0xe3: {  	[tilespmem:s19], [sflag:$0x7] =	stream.linear.gather [hbm4b:s7+s4], $0x40, $0x38;
	[tilespmem:$0x1D100] =	vst v63  }
0xe4: {  	s0 =	sadd.s32 s28, s31;
	s3 =	rddreg [dreg:$0x6];
	s7 =	simm.s32 $0x14700  }
0xe5: {  	[tilespmem:s7], [sflag:$0x7] =	stream.linear.gather [hbm4b:s0+s4], $0x40, $0x38;
	[tilespmem:$0x1D100] =	vst v63  }
0xe6: {  	s31 =	rddreg [dreg:$0x5];
	s0 =	sadd.s32 s28, s3;
	s3 =	simm.s32 $0x14380  }
0xe7: {  	[tilespmem:s3], [sflag:$0x8] =	stream.linear.gather [hbm4b:s0+s4], $0x40, $0x38;
	[tilespmem:$0x1D100] =	vst v63  }
0xe8: {  	s0 =	sadd.s32 s28, s31;
	s28 =	smov.u32 s30;
	s30 =	simm.s32 $0x14780  }
0xe9: {  	[tilespmem:s30], [sflag:$0x8] =	stream.linear.gather [hbm4b:s0+s4], $0x40, $0x38;
	[tilespmem:$0x1D100] =	vst v63  }
0xea: {  	s0 =	simm.s32 $0x1  }
0xeb: {  	_ =	swait.ge [sflag:s0], $0x40  }
0xec: {  	[sflag:s0] =	ssyncset.done $0x0  }
0xed: {  	[sflag:s0] =	ssyncadd.s32 $0xFFFFFFC0  }
0xee: {  	_ =	swait.ge [sflag:s0], $0x40  }
0xef: {  	[sflag:s0] =	ssyncset.done $0x0  }
0xf0: {  	[sflag:s0] =	ssyncadd.s32 $0xFFFFFFC0;
	s0 =	simm.s32 $0x14800  }
0xf1: {  	[tilespmem:s0], [sflag:$0x9] =	stream.indirect.gather [hbm4b:s1+s11], $0x80, s5, s11, $0xb8;
	[tilespmem:$0x1D100] =	vst v63  }
0xf2: {  	s5 =	simm.s32 $0x2  }
0xf3: {  	_ =	swait.ge [sflag:s5], $0x40  }
0xf4: {  	[sflag:s5] =	ssyncset.done $0x0  }
0xf5: {  	[sflag:s5] =	ssyncadd.s32 $0xFFFFFFC0  }
0xf6: {  	_ =	swait.ge [sflag:s5], $0x40  }
0xf7: {  	[sflag:s5] =	ssyncset.done $0x0  }
0xf8: {  	[sflag:s5] =	ssyncadd.s32 $0xFFFFFFC0;
	s5 =	simm.s32 $0x16800  }
0xf9: {  	[tilespmem:s5], [sflag:$0xA] =	stream.indirect.gather [hbm4b:s1+s11], $0x80, s8, s11, $0xb8;
	[tilespmem:$0x1D100] =	vst v63  }
0xfa: {  	s8 =	simm.s32 $0x3  }
0xfb: {  	_ =	swait.ge [sflag:s8], $0x40  }
0xfc: {  	[sflag:s8] =	ssyncset.done $0x0  }
0xfd: {  	[sflag:s8] =	ssyncadd.s32 $0xFFFFFFC0  }
0xfe: {  	_ =	swait.ge [sflag:s8], $0x40  }
0xff: {  	[sflag:s8] =	ssyncset.done $0x0  }
0x100: {  	[sflag:s8] =	ssyncadd.s32 $0xFFFFFFC0;
	s8 =	simm.s32 $0x18800  }
0x101: {  	[tilespmem:s8], [sflag:$0xB] =	stream.indirect.gather [hbm4b:s1+s11], $0x80, s12, s11, $0xb8;
	[tilespmem:$0x1D100] =	vst v63  }
0x102: {  	s12 =	simm.s32 $0x4  }
0x103: {  	_ =	swait.ge [sflag:s12], $0x40  }
0x104: {  	[sflag:s12] =	ssyncset.done $0x0  }
0x105: {  	[sflag:s12] =	ssyncadd.s32 $0xFFFFFFC0  }
0x106: {  	_ =	swait.ge [sflag:s12], $0x40  }
0x107: {  	[sflag:s12] =	ssyncset.done $0x0  }
0x108: {  	[sflag:s12] =	ssyncadd.s32 $0xFFFFFFC0;
	s12 =	simm.s32 $0x1A800  }
0x109: {  	[tilespmem:s12], [sflag:$0xC] =	stream.indirect.gather [hbm4b:s1+s11], $0x80, s16, s11, $0xb8;
	[tilespmem:$0x1D100] =	vst v63  }
0x10a: {  	s16 =	simm.s32 $0x5  }
0x10b: {  	_ =	swait.ge [sflag:s16], $0x40  }
0x10c: {  	[sflag:s16] =	ssyncset.done $0x0  }
0x10d: {  	[sflag:s16] =	ssyncadd.s32 $0xFFFFFFC0  }
0x10e: {  	_ =	swait.ge [sflag:s16], $0x40  }
0x10f: {  	[sflag:s16] =	ssyncset.done $0x0  }
0x110: {  	[sflag:s16] =	ssyncadd.s32 $0xFFFFFFC0;
	s16 =	simm.s32 $0x9  }
0x111: {  	_ =	swait.ge [sflag:s16], $0x2000  }
0x112: {  	[sflag:s16] =	ssyncset.done $0x0  }
0x113: {  	[sflag:s16] =	ssyncadd.s32 $0xFFFFE000  }
0x114: {  	[spmem:s2] =	stream.indirect.scatter.add.f32 [tilespmem:s0], [sflag:$0xD], $0x80, s6, s11, $0xb8;
	[tilespmem:$0x1D100] =	vst v63  }
0x115: {  	_ =	swait.ge [sflag:s20], $0x2000  }
0x116: {  	[sflag:s20] =	ssyncset.done $0x0  }
0x117: {  	[sflag:s20] =	ssyncadd.s32 $0xFFFFE000  }
0x118: {  	[tilespmem:s0], [sflag:$0x9] =	stream.indirect.gather [hbm4b:s1+s11], $0x80, s10, s11, $0xb8;
	[tilespmem:$0x1D100] =	vst v63  }
0x119: {  	_ =	swait.ge [sflag:s21], $0x40  }
0x11a: {  	[sflag:s21] =	ssyncset.done $0x0  }
0x11b: {  	[sflag:s21] =	ssyncadd.s32 $0xFFFFFFC0  }
0x11c: {  	_ =	swait.ge [sflag:s21], $0x40  }
0x11d: {  	[sflag:s21] =	ssyncset.done $0x0  }
0x11e: {  	[sflag:s21] =	ssyncadd.s32 $0xFFFFFFC0  }
0x11f: {  	_ =	swait.ge [sflag:s22], $0x2000  }
0x120: {  	[sflag:s22] =	ssyncset.done $0x0  }
0x121: {  	[sflag:s22] =	ssyncadd.s32 $0xFFFFE000  }
0x122: {  	[spmem:s2] =	stream.indirect.scatter.add.f32 [tilespmem:s5], [sflag:$0xD], $0x80, s9, s11, $0xb8;
	[tilespmem:$0x1D100] =	vst v63  }
0x123: {  	_ =	swait.ge [sflag:s20], $0x2000  }
0x124: {  	[sflag:s20] =	ssyncset.done $0x0  }
0x125: {  	[sflag:s20] =	ssyncadd.s32 $0xFFFFE000  }
0x126: {  	[tilespmem:s5], [sflag:$0xA] =	stream.indirect.gather [hbm4b:s1+s11], $0x80, s15, s11, $0xb8;
	[tilespmem:$0x1D100] =	vst v63  }
0x127: {  	_ =	swait.ge [sflag:s23], $0x40  }
0x128: {  	[sflag:s23] =	ssyncset.done $0x0  }
0x129: {  	[sflag:s23] =	ssyncadd.s32 $0xFFFFFFC0  }
0x12a: {  	_ =	swait.ge [sflag:s23], $0x40  }
0x12b: {  	[sflag:s23] =	ssyncset.done $0x0  }
0x12c: {  	[sflag:s23] =	ssyncadd.s32 $0xFFFFFFC0  }
0x12d: {  	_ =	swait.ge [sflag:s24], $0x2000  }
0x12e: {  	[sflag:s24] =	ssyncset.done $0x0  }
0x12f: {  	[sflag:s24] =	ssyncadd.s32 $0xFFFFE000  }
0x130: {  	[spmem:s2] =	stream.indirect.scatter.add.f32 [tilespmem:s8], [sflag:$0xD], $0x80, s14, s11, $0xb8;
	[tilespmem:$0x1D100] =	vst v63  }
0x131: {  	_ =	swait.ge [sflag:s20], $0x2000  }
0x132: {  	[sflag:s20] =	ssyncset.done $0x0  }
0x133: {  	[sflag:s20] =	ssyncadd.s32 $0xFFFFE000  }
0x134: {  	[tilespmem:s8], [sflag:$0xB] =	stream.indirect.gather [hbm4b:s1+s11], $0x80, s19, s11, $0xb8;
	[tilespmem:$0x1D100] =	vst v63  }
0x135: {  	_ =	swait.ge [sflag:s25], $0x40  }
0x136: {  	[sflag:s25] =	ssyncset.done $0x0  }
0x137: {  	[sflag:s25] =	ssyncadd.s32 $0xFFFFFFC0  }
0x138: {  	_ =	swait.ge [sflag:s25], $0x40  }
0x139: {  	[sflag:s25] =	ssyncset.done $0x0  }
0x13a: {  	[sflag:s25] =	ssyncadd.s32 $0xFFFFFFC0  }
0x13b: {  	_ =	swait.ge [sflag:s26], $0x2000  }
0x13c: {  	[sflag:s26] =	ssyncset.done $0x0  }
0x13d: {  	[sflag:s26] =	ssyncadd.s32 $0xFFFFE000  }
0x13e: {  	[spmem:s2] =	stream.indirect.scatter.add.f32 [tilespmem:s12], [sflag:$0xD], $0x80, s18, s11, $0xb8;
	[tilespmem:$0x1D100] =	vst v63  }
0x13f: {  	_ =	swait.ge [sflag:s20], $0x2000  }
0x140: {  	[sflag:s20] =	ssyncset.done $0x0  }
0x141: {  	[sflag:s20] =	ssyncadd.s32 $0xFFFFE000  }
0x142: {  	[tilespmem:s12], [sflag:$0xC] =	stream.indirect.gather [hbm4b:s1+s11], $0x80, s3, s11, $0xb8;
	[tilespmem:$0x1D100] =	vst v63  }
0x143: {  	_ =	swait.ge [sflag:s16], $0x2000  }
0x144: {  	[sflag:s16] =	ssyncset.done $0x0  }
0x145: {  	[sflag:s16] =	ssyncadd.s32 $0xFFFFE000  }
0x146: {  	[spmem:s2] =	stream.indirect.scatter.add.f32 [tilespmem:s0], [sflag:$0xD], $0x80, s13, s11, $0xb8;
	[tilespmem:$0x1D100] =	vst v63  }
0x147: {  	_ =	swait.ge [sflag:s20], $0x2000  }
0x148: {  	[sflag:s20] =	ssyncset.done $0x0  }
0x149: {  	[sflag:s20] =	ssyncadd.s32 $0xFFFFE000  }
0x14a: {  	_ =	swait.ge [sflag:s22], $0x2000  }
0x14b: {  	[sflag:s22] =	ssyncset.done $0x0  }
0x14c: {  	[sflag:s22] =	ssyncadd.s32 $0xFFFFE000  }
0x14d: {  	[spmem:s2] =	stream.indirect.scatter.add.f32 [tilespmem:s5], [sflag:$0xD], $0x80, s17, s11, $0xb8;
	[tilespmem:$0x1D100] =	vst v63  }
0x14e: {  	_ =	swait.ge [sflag:s20], $0x2000  }
0x14f: {  	[sflag:s20] =	ssyncset.done $0x0  }
0x150: {  	[sflag:s20] =	ssyncadd.s32 $0xFFFFE000  }
0x151: {  	_ =	swait.ge [sflag:s24], $0x2000  }
0x152: {  	[sflag:s24] =	ssyncset.done $0x0  }
0x153: {  	[sflag:s24] =	ssyncadd.s32 $0xFFFFE000  }
0x154: {  	[spmem:s2] =	stream.indirect.scatter.add.f32 [tilespmem:s8], [sflag:$0xD], $0x80, s7, s11, $0xb8;
	[tilespmem:$0x1D100] =	vst v63  }
0x155: {  	_ =	swait.ge [sflag:s20], $0x2000  }
0x156: {  	[sflag:s20] =	ssyncset.done $0x0  }
0x157: {  	[sflag:s20] =	ssyncadd.s32 $0xFFFFE000  }
0x158: {  	p0 =	sne.s32 s29, $0x480;
	_ =	swait.ge [sflag:s26], $0x2000  }
.Ltmp0:
0x159: {  	[sflag:s26] =	ssyncset.done $0x0;
	(pc) =	sbr.rel @p0 .LBB2_2-.Ltmp0, $4  }
0x15a: {  	[sflag:s26] =	ssyncadd.s32 $0xFFFFE000  }
0x15b: {  	[spmem:s2] =	stream.indirect.scatter.add.f32 [tilespmem:s12], [sflag:$0xD], $0x80, s30, s11, $0xb8;
	[tilespmem:$0x1D100] =	vst v63  }
0x15c: {  	_ =	swait.ge [sflag:s20], $0x2000  }
0x15d: {  	s29 =	sadd.s32 $0x40, s29;
	s31 =	rddreg [dreg:$0x4];
	[sflag:s20] =	ssyncset.done $0x0  }
0x15e: {  	s0 =	rddreg [dreg:$0x13]  }
0x15f: {  	[sflag:s20] =	ssyncadd.s32 $0xFFFFE000;
	s3 =	sadd.s32 s28, s31;
	s29 =	simm.s32 $0x14000  }
0x160: {  	[tilespmem:s29], [sflag:$0x1] =	stream.linear.gather [hbm4b:s3+s4], $0x40, $0x38;
	[tilespmem:$0x1D100] =	vst v63  }
0x161: {  	s8 =	rddreg [dreg:$0x12];
	s5 =	simm.s32 $0x14400;
	s0 =	sadd.s32 s28, s0  }
0x162: {  	[tilespmem:s5], [sflag:$0x1] =	stream.linear.gather [hbm4b:s0+s4], $0x40, $0x38;
	[tilespmem:$0x1D100] =	vst v63  }
0x163: {  	s9 =	rddreg [dreg:$0x11];
	s13 =	simm.s32 $0x14080;
	s3 =	sadd.s32 s28, s8  }
0x164: {  	[tilespmem:s13], [sflag:$0x2] =	stream.linear.gather [hbm4b:s3+s4], $0x40, $0x38;
	[tilespmem:$0x1D100] =	vst v63  }
0x165: {  	s10 =	rddreg [dreg:$0x10];
	s14 =	simm.s32 $0x14480;
	s0 =	sadd.s32 s28, s9  }
0x166: {  	[tilespmem:s14], [sflag:$0x2] =	stream.linear.gather [hbm4b:s0+s4], $0x40, $0x38;
	[tilespmem:$0x1D100] =	vst v63  }
0x167: {  	s15 =	rddreg [dreg:$0xf];
	s3 =	sadd.s32 s28, s10;
	s14 =	simm.s32 $0x14100  }
0x168: {  	[tilespmem:s14], [sflag:$0x3] =	stream.linear.gather [hbm4b:s3+s4], $0x40, $0x38;
	[tilespmem:$0x1D100] =	vst v63  }
0x169: {  	s16 =	rddreg [dreg:$0xe];
	s17 =	simm.s32 $0x14500;
	s0 =	sadd.s32 s28, s15  }
0x16a: {  	[tilespmem:s17], [sflag:$0x3] =	stream.linear.gather [hbm4b:s0+s4], $0x40, $0x38;
	[tilespmem:$0x1D100] =	vst v63  }
0x16b: {  	s18 =	rddreg [dreg:$0xd];
	s3 =	sadd.s32 s28, s16;
	s16 =	simm.s32 $0x14180  }
0x16c: {  	[tilespmem:s16], [sflag:$0x4] =	stream.linear.gather [hbm4b:s3+s4], $0x40, $0x38;
	[tilespmem:$0x1D100] =	vst v63  }
0x16d: {  	s19 =	rddreg [dreg:$0xc];
	s30 =	simm.s32 $0x14580;
	s0 =	sadd.s32 s28, s18  }
0x16e: {  	[tilespmem:s30], [sflag:$0x4] =	stream.linear.gather [hbm4b:s0+s4], $0x40, $0x38;
	[tilespmem:$0x1D100] =	vst v63  }
0x16f: {  	s31 =	rddreg [dreg:$0xb];
	s10 =	simm.s32 $0x14200;
	s3 =	sadd.s32 s28, s19  }
0x170: {  	[tilespmem:s10], [sflag:$0x5] =	stream.linear.gather [hbm4b:s3+s4], $0x40, $0x38;
	[tilespmem:$0x1D100] =	vst v63  }
0x171: {  	s5 =	rddreg [dreg:$0xa];
	s17 =	simm.s32 $0x14600;
	s0 =	sadd.s32 s28, s31  }
0x172: {  	[tilespmem:s17], [sflag:$0x5] =	stream.linear.gather [hbm4b:s0+s4], $0x40, $0x38;
	[tilespmem:$0x1D100] =	vst v63  }
0x173: {  	s6 =	rddreg [dreg:$0x9];
	s15 =	simm.s32 $0x14280;
	s3 =	sadd.s32 s28, s5  }
0x174: {  	[tilespmem:s15], [sflag:$0x6] =	stream.linear.gather [hbm4b:s3+s4], $0x40, $0x38;
	[tilespmem:$0x1D100] =	vst v63  }
0x175: {  	s7 =	rddreg [dreg:$0x8];
	s8 =	simm.s32 $0x14680;
	s0 =	sadd.s32 s28, s6  }
0x176: {  	[tilespmem:s8], [sflag:$0x6] =	stream.linear.gather [hbm4b:s0+s4], $0x40, $0x38;
	[tilespmem:$0x1D100] =	vst v63  }
0x177: {  	s9 =	rddreg [dreg:$0x7];
	s18 =	simm.s32 $0x14300;
	s3 =	sadd.s32 s28, s7  }
0x178: {  	[tilespmem:s18], [sflag:$0x7] =	stream.linear.gather [hbm4b:s3+s4], $0x40, $0x38;
	[tilespmem:$0x1D100] =	vst v63  }
0x179: {  	s19 =	rddreg [dreg:$0x6];
	s30 =	simm.s32 $0x14700;
	s0 =	sadd.s32 s28, s9  }
0x17a: {  	[tilespmem:s30], [sflag:$0x7] =	stream.linear.gather [hbm4b:s0+s4], $0x40, $0x38;
	[tilespmem:$0x1D100] =	vst v63  }
0x17b: {  	s31 =	rddreg [dreg:$0x5];
	s3 =	sadd.s32 s28, s19;
	s19 =	simm.s32 $0x14380  }
0x17c: {  	[tilespmem:s19], [sflag:$0x8] =	stream.linear.gather [hbm4b:s3+s4], $0x40, $0x38;
	[tilespmem:$0x1D100] =	vst v63  }
0x17d: {  	s5 =	simm.s32 $0x14780;
	s0 =	sadd.s32 s28, s31;
	s28 =	simm.s32 $0x1  }
0x17e: {  	[tilespmem:s5], [sflag:$0x8] =	stream.linear.gather [hbm4b:s0+s4], $0x40, $0x38;
	[tilespmem:$0x1D100] =	vst v63  }
0x17f: {  	_ =	swait.ge [sflag:s28], $0x40  }
0x180: {  	[sflag:s28] =	ssyncset.done $0x0  }
0x181: {  	[sflag:s28] =	ssyncadd.s32 $0xFFFFFFC0  }
0x182: {  	_ =	swait.ge [sflag:s28], $0x40  }
0x183: {  	[sflag:s28] =	ssyncset.done $0x0  }
0x184: {  	s30 =	simm.s32 $0x14800;
	s31 =	simm.s32 $0x2;
	[sflag:s28] =	ssyncadd.s32 $0xFFFFFFC0  }
0x185: {  	[tilespmem:s30], [sflag:$0x9] =	stream.indirect.gather [hbm4b:s1+s11], $0x80, s29, s11, $0xb8;
	[tilespmem:$0x1D100] =	vst v63  }
0x186: {  	_ =	swait.ge [sflag:s31], $0x40  }
0x187: {  	[sflag:s31] =	ssyncset.done $0x0  }
0x188: {  	[sflag:s31] =	ssyncadd.s32 $0xFFFFFFC0  }
0x189: {  	_ =	swait.ge [sflag:s31], $0x40  }
0x18a: {  	[sflag:s31] =	ssyncset.done $0x0  }
0x18b: {  	s7 =	simm.s32 $0x16800;
	s3 =	simm.s32 $0x3;
	[sflag:s31] =	ssyncadd.s32 $0xFFFFFFC0  }
0x18c: {  	[tilespmem:s7], [sflag:$0xA] =	stream.indirect.gather [hbm4b:s1+s11], $0x80, s13, s11, $0xb8;
	[tilespmem:$0x1D100] =	vst v63  }
0x18d: {  	_ =	swait.ge [sflag:s3], $0x40  }
0x18e: {  	[sflag:s3] =	ssyncset.done $0x0  }
0x18f: {  	[sflag:s3] =	ssyncadd.s32 $0xFFFFFFC0  }
0x190: {  	_ =	swait.ge [sflag:s3], $0x40  }
0x191: {  	[sflag:s3] =	ssyncset.done $0x0  }
0x192: {  	s9 =	simm.s32 $0x18800;
	s5 =	simm.s32 $0x4;
	[sflag:s3] =	ssyncadd.s32 $0xFFFFFFC0  }
0x193: {  	[tilespmem:s9], [sflag:$0xB] =	stream.indirect.gather [hbm4b:s1+s11], $0x80, s14, s11, $0xb8;
	[tilespmem:$0x1D100] =	vst v63  }
0x194: {  	_ =	swait.ge [sflag:s5], $0x40  }
0x195: {  	[sflag:s5] =	ssyncset.done $0x0  }
0x196: {  	[sflag:s5] =	ssyncadd.s32 $0xFFFFFFC0  }
0x197: {  	_ =	swait.ge [sflag:s5], $0x40  }
0x198: {  	[sflag:s5] =	ssyncset.done $0x0  }
0x199: {  	s6 =	simm.s32 $0x5;
	s8 =	simm.s32 $0x1A800;
	[sflag:s5] =	ssyncadd.s32 $0xFFFFFFC0  }
0x19a: {  	[tilespmem:s8], [sflag:$0xC] =	stream.indirect.gather [hbm4b:s1+s11], $0x80, s16, s11, $0xb8;
	[tilespmem:$0x1D100] =	vst v63  }
0x19b: {  	_ =	swait.ge [sflag:s6], $0x40  }
0x19c: {  	[sflag:s6] =	ssyncset.done $0x0  }
0x19d: {  	[sflag:s6] =	ssyncadd.s32 $0xFFFFFFC0  }
0x19e: {  	_ =	swait.ge [sflag:s6], $0x40  }
0x19f: {  	[sflag:s6] =	ssyncset.done $0x0  }
0x1a0: {  	[sflag:s6] =	ssyncadd.s32 $0xFFFFFFC0;
	s6 =	simm.s32 $0x9  }
0x1a1: {  	_ =	swait.ge [sflag:s6], $0x2000  }
0x1a2: {  	[sflag:s6] =	ssyncset.done $0x0  }
0x1a3: {  	s12 =	simm.s32 $0x14400;
	[sflag:s6] =	ssyncadd.s32 $0xFFFFE000  }
0x1a4: {  	[spmem:s2] =	stream.indirect.scatter.add.f32 [tilespmem:s30], [sflag:$0xD], $0x80, s12, s11, $0xb8;
	[tilespmem:$0x1D100] =	vst v63  }
0x1a5: {  	_ =	swait.ge [sflag:s20], $0x2000  }
0x1a6: {  	[sflag:s20] =	ssyncset.done $0x0  }
0x1a7: {  	[sflag:s20] =	ssyncadd.s32 $0xFFFFE000  }
0x1a8: {  	[tilespmem:s30], [sflag:$0x9] =	stream.indirect.gather [hbm4b:s1+s11], $0x80, s10, s11, $0xb8;
	[tilespmem:$0x1D100] =	vst v63  }
0x1a9: {  	_ =	swait.ge [sflag:s21], $0x40  }
0x1aa: {  	[sflag:s21] =	ssyncset.done $0x0  }
0x1ab: {  	[sflag:s21] =	ssyncadd.s32 $0xFFFFFFC0  }
0x1ac: {  	_ =	swait.ge [sflag:s21], $0x40  }
0x1ad: {  	[sflag:s21] =	ssyncset.done $0x0  }
0x1ae: {  	[sflag:s21] =	ssyncadd.s32 $0xFFFFFFC0  }
0x1af: {  	_ =	swait.ge [sflag:s22], $0x2000  }
0x1b0: {  	[sflag:s22] =	ssyncset.done $0x0  }
0x1b1: {  	s12 =	simm.s32 $0x14480;
	[sflag:s22] =	ssyncadd.s32 $0xFFFFE000  }
0x1b2: {  	[spmem:s2] =	stream.indirect.scatter.add.f32 [tilespmem:s7], [sflag:$0xD], $0x80, s12, s11, $0xb8;
	[tilespmem:$0x1D100] =	vst v63  }
0x1b3: {  	_ =	swait.ge [sflag:s20], $0x2000  }
0x1b4: {  	[sflag:s20] =	ssyncset.done $0x0  }
0x1b5: {  	[sflag:s20] =	ssyncadd.s32 $0xFFFFE000  }
0x1b6: {  	[tilespmem:s7], [sflag:$0xA] =	stream.indirect.gather [hbm4b:s1+s11], $0x80, s15, s11, $0xb8;
	[tilespmem:$0x1D100] =	vst v63  }
0x1b7: {  	_ =	swait.ge [sflag:s23], $0x40  }
0x1b8: {  	[sflag:s23] =	ssyncset.done $0x0  }
0x1b9: {  	[sflag:s23] =	ssyncadd.s32 $0xFFFFFFC0  }
0x1ba: {  	_ =	swait.ge [sflag:s23], $0x40  }
0x1bb: {  	[sflag:s23] =	ssyncset.done $0x0  }
0x1bc: {  	[sflag:s23] =	ssyncadd.s32 $0xFFFFFFC0  }
0x1bd: {  	_ =	swait.ge [sflag:s24], $0x2000  }
0x1be: {  	[sflag:s24] =	ssyncset.done $0x0  }
0x1bf: {  	s15 =	simm.s32 $0x14500;
	[sflag:s24] =	ssyncadd.s32 $0xFFFFE000  }
0x1c0: {  	[spmem:s2] =	stream.indirect.scatter.add.f32 [tilespmem:s9], [sflag:$0xD], $0x80, s15, s11, $0xb8;
	[tilespmem:$0x1D100] =	vst v63  }
0x1c1: {  	_ =	swait.ge [sflag:s20], $0x2000  }
0x1c2: {  	[sflag:s20] =	ssyncset.done $0x0  }
0x1c3: {  	[sflag:s20] =	ssyncadd.s32 $0xFFFFE000  }
0x1c4: {  	[tilespmem:s9], [sflag:$0xB] =	stream.indirect.gather [hbm4b:s1+s11], $0x80, s18, s11, $0xb8;
	[tilespmem:$0x1D100] =	vst v63  }
0x1c5: {  	_ =	swait.ge [sflag:s25], $0x40  }
0x1c6: {  	[sflag:s25] =	ssyncset.done $0x0  }
0x1c7: {  	[sflag:s25] =	ssyncadd.s32 $0xFFFFFFC0  }
0x1c8: {  	_ =	swait.ge [sflag:s25], $0x40  }
0x1c9: {  	[sflag:s25] =	ssyncset.done $0x0  }
0x1ca: {  	[sflag:s25] =	ssyncadd.s32 $0xFFFFFFC0  }
0x1cb: {  	_ =	swait.ge [sflag:s26], $0x2000  }
0x1cc: {  	[sflag:s26] =	ssyncset.done $0x0  }
0x1cd: {  	s10 =	simm.s32 $0x14580;
	[sflag:s26] =	ssyncadd.s32 $0xFFFFE000  }
0x1ce: {  	[spmem:s2] =	stream.indirect.scatter.add.f32 [tilespmem:s8], [sflag:$0xD], $0x80, s10, s11, $0xb8;
	[tilespmem:$0x1D100] =	vst v63  }
0x1cf: {  	_ =	swait.ge [sflag:s20], $0x2000  }
0x1d0: {  	[sflag:s20] =	ssyncset.done $0x0  }
0x1d1: {  	[sflag:s20] =	ssyncadd.s32 $0xFFFFE000  }
0x1d2: {  	[tilespmem:s8], [sflag:$0xC] =	stream.indirect.gather [hbm4b:s1+s11], $0x80, s19, s11, $0xb8;
	[tilespmem:$0x1D100] =	vst v63  }
0x1d3: {  	_ =	swait.ge [sflag:s6], $0x2000  }
0x1d4: {  	[sflag:s6] =	ssyncset.done $0x0  }
0x1d5: {  	[sflag:s6] =	ssyncadd.s32 $0xFFFFE000  }
0x1d6: {  	[spmem:s2] =	stream.indirect.scatter.add.f32 [tilespmem:s30], [sflag:$0xD], $0x80, s17, s11, $0xb8;
	[tilespmem:$0x1D100] =	vst v63  }
0x1d7: {  	_ =	swait.ge [sflag:s20], $0x2000  }
0x1d8: {  	[sflag:s20] =	ssyncset.done $0x0  }
0x1d9: {  	[sflag:s20] =	ssyncadd.s32 $0xFFFFE000  }
0x1da: {  	_ =	swait.ge [sflag:s22], $0x2000  }
0x1db: {  	[sflag:s22] =	ssyncset.done $0x0  }
0x1dc: {  	s17 =	simm.s32 $0x14680;
	[sflag:s22] =	ssyncadd.s32 $0xFFFFE000  }
0x1dd: {  	[spmem:s2] =	stream.indirect.scatter.add.f32 [tilespmem:s7], [sflag:$0xD], $0x80, s17, s11, $0xb8;
	[tilespmem:$0x1D100] =	vst v63  }
0x1de: {  	_ =	swait.ge [sflag:s20], $0x2000  }
0x1df: {  	[sflag:s20] =	ssyncset.done $0x0  }
0x1e0: {  	[sflag:s20] =	ssyncadd.s32 $0xFFFFE000  }
0x1e1: {  	_ =	swait.ge [sflag:s24], $0x2000  }
0x1e2: {  	[sflag:s24] =	ssyncset.done $0x0  }
0x1e3: {  	s18 =	simm.s32 $0x14700;
	[sflag:s24] =	ssyncadd.s32 $0xFFFFE000  }
0x1e4: {  	[spmem:s2] =	stream.indirect.scatter.add.f32 [tilespmem:s9], [sflag:$0xD], $0x80, s18, s11, $0xb8;
	[tilespmem:$0x1D100] =	vst v63  }
0x1e5: {  	_ =	swait.ge [sflag:s20], $0x2000  }
0x1e6: {  	[sflag:s20] =	ssyncset.done $0x0  }
0x1e7: {  	[sflag:s20] =	ssyncadd.s32 $0xFFFFE000  }
0x1e8: {  	_ =	swait.ge [sflag:s26], $0x2000  }
0x1e9: {  	[sflag:s26] =	ssyncset.done $0x0  }
0x1ea: {  	s19 =	simm.s32 $0x14780;
	[sflag:s26] =	ssyncadd.s32 $0xFFFFE000  }
0x1eb: {  	[spmem:s2] =	stream.indirect.scatter.add.f32 [tilespmem:s8], [sflag:$0xD], $0x80, s19, s11, $0xb8;
	[tilespmem:$0x1D100] =	vst v63  }
0x1ec: {  	_ =	swait.ge [sflag:s20], $0x2000  }
0x1ed: {  	[sflag:s20] =	ssyncset.done $0x0  }
0x1ee: {  	s17 =	rddreg [dreg:$0x17];
	[sflag:s20] =	ssyncadd.s32 $0xFFFFE000  }
0x1ef: {  	[tilespmem:s29], [sflag:$0x1] =	stream.linear.gather [hbm4b:s17+s4], $0x40, $0x38;
	[tilespmem:$0x1D100] =	vst v63  }
0x1f0: {  	s19 =	simm.s32 $0x14400;
	s18 =	rddreg [dreg:$0x18]  }
0x1f1: {  	[tilespmem:s19], [sflag:$0x1] =	stream.linear.gather [hbm4b:s18+s4], $0x40, $0x38;
	[tilespmem:$0x1D100] =	vst v63  }
0x1f2: {  	s18 =	rddreg [dreg:$0x19]  }
0x1f3: {  	[tilespmem:s13], [sflag:$0x2] =	stream.linear.gather [hbm4b:s18+s4], $0x40, $0x38;
	[tilespmem:$0x1D100] =	vst v63  }
0x1f4: {  	s19 =	rddreg [dreg:$0x1a]  }
0x1f5: {  	[tilespmem:s12], [sflag:$0x2] =	stream.linear.gather [hbm4b:s19+s4], $0x40, $0x38;
	[tilespmem:$0x1D100] =	vst v63  }
0x1f6: {  	s18 =	rddreg [dreg:$0x1b]  }
0x1f7: {  	[tilespmem:s14], [sflag:$0x3] =	stream.linear.gather [hbm4b:s18+s4], $0x40, $0x38;
	[tilespmem:$0x1D100] =	vst v63  }
0x1f8: {  	s19 =	rddreg [dreg:$0x1c]  }
0x1f9: {  	[tilespmem:s15], [sflag:$0x3] =	stream.linear.gather [hbm4b:s19+s4], $0x40, $0x38;
	[tilespmem:$0x1D100] =	vst v63  }
0x1fa: {  	s18 =	rddreg [dreg:$0x1d]  }
0x1fb: {  	[tilespmem:s16], [sflag:$0x4] =	stream.linear.gather [hbm4b:s18+s4], $0x40, $0x38;
	[tilespmem:$0x1D100] =	vst v63  }
0x1fc: {  	s19 =	rddreg [dreg:$0x1e]  }
0x1fd: {  	[tilespmem:s10], [sflag:$0x4] =	stream.linear.gather [hbm4b:s19+s4], $0x40, $0x38;
	[tilespmem:$0x1D100] =	vst v63  }
0x1fe: {  	_ =	swait.ge [sflag:s28], $0x40  }
0x1ff: {  	[sflag:s28] =	ssyncset.done $0x0  }
0x200: {  	[sflag:s28] =	ssyncadd.s32 $0xFFFFFFC0  }
0x201: {  	_ =	swait.ge [sflag:s28], $0x40  }
0x202: {  	[sflag:s28] =	ssyncset.done $0x0  }
0x203: {  	[sflag:s28] =	ssyncadd.s32 $0xFFFFFFC0  }
0x204: {  	[tilespmem:s30], [sflag:$0x9] =	stream.indirect.gather [hbm4b:s1+s11], $0x80, s29, s11, $0xb8;
	[tilespmem:$0x1D100] =	vst v63  }
0x205: {  	_ =	swait.ge [sflag:s31], $0x40  }
0x206: {  	[sflag:s31] =	ssyncset.done $0x0  }
0x207: {  	[sflag:s31] =	ssyncadd.s32 $0xFFFFFFC0  }
0x208: {  	_ =	swait.ge [sflag:s31], $0x40  }
0x209: {  	[sflag:s31] =	ssyncset.done $0x0  }
0x20a: {  	[sflag:s31] =	ssyncadd.s32 $0xFFFFFFC0  }
0x20b: {  	[tilespmem:s7], [sflag:$0xA] =	stream.indirect.gather [hbm4b:s1+s11], $0x80, s13, s11, $0xb8;
	[tilespmem:$0x1D100] =	vst v63  }
0x20c: {  	_ =	swait.ge [sflag:s3], $0x40  }
0x20d: {  	[sflag:s3] =	ssyncset.done $0x0  }
0x20e: {  	[sflag:s3] =	ssyncadd.s32 $0xFFFFFFC0  }
0x20f: {  	_ =	swait.ge [sflag:s3], $0x40  }
0x210: {  	[sflag:s3] =	ssyncset.done $0x0  }
0x211: {  	[sflag:s3] =	ssyncadd.s32 $0xFFFFFFC0  }
0x212: {  	[tilespmem:s9], [sflag:$0xB] =	stream.indirect.gather [hbm4b:s1+s11], $0x80, s14, s11, $0xb8;
	[tilespmem:$0x1D100] =	vst v63  }
0x213: {  	_ =	swait.ge [sflag:s5], $0x40  }
0x214: {  	[sflag:s5] =	ssyncset.done $0x0  }
0x215: {  	[sflag:s5] =	ssyncadd.s32 $0xFFFFFFC0  }
0x216: {  	_ =	swait.ge [sflag:s5], $0x40  }
0x217: {  	[sflag:s5] =	ssyncset.done $0x0  }
0x218: {  	[sflag:s5] =	ssyncadd.s32 $0xFFFFFFC0  }
0x219: {  	[tilespmem:s8], [sflag:$0xC] =	stream.indirect.gather [hbm4b:s1+s11], $0x80, s16, s11, $0xb8;
	[tilespmem:$0x1D100] =	vst v63  }
0x21a: {  	_ =	swait.ge [sflag:s6], $0x2000  }
0x21b: {  	[sflag:s6] =	ssyncset.done $0x0  }
0x21c: {  	s17 =	simm.s32 $0x14400;
	[sflag:s6] =	ssyncadd.s32 $0xFFFFE000  }
0x21d: {  	[spmem:s2] =	stream.indirect.scatter.add.f32 [tilespmem:s30], [sflag:$0xD], $0x80, s17, s11, $0xb8;
	[tilespmem:$0x1D100] =	vst v63  }
0x21e: {  	_ =	swait.ge [sflag:s20], $0x2000  }
0x21f: {  	[sflag:s20] =	ssyncset.done $0x0  }
0x220: {  	[sflag:s20] =	ssyncadd.s32 $0xFFFFE000  }
0x221: {  	_ =	swait.ge [sflag:s22], $0x2000  }
0x222: {  	[sflag:s22] =	ssyncset.done $0x0  }
0x223: {  	s12 =	simm.s32 $0x14480;
	[sflag:s22] =	ssyncadd.s32 $0xFFFFE000  }
0x224: {  	[spmem:s2] =	stream.indirect.scatter.add.f32 [tilespmem:s7], [sflag:$0xD], $0x80, s12, s11, $0xb8;
	[tilespmem:$0x1D100] =	vst v63  }
0x225: {  	_ =	swait.ge [sflag:s20], $0x2000  }
0x226: {  	[sflag:s20] =	ssyncset.done $0x0  }
0x227: {  	[sflag:s20] =	ssyncadd.s32 $0xFFFFE000  }
0x228: {  	_ =	swait.ge [sflag:s24], $0x2000  }
0x229: {  	[sflag:s24] =	ssyncset.done $0x0  }
0x22a: {  	s15 =	simm.s32 $0x14500;
	[sflag:s24] =	ssyncadd.s32 $0xFFFFE000  }
0x22b: {  	[spmem:s2] =	stream.indirect.scatter.add.f32 [tilespmem:s9], [sflag:$0xD], $0x80, s15, s11, $0xb8;
	[tilespmem:$0x1D100] =	vst v63  }
0x22c: {  	_ =	swait.ge [sflag:s20], $0x2000  }
0x22d: {  	[sflag:s20] =	ssyncset.done $0x0  }
0x22e: {  	[sflag:s20] =	ssyncadd.s32 $0xFFFFE000  }
0x22f: {  	_ =	swait.ge [sflag:s26], $0x2000  }
0x230: {  	[sflag:s26] =	ssyncset.done $0x0  }
0x231: {  	s10 =	simm.s32 $0x14580;
	[sflag:s26] =	ssyncadd.s32 $0xFFFFE000  }
0x232: {  	[spmem:s2] =	stream.indirect.scatter.add.f32 [tilespmem:s8], [sflag:$0xD], $0x80, s10, s11, $0xb8;
	[tilespmem:$0x1D100] =	vst v63  }
0x233: {  	_ =	swait.ge [sflag:s20], $0x2000  }
0x234: {  	[sflag:s20] =	ssyncset.done $0x0  }
0x235: {  	s14 =	simm.s32 $0x1C800;
	s13 =	rddreg [dreg:$0x1f];
	[sflag:s20] =	ssyncadd.s32 $0xFFFFE000  }
0x236: {  	[tilespmem:s14], [sflag:$0xD] =	stream.linear.gather [hbm4b:s13+s4], $0x10, $0x38;
	[tilespmem:$0x1D100] =	vst v63  }
0x237: {  	_ =	swait.ge [sflag:s20], $0x10  }
0x238: {  	s15 =	sld [smem:$0x7FB]  }
0x239: {  	[sflag:s20] =	ssyncset.done $0x0  }
0x23a: {  	s16 =	simm.s32 $0x1C880;
	[sflag:s20] =	ssyncadd.s32 $0xFFFFFFF0  }
0x23b: {  	[tilespmem:s16], [sflag:$0xD] =	stream.linear.gather [hbm4b:s15+s4], $0x10, $0x38;
	[tilespmem:$0x1D100] =	vst v63  }
0x23c: {  	_ =	swait.ge [sflag:s20], $0x10  }
0x23d: {  	[sflag:s20] =	ssyncset.done $0x0  }
0x23e: {  	s18 =	simm.s32 $0x1C900;
	s17 =	simm.s32 $0x10;
	[sflag:s20] =	ssyncadd.s32 $0xFFFFFFF0  }
0x23f: {  	[tilespmem:s18], [sflag:$0xD] =	stream.indirect.gather [hbm4b:s1+s17], $0x80, s14, s17, $0xb8;
	[tilespmem:$0x1D100] =	vst v63  }
0x240: {  	_ =	swait.ge [sflag:s20], $0x800  }
0x241: {  	[sflag:s20] =	ssyncset.done $0x0  }
0x242: {  	[sflag:s20] =	ssyncadd.s32 $0xFFFFF800  }
0x243: {  	[spmem:s2] =	stream.indirect.scatter.add.f32 [tilespmem:s18], [sflag:$0xD], $0x80, s16, s17, $0xb8;
	[tilespmem:$0x1D100] =	vst v63  }
0x244: {  	_ =	swait.ge [sflag:s20], $0x800  }
0x245: {  	[sflag:s20] =	ssyncset.done $0x0  }
0x246: {  	[sflag:s20] =	ssyncadd.s32 $0xFFFFF800  }
0x247: {  	[bflag:$0x0] =	sbarrier.arrive $0xFFFF  }
0x248: {  	s19 =	sld [smem:$0x7FC]  }
0x249: {  	s29 =	sld [smem:$0x7FA];
	_ =	sdelay $0x1  }
0x24a: {  	s28 =	rddreg [dreg:$0x16]  }
0x24b: {  	[hbm:s19], [sflag:s28] =	dma.local [spmem:s29], $0x2800  }
0x24c: {  	_ =	swait.ge [sflag:s20], $0x2800  }
0x24d: {  	s30 =	sld [smem:$0x7F9]  }
0x24e: {  	s31 =	sld [smem:$0x7FD];
	_ =	sdelay $0x1  }
0x24f: {  	s3 =	sadd.s32 $0x1, s30  }
0x250: {  	p0 =	sne.s32 s3, s31  }
.Ltmp1:
0x251: {  	_ = 	snop;
	(pc) =	sbr.rel @p0 .LBB2_1-.Ltmp1, $3  }
0x252: {  	_ =	sdelay $0x1  }
0x253: {  	[sflag:s20] =	ssyncset.done $0x0  }
0x254: {  	[sflag:s20] =	ssyncadd.s32 $0xFFFFD800  }
0x255: {  	_ =	sfence.sel $0x180000  }
0x256: {  	[bflag:$0x0] =	sbarrier.arrive $0xFFFF  }
0x257: {  	_ =	strace $0x9000004A  }
0x258: {  	s0 =	stileid.u32;
	[bflag:$0x2] =	sbarrier.arrive $0xFFFF  }
0x259: {  	p0 =	sne.s32 s0, $0x0;
	s0 =	rddreg [dreg:$0x3]  }
0x25a: {  	s0 =	sadd.s32 @!p0 $0x100000, s0  }
0x25b: {  	[sflag:s0] =	ssyncadd.tile.s32 @!p0 $0x1;
	_ =	shalt  }
.Lfunc_end2:
_tile_overlayer_lowered:
.L_overlay_start_2:
0x25c: {  	(tag) =	ssettag $0x2  }
0x25d: {  	s0 =	rddreg [dreg:$0x0];
	s2 =	stileid.u32  }
0x25e: {  	s1 =	rddreg [dreg:$0x1];
	p0 =	sne.s32 s2, $0x0  }
0x25f: {  	s3 =	rddreg [dreg:$0x2];
	[bflag:$0x3] =	sbarrier.arrive $0xFFFF;
	s2 =	simm.s32 @!p0 $0x1C0D  }
0x260: {  	[timem:s3], [sflag:s2] =	dma.local @!p0 [hbm:s0], s1  }
0x261: {  	s0 =	simm.s32 @!p0 $0xD  }
0x262: {  	_ =	swait.ge @!p0 [sflag:s0], s1  }
0x263: {  	s1 =	ssub.s32 @!p0 $0x0, s1;
	[sflag:s0] =	ssyncset.done @!p0 $0x0  }
0x264: {  	[sflag:s0] =	ssyncadd.s32 @!p0 s1  }
0x265: {  	[bflag:$0x3] =	sbarrier.arrive $0xFFFF  }
0x266: {  	_ =	shalt  }

// kernel: kernel.14.cloned.1.call-start
scs
__scs_entry_jumppad:
0x0: {  	(pc) =	sbr.rel $0x88, $3  }
0x1: {  	(tag) =	ssettag $0x0;
	lr =	simm.s32 $0x1  }
0x2: {  	[smem:$0x3F9B] =	sst lr;
	_ =	strace $0xD0000000  }
0x3: {  	_ = 	snop  }
0x4: {  	_ = 	snop  }
0x5: {  	_ = 	snop  }
0x6: {  	_ = 	snop  }
0x7: {  	_ = 	snop  }
__scs_overlays_trampoline_lowered:
0x8: {  	[smem:$0x3FAA] =	sst s0  }
0x9: {  	[smem:$0x3FAB] =	sst s1  }
0xa: {  	[smem:$0x3FAC] =	sst s2  }
0xb: {  	[smem:$0x3FAD] =	sst s3  }
0xc: {  	[smem:$0x3FAE] =	sst s4  }
0xd: {  	[smem:$0x3FAF] =	sst s5  }
0xe: {  	[smem:$0x3FB0] =	sst s6  }
0xf: {  	[smem:$0x3FB1] =	sst s7  }
0x10: {  	[smem:$0x3FB2] =	sst s8  }
0x11: {  	[smem:$0x3FB3] =	sst s9;
	s0 =	simm.s32 @!p0 $0x0  }
0x12: {  	s1 =	sld [smem:$0x3F99];
	s0 =	simm.s32 @p0 $0x1  }
0x13: {  	[smem:$0x3FB4] =	sst s0;
	s0 =	simm.s32 @!p1 $0x0  }
0x14: {  	s2 =	sld [smem:$0x3F98];
	s0 =	simm.s32 @p1 $0x1  }
0x15: {  	[smem:$0x3FB5] =	sst s0;
	s0 =	simm.s32 @!p2 $0x0  }
0x16: {  	s3 =	sld [smem:$0x3FDB];
	s0 =	simm.s32 @p2 $0x1  }
0x17: {  	s4 =	simm.s32 $0x1BF5;
	[smem:$0x3FB7] =	sst s0  }
0x18: {  	s0 =	sld [smem:$0x3F9A];
	_ =	swait.ge [sflag:s4], $0x0  }
0x19: {  	s7 =	sld [smem:$0x3F9B]  }
0x1a: {  	s8 =	sadd.s32 $0xFFFFE003, lr  }
0x1b: {  	s9 =	sadd.s32 $0xFFFFFEF7, lr;
	s5 =	simm.s32 $0xFFFFFFFF;
	p2 =	slt.u32 s8, $0xFFFFF086  }
0x1c: {  	p1 =	slt.u32 s9, $0xF7A;
	s5 =	simm.s32 @!p2 $0x0  }
0x1d: {  	s5 =	simm.s32 @p1 $0x1;
	p0 =	seq.s32 s7, s2  }
0x1e: {  	s7 =	smul.u32 @!p0 $0xF7A, s2;
	p2 =	seq.s32 @!p0 s5, $0x0  }
0x1f: {  	s9 =	smul.u32 $0xF7A, s1;
	s8 =	simm.s32 @!p0 $0x1BF5;
	p2 =	por !p2, p0  }
0x20: {  	[sflag:s8] =	ssyncset.s32 @!p0 $0xFFFFF086;
	s6 =	sadd.s32 @!p0 s3, s7;
	s7 =	simm.s32 @!p0 $0x108  }
0x21: {  	s3 =	sadd.s32 s3, s9;
	s6 =	sadd.s32 @!p0 $0x88, s6;
	s7 =	simm.s32 @p2 $0x1082  }
0x22: {  	[simem:s7], [sflag:s8] =	dma.local @!p0 [hbm:s6], $0xF7A  }
0x23: {  	s9 =	sor.u32 $0xD0000000, s2;
	s6 =	simm.s32 $0x108;
	_ =	swait.ge @!p0 [sflag:s8], $0x0  }
0x24: {  	s3 =	sadd.s32 $0x88, s3;
	s6 =	simm.s32 @!p1 $0x1082;
	[sflag:s4] =	ssyncset.s32 $0xFFFFF086  }
0x25: {  	[simem:s6], [sflag:s4] =	dma.local [hbm:s3], $0xF7A  }
0x26: {  	[smem:$0x3F9B] =	sst s1;
	(tag) =	ssettag s2;
	_ =	strace s9  }
0x27: {  	s1 =	sld [smem:$0x3FAB]  }
0x28: {  	s2 =	sld [smem:$0x3FAC]  }
0x29: {  	s4 =	sld [smem:$0x3FAE]  }
0x2a: {  	p0 =	seq.s32 s5, $0x0;
	s5 =	sld [smem:$0x3FAF]  }
0x2b: {  	s6 =	sld [smem:$0x3FB0]  }
0x2c: {  	s7 =	sld [smem:$0x3FB1]  }
0x2d: {  	s3 =	simm.s32 $0x108;
	s8 =	sld [smem:$0x3FB2]  }
0x2e: {  	s3 =	simm.s32 @!p0 $0x1082;
	s9 =	sld [smem:$0x3FB3]  }
0x2f: {  	lr =	sadd.s32 s0, s3;
	s0 =	sld [smem:$0x3FAA]  }
0x30: {  	s3 =	sld [smem:$0x3FAD]  }
0x31: {  	[smem:$0x3FB6] =	sst s10  }
0x32: {  	s10 =	sld [smem:$0x3FB4];
	_ =	sdelay $0x3  }
0x33: {  	p0 =	seq.s32 s10, $0x1;
	s10 =	sld [smem:$0x3FB6];
	_ =	sdelay $0x3  }
0x34: {  	[smem:$0x3FB6] =	sst s10  }
0x35: {  	s10 =	sld [smem:$0x3FB5];
	_ =	sdelay $0x3  }
0x36: {  	p1 =	seq.s32 s10, $0x1;
	s10 =	sld [smem:$0x3FB6];
	_ =	sdelay $0x3  }
0x37: {  	[smem:$0x3FB6] =	sst s10  }
0x38: {  	s10 =	sld [smem:$0x3FB7]  }
0x39: {  	_ = 	snop;
	(pc) =	sbr.ind lr, $3  }
0x3a: {  	_ = 	snop  }
0x3b: {  	_ = 	snop  }
0x3c: {  	p2 =	seq.s32 s10, $0x1;
	s10 =	sld [smem:$0x3FB6]  }
0x3d: {  	_ =	shalt  }
0x3e: {  	_ =	shalt  }
0x3f: {  	_ =	shalt  }
0x40: {  	_ =	shalt  }
0x41: {  	_ =	shalt  }
0x42: {  	_ =	shalt  }
0x43: {  	_ =	shalt  }
0x44: {  	_ =	shalt  }
0x45: {  	_ =	shalt  }
0x46: {  	_ =	shalt  }
0x47: {  	_ =	shalt  }
0x48: {  	_ =	shalt  }
0x49: {  	_ =	shalt  }
0x4a: {  	_ =	shalt  }
0x4b: {  	_ =	shalt  }
0x4c: {  	_ =	shalt  }
0x4d: {  	_ =	shalt  }
0x4e: {  	_ =	shalt  }
0x4f: {  	_ =	shalt  }
0x50: {  	_ =	shalt  }
0x51: {  	_ =	shalt  }
0x52: {  	_ =	shalt  }
0x53: {  	_ =	shalt  }
0x54: {  	_ =	shalt  }
0x55: {  	_ =	shalt  }
0x56: {  	_ =	shalt  }
0x57: {  	_ =	shalt  }
0x58: {  	_ =	shalt  }
0x59: {  	_ =	shalt  }
0x5a: {  	_ =	shalt  }
0x5b: {  	_ =	shalt  }
0x5c: {  	_ =	shalt  }
0x5d: {  	_ =	shalt  }
0x5e: {  	_ =	shalt  }
0x5f: {  	_ =	shalt  }
0x60: {  	_ =	shalt  }
0x61: {  	_ =	shalt  }
0x62: {  	_ =	shalt  }
0x63: {  	_ =	shalt  }
0x64: {  	_ =	shalt  }
0x65: {  	_ =	shalt  }
0x66: {  	_ =	shalt  }
0x67: {  	_ =	shalt  }
0x68: {  	_ =	shalt  }
0x69: {  	_ =	shalt  }
0x6a: {  	_ =	shalt  }
0x6b: {  	_ =	shalt  }
0x6c: {  	_ =	shalt  }
0x6d: {  	_ =	shalt  }
0x6e: {  	_ =	shalt  }
0x6f: {  	_ =	shalt  }
0x70: {  	_ =	shalt  }
0x71: {  	_ =	shalt  }
0x72: {  	_ =	shalt  }
0x73: {  	_ =	shalt  }
0x74: {  	_ =	shalt  }
0x75: {  	_ =	shalt  }
0x76: {  	_ =	shalt  }
0x77: {  	_ =	shalt  }
0x78: {  	_ =	shalt  }
0x79: {  	_ =	shalt  }
0x7a: {  	_ =	shalt  }
0x7b: {  	_ =	shalt  }
0x7c: {  	_ =	shalt  }
0x7d: {  	_ =	shalt  }
0x7e: {  	_ =	shalt  }
0x7f: {  	_ =	shalt  }
0x80: {  	_ =	shalt  }
0x81: {  	_ =	shalt  }
0x82: {  	_ =	shalt  }
0x83: {  	_ =	shalt  }
0x84: {  	_ =	shalt  }
0x85: {  	_ =	shalt  }
0x86: {  	_ =	shalt  }
0x87: {  	_ =	shalt  }
.Lfunc_end0:
.L_simem_size_0:
called_computation.2_lowered:
.L_overlay_start_0:
0x88: {  	s2 =	sld [smem:$0x3FD9]  }
0x89: {  	s3 =	sld [smem:$0x3FFE];
	_ =	sdelay $0x1  }
0x8a: {  	s1 =	srdreg.scid  }
0x8b: {  	s0 =	sand.u32 $0x1, s1  }
0x8c: {  	s17 =	sshll.u32 s0, $0xA;
	s2 =	sadd.s32 s3, s2  }
0x8d: {  	s2 =	sadd.s32 s2, s17  }
0x8e: {  	[smem:$0x3FC2] =	sst s2  }
0x8f: {  	_ = 	snop  }
0x90: {  	s2 =	sld [smem:$0x3FD0];
	(tm) =	ssettm $0x1  }
0x91: {  	s18 =	sld [smem:$0x3FFB];
	_ =	sdelay $0x3  }
0x92: {  	_ =	strace s18  }
0x93: {  	s3 =	sld [smem:$0x3FFC];
	_ =	sdelay $0x3  }
0x94: {  	_ =	strace s3  }
0x95: {  	s3 =	sld [smem:$0x3FFD];
	_ =	sdelay $0x3  }
0x96: {  	_ =	strace s3  }
0x97: {  	_ =	strace $0x8FFFFFFF  }
0x98: {  	s19 =	sld [smem:$0x3FDB];
	_ =	sdelay $0x1  }
0x99: {  	s4 =	simm.s32 $_scs_section_size  }
0x9a: {  	s5 =	simm.s32 $_size__tile_overlayer_lowered;
	s6 =	simm.s32 $_tile_overlayer_lowered  }
0x9b: {  	s22 =	simm.s32 $0x1BFF;
	s21 =	sshll.u32 s6, $0x1;
	s3 =	sadd.s32 s4, s19  }
0x9c: {  	s7 =	simm.s32 $0x0;
	s20 =	sshll.u32 s5, $0x1;
	s5 =	sadd.s32 s21, s3  }
0x9d: {  	[timem:s7], [sflag:s22] =	dma.local [hbm:s5], s20  }
0x9e: {  	_ =	swait.ge [sflag:s22], s20  }
0x9f: {  	s4 =	ssub.s32 $0x0, s20;
	[sflag:s22] =	ssyncset.done $0x0  }
0xa0: {  	[sflag:s22] =	ssyncadd.s32 s4;
	_ =	sdelay $0x1  }
0xa1: {  	s23 =	simm.s32 $0x1B8B  }
0xa2: {  	_ =	swait.ge [sflag:s23], $0x1  }
0xa3: {  	[sflag:s23] =	ssyncset.done $0x0  }
0xa4: {  	s25 =	simm.s32 $0x1B8E;
	s24 =	sld [smem:$0x3FFE];
	[sflag:s23] =	ssyncadd.s32 $0xFFFFFFFF  }
0xa5: {  	s26 =	simm.s32 $execute0_lowered;
	[smem:$0x3FD2] =	sst s25  }
0xa6: {  	s5 =	sshll.u32 s26, $0x1;
	_ =	strace $0x8000004C;
	[dreg:$0x1] =	wrdreg $0xFFFFFFFF  }
0xa7: {  	s28 =	simm.s32 $_size_execute0_lowered;
	s3 =	sadd.s32 s3, s5;
	[dreg:$0x0] =	wrdreg $0x0  }
0xa8: {  	s5 =	sshll.u32 s28, $0x1;
	[dreg:$0x2] =	wrdreg s3  }
0xa9: {  	[dreg:$0x3] =	wrdreg s5  }
0xaa: {  	[dreg:$0x4] =	wrdreg $0xC0  }
0xab: {  	_ =	task [dreg:s7], $0x5FFFF  }
0xac: {  	[dreg:$0x1] =	wrdreg $0xFFFFFFFF  }
0xad: {  	[dreg:$0x0] =	wrdreg $0x60  }
0xae: {  	[dreg:$0x2] =	wrdreg s2  }
0xaf: {  	[dreg:$0x3] =	wrdreg s24  }
0xb0: {  	[dreg:$0x4] =	wrdreg $0x0  }
0xb1: {  	[dreg:$0x5] =	wrdreg $0x9  }
0xb2: {  	_ =	task.clear_ibuf [dreg:s7], $0x6FFFF;
	_ =	strace $0x9000004C  }
0xb3: {  	s29 =	simm.s32 $0x9;
	_ =	strace $0x8000004E  }
0xb4: {  	_ =	swait.ge [sflag:s29], $0x1  }
0xb5: {  	[sflag:s29] =	ssyncadd.s32 $0xFFFFFFFF  }
0xb6: {  	_ =	strace $0x9000004E  }
0xb7: {  	_ =	sfence  }
0xb8: {  	s30 =	sld [smem:$0x0];
	_ =	sdelay $0x2  }
0xb9: {  	s31 =	sshll.u32 s1, $0xD;
	s1 =	sshrl.u32 s1, $0x2  }
0xba: {  	s3 =	sand.u32 $0x4000, s31;
	s1 =	sadd.s32 s1, s30  }
0xbb: {  	s0 =	sor.u32 s3, s0;
	s1 =	sshll.u32 s1, $0x11  }
0xbc: {  	s0 =	sor.u32 s1, s0  }
0xbd: {  	s0 =	sadd.s32 $0x8F2B, s0  }
0xbe: {  	[sflag:s0] =	ssyncadd.remote.s32 $0x1  }
0xbf: {  	_ =	sfence.sel $0xFFFF  }
0xc0: {  	[dreg:$0x0] =	wrdreg $0xFFFFFFFF;
	(pc) =	sbr.abs _section_cstart, $3  }
0xc1: {  	[dreg:$0x1] =	wrdreg $0xFFFFFFFF  }
0xc2: {  	_ =	task.clear_ibuf [dreg:s7], $0x2FFFF;
	_ =	strace $0x9FFFFFFF  }
0xc3: {  	(tm) =	ssettm $0x7FFFFFFF  }
tec
execute0_lowered:
.L_overlay_start_1:
0x0: {  	(tag) =	ssettag $0x1  }
0x1: {  	s1 =	rddreg [dreg:$0x0]  }
0x2: {  	s3 =	rddreg [dreg:$0x1]  }
0x3: {  	s2 =	rddreg [dreg:$0x2];
	s10 =	stileid.u32  }
0x4: {  	s4 =	simm.s32 $0x0;
	s0 =	srdreg.scid;
	s6 =	smul.u32 $0x14000, s10  }
0x5: {  	[smem:$0x7FF] =	sst s4;
	s23 =	smul.u32 $0x50000, s10  }
0x6: {  	s7 =	sand.u32 $0x1, s0;
	s0 =	sadd.s32 $0x2400, s3;
	s29 =	smul.u32 $0x2710, s10  }
0x7: {  	s8 =	sadd.s32 $0x15E00, s3;
	s25 =	sshll.u32 s10, $0x6;
	s5 =	smul.u32 $0x140000, s7  }
0x8: {  	_ =	strace $0x8000004D;
	[dreg:$0x14] =	wrdreg s8;
	s21 =	sshll.u32 s7, $0x4  }
0x9: {  	s9 =	ssub.s32 $0x2, s7;
	s7 =	smul.u32 $0x27100, s7;
	s28 =	sor.u32 $0x1C0D, s25  }
0xa: {  	s22 =	sor.u32 s10, s21;
	s24 =	sshrl.u32 s9, $0x1;
	s8 =	sshrl.u32 s23, $0x2  }
0xb: {  	[dreg:$0x16] =	wrdreg s28;
	s5 =	sadd.s32 s6, s5;
	s6 =	smul.u32 $0x2710, s22  }
0xc: {  	s8 =	sadd.s32 s8, s2;
	s7 =	sadd.s32 s29, s7;
	s5 =	sshrl.u32 s5, $0x3  }
0xd: {  	[dreg:$0x15] =	wrdreg s8;
	s15 =	sshrl.u32 s7, $0x3;
	s17 =	sadd.s32 $0x4E3C0, s7  }
0xe: {  	s19 =	sadd.s32 $0x1C0, s7;
	s20 =	sadd.s32 $0x4E380, s7;
	s3 =	sadd.s32 s5, s3  }
0xf: {  	s5 =	ssub.s32 s9, s24;
	s8 =	sadd.s32 s15, s0;
	s18 =	sshrl.u32 s17, $0x3  }
0x10: {  	s9 =	sshrl.u32 s19, $0x3;
	[dreg:$0x4] =	wrdreg s8;
	s8 =	sadd.s32 s18, s0  }
0x11: {  	s22 =	sshrl.u32 s20, $0x3;
	s21 =	sadd.s32 s9, s0;
	[dreg:$0x5] =	wrdreg s8  }
0x12: {  	s6 =	sshrl.u32 s6, $0x3;
	s23 =	sadd.s32 s22, s0;
	[dreg:$0x6] =	wrdreg s21  }
0x13: {  	s6 =	sadd.s32 s0, s6;
	s3 =	sadd.s32 $0x18600, s3;
	[dreg:$0x7] =	wrdreg s23  }
0x14: {  	s26 =	sadd.s32 $0x4C0, s6;
	[smem:$0x7FC] =	sst s3  }
0x15: {  	s29 =	sadd.s32 $0x140, s7;
	s30 =	sadd.s32 $0xA100, s6;
	[dreg:$0x17] =	wrdreg s26  }
0x16: {  	s24 =	sadd.s32 $0x180, s7;
	s31 =	sadd.s32 $0x4C8, s6;
	[dreg:$0x18] =	wrdreg s30  }
0x17: {  	s20 =	sadd.s32 $0x4E280, s7;
	s10 =	sadd.s32 $0xA108, s6;
	[dreg:$0x19] =	wrdreg s31  }
0x18: {  	s25 =	sshrl.u32 s24, $0x3;
	s11 =	sadd.s32 $0x4D0, s6;
	[dreg:$0x1a] =	wrdreg s10  }
0x19: {  	s18 =	sadd.s32 $0xC0, s7;
	s12 =	sadd.s32 $0xA110, s6;
	[dreg:$0x1b] =	wrdreg s11  }
0x1a: {  	s13 =	sadd.s32 $0x4D8, s6;
	s14 =	sadd.s32 $0xA118, s6;
	[dreg:$0x1c] =	wrdreg s12  }
0x1b: {  	s16 =	sadd.s32 $0x4E0, s6;
	s8 =	sadd.s32 s25, s0;
	[dreg:$0x1d] =	wrdreg s13  }
0x1c: {  	s19 =	sshrl.u32 s18, $0x3;
	s21 =	sadd.s32 $0x80, s7;
	[dreg:$0x1e] =	wrdreg s14  }
0x1d: {  	s25 =	sadd.s32 $0x4E240, s7;
	s6 =	sadd.s32 $0xA120, s6;
	[dreg:$0x1f] =	wrdreg s16  }
0x1e: {  	s3 =	simm.s32 $0x0;
	s26 =	sadd.s32 $0x4E340, s7;
	[dreg:$0x8] =	wrdreg s8  }
0x1f: {  	s31 =	sshrl.u32 s29, $0x3;
	s11 =	sadd.s32 $0x4E300, s7;
	s13 =	sadd.s32 $0x100, s7  }
0x20: {  	s14 =	sadd.s32 $0x4E2C0, s7;
	s23 =	sshrl.u32 s21, $0x3;
	s29 =	sadd.s32 $0x40, s7  }
0x21: {  	s7 =	sadd.s32 $0x4E200, s7;
	[smem:$0x7FB] =	sst s6;
	s21 =	simm.s32 $0x6  }
0x22: {  	s9 =	sshrl.u32 s26, $0x3;
	s10 =	sadd.s32 s31, s0;
	s12 =	sshrl.u32 s11, $0x3  }
0x23: {  	s16 =	sshrl.u32 s14, $0x3;
	s24 =	sadd.s32 s23, s0;
	[dreg:$0xa] =	wrdreg s10  }
0x24: {  	s26 =	sshrl.u32 s25, $0x3;
	s31 =	smax.u32 s5, $0x1;
	[dreg:$0x10] =	wrdreg s24  }
0x25: {  	s7 =	sshrl.u32 s7, $0x3;
	s30 =	sadd.s32 s9, s0;
	[smem:$0x7FD] =	sst s31  }
0x26: {  	s11 =	simm.s32 $0x40;
	s8 =	sadd.s32 s12, s0;
	[dreg:$0x9] =	wrdreg s30  }
0x27: {  	s9 =	sshrl.u32 s13, $0x3;
	s17 =	sadd.s32 s16, s0;
	[dreg:$0xb] =	wrdreg s8  }
0x28: {  	s23 =	simm.s32 $0x7;
	s15 =	sadd.s32 s9, s0;
	[dreg:$0xd] =	wrdreg s17  }
0x29: {  	s8 =	sadd.s32 s19, s0;
	s9 =	sshrl.u32 s20, $0x3;
	[dreg:$0xc] =	wrdreg s15  }
0x2a: {  	s25 =	simm.s32 $0x8;
	[dreg:$0xe] =	wrdreg s8;
	s22 =	sadd.s32 s9, s0  }
0x2b: {  	s8 =	sadd.s32 s26, s0;
	s9 =	sshrl.u32 s29, $0x3;
	[dreg:$0xf] =	wrdreg s22  }
0x2c: {  	s24 =	simm.s32 $0xB;
	[dreg:$0x11] =	wrdreg s8;
	s30 =	sadd.s32 s9, s0  }
0x2d: {  	s20 =	simm.s32 $0xD;
	s0 =	sadd.s32 s7, s0;
	[dreg:$0x12] =	wrdreg s30  }
0x2e: {  	s26 =	simm.s32 $0xC;
	s22 =	simm.s32 $0xA;
	[dreg:$0x13] =	wrdreg s0  }
.LBB2_1:
0x2f: {  	[smem:$0x7F9] =	sst s3  }
0x30: {  	s0 =	rddreg [dreg:$0x15]  }
0x31: {  	s13 =	rddreg [dreg:$0x14];
	s12 =	sshrl.u32 s0, $0x3  }
0x32: {  	[smem:$0x7FA] =	sst s12  }
0x33: {  	[spmem:s12], [sflag:s28] =	dma.local [hbm:s13], $0x2800  }
0x34: {  	_ =	swait.ge [sflag:s20], $0x2800  }
0x35: {  	[sflag:s20] =	ssyncset.done $0x0  }
0x36: {  	[sflag:s20] =	ssyncadd.s32 $0xFFFFD800  }
0x37: {  	[bflag:$0x0] =	sbarrier.arrive $0xFFFF  }
0x38: {  	s28 =	rddreg [dreg:$0x4]  }
0x39: {  	s0 =	simm.s32 $0x14000;
	s29 =	rddreg [dreg:$0x13];
	s28 =	sadd.s32 $0x0, s28  }
0x3a: {  	[tilespmem:s0], [sflag:$0x1] =	stream.linear.gather [hbm4b:s28+s4], $0x40, $0x38;
	[tilespmem:$0x1D100] =	vst v63  }
0x3b: {  	s3 =	simm.s32 $0x14400;
	s30 =	rddreg [dreg:$0x12];
	s28 =	sadd.s32 $0x0, s29  }
0x3c: {  	[tilespmem:s3], [sflag:$0x1] =	stream.linear.gather [hbm4b:s28+s4], $0x40, $0x38;
	[tilespmem:$0x1D100] =	vst v63  }
0x3d: {  	s5 =	simm.s32 $0x14080;
	s29 =	rddreg [dreg:$0x11];
	s28 =	sadd.s32 $0x0, s30  }
0x3e: {  	[tilespmem:s5], [sflag:$0x2] =	stream.linear.gather [hbm4b:s28+s4], $0x40, $0x38;
	[tilespmem:$0x1D100] =	vst v63  }
0x3f: {  	s6 =	simm.s32 $0x14480;
	s14 =	rddreg [dreg:$0x10];
	s28 =	sadd.s32 $0x0, s29  }
0x40: {  	[tilespmem:s6], [sflag:$0x2] =	stream.linear.gather [hbm4b:s28+s4], $0x40, $0x38;
	[tilespmem:$0x1D100] =	vst v63  }
0x41: {  	s8 =	simm.s32 $0x14100;
	s29 =	rddreg [dreg:$0xf];
	s28 =	sadd.s32 $0x0, s14  }
0x42: {  	[tilespmem:s8], [sflag:$0x3] =	stream.linear.gather [hbm4b:s28+s4], $0x40, $0x38;
	[tilespmem:$0x1D100] =	vst v63  }
0x43: {  	s9 =	simm.s32 $0x14500;
	s15 =	rddreg [dreg:$0xe];
	s28 =	sadd.s32 $0x0, s29  }
0x44: {  	[tilespmem:s9], [sflag:$0x3] =	stream.linear.gather [hbm4b:s28+s4], $0x40, $0x38;
	[tilespmem:$0x1D100] =	vst v63  }
0x45: {  	s12 =	simm.s32 $0x14180;
	s29 =	rddreg [dreg:$0xd];
	s28 =	sadd.s32 $0x0, s15  }
0x46: {  	[tilespmem:s12], [sflag:$0x4] =	stream.linear.gather [hbm4b:s28+s4], $0x40, $0x38;
	[tilespmem:$0x1D100] =	vst v63  }
0x47: {  	s16 =	rddreg [dreg:$0xc];
	s14 =	simm.s32 $0x14580;
	s28 =	sadd.s32 $0x0, s29  }
0x48: {  	[tilespmem:s14], [sflag:$0x4] =	stream.linear.gather [hbm4b:s28+s4], $0x40, $0x38;
	[tilespmem:$0x1D100] =	vst v63  }
0x49: {  	s10 =	simm.s32 $0x14200;
	s29 =	rddreg [dreg:$0xb];
	s28 =	sadd.s32 $0x0, s16  }
0x4a: {  	[tilespmem:s10], [sflag:$0x5] =	stream.linear.gather [hbm4b:s28+s4], $0x40, $0x38;
	[tilespmem:$0x1D100] =	vst v63  }
0x4b: {  	s13 =	simm.s32 $0x14600;
	s17 =	rddreg [dreg:$0xa];
	s28 =	sadd.s32 $0x0, s29  }
0x4c: {  	[tilespmem:s13], [sflag:$0x5] =	stream.linear.gather [hbm4b:s28+s4], $0x40, $0x38;
	[tilespmem:$0x1D100] =	vst v63  }
0x4d: {  	s15 =	simm.s32 $0x14280;
	s29 =	rddreg [dreg:$0x9];
	s28 =	sadd.s32 $0x0, s17  }
0x4e: {  	[tilespmem:s15], [sflag:$0x6] =	stream.linear.gather [hbm4b:s28+s4], $0x40, $0x38;
	[tilespmem:$0x1D100] =	vst v63  }
0x4f: {  	s18 =	rddreg [dreg:$0x8];
	s16 =	simm.s32 $0x14680;
	s28 =	sadd.s32 $0x0, s29  }
0x50: {  	[tilespmem:s16], [sflag:$0x6] =	stream.linear.gather [hbm4b:s28+s4], $0x40, $0x38;
	[tilespmem:$0x1D100] =	vst v63  }
0x51: {  	s17 =	simm.s32 $0x14300;
	s29 =	rddreg [dreg:$0x7];
	s28 =	sadd.s32 $0x0, s18  }
0x52: {  	[tilespmem:s17], [sflag:$0x7] =	stream.linear.gather [hbm4b:s28+s4], $0x40, $0x38;
	[tilespmem:$0x1D100] =	vst v63  }
0x53: {  	s7 =	simm.s32 $0x14700;
	s19 =	rddreg [dreg:$0x6];
	s28 =	sadd.s32 $0x0, s29  }
0x54: {  	[tilespmem:s7], [sflag:$0x7] =	stream.linear.gather [hbm4b:s28+s4], $0x40, $0x38;
	[tilespmem:$0x1D100] =	vst v63  }
0x55: {  	s18 =	simm.s32 $0x14380;
	s29 =	rddreg [dreg:$0x5];
	s28 =	sadd.s32 $0x0, s19  }
0x56: {  	[tilespmem:s18], [sflag:$0x8] =	stream.linear.gather [hbm4b:s28+s4], $0x40, $0x38;
	[tilespmem:$0x1D100] =	vst v63  }
0x57: {  	s19 =	simm.s32 $0x14780;
	s28 =	sadd.s32 $0x0, s29  }
0x58: {  	[tilespmem:s19], [sflag:$0x8] =	stream.linear.gather [hbm4b:s28+s4], $0x40, $0x38;
	[tilespmem:$0x1D100] =	vst v63  }
0x59: {  	s28 =	simm.s32 $0x1  }
0x5a: {  	_ =	swait.ge [sflag:s28], $0x40  }
0x5b: {  	[sflag:s28] =	ssyncset.done $0x0  }
0x5c: {  	[sflag:s28] =	ssyncadd.s32 $0xFFFFFFC0  }
0x5d: {  	_ =	swait.ge [sflag:s28], $0x40  }
0x5e: {  	[sflag:s28] =	ssyncset.done $0x0  }
0x5f: {  	s30 =	simm.s32 $0x2;
	[sflag:s28] =	ssyncadd.s32 $0xFFFFFFC0;
	s28 =	simm.s32 $0x14800  }
0x60: {  	[tilespmem:s28], [sflag:$0x9] =	stream.indirect.gather [hbm4b:s1+s11], $0x80, s0, s11, $0xb8;
	[tilespmem:$0x1D100] =	vst v63  }
0x61: {  	_ =	swait.ge [sflag:s30], $0x40  }
0x62: {  	[sflag:s30] =	ssyncset.done $0x0  }
0x63: {  	[sflag:s30] =	ssyncadd.s32 $0xFFFFFFC0  }
0x64: {  	_ =	swait.ge [sflag:s30], $0x40  }
0x65: {  	[sflag:s30] =	ssyncset.done $0x0  }
0x66: {  	s0 =	simm.s32 $0x16800;
	[sflag:s30] =	ssyncadd.s32 $0xFFFFFFC0;
	s30 =	simm.s32 $0x3  }
0x67: {  	[tilespmem:s0], [sflag:$0xA] =	stream.indirect.gather [hbm4b:s1+s11], $0x80, s5, s11, $0xb8;
	[tilespmem:$0x1D100] =	vst v63  }
0x68: {  	_ =	swait.ge [sflag:s30], $0x40  }
0x69: {  	[sflag:s30] =	ssyncset.done $0x0  }
0x6a: {  	[sflag:s30] =	ssyncadd.s32 $0xFFFFFFC0  }
0x6b: {  	_ =	swait.ge [sflag:s30], $0x40  }
0x6c: {  	[sflag:s30] =	ssyncset.done $0x0  }
0x6d: {  	s5 =	simm.s32 $0x18800;
	[sflag:s30] =	ssyncadd.s32 $0xFFFFFFC0;
	s30 =	simm.s32 $0x4  }
0x6e: {  	[tilespmem:s5], [sflag:$0xB] =	stream.indirect.gather [hbm4b:s1+s11], $0x80, s8, s11, $0xb8;
	[tilespmem:$0x1D100] =	vst v63  }
0x6f: {  	_ =	swait.ge [sflag:s30], $0x40  }
0x70: {  	[sflag:s30] =	ssyncset.done $0x0  }
0x71: {  	[sflag:s30] =	ssyncadd.s32 $0xFFFFFFC0  }
0x72: {  	_ =	swait.ge [sflag:s30], $0x40  }
0x73: {  	[sflag:s30] =	ssyncset.done $0x0  }
0x74: {  	s8 =	simm.s32 $0x1A800;
	[sflag:s30] =	ssyncadd.s32 $0xFFFFFFC0;
	s30 =	simm.s32 $0x5  }
0x75: {  	[tilespmem:s8], [sflag:$0xC] =	stream.indirect.gather [hbm4b:s1+s11], $0x80, s12, s11, $0xb8;
	[tilespmem:$0x1D100] =	vst v63  }
0x76: {  	_ =	swait.ge [sflag:s30], $0x40  }
0x77: {  	[sflag:s30] =	ssyncset.done $0x0  }
0x78: {  	[sflag:s30] =	ssyncadd.s32 $0xFFFFFFC0  }
0x79: {  	_ =	swait.ge [sflag:s30], $0x40  }
0x7a: {  	[sflag:s30] =	ssyncset.done $0x0  }
0x7b: {  	[sflag:s30] =	ssyncadd.s32 $0xFFFFFFC0;
	s30 =	simm.s32 $0x9  }
0x7c: {  	_ =	swait.ge [sflag:s30], $0x2000  }
0x7d: {  	[sflag:s30] =	ssyncset.done $0x0  }
0x7e: {  	[sflag:s30] =	ssyncadd.s32 $0xFFFFE000  }
0x7f: {  	[spmem:s2] =	stream.indirect.scatter.add.f32 [tilespmem:s28], [sflag:$0xD], $0x80, s3, s11, $0xb8;
	[tilespmem:$0x1D100] =	vst v63  }
0x80: {  	_ =	swait.ge [sflag:s20], $0x2000  }
0x81: {  	[sflag:s20] =	ssyncset.done $0x0  }
0x82: {  	[sflag:s20] =	ssyncadd.s32 $0xFFFFE000  }
0x83: {  	[tilespmem:s28], [sflag:$0x9] =	stream.indirect.gather [hbm4b:s1+s11], $0x80, s10, s11, $0xb8;
	[tilespmem:$0x1D100] =	vst v63  }
0x84: {  	_ =	swait.ge [sflag:s21], $0x40  }
0x85: {  	[sflag:s21] =	ssyncset.done $0x0  }
0x86: {  	[sflag:s21] =	ssyncadd.s32 $0xFFFFFFC0  }
0x87: {  	_ =	swait.ge [sflag:s21], $0x40  }
0x88: {  	[sflag:s21] =	ssyncset.done $0x0  }
0x89: {  	[sflag:s21] =	ssyncadd.s32 $0xFFFFFFC0  }
0x8a: {  	_ =	swait.ge [sflag:s22], $0x2000  }
0x8b: {  	[sflag:s22] =	ssyncset.done $0x0  }
0x8c: {  	[sflag:s22] =	ssyncadd.s32 $0xFFFFE000  }
0x8d: {  	[spmem:s2] =	stream.indirect.scatter.add.f32 [tilespmem:s0], [sflag:$0xD], $0x80, s6, s11, $0xb8;
	[tilespmem:$0x1D100] =	vst v63  }
0x8e: {  	_ =	swait.ge [sflag:s20], $0x2000  }
0x8f: {  	[sflag:s20] =	ssyncset.done $0x0  }
0x90: {  	[sflag:s20] =	ssyncadd.s32 $0xFFFFE000  }
0x91: {  	[tilespmem:s0], [sflag:$0xA] =	stream.indirect.gather [hbm4b:s1+s11], $0x80, s15, s11, $0xb8;
	[tilespmem:$0x1D100] =	vst v63  }
0x92: {  	_ =	swait.ge [sflag:s23], $0x40  }
0x93: {  	[sflag:s23] =	ssyncset.done $0x0  }
0x94: {  	[sflag:s23] =	ssyncadd.s32 $0xFFFFFFC0  }
0x95: {  	_ =	swait.ge [sflag:s23], $0x40  }
0x96: {  	[sflag:s23] =	ssyncset.done $0x0  }
0x97: {  	[sflag:s23] =	ssyncadd.s32 $0xFFFFFFC0  }
0x98: {  	_ =	swait.ge [sflag:s24], $0x2000  }
0x99: {  	[sflag:s24] =	ssyncset.done $0x0  }
0x9a: {  	[sflag:s24] =	ssyncadd.s32 $0xFFFFE000  }
0x9b: {  	[spmem:s2] =	stream.indirect.scatter.add.f32 [tilespmem:s5], [sflag:$0xD], $0x80, s9, s11, $0xb8;
	[tilespmem:$0x1D100] =	vst v63  }
0x9c: {  	_ =	swait.ge [sflag:s20], $0x2000  }
0x9d: {  	[sflag:s20] =	ssyncset.done $0x0  }
0x9e: {  	[sflag:s20] =	ssyncadd.s32 $0xFFFFE000  }
0x9f: {  	[tilespmem:s5], [sflag:$0xB] =	stream.indirect.gather [hbm4b:s1+s11], $0x80, s17, s11, $0xb8;
	[tilespmem:$0x1D100] =	vst v63  }
0xa0: {  	_ =	swait.ge [sflag:s25], $0x40  }
0xa1: {  	[sflag:s25] =	ssyncset.done $0x0  }
0xa2: {  	[sflag:s25] =	ssyncadd.s32 $0xFFFFFFC0  }
0xa3: {  	_ =	swait.ge [sflag:s25], $0x40  }
0xa4: {  	[sflag:s25] =	ssyncset.done $0x0  }
0xa5: {  	[sflag:s25] =	ssyncadd.s32 $0xFFFFFFC0  }
0xa6: {  	_ =	swait.ge [sflag:s26], $0x2000  }
0xa7: {  	[sflag:s26] =	ssyncset.done $0x0  }
0xa8: {  	[sflag:s26] =	ssyncadd.s32 $0xFFFFE000  }
0xa9: {  	[spmem:s2] =	stream.indirect.scatter.add.f32 [tilespmem:s8], [sflag:$0xD], $0x80, s14, s11, $0xb8;
	[tilespmem:$0x1D100] =	vst v63  }
0xaa: {  	_ =	swait.ge [sflag:s20], $0x2000  }
0xab: {  	[sflag:s20] =	ssyncset.done $0x0  }
0xac: {  	[sflag:s20] =	ssyncadd.s32 $0xFFFFE000  }
0xad: {  	[tilespmem:s8], [sflag:$0xC] =	stream.indirect.gather [hbm4b:s1+s11], $0x80, s18, s11, $0xb8;
	[tilespmem:$0x1D100] =	vst v63  }
0xae: {  	_ =	swait.ge [sflag:s30], $0x2000  }
0xaf: {  	[sflag:s30] =	ssyncset.done $0x0  }
0xb0: {  	[sflag:s30] =	ssyncadd.s32 $0xFFFFE000  }
0xb1: {  	[spmem:s2] =	stream.indirect.scatter.add.f32 [tilespmem:s28], [sflag:$0xD], $0x80, s13, s11, $0xb8;
	[tilespmem:$0x1D100] =	vst v63  }
0xb2: {  	_ =	swait.ge [sflag:s20], $0x2000  }
0xb3: {  	[sflag:s20] =	ssyncset.done $0x0  }
0xb4: {  	[sflag:s20] =	ssyncadd.s32 $0xFFFFE000  }
0xb5: {  	_ =	swait.ge [sflag:s22], $0x2000  }
0xb6: {  	[sflag:s22] =	ssyncset.done $0x0  }
0xb7: {  	[sflag:s22] =	ssyncadd.s32 $0xFFFFE000  }
0xb8: {  	[spmem:s2] =	stream.indirect.scatter.add.f32 [tilespmem:s0], [sflag:$0xD], $0x80, s16, s11, $0xb8;
	[tilespmem:$0x1D100] =	vst v63  }
0xb9: {  	_ =	swait.ge [sflag:s20], $0x2000  }
0xba: {  	[sflag:s20] =	ssyncset.done $0x0  }
0xbb: {  	[sflag:s20] =	ssyncadd.s32 $0xFFFFE000  }
0xbc: {  	_ =	swait.ge [sflag:s24], $0x2000  }
0xbd: {  	[sflag:s24] =	ssyncset.done $0x0  }
0xbe: {  	[sflag:s24] =	ssyncadd.s32 $0xFFFFE000  }
0xbf: {  	[spmem:s2] =	stream.indirect.scatter.add.f32 [tilespmem:s5], [sflag:$0xD], $0x80, s7, s11, $0xb8;
	[tilespmem:$0x1D100] =	vst v63  }
0xc0: {  	_ =	swait.ge [sflag:s20], $0x2000  }
0xc1: {  	[sflag:s20] =	ssyncset.done $0x0  }
0xc2: {  	[sflag:s20] =	ssyncadd.s32 $0xFFFFE000  }
0xc3: {  	_ =	swait.ge [sflag:s26], $0x2000  }
0xc4: {  	[sflag:s26] =	ssyncset.done $0x0  }
0xc5: {  	[sflag:s26] =	ssyncadd.s32 $0xFFFFE000  }
0xc6: {  	[spmem:s2] =	stream.indirect.scatter.add.f32 [tilespmem:s8], [sflag:$0xD], $0x80, s19, s11, $0xb8;
	[tilespmem:$0x1D100] =	vst v63  }
0xc7: {  	s29 =	simm.s32 $0x80;
	_ =	swait.ge [sflag:s20], $0x2000  }
0xc8: {  	s28 =	simm.s32 $0x40;
	s31 =	rddreg [dreg:$0x4];
	[sflag:s20] =	ssyncset.done $0x0  }
.LBB2_2:
0xc9: {  	[sflag:s20] =	ssyncadd.s32 $0xFFFFE000;
	s30 =	smov.u32 s29  }
0xca: {  	s0 =	rddreg [dreg:$0x13];
	s31 =	sadd.s32 s28, s31;
	s5 =	simm.s32 $0x14000  }
0xcb: {  	[tilespmem:s5], [sflag:$0x1] =	stream.linear.gather [hbm4b:s31+s4], $0x40, $0x38;
	[tilespmem:$0x1D100] =	vst v63  }
0xcc: {  	s3 =	rddreg [dreg:$0x12];
	s6 =	simm.s32 $0x14400;
	s0 =	sadd.s32 s28, s0  }
0xcd: {  	[tilespmem:s6], [sflag:$0x1] =	stream.linear.gather [hbm4b:s0+s4], $0x40, $0x38;
	[tilespmem:$0x1D100] =	vst v63  }
0xce: {  	s8 =	simm.s32 $0x14080;
	s31 =	rddreg [dreg:$0x11];
	s14 =	sadd.s32 s28, s3  }
0xcf: {  	[tilespmem:s8], [sflag:$0x2] =	stream.linear.gather [hbm4b:s14+s4], $0x40, $0x38;
	[tilespmem:$0x1D100] =	vst v63  }
0xd0: {  	s15 =	rddreg [dreg:$0x10];
	s9 =	simm.s32 $0x14480;
	s16 =	sadd.s32 s28, s31  }
0xd1: {  	[tilespmem:s9], [sflag:$0x2] =	stream.linear.gather [hbm4b:s16+s4], $0x40, $0x38;
	[tilespmem:$0x1D100] =	vst v63  }
0xd2: {  	s12 =	simm.s32 $0x14100;
	s17 =	sadd.s32 s28, s15;
	s31 =	rddreg [dreg:$0xf]  }
0xd3: {  	[tilespmem:s12], [sflag:$0x3] =	stream.linear.gather [hbm4b:s17+s4], $0x40, $0x38;
	[tilespmem:$0x1D100] =	vst v63  }
0xd4: {  	s18 =	rddreg [dreg:$0xe];
	s19 =	sadd.s32 s28, s31;
	s14 =	simm.s32 $0x14500  }
0xd5: {  	[tilespmem:s14], [sflag:$0x3] =	stream.linear.gather [hbm4b:s19+s4], $0x40, $0x38;
	[tilespmem:$0x1D100] =	vst v63  }
0xd6: {  	s7 =	sadd.s32 s28, s18;
	s31 =	rddreg [dreg:$0xd];
	s16 =	simm.s32 $0x14180  }
0xd7: {  	[tilespmem:s16], [sflag:$0x4] =	stream.linear.gather [hbm4b:s7+s4], $0x40, $0x38;
	[tilespmem:$0x1D100] =	vst v63  }
0xd8: {  	s10 =	rddreg [dreg:$0xc];
	s18 =	simm.s32 $0x14580;
	s13 =	sadd.s32 s28, s31  }
0xd9: {  	[tilespmem:s18], [sflag:$0x4] =	stream.linear.gather [hbm4b:s13+s4], $0x40, $0x38;
	[tilespmem:$0x1D100] =	vst v63  }
0xda: {  	s15 =	sadd.s32 s28, s10;
	s10 =	simm.s32 $0x14200;
	s31 =	rddreg [dreg:$0xb]  }
0xdb: {  	[tilespmem:s10], [sflag:$0x5] =	stream.linear.gather [hbm4b:s15+s4], $0x40, $0x38;
	[tilespmem:$0x1D100] =	vst v63  }
0xdc: {  	s17 =	rddreg [dreg:$0xa];
	s19 =	sadd.s32 s28, s31;
	s13 =	simm.s32 $0x14600  }
0xdd: {  	[tilespmem:s13], [sflag:$0x5] =	stream.linear.gather [hbm4b:s19+s4], $0x40, $0x38;
	[tilespmem:$0x1D100] =	vst v63  }
0xde: {  	s3 =	sadd.s32 s28, s17;
	s31 =	rddreg [dreg:$0x9];
	s15 =	simm.s32 $0x14280  }
0xdf: {  	[tilespmem:s15], [sflag:$0x6] =	stream.linear.gather [hbm4b:s3+s4], $0x40, $0x38;
	[tilespmem:$0x1D100] =	vst v63  }
0xe0: {  	s17 =	simm.s32 $0x14680;
	s7 =	rddreg [dreg:$0x8];
	s19 =	sadd.s32 s28, s31  }
0xe1: {  	[tilespmem:s17], [sflag:$0x6] =	stream.linear.gather [hbm4b:s19+s4], $0x40, $0x38;
	[tilespmem:$0x1D100] =	vst v63  }
0xe2: {  	s7 =	sadd.s32 s28, s7;
	s31 =	rddreg [dreg:$0x7];
	s19 =	simm.s32 $0x14300  }
0xe3: {  	[tilespmem:s19], [sflag:$0x7] =	stream.linear.gather [hbm4b:s7+s4], $0x40, $0x38;
	[tilespmem:$0x1D100] =	vst v63  }
0xe4: {  	s0 =	sadd.s32 s28, s31;
	s3 =	rddreg [dreg:$0x6];
	s7 =	simm.s32 $0x14700  }
0xe5: {  	[tilespmem:s7], [sflag:$0x7] =	stream.linear.gather [hbm4b:s0+s4], $0x40, $0x38;
	[tilespmem:$0x1D100] =	vst v63  }
0xe6: {  	s31 =	rddreg [dreg:$0x5];
	s0 =	sadd.s32 s28, s3;
	s3 =	simm.s32 $0x14380  }
0xe7: {  	[tilespmem:s3], [sflag:$0x8] =	stream.linear.gather [hbm4b:s0+s4], $0x40, $0x38;
	[tilespmem:$0x1D100] =	vst v63  }
0xe8: {  	s0 =	sadd.s32 s28, s31;
	s28 =	smov.u32 s30;
	s30 =	simm.s32 $0x14780  }
0xe9: {  	[tilespmem:s30], [sflag:$0x8] =	stream.linear.gather [hbm4b:s0+s4], $0x40, $0x38;
	[tilespmem:$0x1D100] =	vst v63  }
0xea: {  	s0 =	simm.s32 $0x1  }
0xeb: {  	_ =	swait.ge [sflag:s0], $0x40  }
0xec: {  	[sflag:s0] =	ssyncset.done $0x0  }
0xed: {  	[sflag:s0] =	ssyncadd.s32 $0xFFFFFFC0  }
0xee: {  	_ =	swait.ge [sflag:s0], $0x40  }
0xef: {  	[sflag:s0] =	ssyncset.done $0x0  }
0xf0: {  	[sflag:s0] =	ssyncadd.s32 $0xFFFFFFC0;
	s0 =	simm.s32 $0x14800  }
0xf1: {  	[tilespmem:s0], [sflag:$0x9] =	stream.indirect.gather [hbm4b:s1+s11], $0x80, s5, s11, $0xb8;
	[tilespmem:$0x1D100] =	vst v63  }
0xf2: {  	s5 =	simm.s32 $0x2  }
0xf3: {  	_ =	swait.ge [sflag:s5], $0x40  }
0xf4: {  	[sflag:s5] =	ssyncset.done $0x0  }
0xf5: {  	[sflag:s5] =	ssyncadd.s32 $0xFFFFFFC0  }
0xf6: {  	_ =	swait.ge [sflag:s5], $0x40  }
0xf7: {  	[sflag:s5] =	ssyncset.done $0x0  }
0xf8: {  	[sflag:s5] =	ssyncadd.s32 $0xFFFFFFC0;
	s5 =	simm.s32 $0x16800  }
0xf9: {  	[tilespmem:s5], [sflag:$0xA] =	stream.indirect.gather [hbm4b:s1+s11], $0x80, s8, s11, $0xb8;
	[tilespmem:$0x1D100] =	vst v63  }
0xfa: {  	s8 =	simm.s32 $0x3  }
0xfb: {  	_ =	swait.ge [sflag:s8], $0x40  }
0xfc: {  	[sflag:s8] =	ssyncset.done $0x0  }
0xfd: {  	[sflag:s8] =	ssyncadd.s32 $0xFFFFFFC0  }
0xfe: {  	_ =	swait.ge [sflag:s8], $0x40  }
0xff: {  	[sflag:s8] =	ssyncset.done $0x0  }
0x100: {  	[sflag:s8] =	ssyncadd.s32 $0xFFFFFFC0;
	s8 =	simm.s32 $0x18800  }
0x101: {  	[tilespmem:s8], [sflag:$0xB] =	stream.indirect.gather [hbm4b:s1+s11], $0x80, s12, s11, $0xb8;
	[tilespmem:$0x1D100] =	vst v63  }
0x102: {  	s12 =	simm.s32 $0x4  }
0x103: {  	_ =	swait.ge [sflag:s12], $0x40  }
0x104: {  	[sflag:s12] =	ssyncset.done $0x0  }
0x105: {  	[sflag:s12] =	ssyncadd.s32 $0xFFFFFFC0  }
0x106: {  	_ =	swait.ge [sflag:s12], $0x40  }
0x107: {  	[sflag:s12] =	ssyncset.done $0x0  }
0x108: {  	[sflag:s12] =	ssyncadd.s32 $0xFFFFFFC0;
	s12 =	simm.s32 $0x1A800  }
0x109: {  	[tilespmem:s12], [sflag:$0xC] =	stream.indirect.gather [hbm4b:s1+s11], $0x80, s16, s11, $0xb8;
	[tilespmem:$0x1D100] =	vst v63  }
0x10a: {  	s16 =	simm.s32 $0x5  }
0x10b: {  	_ =	swait.ge [sflag:s16], $0x40  }
0x10c: {  	[sflag:s16] =	ssyncset.done $0x0  }
0x10d: {  	[sflag:s16] =	ssyncadd.s32 $0xFFFFFFC0  }
0x10e: {  	_ =	swait.ge [sflag:s16], $0x40  }
0x10f: {  	[sflag:s16] =	ssyncset.done $0x0  }
0x110: {  	[sflag:s16] =	ssyncadd.s32 $0xFFFFFFC0;
	s16 =	simm.s32 $0x9  }
0x111: {  	_ =	swait.ge [sflag:s16], $0x2000  }
0x112: {  	[sflag:s16] =	ssyncset.done $0x0  }
0x113: {  	[sflag:s16] =	ssyncadd.s32 $0xFFFFE000  }
0x114: {  	[spmem:s2] =	stream.indirect.scatter.add.f32 [tilespmem:s0], [sflag:$0xD], $0x80, s6, s11, $0xb8;
	[tilespmem:$0x1D100] =	vst v63  }
0x115: {  	_ =	swait.ge [sflag:s20], $0x2000  }
0x116: {  	[sflag:s20] =	ssyncset.done $0x0  }
0x117: {  	[sflag:s20] =	ssyncadd.s32 $0xFFFFE000  }
0x118: {  	[tilespmem:s0], [sflag:$0x9] =	stream.indirect.gather [hbm4b:s1+s11], $0x80, s10, s11, $0xb8;
	[tilespmem:$0x1D100] =	vst v63  }
0x119: {  	_ =	swait.ge [sflag:s21], $0x40  }
0x11a: {  	[sflag:s21] =	ssyncset.done $0x0  }
0x11b: {  	[sflag:s21] =	ssyncadd.s32 $0xFFFFFFC0  }
0x11c: {  	_ =	swait.ge [sflag:s21], $0x40  }
0x11d: {  	[sflag:s21] =	ssyncset.done $0x0  }
0x11e: {  	[sflag:s21] =	ssyncadd.s32 $0xFFFFFFC0  }
0x11f: {  	_ =	swait.ge [sflag:s22], $0x2000  }
0x120: {  	[sflag:s22] =	ssyncset.done $0x0  }
0x121: {  	[sflag:s22] =	ssyncadd.s32 $0xFFFFE000  }
0x122: {  	[spmem:s2] =	stream.indirect.scatter.add.f32 [tilespmem:s5], [sflag:$0xD], $0x80, s9, s11, $0xb8;
	[tilespmem:$0x1D100] =	vst v63  }
0x123: {  	_ =	swait.ge [sflag:s20], $0x2000  }
0x124: {  	[sflag:s20] =	ssyncset.done $0x0  }
0x125: {  	[sflag:s20] =	ssyncadd.s32 $0xFFFFE000  }
0x126: {  	[tilespmem:s5], [sflag:$0xA] =	stream.indirect.gather [hbm4b:s1+s11], $0x80, s15, s11, $0xb8;
	[tilespmem:$0x1D100] =	vst v63  }
0x127: {  	_ =	swait.ge [sflag:s23], $0x40  }
0x128: {  	[sflag:s23] =	ssyncset.done $0x0  }
0x129: {  	[sflag:s23] =	ssyncadd.s32 $0xFFFFFFC0  }
0x12a: {  	_ =	swait.ge [sflag:s23], $0x40  }
0x12b: {  	[sflag:s23] =	ssyncset.done $0x0  }
0x12c: {  	[sflag:s23] =	ssyncadd.s32 $0xFFFFFFC0  }
0x12d: {  	_ =	swait.ge [sflag:s24], $0x2000  }
0x12e: {  	[sflag:s24] =	ssyncset.done $0x0  }
0x12f: {  	[sflag:s24] =	ssyncadd.s32 $0xFFFFE000  }
0x130: {  	[spmem:s2] =	stream.indirect.scatter.add.f32 [tilespmem:s8], [sflag:$0xD], $0x80, s14, s11, $0xb8;
	[tilespmem:$0x1D100] =	vst v63  }
0x131: {  	_ =	swait.ge [sflag:s20], $0x2000  }
0x132: {  	[sflag:s20] =	ssyncset.done $0x0  }
0x133: {  	[sflag:s20] =	ssyncadd.s32 $0xFFFFE000  }
0x134: {  	[tilespmem:s8], [sflag:$0xB] =	stream.indirect.gather [hbm4b:s1+s11], $0x80, s19, s11, $0xb8;
	[tilespmem:$0x1D100] =	vst v63  }
0x135: {  	_ =	swait.ge [sflag:s25], $0x40  }
0x136: {  	[sflag:s25] =	ssyncset.done $0x0  }
0x137: {  	[sflag:s25] =	ssyncadd.s32 $0xFFFFFFC0  }
0x138: {  	_ =	swait.ge [sflag:s25], $0x40  }
0x139: {  	[sflag:s25] =	ssyncset.done $0x0  }
0x13a: {  	[sflag:s25] =	ssyncadd.s32 $0xFFFFFFC0  }
0x13b: {  	_ =	swait.ge [sflag:s26], $0x2000  }
0x13c: {  	[sflag:s26] =	ssyncset.done $0x0  }
0x13d: {  	[sflag:s26] =	ssyncadd.s32 $0xFFFFE000  }
0x13e: {  	[spmem:s2] =	stream.indirect.scatter.add.f32 [tilespmem:s12], [sflag:$0xD], $0x80, s18, s11, $0xb8;
	[tilespmem:$0x1D100] =	vst v63  }
0x13f: {  	_ =	swait.ge [sflag:s20], $0x2000  }
0x140: {  	[sflag:s20] =	ssyncset.done $0x0  }
0x141: {  	[sflag:s20] =	ssyncadd.s32 $0xFFFFE000  }
0x142: {  	[tilespmem:s12], [sflag:$0xC] =	stream.indirect.gather [hbm4b:s1+s11], $0x80, s3, s11, $0xb8;
	[tilespmem:$0x1D100] =	vst v63  }
0x143: {  	_ =	swait.ge [sflag:s16], $0x2000  }
0x144: {  	[sflag:s16] =	ssyncset.done $0x0  }
0x145: {  	[sflag:s16] =	ssyncadd.s32 $0xFFFFE000  }
0x146: {  	[spmem:s2] =	stream.indirect.scatter.add.f32 [tilespmem:s0], [sflag:$0xD], $0x80, s13, s11, $0xb8;
	[tilespmem:$0x1D100] =	vst v63  }
0x147: {  	_ =	swait.ge [sflag:s20], $0x2000  }
0x148: {  	[sflag:s20] =	ssyncset.done $0x0  }
0x149: {  	[sflag:s20] =	ssyncadd.s32 $0xFFFFE000  }
0x14a: {  	_ =	swait.ge [sflag:s22], $0x2000  }
0x14b: {  	[sflag:s22] =	ssyncset.done $0x0  }
0x14c: {  	[sflag:s22] =	ssyncadd.s32 $0xFFFFE000  }
0x14d: {  	[spmem:s2] =	stream.indirect.scatter.add.f32 [tilespmem:s5], [sflag:$0xD], $0x80, s17, s11, $0xb8;
	[tilespmem:$0x1D100] =	vst v63  }
0x14e: {  	_ =	swait.ge [sflag:s20], $0x2000  }
0x14f: {  	[sflag:s20] =	ssyncset.done $0x0  }
0x150: {  	[sflag:s20] =	ssyncadd.s32 $0xFFFFE000  }
0x151: {  	_ =	swait.ge [sflag:s24], $0x2000  }
0x152: {  	[sflag:s24] =	ssyncset.done $0x0  }
0x153: {  	[sflag:s24] =	ssyncadd.s32 $0xFFFFE000  }
0x154: {  	[spmem:s2] =	stream.indirect.scatter.add.f32 [tilespmem:s8], [sflag:$0xD], $0x80, s7, s11, $0xb8;
	[tilespmem:$0x1D100] =	vst v63  }
0x155: {  	_ =	swait.ge [sflag:s20], $0x2000  }
0x156: {  	[sflag:s20] =	ssyncset.done $0x0  }
0x157: {  	[sflag:s20] =	ssyncadd.s32 $0xFFFFE000  }
0x158: {  	p0 =	sne.s32 s29, $0x480;
	_ =	swait.ge [sflag:s26], $0x2000  }
.Ltmp0:
0x159: {  	[sflag:s26] =	ssyncset.done $0x0;
	(pc) =	sbr.rel @p0 .LBB2_2-.Ltmp0, $4  }
0x15a: {  	[sflag:s26] =	ssyncadd.s32 $0xFFFFE000  }
0x15b: {  	[spmem:s2] =	stream.indirect.scatter.add.f32 [tilespmem:s12], [sflag:$0xD], $0x80, s30, s11, $0xb8;
	[tilespmem:$0x1D100] =	vst v63  }
0x15c: {  	_ =	swait.ge [sflag:s20], $0x2000  }
0x15d: {  	s29 =	sadd.s32 $0x40, s29;
	s31 =	rddreg [dreg:$0x4];
	[sflag:s20] =	ssyncset.done $0x0  }
0x15e: {  	s0 =	rddreg [dreg:$0x13]  }
0x15f: {  	[sflag:s20] =	ssyncadd.s32 $0xFFFFE000;
	s3 =	sadd.s32 s28, s31;
	s29 =	simm.s32 $0x14000  }
0x160: {  	[tilespmem:s29], [sflag:$0x1] =	stream.linear.gather [hbm4b:s3+s4], $0x40, $0x38;
	[tilespmem:$0x1D100] =	vst v63  }
0x161: {  	s8 =	rddreg [dreg:$0x12];
	s5 =	simm.s32 $0x14400;
	s0 =	sadd.s32 s28, s0  }
0x162: {  	[tilespmem:s5], [sflag:$0x1] =	stream.linear.gather [hbm4b:s0+s4], $0x40, $0x38;
	[tilespmem:$0x1D100] =	vst v63  }
0x163: {  	s9 =	rddreg [dreg:$0x11];
	s13 =	simm.s32 $0x14080;
	s3 =	sadd.s32 s28, s8  }
0x164: {  	[tilespmem:s13], [sflag:$0x2] =	stream.linear.gather [hbm4b:s3+s4], $0x40, $0x38;
	[tilespmem:$0x1D100] =	vst v63  }
0x165: {  	s10 =	rddreg [dreg:$0x10];
	s14 =	simm.s32 $0x14480;
	s0 =	sadd.s32 s28, s9  }
0x166: {  	[tilespmem:s14], [sflag:$0x2] =	stream.linear.gather [hbm4b:s0+s4], $0x40, $0x38;
	[tilespmem:$0x1D100] =	vst v63  }
0x167: {  	s15 =	rddreg [dreg:$0xf];
	s3 =	sadd.s32 s28, s10;
	s14 =	simm.s32 $0x14100  }
0x168: {  	[tilespmem:s14], [sflag:$0x3] =	stream.linear.gather [hbm4b:s3+s4], $0x40, $0x38;
	[tilespmem:$0x1D100] =	vst v63  }
0x169: {  	s16 =	rddreg [dreg:$0xe];
	s17 =	simm.s32 $0x14500;
	s0 =	sadd.s32 s28, s15  }
0x16a: {  	[tilespmem:s17], [sflag:$0x3] =	stream.linear.gather [hbm4b:s0+s4], $0x40, $0x38;
	[tilespmem:$0x1D100] =	vst v63  }
0x16b: {  	s18 =	rddreg [dreg:$0xd];
	s3 =	sadd.s32 s28, s16;
	s16 =	simm.s32 $0x14180  }
0x16c: {  	[tilespmem:s16], [sflag:$0x4] =	stream.linear.gather [hbm4b:s3+s4], $0x40, $0x38;
	[tilespmem:$0x1D100] =	vst v63  }
0x16d: {  	s19 =	rddreg [dreg:$0xc];
	s30 =	simm.s32 $0x14580;
	s0 =	sadd.s32 s28, s18  }
0x16e: {  	[tilespmem:s30], [sflag:$0x4] =	stream.linear.gather [hbm4b:s0+s4], $0x40, $0x38;
	[tilespmem:$0x1D100] =	vst v63  }
0x16f: {  	s31 =	rddreg [dreg:$0xb];
	s10 =	simm.s32 $0x14200;
	s3 =	sadd.s32 s28, s19  }
0x170: {  	[tilespmem:s10], [sflag:$0x5] =	stream.linear.gather [hbm4b:s3+s4], $0x40, $0x38;
	[tilespmem:$0x1D100] =	vst v63  }
0x171: {  	s5 =	rddreg [dreg:$0xa];
	s17 =	simm.s32 $0x14600;
	s0 =	sadd.s32 s28, s31  }
0x172: {  	[tilespmem:s17], [sflag:$0x5] =	stream.linear.gather [hbm4b:s0+s4], $0x40, $0x38;
	[tilespmem:$0x1D100] =	vst v63  }
0x173: {  	s6 =	rddreg [dreg:$0x9];
	s15 =	simm.s32 $0x14280;
	s3 =	sadd.s32 s28, s5  }
0x174: {  	[tilespmem:s15], [sflag:$0x6] =	stream.linear.gather [hbm4b:s3+s4], $0x40, $0x38;
	[tilespmem:$0x1D100] =	vst v63  }
0x175: {  	s7 =	rddreg [dreg:$0x8];
	s8 =	simm.s32 $0x14680;
	s0 =	sadd.s32 s28, s6  }
0x176: {  	[tilespmem:s8], [sflag:$0x6] =	stream.linear.gather [hbm4b:s0+s4], $0x40, $0x38;
	[tilespmem:$0x1D100] =	vst v63  }
0x177: {  	s9 =	rddreg [dreg:$0x7];
	s18 =	simm.s32 $0x14300;
	s3 =	sadd.s32 s28, s7  }
0x178: {  	[tilespmem:s18], [sflag:$0x7] =	stream.linear.gather [hbm4b:s3+s4], $0x40, $0x38;
	[tilespmem:$0x1D100] =	vst v63  }
0x179: {  	s19 =	rddreg [dreg:$0x6];
	s30 =	simm.s32 $0x14700;
	s0 =	sadd.s32 s28, s9  }
0x17a: {  	[tilespmem:s30], [sflag:$0x7] =	stream.linear.gather [hbm4b:s0+s4], $0x40, $0x38;
	[tilespmem:$0x1D100] =	vst v63  }
0x17b: {  	s31 =	rddreg [dreg:$0x5];
	s3 =	sadd.s32 s28, s19;
	s19 =	simm.s32 $0x14380  }
0x17c: {  	[tilespmem:s19], [sflag:$0x8] =	stream.linear.gather [hbm4b:s3+s4], $0x40, $0x38;
	[tilespmem:$0x1D100] =	vst v63  }
0x17d: {  	s5 =	simm.s32 $0x14780;
	s0 =	sadd.s32 s28, s31;
	s28 =	simm.s32 $0x1  }
0x17e: {  	[tilespmem:s5], [sflag:$0x8] =	stream.linear.gather [hbm4b:s0+s4], $0x40, $0x38;
	[tilespmem:$0x1D100] =	vst v63  }
0x17f: {  	_ =	swait.ge [sflag:s28], $0x40  }
0x180: {  	[sflag:s28] =	ssyncset.done $0x0  }
0x181: {  	[sflag:s28] =	ssyncadd.s32 $0xFFFFFFC0  }
0x182: {  	_ =	swait.ge [sflag:s28], $0x40  }
0x183: {  	[sflag:s28] =	ssyncset.done $0x0  }
0x184: {  	s30 =	simm.s32 $0x14800;
	s31 =	simm.s32 $0x2;
	[sflag:s28] =	ssyncadd.s32 $0xFFFFFFC0  }
0x185: {  	[tilespmem:s30], [sflag:$0x9] =	stream.indirect.gather [hbm4b:s1+s11], $0x80, s29, s11, $0xb8;
	[tilespmem:$0x1D100] =	vst v63  }
0x186: {  	_ =	swait.ge [sflag:s31], $0x40  }
0x187: {  	[sflag:s31] =	ssyncset.done $0x0  }
0x188: {  	[sflag:s31] =	ssyncadd.s32 $0xFFFFFFC0  }
0x189: {  	_ =	swait.ge [sflag:s31], $0x40  }
0x18a: {  	[sflag:s31] =	ssyncset.done $0x0  }
0x18b: {  	s7 =	simm.s32 $0x16800;
	s3 =	simm.s32 $0x3;
	[sflag:s31] =	ssyncadd.s32 $0xFFFFFFC0  }
0x18c: {  	[tilespmem:s7], [sflag:$0xA] =	stream.indirect.gather [hbm4b:s1+s11], $0x80, s13, s11, $0xb8;
	[tilespmem:$0x1D100] =	vst v63  }
0x18d: {  	_ =	swait.ge [sflag:s3], $0x40  }
0x18e: {  	[sflag:s3] =	ssyncset.done $0x0  }
0x18f: {  	[sflag:s3] =	ssyncadd.s32 $0xFFFFFFC0  }
0x190: {  	_ =	swait.ge [sflag:s3], $0x40  }
0x191: {  	[sflag:s3] =	ssyncset.done $0x0  }
0x192: {  	s9 =	simm.s32 $0x18800;
	s5 =	simm.s32 $0x4;
	[sflag:s3] =	ssyncadd.s32 $0xFFFFFFC0  }
0x193: {  	[tilespmem:s9], [sflag:$0xB] =	stream.indirect.gather [hbm4b:s1+s11], $0x80, s14, s11, $0xb8;
	[tilespmem:$0x1D100] =	vst v63  }
0x194: {  	_ =	swait.ge [sflag:s5], $0x40  }
0x195: {  	[sflag:s5] =	ssyncset.done $0x0  }
0x196: {  	[sflag:s5] =	ssyncadd.s32 $0xFFFFFFC0  }
0x197: {  	_ =	swait.ge [sflag:s5], $0x40  }
0x198: {  	[sflag:s5] =	ssyncset.done $0x0  }
0x199: {  	s6 =	simm.s32 $0x5;
	s8 =	simm.s32 $0x1A800;
	[sflag:s5] =	ssyncadd.s32 $0xFFFFFFC0  }
0x19a: {  	[tilespmem:s8], [sflag:$0xC] =	stream.indirect.gather [hbm4b:s1+s11], $0x80, s16, s11, $0xb8;
	[tilespmem:$0x1D100] =	vst v63  }
0x19b: {  	_ =	swait.ge [sflag:s6], $0x40  }
0x19c: {  	[sflag:s6] =	ssyncset.done $0x0  }
0x19d: {  	[sflag:s6] =	ssyncadd.s32 $0xFFFFFFC0  }
0x19e: {  	_ =	swait.ge [sflag:s6], $0x40  }
0x19f: {  	[sflag:s6] =	ssyncset.done $0x0  }
0x1a0: {  	[sflag:s6] =	ssyncadd.s32 $0xFFFFFFC0;
	s6 =	simm.s32 $0x9  }
0x1a1: {  	_ =	swait.ge [sflag:s6], $0x2000  }
0x1a2: {  	[sflag:s6] =	ssyncset.done $0x0  }
0x1a3: {  	s12 =	simm.s32 $0x14400;
	[sflag:s6] =	ssyncadd.s32 $0xFFFFE000  }
0x1a4: {  	[spmem:s2] =	stream.indirect.scatter.add.f32 [tilespmem:s30], [sflag:$0xD], $0x80, s12, s11, $0xb8;
	[tilespmem:$0x1D100] =	vst v63  }
0x1a5: {  	_ =	swait.ge [sflag:s20], $0x2000  }
0x1a6: {  	[sflag:s20] =	ssyncset.done $0x0  }
0x1a7: {  	[sflag:s20] =	ssyncadd.s32 $0xFFFFE000  }
0x1a8: {  	[tilespmem:s30], [sflag:$0x9] =	stream.indirect.gather [hbm4b:s1+s11], $0x80, s10, s11, $0xb8;
	[tilespmem:$0x1D100] =	vst v63  }
0x1a9: {  	_ =	swait.ge [sflag:s21], $0x40  }
0x1aa: {  	[sflag:s21] =	ssyncset.done $0x0  }
0x1ab: {  	[sflag:s21] =	ssyncadd.s32 $0xFFFFFFC0  }
0x1ac: {  	_ =	swait.ge [sflag:s21], $0x40  }
0x1ad: {  	[sflag:s21] =	ssyncset.done $0x0  }
0x1ae: {  	[sflag:s21] =	ssyncadd.s32 $0xFFFFFFC0  }
0x1af: {  	_ =	swait.ge [sflag:s22], $0x2000  }
0x1b0: {  	[sflag:s22] =	ssyncset.done $0x0  }
0x1b1: {  	s12 =	simm.s32 $0x14480;
	[sflag:s22] =	ssyncadd.s32 $0xFFFFE000  }
0x1b2: {  	[spmem:s2] =	stream.indirect.scatter.add.f32 [tilespmem:s7], [sflag:$0xD], $0x80, s12, s11, $0xb8;
	[tilespmem:$0x1D100] =	vst v63  }
0x1b3: {  	_ =	swait.ge [sflag:s20], $0x2000  }
0x1b4: {  	[sflag:s20] =	ssyncset.done $0x0  }
0x1b5: {  	[sflag:s20] =	ssyncadd.s32 $0xFFFFE000  }
0x1b6: {  	[tilespmem:s7], [sflag:$0xA] =	stream.indirect.gather [hbm4b:s1+s11], $0x80, s15, s11, $0xb8;
	[tilespmem:$0x1D100] =	vst v63  }
0x1b7: {  	_ =	swait.ge [sflag:s23], $0x40  }
0x1b8: {  	[sflag:s23] =	ssyncset.done $0x0  }
0x1b9: {  	[sflag:s23] =	ssyncadd.s32 $0xFFFFFFC0  }
0x1ba: {  	_ =	swait.ge [sflag:s23], $0x40  }
0x1bb: {  	[sflag:s23] =	ssyncset.done $0x0  }
0x1bc: {  	[sflag:s23] =	ssyncadd.s32 $0xFFFFFFC0  }
0x1bd: {  	_ =	swait.ge [sflag:s24], $0x2000  }
0x1be: {  	[sflag:s24] =	ssyncset.done $0x0  }
0x1bf: {  	s15 =	simm.s32 $0x14500;
	[sflag:s24] =	ssyncadd.s32 $0xFFFFE000  }
0x1c0: {  	[spmem:s2] =	stream.indirect.scatter.add.f32 [tilespmem:s9], [sflag:$0xD], $0x80, s15, s11, $0xb8;
	[tilespmem:$0x1D100] =	vst v63  }
0x1c1: {  	_ =	swait.ge [sflag:s20], $0x2000  }
0x1c2: {  	[sflag:s20] =	ssyncset.done $0x0  }
0x1c3: {  	[sflag:s20] =	ssyncadd.s32 $0xFFFFE000  }
0x1c4: {  	[tilespmem:s9], [sflag:$0xB] =	stream.indirect.gather [hbm4b:s1+s11], $0x80, s18, s11, $0xb8;
	[tilespmem:$0x1D100] =	vst v63  }
0x1c5: {  	_ =	swait.ge [sflag:s25], $0x40  }
0x1c6: {  	[sflag:s25] =	ssyncset.done $0x0  }
0x1c7: {  	[sflag:s25] =	ssyncadd.s32 $0xFFFFFFC0  }
0x1c8: {  	_ =	swait.ge [sflag:s25], $0x40  }
0x1c9: {  	[sflag:s25] =	ssyncset.done $0x0  }
0x1ca: {  	[sflag:s25] =	ssyncadd.s32 $0xFFFFFFC0  }
0x1cb: {  	_ =	swait.ge [sflag:s26], $0x2000  }
0x1cc: {  	[sflag:s26] =	ssyncset.done $0x0  }
0x1cd: {  	s10 =	simm.s32 $0x14580;
	[sflag:s26] =	ssyncadd.s32 $0xFFFFE000  }
0x1ce: {  	[spmem:s2] =	stream.indirect.scatter.add.f32 [tilespmem:s8], [sflag:$0xD], $0x80, s10, s11, $0xb8;
	[tilespmem:$0x1D100] =	vst v63  }
0x1cf: {  	_ =	swait.ge [sflag:s20], $0x2000  }
0x1d0: {  	[sflag:s20] =	ssyncset.done $0x0  }
0x1d1: {  	[sflag:s20] =	ssyncadd.s32 $0xFFFFE000  }
0x1d2: {  	[tilespmem:s8], [sflag:$0xC] =	stream.indirect.gather [hbm4b:s1+s11], $0x80, s19, s11, $0xb8;
	[tilespmem:$0x1D100] =	vst v63  }
0x1d3: {  	_ =	swait.ge [sflag:s6], $0x2000  }
0x1d4: {  	[sflag:s6] =	ssyncset.done $0x0  }
0x1d5: {  	[sflag:s6] =	ssyncadd.s32 $0xFFFFE000  }
0x1d6: {  	[spmem:s2] =	stream.indirect.scatter.add.f32 [tilespmem:s30], [sflag:$0xD], $0x80, s17, s11, $0xb8;
	[tilespmem:$0x1D100] =	vst v63  }
0x1d7: {  	_ =	swait.ge [sflag:s20], $0x2000  }
0x1d8: {  	[sflag:s20] =	ssyncset.done $0x0  }
0x1d9: {  	[sflag:s20] =	ssyncadd.s32 $0xFFFFE000  }
0x1da: {  	_ =	swait.ge [sflag:s22], $0x2000  }
0x1db: {  	[sflag:s22] =	ssyncset.done $0x0  }
0x1dc: {  	s17 =	simm.s32 $0x14680;
	[sflag:s22] =	ssyncadd.s32 $0xFFFFE000  }
0x1dd: {  	[spmem:s2] =	stream.indirect.scatter.add.f32 [tilespmem:s7], [sflag:$0xD], $0x80, s17, s11, $0xb8;
	[tilespmem:$0x1D100] =	vst v63  }
0x1de: {  	_ =	swait.ge [sflag:s20], $0x2000  }
0x1df: {  	[sflag:s20] =	ssyncset.done $0x0  }
0x1e0: {  	[sflag:s20] =	ssyncadd.s32 $0xFFFFE000  }
0x1e1: {  	_ =	swait.ge [sflag:s24], $0x2000  }
0x1e2: {  	[sflag:s24] =	ssyncset.done $0x0  }
0x1e3: {  	s18 =	simm.s32 $0x14700;
	[sflag:s24] =	ssyncadd.s32 $0xFFFFE000  }
0x1e4: {  	[spmem:s2] =	stream.indirect.scatter.add.f32 [tilespmem:s9], [sflag:$0xD], $0x80, s18, s11, $0xb8;
	[tilespmem:$0x1D100] =	vst v63  }
0x1e5: {  	_ =	swait.ge [sflag:s20], $0x2000  }
0x1e6: {  	[sflag:s20] =	ssyncset.done $0x0  }
0x1e7: {  	[sflag:s20] =	ssyncadd.s32 $0xFFFFE000  }
0x1e8: {  	_ =	swait.ge [sflag:s26], $0x2000  }
0x1e9: {  	[sflag:s26] =	ssyncset.done $0x0  }
0x1ea: {  	s19 =	simm.s32 $0x14780;
	[sflag:s26] =	ssyncadd.s32 $0xFFFFE000  }
0x1eb: {  	[spmem:s2] =	stream.indirect.scatter.add.f32 [tilespmem:s8], [sflag:$0xD], $0x80, s19, s11, $0xb8;
	[tilespmem:$0x1D100] =	vst v63  }
0x1ec: {  	_ =	swait.ge [sflag:s20], $0x2000  }
0x1ed: {  	[sflag:s20] =	ssyncset.done $0x0  }
0x1ee: {  	s17 =	rddreg [dreg:$0x17];
	[sflag:s20] =	ssyncadd.s32 $0xFFFFE000  }
0x1ef: {  	[tilespmem:s29], [sflag:$0x1] =	stream.linear.gather [hbm4b:s17+s4], $0x40, $0x38;
	[tilespmem:$0x1D100] =	vst v63  }
0x1f0: {  	s19 =	simm.s32 $0x14400;
	s18 =	rddreg [dreg:$0x18]  }
0x1f1: {  	[tilespmem:s19], [sflag:$0x1] =	stream.linear.gather [hbm4b:s18+s4], $0x40, $0x38;
	[tilespmem:$0x1D100] =	vst v63  }
0x1f2: {  	s18 =	rddreg [dreg:$0x19]  }
0x1f3: {  	[tilespmem:s13], [sflag:$0x2] =	stream.linear.gather [hbm4b:s18+s4], $0x40, $0x38;
	[tilespmem:$0x1D100] =	vst v63  }
0x1f4: {  	s19 =	rddreg [dreg:$0x1a]  }
0x1f5: {  	[tilespmem:s12], [sflag:$0x2] =	stream.linear.gather [hbm4b:s19+s4], $0x40, $0x38;
	[tilespmem:$0x1D100] =	vst v63  }
0x1f6: {  	s18 =	rddreg [dreg:$0x1b]  }
0x1f7: {  	[tilespmem:s14], [sflag:$0x3] =	stream.linear.gather [hbm4b:s18+s4], $0x40, $0x38;
	[tilespmem:$0x1D100] =	vst v63  }
0x1f8: {  	s19 =	rddreg [dreg:$0x1c]  }
0x1f9: {  	[tilespmem:s15], [sflag:$0x3] =	stream.linear.gather [hbm4b:s19+s4], $0x40, $0x38;
	[tilespmem:$0x1D100] =	vst v63  }
0x1fa: {  	s18 =	rddreg [dreg:$0x1d]  }
0x1fb: {  	[tilespmem:s16], [sflag:$0x4] =	stream.linear.gather [hbm4b:s18+s4], $0x40, $0x38;
	[tilespmem:$0x1D100] =	vst v63  }
0x1fc: {  	s19 =	rddreg [dreg:$0x1e]  }
0x1fd: {  	[tilespmem:s10], [sflag:$0x4] =	stream.linear.gather [hbm4b:s19+s4], $0x40, $0x38;
	[tilespmem:$0x1D100] =	vst v63  }
0x1fe: {  	_ =	swait.ge [sflag:s28], $0x40  }
0x1ff: {  	[sflag:s28] =	ssyncset.done $0x0  }
0x200: {  	[sflag:s28] =	ssyncadd.s32 $0xFFFFFFC0  }
0x201: {  	_ =	swait.ge [sflag:s28], $0x40  }
0x202: {  	[sflag:s28] =	ssyncset.done $0x0  }
0x203: {  	[sflag:s28] =	ssyncadd.s32 $0xFFFFFFC0  }
0x204: {  	[tilespmem:s30], [sflag:$0x9] =	stream.indirect.gather [hbm4b:s1+s11], $0x80, s29, s11, $0xb8;
	[tilespmem:$0x1D100] =	vst v63  }
0x205: {  	_ =	swait.ge [sflag:s31], $0x40  }
0x206: {  	[sflag:s31] =	ssyncset.done $0x0  }
0x207: {  	[sflag:s31] =	ssyncadd.s32 $0xFFFFFFC0  }
0x208: {  	_ =	swait.ge [sflag:s31], $0x40  }
0x209: {  	[sflag:s31] =	ssyncset.done $0x0  }
0x20a: {  	[sflag:s31] =	ssyncadd.s32 $0xFFFFFFC0  }
0x20b: {  	[tilespmem:s7], [sflag:$0xA] =	stream.indirect.gather [hbm4b:s1+s11], $0x80, s13, s11, $0xb8;
	[tilespmem:$0x1D100] =	vst v63  }
0x20c: {  	_ =	swait.ge [sflag:s3], $0x40  }
0x20d: {  	[sflag:s3] =	ssyncset.done $0x0  }
0x20e: {  	[sflag:s3] =	ssyncadd.s32 $0xFFFFFFC0  }
0x20f: {  	_ =	swait.ge [sflag:s3], $0x40  }
0x210: {  	[sflag:s3] =	ssyncset.done $0x0  }
0x211: {  	[sflag:s3] =	ssyncadd.s32 $0xFFFFFFC0  }
0x212: {  	[tilespmem:s9], [sflag:$0xB] =	stream.indirect.gather [hbm4b:s1+s11], $0x80, s14, s11, $0xb8;
	[tilespmem:$0x1D100] =	vst v63  }
0x213: {  	_ =	swait.ge [sflag:s5], $0x40  }
0x214: {  	[sflag:s5] =	ssyncset.done $0x0  }
0x215: {  	[sflag:s5] =	ssyncadd.s32 $0xFFFFFFC0  }
0x216: {  	_ =	swait.ge [sflag:s5], $0x40  }
0x217: {  	[sflag:s5] =	ssyncset.done $0x0  }
0x218: {  	[sflag:s5] =	ssyncadd.s32 $0xFFFFFFC0  }
0x219: {  	[tilespmem:s8], [sflag:$0xC] =	stream.indirect.gather [hbm4b:s1+s11], $0x80, s16, s11, $0xb8;
	[tilespmem:$0x1D100] =	vst v63  }
0x21a: {  	_ =	swait.ge [sflag:s6], $0x2000  }
0x21b: {  	[sflag:s6] =	ssyncset.done $0x0  }
0x21c: {  	s17 =	simm.s32 $0x14400;
	[sflag:s6] =	ssyncadd.s32 $0xFFFFE000  }
0x21d: {  	[spmem:s2] =	stream.indirect.scatter.add.f32 [tilespmem:s30], [sflag:$0xD], $0x80, s17, s11, $0xb8;
	[tilespmem:$0x1D100] =	vst v63  }
0x21e: {  	_ =	swait.ge [sflag:s20], $0x2000  }
0x21f: {  	[sflag:s20] =	ssyncset.done $0x0  }
0x220: {  	[sflag:s20] =	ssyncadd.s32 $0xFFFFE000  }
0x221: {  	_ =	swait.ge [sflag:s22], $0x2000  }
0x222: {  	[sflag:s22] =	ssyncset.done $0x0  }
0x223: {  	s12 =	simm.s32 $0x14480;
	[sflag:s22] =	ssyncadd.s32 $0xFFFFE000  }
0x224: {  	[spmem:s2] =	stream.indirect.scatter.add.f32 [tilespmem:s7], [sflag:$0xD], $0x80, s12, s11, $0xb8;
	[tilespmem:$0x1D100] =	vst v63  }
0x225: {  	_ =	swait.ge [sflag:s20], $0x2000  }
0x226: {  	[sflag:s20] =	ssyncset.done $0x0  }
0x227: {  	[sflag:s20] =	ssyncadd.s32 $0xFFFFE000  }
0x228: {  	_ =	swait.ge [sflag:s24], $0x2000  }
0x229: {  	[sflag:s24] =	ssyncset.done $0x0  }
0x22a: {  	s15 =	simm.s32 $0x14500;
	[sflag:s24] =	ssyncadd.s32 $0xFFFFE000  }
0x22b: {  	[spmem:s2] =	stream.indirect.scatter.add.f32 [tilespmem:s9], [sflag:$0xD], $0x80, s15, s11, $0xb8;
	[tilespmem:$0x1D100] =	vst v63  }
0x22c: {  	_ =	swait.ge [sflag:s20], $0x2000  }
0x22d: {  	[sflag:s20] =	ssyncset.done $0x0  }
0x22e: {  	[sflag:s20] =	ssyncadd.s32 $0xFFFFE000  }
0x22f: {  	_ =	swait.ge [sflag:s26], $0x2000  }
0x230: {  	[sflag:s26] =	ssyncset.done $0x0  }
0x231: {  	s10 =	simm.s32 $0x14580;
	[sflag:s26] =	ssyncadd.s32 $0xFFFFE000  }
0x232: {  	[spmem:s2] =	stream.indirect.scatter.add.f32 [tilespmem:s8], [sflag:$0xD], $0x80, s10, s11, $0xb8;
	[tilespmem:$0x1D100] =	vst v63  }
0x233: {  	_ =	swait.ge [sflag:s20], $0x2000  }
0x234: {  	[sflag:s20] =	ssyncset.done $0x0  }
0x235: {  	s14 =	simm.s32 $0x1C800;
	s13 =	rddreg [dreg:$0x1f];
	[sflag:s20] =	ssyncadd.s32 $0xFFFFE000  }
0x236: {  	[tilespmem:s14], [sflag:$0xD] =	stream.linear.gather [hbm4b:s13+s4], $0x10, $0x38;
	[tilespmem:$0x1D100] =	vst v63  }
0x237: {  	_ =	swait.ge [sflag:s20], $0x10  }
0x238: {  	s15 =	sld [smem:$0x7FB]  }
0x239: {  	[sflag:s20] =	ssyncset.done $0x0  }
0x23a: {  	s16 =	simm.s32 $0x1C880;
	[sflag:s20] =	ssyncadd.s32 $0xFFFFFFF0  }
0x23b: {  	[tilespmem:s16], [sflag:$0xD] =	stream.linear.gather [hbm4b:s15+s4], $0x10, $0x38;
	[tilespmem:$0x1D100] =	vst v63  }
0x23c: {  	_ =	swait.ge [sflag:s20], $0x10  }
0x23d: {  	[sflag:s20] =	ssyncset.done $0x0  }
0x23e: {  	s18 =	simm.s32 $0x1C900;
	s17 =	simm.s32 $0x10;
	[sflag:s20] =	ssyncadd.s32 $0xFFFFFFF0  }
0x23f: {  	[tilespmem:s18], [sflag:$0xD] =	stream.indirect.gather [hbm4b:s1+s17], $0x80, s14, s17, $0xb8;
	[tilespmem:$0x1D100] =	vst v63  }
0x240: {  	_ =	swait.ge [sflag:s20], $0x800  }
0x241: {  	[sflag:s20] =	ssyncset.done $0x0  }
0x242: {  	[sflag:s20] =	ssyncadd.s32 $0xFFFFF800  }
0x243: {  	[spmem:s2] =	stream.indirect.scatter.add.f32 [tilespmem:s18], [sflag:$0xD], $0x80, s16, s17, $0xb8;
	[tilespmem:$0x1D100] =	vst v63  }
0x244: {  	_ =	swait.ge [sflag:s20], $0x800  }
0x245: {  	[sflag:s20] =	ssyncset.done $0x0  }
0x246: {  	[sflag:s20] =	ssyncadd.s32 $0xFFFFF800  }
0x247: {  	[bflag:$0x0] =	sbarrier.arrive $0xFFFF  }
0x248: {  	s19 =	sld [smem:$0x7FC]  }
0x249: {  	s29 =	sld [smem:$0x7FA];
	_ =	sdelay $0x1  }
0x24a: {  	s28 =	rddreg [dreg:$0x16]  }
0x24b: {  	[hbm:s19], [sflag:s28] =	dma.local [spmem:s29], $0x2800  }
0x24c: {  	_ =	swait.ge [sflag:s20], $0x2800  }
0x24d: {  	s30 =	sld [smem:$0x7F9]  }
0x24e: {  	s31 =	sld [smem:$0x7FD];
	_ =	sdelay $0x1  }
0x24f: {  	s3 =	sadd.s32 $0x1, s30  }
0x250: {  	p0 =	sne.s32 s3, s31  }
.Ltmp1:
0x251: {  	_ = 	snop;
	(pc) =	sbr.rel @p0 .LBB2_1-.Ltmp1, $3  }
0x252: {  	_ =	sdelay $0x1  }
0x253: {  	[sflag:s20] =	ssyncset.done $0x0  }
0x254: {  	[sflag:s20] =	ssyncadd.s32 $0xFFFFD800  }
0x255: {  	_ =	sfence.sel $0x180000  }
0x256: {  	[bflag:$0x0] =	sbarrier.arrive $0xFFFF  }
0x257: {  	_ =	strace $0x9000004D  }
0x258: {  	s0 =	stileid.u32;
	[bflag:$0x2] =	sbarrier.arrive $0xFFFF  }
0x259: {  	p0 =	sne.s32 s0, $0x0;
	s0 =	rddreg [dreg:$0x3]  }
0x25a: {  	s0 =	sadd.s32 @!p0 $0x100000, s0  }
0x25b: {  	[sflag:s0] =	ssyncadd.tile.s32 @!p0 $0x1;
	_ =	shalt  }
.Lfunc_end2:
_tile_overlayer_lowered:
.L_overlay_start_2:
0x25c: {  	(tag) =	ssettag $0x2  }
0x25d: {  	s0 =	rddreg [dreg:$0x0];
	s2 =	stileid.u32  }
0x25e: {  	s1 =	rddreg [dreg:$0x1];
	p0 =	sne.s32 s2, $0x0  }
0x25f: {  	s3 =	rddreg [dreg:$0x2];
	[bflag:$0x3] =	sbarrier.arrive $0xFFFF;
	s2 =	simm.s32 @!p0 $0x1C0D  }
0x260: {  	[timem:s3], [sflag:s2] =	dma.local @!p0 [hbm:s0], s1  }
0x261: {  	s0 =	simm.s32 @!p0 $0xD  }
0x262: {  	_ =	swait.ge @!p0 [sflag:s0], s1  }
0x263: {  	s1 =	ssub.s32 @!p0 $0x0, s1;
	[sflag:s0] =	ssyncset.done @!p0 $0x0  }
0x264: {  	[sflag:s0] =	ssyncadd.s32 @!p0 s1  }
0x265: {  	[bflag:$0x3] =	sbarrier.arrive $0xFFFF  }
0x266: {  	_ =	shalt  }

// kernel: kernel.8.cloned.1.call-start
scs
__scs_entry_jumppad:
0x0: {  	(pc) =	sbr.rel $0x88, $3  }
0x1: {  	(tag) =	ssettag $0x0;
	lr =	simm.s32 $0x1  }
0x2: {  	[smem:$0x3F9B] =	sst lr;
	_ =	strace $0xD0000000  }
0x3: {  	_ = 	snop  }
0x4: {  	_ = 	snop  }
0x5: {  	_ = 	snop  }
0x6: {  	_ = 	snop  }
0x7: {  	_ = 	snop  }
__scs_overlays_trampoline_lowered:
0x8: {  	[smem:$0x3FAA] =	sst s0  }
0x9: {  	[smem:$0x3FAB] =	sst s1  }
0xa: {  	[smem:$0x3FAC] =	sst s2  }
0xb: {  	[smem:$0x3FAD] =	sst s3  }
0xc: {  	[smem:$0x3FAE] =	sst s4  }
0xd: {  	[smem:$0x3FAF] =	sst s5  }
0xe: {  	[smem:$0x3FB0] =	sst s6  }
0xf: {  	[smem:$0x3FB1] =	sst s7  }
0x10: {  	[smem:$0x3FB2] =	sst s8  }
0x11: {  	[smem:$0x3FB3] =	sst s9;
	s0 =	simm.s32 @!p0 $0x0  }
0x12: {  	s1 =	sld [smem:$0x3F99];
	s0 =	simm.s32 @p0 $0x1  }
0x13: {  	[smem:$0x3FB4] =	sst s0;
	s0 =	simm.s32 @!p1 $0x0  }
0x14: {  	s2 =	sld [smem:$0x3F98];
	s0 =	simm.s32 @p1 $0x1  }
0x15: {  	[smem:$0x3FB5] =	sst s0;
	s0 =	simm.s32 @!p2 $0x0  }
0x16: {  	s3 =	sld [smem:$0x3FDB];
	s0 =	simm.s32 @p2 $0x1  }
0x17: {  	s4 =	simm.s32 $0x1BF5;
	[smem:$0x3FB7] =	sst s0  }
0x18: {  	s0 =	sld [smem:$0x3F9A];
	_ =	swait.ge [sflag:s4], $0x0  }
0x19: {  	s7 =	sld [smem:$0x3F9B]  }
0x1a: {  	s8 =	sadd.s32 $0xFFFFE003, lr  }
0x1b: {  	s9 =	sadd.s32 $0xFFFFFEF7, lr;
	s5 =	simm.s32 $0xFFFFFFFF;
	p2 =	slt.u32 s8, $0xFFFFF086  }
0x1c: {  	p1 =	slt.u32 s9, $0xF7A;
	s5 =	simm.s32 @!p2 $0x0  }
0x1d: {  	s5 =	simm.s32 @p1 $0x1;
	p0 =	seq.s32 s7, s2  }
0x1e: {  	s7 =	smul.u32 @!p0 $0xF7A, s2;
	p2 =	seq.s32 @!p0 s5, $0x0  }
0x1f: {  	s9 =	smul.u32 $0xF7A, s1;
	s8 =	simm.s32 @!p0 $0x1BF5;
	p2 =	por !p2, p0  }
0x20: {  	[sflag:s8] =	ssyncset.s32 @!p0 $0xFFFFF086;
	s6 =	sadd.s32 @!p0 s3, s7;
	s7 =	simm.s32 @!p0 $0x108  }
0x21: {  	s3 =	sadd.s32 s3, s9;
	s6 =	sadd.s32 @!p0 $0x88, s6;
	s7 =	simm.s32 @p2 $0x1082  }
0x22: {  	[simem:s7], [sflag:s8] =	dma.local @!p0 [hbm:s6], $0xF7A  }
0x23: {  	s9 =	sor.u32 $0xD0000000, s2;
	s6 =	simm.s32 $0x108;
	_ =	swait.ge @!p0 [sflag:s8], $0x0  }
0x24: {  	s3 =	sadd.s32 $0x88, s3;
	s6 =	simm.s32 @!p1 $0x1082;
	[sflag:s4] =	ssyncset.s32 $0xFFFFF086  }
0x25: {  	[simem:s6], [sflag:s4] =	dma.local [hbm:s3], $0xF7A  }
0x26: {  	[smem:$0x3F9B] =	sst s1;
	(tag) =	ssettag s2;
	_ =	strace s9  }
0x27: {  	s1 =	sld [smem:$0x3FAB]  }
0x28: {  	s2 =	sld [smem:$0x3FAC]  }
0x29: {  	s4 =	sld [smem:$0x3FAE]  }
0x2a: {  	p0 =	seq.s32 s5, $0x0;
	s5 =	sld [smem:$0x3FAF]  }
0x2b: {  	s6 =	sld [smem:$0x3FB0]  }
0x2c: {  	s7 =	sld [smem:$0x3FB1]  }
0x2d: {  	s3 =	simm.s32 $0x108;
	s8 =	sld [smem:$0x3FB2]  }
0x2e: {  	s3 =	simm.s32 @!p0 $0x1082;
	s9 =	sld [smem:$0x3FB3]  }
0x2f: {  	lr =	sadd.s32 s0, s3;
	s0 =	sld [smem:$0x3FAA]  }
0x30: {  	s3 =	sld [smem:$0x3FAD]  }
0x31: {  	[smem:$0x3FB6] =	sst s10  }
0x32: {  	s10 =	sld [smem:$0x3FB4];
	_ =	sdelay $0x3  }
0x33: {  	p0 =	seq.s32 s10, $0x1;
	s10 =	sld [smem:$0x3FB6];
	_ =	sdelay $0x3  }
0x34: {  	[smem:$0x3FB6] =	sst s10  }
0x35: {  	s10 =	sld [smem:$0x3FB5];
	_ =	sdelay $0x3  }
0x36: {  	p1 =	seq.s32 s10, $0x1;
	s10 =	sld [smem:$0x3FB6];
	_ =	sdelay $0x3  }
0x37: {  	[smem:$0x3FB6] =	sst s10  }
0x38: {  	s10 =	sld [smem:$0x3FB7]  }
0x39: {  	_ = 	snop;
	(pc) =	sbr.ind lr, $3  }
0x3a: {  	_ = 	snop  }
0x3b: {  	_ = 	snop  }
0x3c: {  	p2 =	seq.s32 s10, $0x1;
	s10 =	sld [smem:$0x3FB6]  }
0x3d: {  	_ =	shalt  }
0x3e: {  	_ =	shalt  }
0x3f: {  	_ =	shalt  }
0x40: {  	_ =	shalt  }
0x41: {  	_ =	shalt  }
0x42: {  	_ =	shalt  }
0x43: {  	_ =	shalt  }
0x44: {  	_ =	shalt  }
0x45: {  	_ =	shalt  }
0x46: {  	_ =	shalt  }
0x47: {  	_ =	shalt  }
0x48: {  	_ =	shalt  }
0x49: {  	_ =	shalt  }
0x4a: {  	_ =	shalt  }
0x4b: {  	_ =	shalt  }
0x4c: {  	_ =	shalt  }
0x4d: {  	_ =	shalt  }
0x4e: {  	_ =	shalt  }
0x4f: {  	_ =	shalt  }
0x50: {  	_ =	shalt  }
0x51: {  	_ =	shalt  }
0x52: {  	_ =	shalt  }
0x53: {  	_ =	shalt  }
0x54: {  	_ =	shalt  }
0x55: {  	_ =	shalt  }
0x56: {  	_ =	shalt  }
0x57: {  	_ =	shalt  }
0x58: {  	_ =	shalt  }
0x59: {  	_ =	shalt  }
0x5a: {  	_ =	shalt  }
0x5b: {  	_ =	shalt  }
0x5c: {  	_ =	shalt  }
0x5d: {  	_ =	shalt  }
0x5e: {  	_ =	shalt  }
0x5f: {  	_ =	shalt  }
0x60: {  	_ =	shalt  }
0x61: {  	_ =	shalt  }
0x62: {  	_ =	shalt  }
0x63: {  	_ =	shalt  }
0x64: {  	_ =	shalt  }
0x65: {  	_ =	shalt  }
0x66: {  	_ =	shalt  }
0x67: {  	_ =	shalt  }
0x68: {  	_ =	shalt  }
0x69: {  	_ =	shalt  }
0x6a: {  	_ =	shalt  }
0x6b: {  	_ =	shalt  }
0x6c: {  	_ =	shalt  }
0x6d: {  	_ =	shalt  }
0x6e: {  	_ =	shalt  }
0x6f: {  	_ =	shalt  }
0x70: {  	_ =	shalt  }
0x71: {  	_ =	shalt  }
0x72: {  	_ =	shalt  }
0x73: {  	_ =	shalt  }
0x74: {  	_ =	shalt  }
0x75: {  	_ =	shalt  }
0x76: {  	_ =	shalt  }
0x77: {  	_ =	shalt  }
0x78: {  	_ =	shalt  }
0x79: {  	_ =	shalt  }
0x7a: {  	_ =	shalt  }
0x7b: {  	_ =	shalt  }
0x7c: {  	_ =	shalt  }
0x7d: {  	_ =	shalt  }
0x7e: {  	_ =	shalt  }
0x7f: {  	_ =	shalt  }
0x80: {  	_ =	shalt  }
0x81: {  	_ =	shalt  }
0x82: {  	_ =	shalt  }
0x83: {  	_ =	shalt  }
0x84: {  	_ =	shalt  }
0x85: {  	_ =	shalt  }
0x86: {  	_ =	shalt  }
0x87: {  	_ =	shalt  }
.Lfunc_end0:
.L_simem_size_0:
called_computation_lowered:
.L_overlay_start_0:
0x88: {  	s2 =	sld [smem:$0x3FD9]  }
0x89: {  	s3 =	sld [smem:$0x3FFE];
	_ =	sdelay $0x1  }
0x8a: {  	s1 =	srdreg.scid  }
0x8b: {  	s0 =	sand.u32 $0x1, s1  }
0x8c: {  	s17 =	sshll.u32 s0, $0xA;
	s2 =	sadd.s32 s3, s2  }
0x8d: {  	s2 =	sadd.s32 s2, s17  }
0x8e: {  	[smem:$0x3FC2] =	sst s2  }
0x8f: {  	_ = 	snop  }
0x90: {  	s2 =	sld [smem:$0x3FD0];
	(tm) =	ssettm $0x1  }
0x91: {  	s18 =	sld [smem:$0x3FFB];
	_ =	sdelay $0x3  }
0x92: {  	_ =	strace s18  }
0x93: {  	s3 =	sld [smem:$0x3FFC];
	_ =	sdelay $0x3  }
0x94: {  	_ =	strace s3  }
0x95: {  	s3 =	sld [smem:$0x3FFD];
	_ =	sdelay $0x3  }
0x96: {  	_ =	strace s3  }
0x97: {  	_ =	strace $0x8FFFFFFF  }
0x98: {  	s19 =	sld [smem:$0x3FDB];
	_ =	sdelay $0x1  }
0x99: {  	s4 =	simm.s32 $_scs_section_size  }
0x9a: {  	s5 =	simm.s32 $_size__tile_overlayer_lowered;
	s6 =	simm.s32 $_tile_overlayer_lowered  }
0x9b: {  	s22 =	simm.s32 $0x1BFF;
	s21 =	sshll.u32 s6, $0x1;
	s3 =	sadd.s32 s4, s19  }
0x9c: {  	s7 =	simm.s32 $0x0;
	s20 =	sshll.u32 s5, $0x1;
	s5 =	sadd.s32 s21, s3  }
0x9d: {  	[timem:s7], [sflag:s22] =	dma.local [hbm:s5], s20  }
0x9e: {  	_ =	swait.ge [sflag:s22], s20  }
0x9f: {  	s4 =	ssub.s32 $0x0, s20;
	[sflag:s22] =	ssyncset.done $0x0  }
0xa0: {  	[sflag:s22] =	ssyncadd.s32 s4;
	_ =	sdelay $0x1  }
0xa1: {  	s23 =	simm.s32 $0x1B8B  }
0xa2: {  	_ =	swait.ge [sflag:s23], $0x1  }
0xa3: {  	[sflag:s23] =	ssyncset.done $0x0  }
0xa4: {  	s25 =	simm.s32 $0x1B8E;
	s24 =	sld [smem:$0x3FFE];
	[sflag:s23] =	ssyncadd.s32 $0xFFFFFFFF  }
0xa5: {  	s26 =	simm.s32 $execute0_lowered;
	[smem:$0x3FD2] =	sst s25  }
0xa6: {  	s5 =	sshll.u32 s26, $0x1;
	_ =	strace $0x80000046;
	[dreg:$0x1] =	wrdreg $0xFFFFFFFF  }
0xa7: {  	s28 =	simm.s32 $_size_execute0_lowered;
	s3 =	sadd.s32 s3, s5;
	[dreg:$0x0] =	wrdreg $0x0  }
0xa8: {  	s5 =	sshll.u32 s28, $0x1;
	[dreg:$0x2] =	wrdreg s3  }
0xa9: {  	[dreg:$0x3] =	wrdreg s5  }
0xaa: {  	[dreg:$0x4] =	wrdreg $0xC0  }
0xab: {  	_ =	task [dreg:s7], $0x5FFFF  }
0xac: {  	[dreg:$0x1] =	wrdreg $0xFFFFFFFF  }
0xad: {  	[dreg:$0x0] =	wrdreg $0x60  }
0xae: {  	[dreg:$0x2] =	wrdreg s24  }
0xaf: {  	[dreg:$0x3] =	wrdreg s2  }
0xb0: {  	[dreg:$0x4] =	wrdreg $0x9  }
0xb1: {  	_ =	task.clear_ibuf [dreg:s7], $0x5FFFF;
	_ =	strace $0x90000046  }
0xb2: {  	s29 =	simm.s32 $0x9;
	_ =	strace $0x80000048  }
0xb3: {  	_ =	swait.ge [sflag:s29], $0x1  }
0xb4: {  	[sflag:s29] =	ssyncadd.s32 $0xFFFFFFFF  }
0xb5: {  	_ =	strace $0x90000048  }
0xb6: {  	_ =	sfence  }
0xb7: {  	s30 =	sld [smem:$0x0];
	_ =	sdelay $0x2  }
0xb8: {  	s31 =	sshll.u32 s1, $0xD;
	s1 =	sshrl.u32 s1, $0x2  }
0xb9: {  	s3 =	sand.u32 $0x4000, s31;
	s1 =	sadd.s32 s1, s30  }
0xba: {  	s0 =	sor.u32 s3, s0;
	s1 =	sshll.u32 s1, $0x11  }
0xbb: {  	s0 =	sor.u32 s1, s0  }
0xbc: {  	s0 =	sadd.s32 $0x8F2B, s0  }
0xbd: {  	[sflag:s0] =	ssyncadd.remote.s32 $0x1  }
0xbe: {  	_ =	sfence.sel $0xFFFF  }
0xbf: {  	[dreg:$0x0] =	wrdreg $0xFFFFFFFF;
	(pc) =	sbr.abs _section_cstart, $3  }
0xc0: {  	[dreg:$0x1] =	wrdreg $0xFFFFFFFF  }
0xc1: {  	_ =	task.clear_ibuf [dreg:s7], $0x2FFFF;
	_ =	strace $0x9FFFFFFF  }
0xc2: {  	(tm) =	ssettm $0x7FFFFFFF  }
0xc3: {  	_ =	shalt  }
tec
execute0_lowered:
.L_overlay_start_1:
0x0: {  	(tag) =	ssettag $0x1  }
0x1: {  	s3 =	rddreg [dreg:$0x0]  }
0x2: {  	s7 =	rddreg [dreg:$0x1]  }
0x3: {  	s0 =	rddreg [dreg:$0x2];
	s1 =	simm.s32 $0x0;
	s2 =	srdreg.scid  }
0x4: {  	s15 =	simm.s32 $0x5000;
	s16 =	simm.s32 $0x5080;
	s17 =	simm.s32 $0x5100  }
0x5: {  	s18 =	simm.s32 $0x5180;
	s19 =	simm.s32 $0x1;
	s20 =	simm.s32 $0x2  }
0x6: {  	s21 =	simm.s32 $0x5200;
	s22 =	simm.s32 $0x5280;
	s23 =	simm.s32 $0x80  }
0x7: {  	s24 =	simm.s32 $0x400;
	s25 =	simm.s32 $0x0;
	[smem:$0x7FF] =	sst s1  }
0x8: {  	s4 =	sand.u32 $0x1, s2;
	s12 =	sadd.s32 $0x2400, s3;
	s2 =	stileid.u32  }
0x9: {  	s3 =	sadd.s32 $0x15E00, s3;
	_ =	strace $0x80000047;
	s5 =	sshll.u32 s4, $0x4  }
0xa: {  	s6 =	ssub.s32 $0x2, s4;
	s26 =	sshll.u32 s2, $0x7;
	s10 =	smul.u32 $0x27100, s4  }
0xb: {  	s11 =	smul.u32 $0x2710, s2;
	s5 =	sor.u32 s2, s5;
	s8 =	sshrl.u32 s6, $0x1  }
0xc: {  	s9 =	smul.u32 $0x2710, s5;
	s5 =	sshrl.u32 s5, $0x3;
	s8 =	ssub.s32 s6, s8  }
0xd: {  	s6 =	sand.u32 $0x380, s26;
	s10 =	sadd.s32 s11, s10;
	s5 =	smul.u32 $0x14000, s5  }
0xe: {  	s29 =	sshrl.u32 s10, $0x3;
	s8 =	smax.u32 s8, $0x1;
	s11 =	sadd.s32 $0x4E280, s10  }
0xf: {  	s13 =	sadd.s32 $0x4E200, s10;
	s14 =	sadd.s32 $0x80, s10;
	s9 =	sshrl.u32 s9, $0x3  }
0x10: {  	s11 =	sshrl.u32 s11, $0x3;
	s30 =	sshrl.u32 s13, $0x3;
	s31 =	sshrl.u32 s14, $0x3  }
0x11: {  	s13 =	simm.s32 $0x3;
	s14 =	simm.s32 $0x2800;
	s9 =	sadd.s32 s12, s9  }
0x12: {  	s6 =	sor.u32 s6, s5;
	s10 =	sadd.s32 s11, s12;
	s11 =	sadd.s32 s30, s12  }
0x13: {  	s4 =	sadd.s32 $0x4E0, s9;
	s28 =	sadd.s32 $0x50000, s6;
	s6 =	sshrl.u32 s6, $0x3  }
0x14: {  	s5 =	sadd.s32 $0xA120, s9;
	s9 =	sshrl.u32 s28, $0x3;
	s6 =	sadd.s32 s7, s6  }
0x15: {  	v0 =	vimm.f32 $1.000000000e+00;
	s7 =	sadd.s32 s7, s9;
	s9 =	sadd.s32 s29, s12;
	s12 =	sadd.s32 s31, s12  }
.LBB2_1:
0x16: {  	[tilespmem:s1], [sflag:$0x3] =	stream.linear.gather [hbm4b:s3+s1], $0x2800, $0x38;
	[tilespmem:$0x5300] =	vst v63  }
0x17: {  	_ =	swait.ge [sflag:s13], $0x2800  }
0x18: {  	[sflag:s13] =	ssyncset.done $0x0  }
0x19: {  	[sflag:s13] =	ssyncadd.s32 $0xFFFFD800  }
0x1a: {  	[tilespmem:s14], [sflag:$0x3] =	stream.linear.gather [hbm4b:s3+s1], $0x2800, $0x38;
	[tilespmem:$0x5300] =	vst v63  }
0x1b: {  	_ =	swait.ge [sflag:s13], $0x2800  }
0x1c: {  	[sflag:s13] =	ssyncset.done $0x0  }
0x1d: {  	s26 =	simm.s32 $0x0;
	[sflag:s13] =	ssyncadd.s32 $0xFFFFD800  }
.LBB2_2:
0x1e: {  	s28 =	sadd.s32 s26, s9  }
0x1f: {  	[tilespmem:s15], [sflag:$0x1] =	stream.linear.gather [hbm4b:s28+s1], $0x80, $0x38;
	[tilespmem:$0x5300] =	vst v63  }
0x20: {  	s29 =	sadd.s32 s26, s11  }
0x21: {  	[tilespmem:s16], [sflag:$0x1] =	stream.linear.gather [hbm4b:s29+s1], $0x80, $0x38;
	[tilespmem:$0x5300] =	vst v63  }
0x22: {  	s30 =	sadd.s32 s26, s12  }
0x23: {  	[tilespmem:s17], [sflag:$0x2] =	stream.linear.gather [hbm4b:s30+s1], $0x80, $0x38;
	[tilespmem:$0x5300] =	vst v63  }
0x24: {  	s31 =	sadd.s32 s26, s10  }
0x25: {  	[tilespmem:s18], [sflag:$0x2] =	stream.linear.gather [hbm4b:s31+s1], $0x80, $0x38;
	[tilespmem:$0x5300] =	vst v63  }
0x26: {  	_ =	swait.ge [sflag:s19], $0x80  }
0x27: {  	[sflag:s19] =	ssyncset.done $0x0  }
0x28: {  	[sflag:s19] =	ssyncadd.s32 $0xFFFFFF80  }
0x29: {  	_ =	swait.ge [sflag:s19], $0x80  }
0x2a: {  	[sflag:s19] =	ssyncset.done $0x0  }
0x2b: {  	[sflag:s19] =	ssyncadd.s32 $0xFFFFFF80  }
0x2c: {  	v1 =	vld [tilespmem:$0x5000];
	_ =	sdelay $0x7  }
0x2d: {  	[tilespmem:v1+s1+$0x0] =	vst.idx.add.f32.msk $0xffff, v0  }
0x2e: {  	v1 =	vld [tilespmem:$0x5080];
	_ =	sdelay $0x7  }
0x2f: {  	[tilespmem:v1+s14+$0x0] =	vst.idx.add.f32.msk $0xffff, v0  }
0x30: {  	v1 =	vld [tilespmem:$0x5010];
	_ =	sdelay $0x7  }
0x31: {  	[tilespmem:v1+s1+$0x0] =	vst.idx.add.f32.msk $0xffff, v0  }
0x32: {  	v1 =	vld [tilespmem:$0x5090];
	_ =	sdelay $0x7  }
0x33: {  	[tilespmem:v1+s14+$0x0] =	vst.idx.add.f32.msk $0xffff, v0  }
0x34: {  	v1 =	vld [tilespmem:$0x5020];
	_ =	sdelay $0x7  }
0x35: {  	[tilespmem:v1+s1+$0x0] =	vst.idx.add.f32.msk $0xffff, v0  }
0x36: {  	v1 =	vld [tilespmem:$0x50A0];
	_ =	sdelay $0x7  }
0x37: {  	[tilespmem:v1+s14+$0x0] =	vst.idx.add.f32.msk $0xffff, v0  }
0x38: {  	v1 =	vld [tilespmem:$0x5030];
	_ =	sdelay $0x7  }
0x39: {  	[tilespmem:v1+s1+$0x0] =	vst.idx.add.f32.msk $0xffff, v0  }
0x3a: {  	v1 =	vld [tilespmem:$0x50B0];
	_ =	sdelay $0x7  }
0x3b: {  	[tilespmem:v1+s14+$0x0] =	vst.idx.add.f32.msk $0xffff, v0  }
0x3c: {  	v1 =	vld [tilespmem:$0x5040];
	_ =	sdelay $0x7  }
0x3d: {  	[tilespmem:v1+s1+$0x0] =	vst.idx.add.f32.msk $0xffff, v0  }
0x3e: {  	v1 =	vld [tilespmem:$0x50C0];
	_ =	sdelay $0x7  }
0x3f: {  	[tilespmem:v1+s14+$0x0] =	vst.idx.add.f32.msk $0xffff, v0  }
0x40: {  	v1 =	vld [tilespmem:$0x5050];
	_ =	sdelay $0x7  }
0x41: {  	[tilespmem:v1+s1+$0x0] =	vst.idx.add.f32.msk $0xffff, v0  }
0x42: {  	v1 =	vld [tilespmem:$0x50D0];
	_ =	sdelay $0x7  }
0x43: {  	[tilespmem:v1+s14+$0x0] =	vst.idx.add.f32.msk $0xffff, v0  }
0x44: {  	v1 =	vld [tilespmem:$0x5060];
	_ =	sdelay $0x7  }
0x45: {  	[tilespmem:v1+s1+$0x0] =	vst.idx.add.f32.msk $0xffff, v0  }
0x46: {  	v1 =	vld [tilespmem:$0x50E0];
	_ =	sdelay $0x7  }
0x47: {  	[tilespmem:v1+s14+$0x0] =	vst.idx.add.f32.msk $0xffff, v0  }
0x48: {  	v1 =	vld [tilespmem:$0x5070];
	_ =	sdelay $0x7  }
0x49: {  	[tilespmem:v1+s1+$0x0] =	vst.idx.add.f32.msk $0xffff, v0  }
0x4a: {  	v1 =	vld [tilespmem:$0x50F0];
	_ =	sdelay $0x7  }
0x4b: {  	[tilespmem:v1+s14+$0x0] =	vst.idx.add.f32.msk $0xffff, v0  }
0x4c: {  	_ =	swait.ge [sflag:s20], $0x80  }
0x4d: {  	[sflag:s20] =	ssyncset.done $0x0  }
0x4e: {  	[sflag:s20] =	ssyncadd.s32 $0xFFFFFF80  }
0x4f: {  	_ =	swait.ge [sflag:s20], $0x80  }
0x50: {  	[sflag:s20] =	ssyncset.done $0x0  }
0x51: {  	[sflag:s20] =	ssyncadd.s32 $0xFFFFFF80  }
0x52: {  	v1 =	vld [tilespmem:$0x5100];
	_ =	sdelay $0x7  }
0x53: {  	[tilespmem:v1+s1+$0x0] =	vst.idx.add.f32.msk $0xffff, v0  }
0x54: {  	v1 =	vld [tilespmem:$0x5180];
	_ =	sdelay $0x7  }
0x55: {  	[tilespmem:v1+s14+$0x0] =	vst.idx.add.f32.msk $0xffff, v0  }
0x56: {  	v1 =	vld [tilespmem:$0x5110];
	_ =	sdelay $0x7  }
0x57: {  	[tilespmem:v1+s1+$0x0] =	vst.idx.add.f32.msk $0xffff, v0  }
0x58: {  	v1 =	vld [tilespmem:$0x5190];
	_ =	sdelay $0x7  }
0x59: {  	[tilespmem:v1+s14+$0x0] =	vst.idx.add.f32.msk $0xffff, v0  }
0x5a: {  	v1 =	vld [tilespmem:$0x5120];
	_ =	sdelay $0x7  }
0x5b: {  	[tilespmem:v1+s1+$0x0] =	vst.idx.add.f32.msk $0xffff, v0  }
0x5c: {  	v1 =	vld [tilespmem:$0x51A0];
	_ =	sdelay $0x7  }
0x5d: {  	[tilespmem:v1+s14+$0x0] =	vst.idx.add.f32.msk $0xffff, v0  }
0x5e: {  	v1 =	vld [tilespmem:$0x5130];
	_ =	sdelay $0x7  }
0x5f: {  	[tilespmem:v1+s1+$0x0] =	vst.idx.add.f32.msk $0xffff, v0  }
0x60: {  	v1 =	vld [tilespmem:$0x51B0];
	_ =	sdelay $0x7  }
0x61: {  	[tilespmem:v1+s14+$0x0] =	vst.idx.add.f32.msk $0xffff, v0  }
0x62: {  	v1 =	vld [tilespmem:$0x5140];
	_ =	sdelay $0x7  }
0x63: {  	[tilespmem:v1+s1+$0x0] =	vst.idx.add.f32.msk $0xffff, v0  }
0x64: {  	v1 =	vld [tilespmem:$0x51C0];
	_ =	sdelay $0x7  }
0x65: {  	[tilespmem:v1+s14+$0x0] =	vst.idx.add.f32.msk $0xffff, v0  }
0x66: {  	v1 =	vld [tilespmem:$0x5150];
	_ =	sdelay $0x7  }
0x67: {  	[tilespmem:v1+s1+$0x0] =	vst.idx.add.f32.msk $0xffff, v0  }
0x68: {  	v1 =	vld [tilespmem:$0x51D0];
	_ =	sdelay $0x7  }
0x69: {  	[tilespmem:v1+s14+$0x0] =	vst.idx.add.f32.msk $0xffff, v0  }
0x6a: {  	v1 =	vld [tilespmem:$0x5160];
	_ =	sdelay $0x7  }
0x6b: {  	[tilespmem:v1+s1+$0x0] =	vst.idx.add.f32.msk $0xffff, v0  }
0x6c: {  	v1 =	vld [tilespmem:$0x51E0];
	_ =	sdelay $0x7  }
0x6d: {  	[tilespmem:v1+s14+$0x0] =	vst.idx.add.f32.msk $0xffff, v0  }
0x6e: {  	v1 =	vld [tilespmem:$0x5170];
	_ =	sdelay $0x7  }
0x6f: {  	[tilespmem:v1+s1+$0x0] =	vst.idx.add.f32.msk $0xffff, v0  }
0x70: {  	v1 =	vld [tilespmem:$0x51F0];
	_ =	sdelay $0x2  }
0x71: {  	p0 =	sne.s32 s26, $0x4C0  }
.Ltmp0:
0x72: {  	_ = 	snop;
	(pc) =	sbr.rel @p0 .LBB2_2-.Ltmp0, $2  }
0x73: {  	_ =	sdelay $0x2  }
0x74: {  	s26 =	sadd.s32 $0x20, s26;
	[tilespmem:v1+s14+$0x0] =	vst.idx.add.f32.msk $0xffff, v0  }
0x75: {  	[tilespmem:s21], [sflag:$0x3] =	stream.linear.gather [hbm4b:s4+s1], $0x10, $0x38;
	[tilespmem:$0x5300] =	vst v63  }
0x76: {  	_ =	swait.ge [sflag:s13], $0x10  }
0x77: {  	[sflag:s13] =	ssyncset.done $0x0  }
0x78: {  	[sflag:s13] =	ssyncadd.s32 $0xFFFFFFF0  }
0x79: {  	[tilespmem:s22], [sflag:$0x3] =	stream.linear.gather [hbm4b:s5+s1], $0x10, $0x38;
	[tilespmem:$0x5300] =	vst v63  }
0x7a: {  	_ =	swait.ge [sflag:s13], $0x10  }
0x7b: {  	[sflag:s13] =	ssyncset.done $0x0  }
0x7c: {  	[sflag:s13] =	ssyncadd.s32 $0xFFFFFFF0  }
0x7d: {  	v1 =	vld [tilespmem:$0x5200];
	_ =	sdelay $0x7  }
0x7e: {  	[tilespmem:v1+s1+$0x0] =	vst.idx.add.f32.msk $0xffff, v0  }
0x7f: {  	v1 =	vld [tilespmem:$0x5280];
	_ =	sdelay $0x7  }
0x80: {  	[tilespmem:v1+s14+$0x0] =	vst.idx.add.f32.msk $0xffff, v0  }
0x81: {  	[hbm4b:s6+s23] =	stream.strided.scatter [tilespmem:s1], [sflag:$0x3], $0x2800, s24, s23, $0x38;
	[tilespmem:$0x5300] =	vst v63  }
0x82: {  	s25 =	sadd.s32 $0x1, s25;
	_ =	swait.ge [sflag:s13], $0x2800  }
0x83: {  	p0 =	sne.s32 s25, s8;
	[sflag:s13] =	ssyncset.done $0x0  }
.Ltmp1:
0x84: {  	[sflag:s13] =	ssyncadd.s32 $0xFFFFD800;
	(pc) =	sbr.rel @p0 .LBB2_1-.Ltmp1, $4  }
0x85: {  	[hbm4b:s7+s23] =	stream.strided.scatter [tilespmem:s14], [sflag:$0x3], $0x2800, s24, s23, $0x38;
	[tilespmem:$0x5300] =	vst v63  }
0x86: {  	_ =	swait.ge [sflag:s13], $0x2800  }
0x87: {  	[sflag:s13] =	ssyncset.done $0x0  }
0x88: {  	[sflag:s13] =	ssyncadd.s32 $0xFFFFD800  }
0x89: {  	_ =	sfence.sel $0x180000  }
0x8a: {  	[bflag:$0x0] =	sbarrier.arrive $0xFFFF  }
0x8b: {  	p0 =	sne.s32 s2, $0x0;
	_ =	strace $0x90000047  }
0x8c: {  	s0 =	sadd.s32 @!p0 $0x100000, s0;
	[bflag:$0x2] =	sbarrier.arrive $0xFFFF  }
0x8d: {  	[sflag:s0] =	ssyncadd.tile.s32 @!p0 $0x1;
	_ =	shalt  }
.Lfunc_end2:
_tile_overlayer_lowered:
.L_overlay_start_2:
0x8e: {  	(tag) =	ssettag $0x2  }
0x8f: {  	s0 =	rddreg [dreg:$0x0];
	s2 =	stileid.u32  }
0x90: {  	s1 =	rddreg [dreg:$0x1];
	p0 =	sne.s32 s2, $0x0  }
0x91: {  	s3 =	rddreg [dreg:$0x2];
	[bflag:$0x3] =	sbarrier.arrive $0xFFFF;
	s2 =	simm.s32 @!p0 $0x1C03  }
0x92: {  	[timem:s3], [sflag:s2] =	dma.local @!p0 [hbm:s0], s1  }
0x93: {  	s0 =	simm.s32 @!p0 $0x3  }
0x94: {  	_ =	swait.ge @!p0 [sflag:s0], s1  }
0x95: {  	s1 =	ssub.s32 @!p0 $0x0, s1;
	[sflag:s0] =	ssyncset.done @!p0 $0x0  }
0x96: {  	[sflag:s0] =	ssyncadd.s32 @!p0 s1  }
0x97: {  	[bflag:$0x3] =	sbarrier.arrive $0xFFFF  }
0x98: {  	_ =	shalt  }

</sc_bundles>
